<compile_context>
chip_gen: v7x
topology: tpu7x:2x2x1
jax: 0.10.2.dev20260603
libtpu: 0.0.44.dev20260713+nightly
codegen_flags: <defaults>
</compile_context>

<pallas_src>
import functools

import jax
import jax.numpy as jnp
from jax import lax
from jax.experimental import pallas as pl
from jax.experimental.pallas import tpu as pltpu
from jax.experimental.pallas import tpu_sc as plsc

F = 26
V = 1000
D = 16
B = 4096
NJ = F - 1

NC = 2
NS = 16
NW = NC * NS
PAIRS = F * NJ
P_IT = -(-PAIRS // NW)
BH = B // 2
QH = BH // 16
CH2 = BH // 128


def _make_kernel():
    mesh = plsc.VectorSubcoreMesh(core_axis_name="c", subcore_axis_name="s")

    @functools.partial(
        pl.kernel,
        mesh=mesh,
        out_type=jax.ShapeDtypeStruct((F, NJ, 2, B // 128, 8, 128), jnp.float32),
        compiler_params=pltpu.CompilerParams(
            use_tc_tiling_on_sc=False, needs_layout_passes=False
        ),
        scratch_types=[
            pltpu.VMEM((D, V), jnp.float32),
            pltpu.VMEM((D, V), jnp.float32),
            pltpu.VMEM((B,), jnp.int32),
            pltpu.VMEM((B,), jnp.int32),
            pltpu.VMEM((2, CH2, 8, 128), jnp.float32),
            pltpu.VMEM((2, CH2, 8, 128), jnp.float32),
            pltpu.SemaphoreType.DMA,
            pltpu.SemaphoreType.DMA,
        ],
    )
    def k(xt_hbm, tab_hbm, out_hbm, tbl0_v, tbl1_v, x0_v, x1_v,
          outa_v, outb_v, sem, sem2):
        c = lax.axis_index("c")
        s = lax.axis_index("s")
        w = s * NC + c

        def fill(out_ref, tbl_ref, x_ref, h):
            @plsc.parallel_loop(0, QH, 1, unroll=8)
            def _body(q):
                cc = q // 8
                c0 = (q % 8) * 16
                xv = x_ref[pl.ds(h * BH + q * 16, 16)]
                for d in range(D):
                    out_ref[d // 8, cc, d % 8, pl.ds(c0, 16)] = (
                        plsc.load_gather(tbl_ref.at[d], [xv])
                    )

        def wait_half(out_ref):
            pltpu.make_async_copy(
                out_hbm.at[0, 0, :, pl.ds(0, CH2)], out_ref, sem
            ).wait()

        def load_pair(p, tbl_ref, x_ref):
            i = p // NJ
            jj = p % NJ
            j = jj + jnp.where(jj >= i, 1, 0).astype(jj.dtype)
            pltpu.async_copy(tab_hbm.at[i, j], tbl_ref, sem2)
            pltpu.async_copy(xt_hbm.at[i], x_ref, sem2)

        def wait_pair(tbl_ref, x_ref):
            pltpu.make_async_copy(tab_hbm.at[0, 0], tbl_ref, sem2).wait()
            pltpu.make_async_copy(xt_hbm.at[0], x_ref, sem2).wait()

        def run_pair(p, tbl_ref, x_ref, wait_ab):
            i = p // NJ
            jj = p % NJ
            wait_pair(tbl_ref, x_ref)
            if wait_ab:
                wait_half(outa_v)
            fill(outa_v, tbl_ref, x_ref, 0)
            if wait_ab:
                wait_half(outb_v)
            pltpu.async_copy(
                outa_v, out_hbm.at[i, jj, :, pl.ds(0, CH2)], sem
            )
            fill(outb_v, tbl_ref, x_ref, 1)
            pltpu.async_copy(
                outb_v, out_hbm.at[i, jj, :, pl.ds(CH2, CH2)], sem
            )

        def prefetch(t, tbl_ref, x_ref):
            p = w + NW * t

            @pl.when(p < PAIRS)
            def _():
                load_pair(p, tbl_ref, x_ref)

        load_pair(w, tbl0_v, x0_v)
        prefetch(1, tbl1_v, x1_v)
        run_pair(w, tbl0_v, x0_v, False)

        def body(t2, carry):
            p1 = w + NW * (2 * t2 + 1)
            p2 = w + NW * (2 * t2 + 2)

            @pl.when(p1 < PAIRS)
            def _():
                prefetch(2 * t2 + 2, tbl0_v, x0_v)
                run_pair(p1, tbl1_v, x1_v, True)

            @pl.when(p2 < PAIRS)
            def _():
                prefetch(2 * t2 + 3, tbl1_v, x1_v)
                run_pair(p2, tbl0_v, x0_v, True)

            return carry

        lax.fori_loop(0, (P_IT - 1) // 2, body, 0)
        wait_half(outa_v)
        wait_half(outb_v)

    return k


_GATHER = _make_kernel()


def kernel(x, tables):
    tt = tables.transpose(0, 1, 3, 2)
    out6 = _GATHER(x.T, tt)
    out = out6.transpose(0, 1, 2, 4, 3, 5).reshape(F, NJ, D, B)
    return out.transpose(0, 3, 1, 2)

# --- scband reference (transcript-rebuilt; emitter-appended) ---
"""Pipeline reference for scband-field-aware-embedding-52553219834447 (READ-ONLY COPY).

The authoritative reference and input builder live on the scoring server;
editing this copy changes nothing except your own understanding.
"""

import jax, jax.numpy as jnp
import numpy as np

NUM_FIELDS = 26
VOCAB = 1000
EMBED_DIM = 16
BATCH = 4096


def setup_inputs(seed: int = 0) -> dict:
    key = jax.random.key(seed)
    k1, k2 = jax.random.split(key)
    x = jax.random.randint(k1, (BATCH, NUM_FIELDS), 0, VOCAB, dtype=jnp.int32)
    # xavier_uniform_ on each (VOCAB, EMBED_DIM) embedding weight:
    # bound = sqrt(6 / (fan_in + fan_out)) with fan_in=VOCAB, fan_out=EMBED_DIM
    bound = float(np.sqrt(6.0 / (VOCAB + EMBED_DIM)))
    # One table per (feature-field i, interacting-field j) pair, packed into a single array.
    tables = jax.random.uniform(
        k2, (NUM_FIELDS, NUM_FIELDS, VOCAB, EMBED_DIM),
        minval=-bound, maxval=bound, dtype=jnp.float32)
    return {"x": x, "tables": tables}


def reference(x, tables):
    # Faithful translation of FieldAwareEmbedding.forward:
    # for each feature-field i, gather its embedding from the table dedicated to
    # every OTHER field j (i == j skipped), stack over j.
    # Original returns a Python list of (B, NUM_FIELDS-1, D) tensors; here we
    # stack that list into a single (NUM_FIELDS, B, NUM_FIELDS-1, D) array.
    outs = []
    for i in range(NUM_FIELDS):
        embeds = []
        idx_i = x[:, i]
        for j in range(NUM_FIELDS):
            if i == j:
                continue
            embeds.append(jnp.take(tables[i, j], idx_i, axis=0))
        outs.append(jnp.stack(embeds, axis=1))
    return jnp.stack(outs, axis=0)

if __name__ == "__main__":
    import jax
    _d = setup_inputs()
    print(jax.jit(kernel)(*tuple(_d.values())))

</pallas_src>

<mosaic_0001>
#map = affine_map<(d0, d1) -> (0, 0)>
#map1 = affine_map<(d0, d1) -> (0, 0, 0, 0)>
#map2 = affine_map<(d0, d1) -> (0, 0, 0, 0, 0, 0)>
module attributes {stable_mosaic.version = 14 : i64} {
  func.func @k(%arg0: i32, %arg1: i32, %arg2: memref<26x4096xi32, #tpu.memory_space<hbm>>, %arg3: memref<26x26x16x1000xf32, #tpu.memory_space<hbm>>, %arg4: memref<26x25x2x32x8x128xf32, #tpu.memory_space<hbm>>, %arg5: memref<16x1000xf32, #tpu.memory_space<vmem>>, %arg6: memref<16x1000xf32, #tpu.memory_space<vmem>>, %arg7: memref<4096xi32, #tpu.memory_space<vmem>>, %arg8: memref<4096xi32, #tpu.memory_space<vmem>>, %arg9: memref<2x16x8x128xf32, #tpu.memory_space<vmem>>, %arg10: memref<2x16x8x128xf32, #tpu.memory_space<vmem>>, %arg11: memref<!tpu.dma_semaphore, #tpu.memory_space<semaphore_mem>>, %arg12: memref<!tpu.dma_semaphore, #tpu.memory_space<semaphore_mem>>) attributes {dimension_semantics = [#tpu.dimension_semantics<core_parallel>, #tpu.dimension_semantics<subcore_parallel>], iteration_bounds = array<i64: 2, 16>, scalar_prefetch = 0 : i64, scratch_operands = 8 : i64, tpu.core_type = #tpu.core_type<sc_vector_subcore>, window_params = [{transform_indices = #map}, {transform_indices = #map1}, {transform_indices = #map2}]} {
    %mul3A = arith.constant 2 : i32
    %mul3A_0 = arith.muli %arg1, %mul3A : i32
    %add3A = arith.addi %mul3A_0, %arg0 : i32
    %jit3A = arith.constant 25 : i32
    %div3A = arith.divsi %add3A, %jit3A : i32
    %sign3A = arith.constant 0 : i32
    %sign3A_1 = arith.cmpi sgt, %add3A, %sign3A : i32
    %sign3A_2 = arith.extui %sign3A_1 : i1 to i32
    %sign3A_3 = arith.constant 0 : i32
    %sign3A_4 = arith.cmpi slt, %add3A, %sign3A_3 : i32
    %sign3A_5 = arith.extui %sign3A_4 : i1 to i32
    %sign3A_6 = arith.subi %sign3A_2, %sign3A_5 : i32
    %sign3A_7 = arith.constant 0 : i32
    %sign3A_8 = arith.cmpi sgt, %jit3A, %sign3A_7 : i32
    %sign3A_9 = arith.extui %sign3A_8 : i1 to i32
    %sign3A_10 = arith.constant 0 : i32
    %sign3A_11 = arith.cmpi slt, %jit3A, %sign3A_10 : i32
    %sign3A_12 = arith.extui %sign3A_11 : i1 to i32
    %sign3A_13 = arith.subi %sign3A_9, %sign3A_12 : i32
    %ne3A = arith.cmpi ne, %sign3A_6, %sign3A_13 : i32
    %rem3A = arith.remsi %add3A, %jit3A : i32
    %ne3A_14 = arith.constant 0 : i32
    %ne3A_15 = arith.cmpi ne, %rem3A, %ne3A_14 : i32
    %and3A = arith.andi %ne3A, %ne3A_15 : i1
    %sub3A = arith.constant 1 : i32
    %sub3A_16 = arith.subi %div3A, %sub3A : i32
    %select_n3A = arith.select %and3A, %sub3A_16, %div3A : i32
    %jit3A_17 = arith.constant 25 : i32
    %eq3A = arith.constant 0 : i32
    %eq3A_18 = arith.cmpi eq, %jit3A_17, %eq3A : i32
    %jit3A_19 = arith.constant 1 : i32
    %select_n3A_20 = arith.select %eq3A_18, %jit3A_19, %jit3A_17 : i32
    %rem3A_21 = arith.remsi %add3A, %select_n3A_20 : i32
    %ne3A_22 = arith.constant 0 : i32
    %ne3A_23 = arith.cmpi ne, %rem3A_21, %ne3A_22 : i32
    %lt3A = arith.constant 0 : i32
    %lt3A_24 = arith.cmpi slt, %rem3A_21, %lt3A : i32
    %lt3A_25 = arith.constant 0 : i32
    %lt3A_26 = arith.cmpi slt, %select_n3A_20, %lt3A_25 : i32
    %ne3A_27 = arith.xori %lt3A_24, %lt3A_26 : i1
    %and3A_28 = arith.andi %ne3A_27, %ne3A_23 : i1
    %add3A_29 = arith.addi %rem3A_21, %select_n3A_20 : i32
    %select_n3A_30 = arith.select %and3A_28, %add3A_29, %rem3A_21 : i32
    %ge3A = arith.cmpi sge, %select_n3A_30, %select_n3A : i32
    %jit3A_31 = arith.constant 1 : i32
    %jit3A_32 = arith.constant 0 : i32
    %select_n3A_33 = arith.select %ge3A, %jit3A_31, %jit3A_32 : i32
    %add3A_34 = arith.addi %select_n3A_30, %select_n3A_33 : i32
    %dma_start3A = arith.constant 0 : i32
    %dma_start3A_35 = arith.constant 0 : i32
    %dma_start3A_36 = tpu.memref_slice %arg3[%select_n3A, %add3A_34, %dma_start3A, %dma_start3A_35] : memref<26x26x16x1000xf32, #tpu.memory_space<hbm>> -> memref<1x1x16x1000xf32, #tpu.memory_space<hbm>>
    %dma_start3A_37 = tpu.memref_squeeze %dma_start3A_36 : memref<1x1x16x1000xf32, #tpu.memory_space<hbm>> -> memref<16x1000xf32, #tpu.memory_space<hbm>>
    %dma_start3A_38 = arith.constant 0 : i32
    %dma_start3A_39 = arith.constant 0 : i32
    %dma_start3A_40 = tpu.memref_slice %arg3[%select_n3A, %add3A_34, %dma_start3A_38, %dma_start3A_39] : memref<26x26x16x1000xf32, #tpu.memory_space<hbm>> -> memref<1x1x16x1000xf32, #tpu.memory_space<hbm>>
    %dma_start3A_41 = tpu.memref_squeeze %dma_start3A_40 : memref<1x1x16x1000xf32, #tpu.memory_space<hbm>> -> memref<16x1000xf32, #tpu.memory_space<hbm>>
    tpu.enqueue_dma source(%dma_start3A_41 : memref<16x1000xf32, #tpu.memory_space<hbm>>) target(%arg5 : memref<16x1000xf32, #tpu.memory_space<vmem>>) target_semaphore(%arg12 : memref<!tpu.dma_semaphore, #tpu.memory_space<semaphore_mem>>)
    %dma_start3A_42 = arith.constant 0 : i32
    %dma_start3A_43 = tpu.memref_slice %arg2[%select_n3A, %dma_start3A_42] : memref<26x4096xi32, #tpu.memory_space<hbm>> -> memref<1x4096xi32, #tpu.memory_space<hbm>>
    %dma_start3A_44 = tpu.memref_squeeze %dma_start3A_43 : memref<1x4096xi32, #tpu.memory_space<hbm>> -> memref<4096xi32, #tpu.memory_space<hbm>>
    %dma_start3A_45 = arith.constant 0 : i32
    %dma_start3A_46 = tpu.memref_slice %arg2[%select_n3A, %dma_start3A_45] : memref<26x4096xi32, #tpu.memory_space<hbm>> -> memref<1x4096xi32, #tpu.memory_space<hbm>>
    %dma_start3A_47 = tpu.memref_squeeze %dma_start3A_46 : memref<1x4096xi32, #tpu.memory_space<hbm>> -> memref<4096xi32, #tpu.memory_space<hbm>>
    tpu.enqueue_dma source(%dma_start3A_47 : memref<4096xi32, #tpu.memory_space<hbm>>) target(%arg7 : memref<4096xi32, #tpu.memory_space<vmem>>) target_semaphore(%arg12 : memref<!tpu.dma_semaphore, #tpu.memory_space<semaphore_mem>>)
    %add3A_48 = arith.constant 32 : i32
    %add3A_49 = arith.addi %add3A, %add3A_48 : i32
    %lt3A_50 = arith.constant 650 : i32
    %lt3A_51 = arith.cmpi slt, %add3A_49, %lt3A_50 : i32
    %convert_element_type3A = arith.extui %lt3A_51 : i1 to i32
    %cond3A = arith.constant 0 : i32
    %cond3A_52 = arith.cmpi ne, %convert_element_type3A, %cond3A : i32
    scf.if %cond3A_52 {
      %jit3A_171 = arith.constant 25 : i32
      %div3A_172 = arith.divsi %add3A_49, %jit3A_171 : i32
      %sign3A_173 = arith.constant 0 : i32
      %sign3A_174 = arith.cmpi sgt, %add3A_49, %sign3A_173 : i32
      %sign3A_175 = arith.extui %sign3A_174 : i1 to i32
      %sign3A_176 = arith.constant 0 : i32
      %sign3A_177 = arith.cmpi slt, %add3A_49, %sign3A_176 : i32
      %sign3A_178 = arith.extui %sign3A_177 : i1 to i32
      %sign3A_179 = arith.subi %sign3A_175, %sign3A_178 : i32
      %sign3A_180 = arith.constant 0 : i32
      %sign3A_181 = arith.cmpi sgt, %jit3A_171, %sign3A_180 : i32
      %sign3A_182 = arith.extui %sign3A_181 : i1 to i32
      %sign3A_183 = arith.constant 0 : i32
      %sign3A_184 = arith.cmpi slt, %jit3A_171, %sign3A_183 : i32
      %sign3A_185 = arith.extui %sign3A_184 : i1 to i32
      %sign3A_186 = arith.subi %sign3A_182, %sign3A_185 : i32
      %ne3A_187 = arith.cmpi ne, %sign3A_179, %sign3A_186 : i32
      %rem3A_188 = arith.remsi %add3A_49, %jit3A_171 : i32
      %ne3A_189 = arith.constant 0 : i32
      %ne3A_190 = arith.cmpi ne, %rem3A_188, %ne3A_189 : i32
      %and3A_191 = arith.andi %ne3A_187, %ne3A_190 : i1
      %sub3A_192 = arith.constant 1 : i32
      %sub3A_193 = arith.subi %div3A_172, %sub3A_192 : i32
      %select_n3A_194 = arith.select %and3A_191, %sub3A_193, %div3A_172 : i32
      %jit3A_195 = arith.constant 25 : i32
      %eq3A_196 = arith.constant 0 : i32
      %eq3A_197 = arith.cmpi eq, %jit3A_195, %eq3A_196 : i32
      %jit3A_198 = arith.constant 1 : i32
      %select_n3A_199 = arith.select %eq3A_197, %jit3A_198, %jit3A_195 : i32
      %rem3A_200 = arith.remsi %add3A_49, %select_n3A_199 : i32
      %ne3A_201 = arith.constant 0 : i32
      %ne3A_202 = arith.cmpi ne, %rem3A_200, %ne3A_201 : i32
      %lt3A_203 = arith.constant 0 : i32
      %lt3A_204 = arith.cmpi slt, %rem3A_200, %lt3A_203 : i32
      %lt3A_205 = arith.constant 0 : i32
      %lt3A_206 = arith.cmpi slt, %select_n3A_199, %lt3A_205 : i32
      %ne3A_207 = arith.xori %lt3A_204, %lt3A_206 : i1
      %and3A_208 = arith.andi %ne3A_207, %ne3A_202 : i1
      %add3A_209 = arith.addi %rem3A_200, %select_n3A_199 : i32
      %select_n3A_210 = arith.select %and3A_208, %add3A_209, %rem3A_200 : i32
      %ge3A_211 = arith.cmpi sge, %select_n3A_210, %select_n3A_194 : i32
      %jit3A_212 = arith.constant 1 : i32
      %jit3A_213 = arith.constant 0 : i32
      %select_n3A_214 = arith.select %ge3A_211, %jit3A_212, %jit3A_213 : i32
      %add3A_215 = arith.addi %select_n3A_210, %select_n3A_214 : i32
      %dma_start3A_216 = arith.constant 0 : i32
      %dma_start3A_217 = arith.constant 0 : i32
      %dma_start3A_218 = tpu.memref_slice %arg3[%select_n3A_194, %add3A_215, %dma_start3A_216, %dma_start3A_217] : memref<26x26x16x1000xf32, #tpu.memory_space<hbm>> -> memref<1x1x16x1000xf32, #tpu.memory_space<hbm>>
      %dma_start3A_219 = tpu.memref_squeeze %dma_start3A_218 : memref<1x1x16x1000xf32, #tpu.memory_space<hbm>> -> memref<16x1000xf32, #tpu.memory_space<hbm>>
      %dma_start3A_220 = arith.constant 0 : i32
      %dma_start3A_221 = arith.constant 0 : i32
      %dma_start3A_222 = tpu.memref_slice %arg3[%select_n3A_194, %add3A_215, %dma_start3A_220, %dma_start3A_221] : memref<26x26x16x1000xf32, #tpu.memory_space<hbm>> -> memref<1x1x16x1000xf32, #tpu.memory_space<hbm>>
      %dma_start3A_223 = tpu.memref_squeeze %dma_start3A_222 : memref<1x1x16x1000xf32, #tpu.memory_space<hbm>> -> memref<16x1000xf32, #tpu.memory_space<hbm>>
      tpu.enqueue_dma source(%dma_start3A_223 : memref<16x1000xf32, #tpu.memory_space<hbm>>) target(%arg6 : memref<16x1000xf32, #tpu.memory_space<vmem>>) target_semaphore(%arg12 : memref<!tpu.dma_semaphore, #tpu.memory_space<semaphore_mem>>)
      %dma_start3A_224 = arith.constant 0 : i32
      %dma_start3A_225 = tpu.memref_slice %arg2[%select_n3A_194, %dma_start3A_224] : memref<26x4096xi32, #tpu.memory_space<hbm>> -> memref<1x4096xi32, #tpu.memory_space<hbm>>
      %dma_start3A_226 = tpu.memref_squeeze %dma_start3A_225 : memref<1x4096xi32, #tpu.memory_space<hbm>> -> memref<4096xi32, #tpu.memory_space<hbm>>
      %dma_start3A_227 = arith.constant 0 : i32
      %dma_start3A_228 = tpu.memref_slice %arg2[%select_n3A_194, %dma_start3A_227] : memref<26x4096xi32, #tpu.memory_space<hbm>> -> memref<1x4096xi32, #tpu.memory_space<hbm>>
      %dma_start3A_229 = tpu.memref_squeeze %dma_start3A_228 : memref<1x4096xi32, #tpu.memory_space<hbm>> -> memref<4096xi32, #tpu.memory_space<hbm>>
      tpu.enqueue_dma source(%dma_start3A_229 : memref<4096xi32, #tpu.memory_space<hbm>>) target(%arg8 : memref<4096xi32, #tpu.memory_space<vmem>>) target_semaphore(%arg12 : memref<!tpu.dma_semaphore, #tpu.memory_space<semaphore_mem>>)
    } else {
    }
    %jit3A_53 = arith.constant 25 : i32
    %div3A_54 = arith.divsi %add3A, %jit3A_53 : i32
    %sign3A_55 = arith.constant 0 : i32
    %sign3A_56 = arith.cmpi sgt, %add3A, %sign3A_55 : i32
    %sign3A_57 = arith.extui %sign3A_56 : i1 to i32
    %sign3A_58 = arith.constant 0 : i32
    %sign3A_59 = arith.cmpi slt, %add3A, %sign3A_58 : i32
    %sign3A_60 = arith.extui %sign3A_59 : i1 to i32
    %sign3A_61 = arith.subi %sign3A_57, %sign3A_60 : i32
    %sign3A_62 = arith.constant 0 : i32
    %sign3A_63 = arith.cmpi sgt, %jit3A_53, %sign3A_62 : i32
    %sign3A_64 = arith.extui %sign3A_63 : i1 to i32
    %sign3A_65 = arith.constant 0 : i32
    %sign3A_66 = arith.cmpi slt, %jit3A_53, %sign3A_65 : i32
    %sign3A_67 = arith.extui %sign3A_66 : i1 to i32
    %sign3A_68 = arith.subi %sign3A_64, %sign3A_67 : i32
    %ne3A_69 = arith.cmpi ne, %sign3A_61, %sign3A_68 : i32
    %rem3A_70 = arith.remsi %add3A, %jit3A_53 : i32
    %ne3A_71 = arith.constant 0 : i32
    %ne3A_72 = arith.cmpi ne, %rem3A_70, %ne3A_71 : i32
    %and3A_73 = arith.andi %ne3A_69, %ne3A_72 : i1
    %sub3A_74 = arith.constant 1 : i32
    %sub3A_75 = arith.subi %div3A_54, %sub3A_74 : i32
    %select_n3A_76 = arith.select %and3A_73, %sub3A_75, %div3A_54 : i32
    %jit3A_77 = arith.constant 25 : i32
    %eq3A_78 = arith.constant 0 : i32
    %eq3A_79 = arith.cmpi eq, %jit3A_77, %eq3A_78 : i32
    %jit3A_80 = arith.constant 1 : i32
    %select_n3A_81 = arith.select %eq3A_79, %jit3A_80, %jit3A_77 : i32
    %rem3A_82 = arith.remsi %add3A, %select_n3A_81 : i32
    %ne3A_83 = arith.constant 0 : i32
    %ne3A_84 = arith.cmpi ne, %rem3A_82, %ne3A_83 : i32
    %lt3A_85 = arith.constant 0 : i32
    %lt3A_86 = arith.cmpi slt, %rem3A_82, %lt3A_85 : i32
    %lt3A_87 = arith.constant 0 : i32
    %lt3A_88 = arith.cmpi slt, %select_n3A_81, %lt3A_87 : i32
    %ne3A_89 = arith.xori %lt3A_86, %lt3A_88 : i1
    %and3A_90 = arith.andi %ne3A_89, %ne3A_84 : i1
    %add3A_91 = arith.addi %rem3A_82, %select_n3A_81 : i32
    %select_n3A_92 = arith.select %and3A_90, %add3A_91, %rem3A_82 : i32
    %dma_wait3A = arith.constant 0 : i32
    %dma_wait3A_93 = arith.constant 0 : i32
    %dma_wait3A_94 = arith.constant 0 : i32
    %dma_wait3A_95 = arith.constant 0 : i32
    %dma_wait3A_96 = tpu.memref_slice %arg3[%dma_wait3A, %dma_wait3A_93, %dma_wait3A_94, %dma_wait3A_95] : memref<26x26x16x1000xf32, #tpu.memory_space<hbm>> -> memref<1x1x16x1000xf32, #tpu.memory_space<hbm>>
    %dma_wait3A_97 = tpu.memref_squeeze %dma_wait3A_96 : memref<1x1x16x1000xf32, #tpu.memory_space<hbm>> -> memref<16x1000xf32, #tpu.memory_space<hbm>>
    %dma_wait3A_98 = arith.constant 0 : i32
    %dma_wait3A_99 = arith.constant 0 : i32
    %dma_wait3A_100 = tpu.memref_slice %arg3[%dma_wait3A, %dma_wait3A_93, %dma_wait3A_98, %dma_wait3A_99] : memref<26x26x16x1000xf32, #tpu.memory_space<hbm>> -> memref<1x1x16x1000xf32, #tpu.memory_space<hbm>>
    %dma_wait3A_101 = tpu.memref_squeeze %dma_wait3A_100 : memref<1x1x16x1000xf32, #tpu.memory_space<hbm>> -> memref<16x1000xf32, #tpu.memory_space<hbm>>
    tpu.wait_dma2 semaphore(%arg12 : memref<!tpu.dma_semaphore, #tpu.memory_space<semaphore_mem>>) src(%dma_wait3A_101 : memref<16x1000xf32, #tpu.memory_space<hbm>>) dst(%arg5 : memref<16x1000xf32, #tpu.memory_space<vmem>>)
    %dma_wait3A_102 = arith.constant 0 : i32
    %dma_wait3A_103 = arith.constant 0 : i32
    %dma_wait3A_104 = tpu.memref_slice %arg2[%dma_wait3A_102, %dma_wait3A_103] : memref<26x4096xi32, #tpu.memory_space<hbm>> -> memref<1x4096xi32, #tpu.memory_space<hbm>>
    %dma_wait3A_105 = tpu.memref_squeeze %dma_wait3A_104 : memref<1x4096xi32, #tpu.memory_space<hbm>> -> memref<4096xi32, #tpu.memory_space<hbm>>
    %dma_wait3A_106 = arith.constant 0 : i32
    %dma_wait3A_107 = tpu.memref_slice %arg2[%dma_wait3A_102, %dma_wait3A_106] : memref<26x4096xi32, #tpu.memory_space<hbm>> -> memref<1x4096xi32, #tpu.memory_space<hbm>>
    %dma_wait3A_108 = tpu.memref_squeeze %dma_wait3A_107 : memref<1x4096xi32, #tpu.memory_space<hbm>> -> memref<4096xi32, #tpu.memory_space<hbm>>
    tpu.wait_dma2 semaphore(%arg12 : memref<!tpu.dma_semaphore, #tpu.memory_space<semaphore_mem>>) src(%dma_wait3A_108 : memref<4096xi32, #tpu.memory_space<hbm>>) dst(%arg7 : memref<4096xi32, #tpu.memory_space<vmem>>)
    %parallel_loop3A = arith.constant 0 : i32
    %parallel_loop3A_109 = arith.constant 128 : i32
    %parallel_loop3A_110 = arith.constant 1 : i32
    scf.for %parallel_loop3A_171 = %parallel_loop3A to %parallel_loop3A_109 step %parallel_loop3A_110  : i32 {
      %parallel_loop3A_172 = arith.constant 8 : i32
      %parallel_loop3A_173 = arith.divsi %parallel_loop3A_171, %parallel_loop3A_172 : i32
      %parallel_loop3A_174 = arith.constant 0 : i32
      %parallel_loop3A_175 = arith.cmpi sgt, %parallel_loop3A_171, %parallel_loop3A_174 : i32
      %parallel_loop3A_176 = arith.extui %parallel_loop3A_175 : i1 to i32
      %parallel_loop3A_177 = arith.constant 0 : i32
      %parallel_loop3A_178 = arith.cmpi slt, %parallel_loop3A_171, %parallel_loop3A_177 : i32
      %parallel_loop3A_179 = arith.extui %parallel_loop3A_178 : i1 to i32
      %parallel_loop3A_180 = arith.subi %parallel_loop3A_176, %parallel_loop3A_179 : i32
      %parallel_loop3A_181 = arith.constant 0 : i32
      %parallel_loop3A_182 = arith.cmpi sgt, %parallel_loop3A_172, %parallel_loop3A_181 : i32
      %parallel_loop3A_183 = arith.extui %parallel_loop3A_182 : i1 to i32
      %parallel_loop3A_184 = arith.constant 0 : i32
      %parallel_loop3A_185 = arith.cmpi slt, %parallel_loop3A_172, %parallel_loop3A_184 : i32
      %parallel_loop3A_186 = arith.extui %parallel_loop3A_185 : i1 to i32
      %parallel_loop3A_187 = arith.subi %parallel_loop3A_183, %parallel_loop3A_186 : i32
      %parallel_loop3A_188 = arith.cmpi ne, %parallel_loop3A_180, %parallel_loop3A_187 : i32
      %parallel_loop3A_189 = arith.remsi %parallel_loop3A_171, %parallel_loop3A_172 : i32
      %parallel_loop3A_190 = arith.constant 0 : i32
      %parallel_loop3A_191 = arith.cmpi ne, %parallel_loop3A_189, %parallel_loop3A_190 : i32
      %parallel_loop3A_192 = arith.andi %parallel_loop3A_188, %parallel_loop3A_191 : i1
      %parallel_loop3A_193 = arith.constant 1 : i32
      %parallel_loop3A_194 = arith.subi %parallel_loop3A_173, %parallel_loop3A_193 : i32
      %parallel_loop3A_195 = arith.select %parallel_loop3A_192, %parallel_loop3A_194, %parallel_loop3A_173 : i32
      %parallel_loop3A_196 = arith.constant 8 : i32
      %parallel_loop3A_197 = arith.constant 0 : i32
      %parallel_loop3A_198 = arith.cmpi eq, %parallel_loop3A_196, %parallel_loop3A_197 : i32
      %parallel_loop3A_199 = arith.constant 1 : i32
      %parallel_loop3A_200 = arith.select %parallel_loop3A_198, %parallel_loop3A_199, %parallel_loop3A_196 : i32
      %parallel_loop3A_201 = arith.remsi %parallel_loop3A_171, %parallel_loop3A_200 : i32
      %parallel_loop3A_202 = arith.constant 0 : i32
      %parallel_loop3A_203 = arith.cmpi ne, %parallel_loop3A_201, %parallel_loop3A_202 : i32
      %parallel_loop3A_204 = arith.constant 0 : i32
      %parallel_loop3A_205 = arith.cmpi slt, %parallel_loop3A_201, %parallel_loop3A_204 : i32
      %parallel_loop3A_206 = arith.constant 0 : i32
      %parallel_loop3A_207 = arith.cmpi slt, %parallel_loop3A_200, %parallel_loop3A_206 : i32
      %parallel_loop3A_208 = arith.xori %parallel_loop3A_205, %parallel_loop3A_207 : i1
      %parallel_loop3A_209 = arith.andi %parallel_loop3A_208, %parallel_loop3A_203 : i1
      %parallel_loop3A_210 = arith.addi %parallel_loop3A_201, %parallel_loop3A_200 : i32
      %parallel_loop3A_211 = arith.select %parallel_loop3A_209, %parallel_loop3A_210, %parallel_loop3A_201 : i32
      %parallel_loop3A_212 = arith.constant 16 : i32
      %parallel_loop3A_213 = arith.muli %parallel_loop3A_211, %parallel_loop3A_212 : i32
      %parallel_loop3A_214 = arith.constant 16 : i32
      %parallel_loop3A_215 = arith.muli %parallel_loop3A_171, %parallel_loop3A_214 : i32
      %parallel_loop3A_216 = arith.constant 0 : i32
      %parallel_loop3A_217 = arith.addi %parallel_loop3A_216, %parallel_loop3A_215 : i32
      %parallel_loop3A_218 = arith.index_cast %parallel_loop3A_217 : i32 to index
      %parallel_loop3A_219 = tpu.vector_load %arg7[%parallel_loop3A_218] {strides = array<i32>} : memref<4096xi32, #tpu.memory_space<vmem>>, vector<16xi32>,
      %parallel_loop3A_220 = arith.constant 0 : i32
      %parallel_loop3A_221 = arith.constant 0 : i32
      %parallel_loop3A_222 = tpu.memref_slice %arg5[%parallel_loop3A_220, %parallel_loop3A_221] : memref<16x1000xf32, #tpu.memory_space<vmem>> -> memref<1x1000xf32, #tpu.memory_space<vmem>>
      %parallel_loop3A_223 = tpu.memref_squeeze %parallel_loop3A_222 : memref<1x1000xf32, #tpu.memory_space<vmem>> -> memref<1000xf32, #tpu.memory_space<vmem>>
      %parallel_loop3A_224 = tpu.vector_load_idx %parallel_loop3A_223[%parallel_loop3A_219] : memref<1000xf32, #tpu.memory_space<vmem>>[vector<16xi32>], vector<16xf32>,
      %parallel_loop3A_225 = arith.constant 0 : i32
      %parallel_loop3A_226 = arith.constant 0 : i32
      %parallel_loop3A_227 = arith.index_cast %parallel_loop3A_225 : i32 to index
      %parallel_loop3A_228 = arith.index_cast %parallel_loop3A_195 : i32 to index
      %parallel_loop3A_229 = arith.index_cast %parallel_loop3A_226 : i32 to index
      %parallel_loop3A_230 = arith.index_cast %parallel_loop3A_213 : i32 to index
      %parallel_loop3A_231 = tpu.vector_load %arg9[%parallel_loop3A_227, %parallel_loop3A_228, %parallel_loop3A_229, %parallel_loop3A_230] {strides = array<i32>} : memref<2x16x8x128xf32, #tpu.memory_space<vmem>>, vector<16xf32>,
      tpu.vector_store %arg9[%parallel_loop3A_227, %parallel_loop3A_228, %parallel_loop3A_229, %parallel_loop3A_230], %parallel_loop3A_224 {strides = array<i32>} : memref<2x16x8x128xf32, #tpu.memory_space<vmem>>, vector<16xf32>,
      %parallel_loop3A_232 = arith.constant 1 : i32
      %parallel_loop3A_233 = arith.constant 0 : i32
      %parallel_loop3A_234 = tpu.memref_slice %arg5[%parallel_loop3A_232, %parallel_loop3A_233] : memref<16x1000xf32, #tpu.memory_space<vmem>> -> memref<1x1000xf32, #tpu.memory_space<vmem>>
      %parallel_loop3A_235 = tpu.memref_squeeze %parallel_loop3A_234 : memref<1x1000xf32, #tpu.memory_space<vmem>> -> memref<1000xf32, #tpu.memory_space<vmem>>
      %parallel_loop3A_236 = tpu.vector_load_idx %parallel_loop3A_235[%parallel_loop3A_219] : memref<1000xf32, #tpu.memory_space<vmem>>[vector<16xi32>], vector<16xf32>,
      %parallel_loop3A_237 = arith.constant 0 : i32
      %parallel_loop3A_238 = arith.constant 1 : i32
      %parallel_loop3A_239 = arith.index_cast %parallel_loop3A_237 : i32 to index
      %parallel_loop3A_240 = arith.index_cast %parallel_loop3A_195 : i32 to index
      %parallel_loop3A_241 = arith.index_cast %parallel_loop3A_238 : i32 to index
      %parallel_loop3A_242 = arith.index_cast %parallel_loop3A_213 : i32 to index
      %parallel_loop3A_243 = tpu.vector_load %arg9[%parallel_loop3A_239, %parallel_loop3A_240, %parallel_loop3A_241, %parallel_loop3A_242] {strides = array<i32>} : memref<2x16x8x128xf32, #tpu.memory_space<vmem>>, vector<16xf32>,
      tpu.vector_store %arg9[%parallel_loop3A_239, %parallel_loop3A_240, %parallel_loop3A_241, %parallel_loop3A_242], %parallel_loop3A_236 {strides = array<i32>} : memref<2x16x8x128xf32, #tpu.memory_space<vmem>>, vector<16xf32>,
      %parallel_loop3A_244 = arith.constant 2 : i32
      %parallel_loop3A_245 = arith.constant 0 : i32
      %parallel_loop3A_246 = tpu.memref_slice %arg5[%parallel_loop3A_244, %parallel_loop3A_245] : memref<16x1000xf32, #tpu.memory_space<vmem>> -> memref<1x1000xf32, #tpu.memory_space<vmem>>
      %parallel_loop3A_247 = tpu.memref_squeeze %parallel_loop3A_246 : memref<1x1000xf32, #tpu.memory_space<vmem>> -> memref<1000xf32, #tpu.memory_space<vmem>>
      %parallel_loop3A_248 = tpu.vector_load_idx %parallel_loop3A_247[%parallel_loop3A_219] : memref<1000xf32, #tpu.memory_space<vmem>>[vector<16xi32>], vector<16xf32>,
      %parallel_loop3A_249 = arith.constant 0 : i32
      %parallel_loop3A_250 = arith.constant 2 : i32
      %parallel_loop3A_251 = arith.index_cast %parallel_loop3A_249 : i32 to index
      %parallel_loop3A_252 = arith.index_cast %parallel_loop3A_195 : i32 to index
      %parallel_loop3A_253 = arith.index_cast %parallel_loop3A_250 : i32 to index
      %parallel_loop3A_254 = arith.index_cast %parallel_loop3A_213 : i32 to index
      %parallel_loop3A_255 = tpu.vector_load %arg9[%parallel_loop3A_251, %parallel_loop3A_252, %parallel_loop3A_253, %parallel_loop3A_254] {strides = array<i32>} : memref<2x16x8x128xf32, #tpu.memory_space<vmem>>, vector<16xf32>,
      tpu.vector_store %arg9[%parallel_loop3A_251, %parallel_loop3A_252, %parallel_loop3A_253, %parallel_loop3A_254], %parallel_loop3A_248 {strides = array<i32>} : memref<2x16x8x128xf32, #tpu.memory_space<vmem>>, vector<16xf32>,
      %parallel_loop3A_256 = arith.constant 3 : i32
      %parallel_loop3A_257 = arith.constant 0 : i32
      %parallel_loop3A_258 = tpu.memref_slice %arg5[%parallel_loop3A_256, %parallel_loop3A_257] : memref<16x1000xf32, #tpu.memory_space<vmem>> -> memref<1x1000xf32, #tpu.memory_space<vmem>>
      %parallel_loop3A_259 = tpu.memref_squeeze %parallel_loop3A_258 : memref<1x1000xf32, #tpu.memory_space<vmem>> -> memref<1000xf32, #tpu.memory_space<vmem>>
      %parallel_loop3A_260 = tpu.vector_load_idx %parallel_loop3A_259[%parallel_loop3A_219] : memref<1000xf32, #tpu.memory_space<vmem>>[vector<16xi32>], vector<16xf32>,
      %parallel_loop3A_261 = arith.constant 0 : i32
      %parallel_loop3A_262 = arith.constant 3 : i32
      %parallel_loop3A_263 = arith.index_cast %parallel_loop3A_261 : i32 to index
      %parallel_loop3A_264 = arith.index_cast %parallel_loop3A_195 : i32 to index
      %parallel_loop3A_265 = arith.index_cast %parallel_loop3A_262 : i32 to index
      %parallel_loop3A_266 = arith.index_cast %parallel_loop3A_213 : i32 to index
      %parallel_loop3A_267 = tpu.vector_load %arg9[%parallel_loop3A_263, %parallel_loop3A_264, %parallel_loop3A_265, %parallel_loop3A_266] {strides = array<i32>} : memref<2x16x8x128xf32, #tpu.memory_space<vmem>>, vector<16xf32>,
      tpu.vector_store %arg9[%parallel_loop3A_263, %parallel_loop3A_264, %parallel_loop3A_265, %parallel_loop3A_266], %parallel_loop3A_260 {strides = array<i32>} : memref<2x16x8x128xf32, #tpu.memory_space<vmem>>, vector<16xf32>,
      %parallel_loop3A_268 = arith.constant 4 : i32
      %parallel_loop3A_269 = arith.constant 0 : i32
      %parallel_loop3A_270 = tpu.memref_slice %arg5[%parallel_loop3A_268, %parallel_loop3A_269] : memref<16x1000xf32, #tpu.memory_space<vmem>> -> memref<1x1000xf32, #tpu.memory_space<vmem>>
      %parallel_loop3A_271 = tpu.memref_squeeze %parallel_loop3A_270 : memref<1x1000xf32, #tpu.memory_space<vmem>> -> memref<1000xf32, #tpu.memory_space<vmem>>
      %parallel_loop3A_272 = tpu.vector_load_idx %parallel_loop3A_271[%parallel_loop3A_219] : memref<1000xf32, #tpu.memory_space<vmem>>[vector<16xi32>], vector<16xf32>,
      %parallel_loop3A_273 = arith.constant 0 : i32
      %parallel_loop3A_274 = arith.constant 4 : i32
      %parallel_loop3A_275 = arith.index_cast %parallel_loop3A_273 : i32 to index
      %parallel_loop3A_276 = arith.index_cast %parallel_loop3A_195 : i32 to index
      %parallel_loop3A_277 = arith.index_cast %parallel_loop3A_274 : i32 to index
      %parallel_loop3A_278 = arith.index_cast %parallel_loop3A_213 : i32 to index
      %parallel_loop3A_279 = tpu.vector_load %arg9[%parallel_loop3A_275, %parallel_loop3A_276, %parallel_loop3A_277, %parallel_loop3A_278] {strides = array<i32>} : memref<2x16x8x128xf32, #tpu.memory_space<vmem>>, vector<16xf32>,
      tpu.vector_store %arg9[%parallel_loop3A_275, %parallel_loop3A_276, %parallel_loop3A_277, %parallel_loop3A_278], %parallel_loop3A_272 {strides = array<i32>} : memref<2x16x8x128xf32, #tpu.memory_space<vmem>>, vector<16xf32>,
      %parallel_loop3A_280 = arith.constant 5 : i32
      %parallel_loop3A_281 = arith.constant 0 : i32
      %parallel_loop3A_282 = tpu.memref_slice %arg5[%parallel_loop3A_280, %parallel_loop3A_281] : memref<16x1000xf32, #tpu.memory_space<vmem>> -> memref<1x1000xf32, #tpu.memory_space<vmem>>
      %parallel_loop3A_283 = tpu.memref_squeeze %parallel_loop3A_282 : memref<1x1000xf32, #tpu.memory_space<vmem>> -> memref<1000xf32, #tpu.memory_space<vmem>>
      %parallel_loop3A_284 = tpu.vector_load_idx %parallel_loop3A_283[%parallel_loop3A_219] : memref<1000xf32, #tpu.memory_space<vmem>>[vector<16xi32>], vector<16xf32>,
      %parallel_loop3A_285 = arith.constant 0 : i32
      %parallel_loop3A_286 = arith.constant 5 : i32
      %parallel_loop3A_287 = arith.index_cast %parallel_loop3A_285 : i32 to index
      %parallel_loop3A_288 = arith.index_cast %parallel_loop3A_195 : i32 to index
      %parallel_loop3A_289 = arith.index_cast %parallel_loop3A_286 : i32 to index
      %parallel_loop3A_290 = arith.index_cast %parallel_loop3A_213 : i32 to index
      %parallel_loop3A_291 = tpu.vector_load %arg9[%parallel_loop3A_287, %parallel_loop3A_288, %parallel_loop3A_289, %parallel_loop3A_290] {strides = array<i32>} : memref<2x16x8x128xf32, #tpu.memory_space<vmem>>, vector<16xf32>,
      tpu.vector_store %arg9[%parallel_loop3A_287, %parallel_loop3A_288, %parallel_loop3A_289, %parallel_loop3A_290], %parallel_loop3A_284 {strides = array<i32>} : memref<2x16x8x128xf32, #tpu.memory_space<vmem>>, vector<16xf32>,
      %parallel_loop3A_292 = arith.constant 6 : i32
      %parallel_loop3A_293 = arith.constant 0 : i32
      %parallel_loop3A_294 = tpu.memref_slice %arg5[%parallel_loop3A_292, %parallel_loop3A_293] : memref<16x1000xf32, #tpu.memory_space<vmem>> -> memref<1x1000xf32, #tpu.memory_space<vmem>>
      %parallel_loop3A_295 = tpu.memref_squeeze %parallel_loop3A_294 : memref<1x1000xf32, #tpu.memory_space<vmem>> -> memref<1000xf32, #tpu.memory_space<vmem>>
      %parallel_loop3A_296 = tpu.vector_load_idx %parallel_loop3A_295[%parallel_loop3A_219] : memref<1000xf32, #tpu.memory_space<vmem>>[vector<16xi32>], vector<16xf32>,
      %parallel_loop3A_297 = arith.constant 0 : i32
      %parallel_loop3A_298 = arith.constant 6 : i32
      %parallel_loop3A_299 = arith.index_cast %parallel_loop3A_297 : i32 to index
      %parallel_loop3A_300 = arith.index_cast %parallel_loop3A_195 : i32 to index
      %parallel_loop3A_301 = arith.index_cast %parallel_loop3A_298 : i32 to index
      %parallel_loop3A_302 = arith.index_cast %parallel_loop3A_213 : i32 to index
      %parallel_loop3A_303 = tpu.vector_load %arg9[%parallel_loop3A_299, %parallel_loop3A_300, %parallel_loop3A_301, %parallel_loop3A_302] {strides = array<i32>} : memref<2x16x8x128xf32, #tpu.memory_space<vmem>>, vector<16xf32>,
      tpu.vector_store %arg9[%parallel_loop3A_299, %parallel_loop3A_300, %parallel_loop3A_301, %parallel_loop3A_302], %parallel_loop3A_296 {strides = array<i32>} : memref<2x16x8x128xf32, #tpu.memory_space<vmem>>, vector<16xf32>,
      %parallel_loop3A_304 = arith.constant 7 : i32
      %parallel_loop3A_305 = arith.constant 0 : i32
      %parallel_loop3A_306 = tpu.memref_slice %arg5[%parallel_loop3A_304, %parallel_loop3A_305] : memref<16x1000xf32, #tpu.memory_space<vmem>> -> memref<1x1000xf32, #tpu.memory_space<vmem>>
      %parallel_loop3A_307 = tpu.memref_squeeze %parallel_loop3A_306 : memref<1x1000xf32, #tpu.memory_space<vmem>> -> memref<1000xf32, #tpu.memory_space<vmem>>
      %parallel_loop3A_308 = tpu.vector_load_idx %parallel_loop3A_307[%parallel_loop3A_219] : memref<1000xf32, #tpu.memory_space<vmem>>[vector<16xi32>], vector<16xf32>,
      %parallel_loop3A_309 = arith.constant 0 : i32
      %parallel_loop3A_310 = arith.constant 7 : i32
      %parallel_loop3A_311 = arith.index_cast %parallel_loop3A_309 : i32 to index
      %parallel_loop3A_312 = arith.index_cast %parallel_loop3A_195 : i32 to index
      %parallel_loop3A_313 = arith.index_cast %parallel_loop3A_310 : i32 to index
      %parallel_loop3A_314 = arith.index_cast %parallel_loop3A_213 : i32 to index
      %parallel_loop3A_315 = tpu.vector_load %arg9[%parallel_loop3A_311, %parallel_loop3A_312, %parallel_loop3A_313, %parallel_loop3A_314] {strides = array<i32>} : memref<2x16x8x128xf32, #tpu.memory_space<vmem>>, vector<16xf32>,
      tpu.vector_store %arg9[%parallel_loop3A_311, %parallel_loop3A_312, %parallel_loop3A_313, %parallel_loop3A_314], %parallel_loop3A_308 {strides = array<i32>} : memref<2x16x8x128xf32, #tpu.memory_space<vmem>>, vector<16xf32>,
      %parallel_loop3A_316 = arith.constant 8 : i32
      %parallel_loop3A_317 = arith.constant 0 : i32
      %parallel_loop3A_318 = tpu.memref_slice %arg5[%parallel_loop3A_316, %parallel_loop3A_317] : memref<16x1000xf32, #tpu.memory_space<vmem>> -> memref<1x1000xf32, #tpu.memory_space<vmem>>
      %parallel_loop3A_319 = tpu.memref_squeeze %parallel_loop3A_318 : memref<1x1000xf32, #tpu.memory_space<vmem>> -> memref<1000xf32, #tpu.memory_space<vmem>>
      %parallel_loop3A_320 = tpu.vector_load_idx %parallel_loop3A_319[%parallel_loop3A_219] : memref<1000xf32, #tpu.memory_space<vmem>>[vector<16xi32>], vector<16xf32>,
      %parallel_loop3A_321 = arith.constant 1 : i32
      %parallel_loop3A_322 = arith.constant 0 : i32
      %parallel_loop3A_323 = arith.index_cast %parallel_loop3A_321 : i32 to index
      %parallel_loop3A_324 = arith.index_cast %parallel_loop3A_195 : i32 to index
      %parallel_loop3A_325 = arith.index_cast %parallel_loop3A_322 : i32 to index
      %parallel_loop3A_326 = arith.index_cast %parallel_loop3A_213 : i32 to index
      %parallel_loop3A_327 = tpu.vector_load %arg9[%parallel_loop3A_323, %parallel_loop3A_324, %parallel_loop3A_325, %parallel_loop3A_326] {strides = array<i32>} : memref<2x16x8x128xf32, #tpu.memory_space<vmem>>, vector<16xf32>,
      tpu.vector_store %arg9[%parallel_loop3A_323, %parallel_loop3A_324, %parallel_loop3A_325, %parallel_loop3A_326], %parallel_loop3A_320 {strides = array<i32>} : memref<2x16x8x128xf32, #tpu.memory_space<vmem>>, vector<16xf32>,
      %parallel_loop3A_328 = arith.constant 9 : i32
      %parallel_loop3A_329 = arith.constant 0 : i32
      %parallel_loop3A_330 = tpu.memref_slice %arg5[%parallel_loop3A_328, %parallel_loop3A_329] : memref<16x1000xf32, #tpu.memory_space<vmem>> -> memref<1x1000xf32, #tpu.memory_space<vmem>>
      %parallel_loop3A_331 = tpu.memref_squeeze %parallel_loop3A_330 : memref<1x1000xf32, #tpu.memory_space<vmem>> -> memref<1000xf32, #tpu.memory_space<vmem>>
      %parallel_loop3A_332 = tpu.vector_load_idx %parallel_loop3A_331[%parallel_loop3A_219] : memref<1000xf32, #tpu.memory_space<vmem>>[vector<16xi32>], vector<16xf32>,
      %parallel_loop3A_333 = arith.constant 1 : i32
      %parallel_loop3A_334 = arith.constant 1 : i32
      %parallel_loop3A_335 = arith.index_cast %parallel_loop3A_333 : i32 to index
      %parallel_loop3A_336 = arith.index_cast %parallel_loop3A_195 : i32 to index
      %parallel_loop3A_337 = arith.index_cast %parallel_loop3A_334 : i32 to index
      %parallel_loop3A_338 = arith.index_cast %parallel_loop3A_213 : i32 to index
      %parallel_loop3A_339 = tpu.vector_load %arg9[%parallel_loop3A_335, %parallel_loop3A_336, %parallel_loop3A_337, %parallel_loop3A_338] {strides = array<i32>} : memref<2x16x8x128xf32, #tpu.memory_space<vmem>>, vector<16xf32>,
      tpu.vector_store %arg9[%parallel_loop3A_335, %parallel_loop3A_336, %parallel_loop3A_337, %parallel_loop3A_338], %parallel_loop3A_332 {strides = array<i32>} : memref<2x16x8x128xf32, #tpu.memory_space<vmem>>, vector<16xf32>,
      %parallel_loop3A_340 = arith.constant 10 : i32
      %parallel_loop3A_341 = arith.constant 0 : i32
      %parallel_loop3A_342 = tpu.memref_slice %arg5[%parallel_loop3A_340, %parallel_loop3A_341] : memref<16x1000xf32, #tpu.memory_space<vmem>> -> memref<1x1000xf32, #tpu.memory_space<vmem>>
      %parallel_loop3A_343 = tpu.memref_squeeze %parallel_loop3A_342 : memref<1x1000xf32, #tpu.memory_space<vmem>> -> memref<1000xf32, #tpu.memory_space<vmem>>
      %parallel_loop3A_344 = tpu.vector_load_idx %parallel_loop3A_343[%parallel_loop3A_219] : memref<1000xf32, #tpu.memory_space<vmem>>[vector<16xi32>], vector<16xf32>,
      %parallel_loop3A_345 = arith.constant 1 : i32
      %parallel_loop3A_346 = arith.constant 2 : i32
      %parallel_loop3A_347 = arith.index_cast %parallel_loop3A_345 : i32 to index
      %parallel_loop3A_348 = arith.index_cast %parallel_loop3A_195 : i32 to index
      %parallel_loop3A_349 = arith.index_cast %parallel_loop3A_346 : i32 to index
      %parallel_loop3A_350 = arith.index_cast %parallel_loop3A_213 : i32 to index
      %parallel_loop3A_351 = tpu.vector_load %arg9[%parallel_loop3A_347, %parallel_loop3A_348, %parallel_loop3A_349, %parallel_loop3A_350] {strides = array<i32>} : memref<2x16x8x128xf32, #tpu.memory_space<vmem>>, vector<16xf32>,
      tpu.vector_store %arg9[%parallel_loop3A_347, %parallel_loop3A_348, %parallel_loop3A_349, %parallel_loop3A_350], %parallel_loop3A_344 {strides = array<i32>} : memref<2x16x8x128xf32, #tpu.memory_space<vmem>>, vector<16xf32>,
      %parallel_loop3A_352 = arith.constant 11 : i32
      %parallel_loop3A_353 = arith.constant 0 : i32
      %parallel_loop3A_354 = tpu.memref_slice %arg5[%parallel_loop3A_352, %parallel_loop3A_353] : memref<16x1000xf32, #tpu.memory_space<vmem>> -> memref<1x1000xf32, #tpu.memory_space<vmem>>
      %parallel_loop3A_355 = tpu.memref_squeeze %parallel_loop3A_354 : memref<1x1000xf32, #tpu.memory_space<vmem>> -> memref<1000xf32, #tpu.memory_space<vmem>>
      %parallel_loop3A_356 = tpu.vector_load_idx %parallel_loop3A_355[%parallel_loop3A_219] : memref<1000xf32, #tpu.memory_space<vmem>>[vector<16xi32>], vector<16xf32>,
      %parallel_loop3A_357 = arith.constant 1 : i32
      %parallel_loop3A_358 = arith.constant 3 : i32
      %parallel_loop3A_359 = arith.index_cast %parallel_loop3A_357 : i32 to index
      %parallel_loop3A_360 = arith.index_cast %parallel_loop3A_195 : i32 to index
      %parallel_loop3A_361 = arith.index_cast %parallel_loop3A_358 : i32 to index
      %parallel_loop3A_362 = arith.index_cast %parallel_loop3A_213 : i32 to index
      %parallel_loop3A_363 = tpu.vector_load %arg9[%parallel_loop3A_359, %parallel_loop3A_360, %parallel_loop3A_361, %parallel_loop3A_362] {strides = array<i32>} : memref<2x16x8x128xf32, #tpu.memory_space<vmem>>, vector<16xf32>,
      tpu.vector_store %arg9[%parallel_loop3A_359, %parallel_loop3A_360, %parallel_loop3A_361, %parallel_loop3A_362], %parallel_loop3A_356 {strides = array<i32>} : memref<2x16x8x128xf32, #tpu.memory_space<vmem>>, vector<16xf32>,
      %parallel_loop3A_364 = arith.constant 12 : i32
      %parallel_loop3A_365 = arith.constant 0 : i32
      %parallel_loop3A_366 = tpu.memref_slice %arg5[%parallel_loop3A_364, %parallel_loop3A_365] : memref<16x1000xf32, #tpu.memory_space<vmem>> -> memref<1x1000xf32, #tpu.memory_space<vmem>>
      %parallel_loop3A_367 = tpu.memref_squeeze %parallel_loop3A_366 : memref<1x1000xf32, #tpu.memory_space<vmem>> -> memref<1000xf32, #tpu.memory_space<vmem>>
      %parallel_loop3A_368 = tpu.vector_load_idx %parallel_loop3A_367[%parallel_loop3A_219] : memref<1000xf32, #tpu.memory_space<vmem>>[vector<16xi32>], vector<16xf32>,
      %parallel_loop3A_369 = arith.constant 1 : i32
      %parallel_loop3A_370 = arith.constant 4 : i32
      %parallel_loop3A_371 = arith.index_cast %parallel_loop3A_369 : i32 to index
      %parallel_loop3A_372 = arith.index_cast %parallel_loop3A_195 : i32 to index
      %parallel_loop3A_373 = arith.index_cast %parallel_loop3A_370 : i32 to index
      %parallel_loop3A_374 = arith.index_cast %parallel_loop3A_213 : i32 to index
      %parallel_loop3A_375 = tpu.vector_load %arg9[%parallel_loop3A_371, %parallel_loop3A_372, %parallel_loop3A_373, %parallel_loop3A_374] {strides = array<i32>} : memref<2x16x8x128xf32, #tpu.memory_space<vmem>>, vector<16xf32>,
      tpu.vector_store %arg9[%parallel_loop3A_371, %parallel_loop3A_372, %parallel_loop3A_373, %parallel_loop3A_374], %parallel_loop3A_368 {strides = array<i32>} : memref<2x16x8x128xf32, #tpu.memory_space<vmem>>, vector<16xf32>,
      %parallel_loop3A_376 = arith.constant 13 : i32
      %parallel_loop3A_377 = arith.constant 0 : i32
      %parallel_loop3A_378 = tpu.memref_slice %arg5[%parallel_loop3A_376, %parallel_loop3A_377] : memref<16x1000xf32, #tpu.memory_space<vmem>> -> memref<1x1000xf32, #tpu.memory_space<vmem>>
      %parallel_loop3A_379 = tpu.memref_squeeze %parallel_loop3A_378 : memref<1x1000xf32, #tpu.memory_space<vmem>> -> memref<1000xf32, #tpu.memory_space<vmem>>
      %parallel_loop3A_380 = tpu.vector_load_idx %parallel_loop3A_379[%parallel_loop3A_219] : memref<1000xf32, #tpu.memory_space<vmem>>[vector<16xi32>], vector<16xf32>,
      %parallel_loop3A_381 = arith.constant 1 : i32
      %parallel_loop3A_382 = arith.constant 5 : i32
      %parallel_loop3A_383 = arith.index_cast %parallel_loop3A_381 : i32 to index
      %parallel_loop3A_384 = arith.index_cast %parallel_loop3A_195 : i32 to index
      %parallel_loop3A_385 = arith.index_cast %parallel_loop3A_382 : i32 to index
      %parallel_loop3A_386 = arith.index_cast %parallel_loop3A_213 : i32 to index
      %parallel_loop3A_387 = tpu.vector_load %arg9[%parallel_loop3A_383, %parallel_loop3A_384, %parallel_loop3A_385, %parallel_loop3A_386] {strides = array<i32>} : memref<2x16x8x128xf32, #tpu.memory_space<vmem>>, vector<16xf32>,
      tpu.vector_store %arg9[%parallel_loop3A_383, %parallel_loop3A_384, %parallel_loop3A_385, %parallel_loop3A_386], %parallel_loop3A_380 {strides = array<i32>} : memref<2x16x8x128xf32, #tpu.memory_space<vmem>>, vector<16xf32>,
      %parallel_loop3A_388 = arith.constant 14 : i32
      %parallel_loop3A_389 = arith.constant 0 : i32
      %parallel_loop3A_390 = tpu.memref_slice %arg5[%parallel_loop3A_388, %parallel_loop3A_389] : memref<16x1000xf32, #tpu.memory_space<vmem>> -> memref<1x1000xf32, #tpu.memory_space<vmem>>
      %parallel_loop3A_391 = tpu.memref_squeeze %parallel_loop3A_390 : memref<1x1000xf32, #tpu.memory_space<vmem>> -> memref<1000xf32, #tpu.memory_space<vmem>>
      %parallel_loop3A_392 = tpu.vector_load_idx %parallel_loop3A_391[%parallel_loop3A_219] : memref<1000xf32, #tpu.memory_space<vmem>>[vector<16xi32>], vector<16xf32>,
      %parallel_loop3A_393 = arith.constant 1 : i32
      %parallel_loop3A_394 = arith.constant 6 : i32
      %parallel_loop3A_395 = arith.index_cast %parallel_loop3A_393 : i32 to index
      %parallel_loop3A_396 = arith.index_cast %parallel_loop3A_195 : i32 to index
      %parallel_loop3A_397 = arith.index_cast %parallel_loop3A_394 : i32 to index
      %parallel_loop3A_398 = arith.index_cast %parallel_loop3A_213 : i32 to index
      %parallel_loop3A_399 = tpu.vector_load %arg9[%parallel_loop3A_395, %parallel_loop3A_396, %parallel_loop3A_397, %parallel_loop3A_398] {strides = array<i32>} : memref<2x16x8x128xf32, #tpu.memory_space<vmem>>, vector<16xf32>,
      tpu.vector_store %arg9[%parallel_loop3A_395, %parallel_loop3A_396, %parallel_loop3A_397, %parallel_loop3A_398], %parallel_loop3A_392 {strides = array<i32>} : memref<2x16x8x128xf32, #tpu.memory_space<vmem>>, vector<16xf32>,
      %parallel_loop3A_400 = arith.constant 15 : i32
      %parallel_loop3A_401 = arith.constant 0 : i32
      %parallel_loop3A_402 = tpu.memref_slice %arg5[%parallel_loop3A_400, %parallel_loop3A_401] : memref<16x1000xf32, #tpu.memory_space<vmem>> -> memref<1x1000xf32, #tpu.memory_space<vmem>>
      %parallel_loop3A_403 = tpu.memref_squeeze %parallel_loop3A_402 : memref<1x1000xf32, #tpu.memory_space<vmem>> -> memref<1000xf32, #tpu.memory_space<vmem>>
      %parallel_loop3A_404 = tpu.vector_load_idx %parallel_loop3A_403[%parallel_loop3A_219] : memref<1000xf32, #tpu.memory_space<vmem>>[vector<16xi32>], vector<16xf32>,
      %parallel_loop3A_405 = arith.constant 1 : i32
      %parallel_loop3A_406 = arith.constant 7 : i32
      %parallel_loop3A_407 = arith.index_cast %parallel_loop3A_405 : i32 to index
      %parallel_loop3A_408 = arith.index_cast %parallel_loop3A_195 : i32 to index
      %parallel_loop3A_409 = arith.index_cast %parallel_loop3A_406 : i32 to index
      %parallel_loop3A_410 = arith.index_cast %parallel_loop3A_213 : i32 to index
      %parallel_loop3A_411 = tpu.vector_load %arg9[%parallel_loop3A_407, %parallel_loop3A_408, %parallel_loop3A_409, %parallel_loop3A_410] {strides = array<i32>} : memref<2x16x8x128xf32, #tpu.memory_space<vmem>>, vector<16xf32>,
      tpu.vector_store %arg9[%parallel_loop3A_407, %parallel_loop3A_408, %parallel_loop3A_409, %parallel_loop3A_410], %parallel_loop3A_404 {strides = array<i32>} : memref<2x16x8x128xf32, #tpu.memory_space<vmem>>, vector<16xf32>,
    } {sc.loop_unroll_factor = 8 : i64, sc.parallel_access}
    %dma_start3A_111 = arith.constant 0 : i32
    %dma_start3A_112 = arith.constant 0 : i32
    %dma_start3A_113 = arith.constant 0 : i32
    %dma_start3A_114 = arith.constant 0 : i32
    %dma_start3A_115 = tpu.memref_slice %arg4[%select_n3A_76, %select_n3A_92, %dma_start3A_111, %dma_start3A_112, %dma_start3A_113, %dma_start3A_114] : memref<26x25x2x32x8x128xf32, #tpu.memory_space<hbm>> -> memref<1x1x2x16x8x128xf32, #tpu.memory_space<hbm>>
    %dma_start3A_116 = tpu.memref_squeeze %dma_start3A_115 : memref<1x1x2x16x8x128xf32, #tpu.memory_space<hbm>> -> memref<2x16x8x128xf32, #tpu.memory_space<hbm>>
    %dma_start3A_117 = arith.constant 0 : i32
    %dma_start3A_118 = arith.constant 0 : i32
    %dma_start3A_119 = arith.constant 0 : i32
    %dma_start3A_120 = arith.constant 0 : i32
    %dma_start3A_121 = tpu.memref_slice %arg4[%select_n3A_76, %select_n3A_92, %dma_start3A_117, %dma_start3A_118, %dma_start3A_119, %dma_start3A_120] : memref<26x25x2x32x8x128xf32, #tpu.memory_space<hbm>> -> memref<1x1x2x16x8x128xf32, #tpu.memory_space<hbm>>
    %dma_start3A_122 = tpu.memref_squeeze %dma_start3A_121 : memref<1x1x2x16x8x128xf32, #tpu.memory_space<hbm>> -> memref<2x16x8x128xf32, #tpu.memory_space<hbm>>
    tpu.enqueue_dma source(%arg9 : memref<2x16x8x128xf32, #tpu.memory_space<vmem>>) target(%dma_start3A_122 : memref<2x16x8x128xf32, #tpu.memory_space<hbm>>) target_semaphore(%arg11 : memref<!tpu.dma_semaphore, #tpu.memory_space<semaphore_mem>>)
    %parallel_loop3A_123 = arith.constant 0 : i32
    %parallel_loop3A_124 = arith.constant 128 : i32
    %parallel_loop3A_125 = arith.constant 1 : i32
    scf.for %parallel_loop3A_171 = %parallel_loop3A_123 to %parallel_loop3A_124 step %parallel_loop3A_125  : i32 {
      %parallel_loop3A_172 = arith.constant 8 : i32
      %parallel_loop3A_173 = arith.divsi %parallel_loop3A_171, %parallel_loop3A_172 : i32
      %parallel_loop3A_174 = arith.constant 0 : i32
      %parallel_loop3A_175 = arith.cmpi sgt, %parallel_loop3A_171, %parallel_loop3A_174 : i32
      %parallel_loop3A_176 = arith.extui %parallel_loop3A_175 : i1 to i32
      %parallel_loop3A_177 = arith.constant 0 : i32
      %parallel_loop3A_178 = arith.cmpi slt, %parallel_loop3A_171, %parallel_loop3A_177 : i32
      %parallel_loop3A_179 = arith.extui %parallel_loop3A_178 : i1 to i32
      %parallel_loop3A_180 = arith.subi %parallel_loop3A_176, %parallel_loop3A_179 : i32
      %parallel_loop3A_181 = arith.constant 0 : i32
      %parallel_loop3A_182 = arith.cmpi sgt, %parallel_loop3A_172, %parallel_loop3A_181 : i32
      %parallel_loop3A_183 = arith.extui %parallel_loop3A_182 : i1 to i32
      %parallel_loop3A_184 = arith.constant 0 : i32
      %parallel_loop3A_185 = arith.cmpi slt, %parallel_loop3A_172, %parallel_loop3A_184 : i32
      %parallel_loop3A_186 = arith.extui %parallel_loop3A_185 : i1 to i32
      %parallel_loop3A_187 = arith.subi %parallel_loop3A_183, %parallel_loop3A_186 : i32
      %parallel_loop3A_188 = arith.cmpi ne, %parallel_loop3A_180, %parallel_loop3A_187 : i32
      %parallel_loop3A_189 = arith.remsi %parallel_loop3A_171, %parallel_loop3A_172 : i32
      %parallel_loop3A_190 = arith.constant 0 : i32
      %parallel_loop3A_191 = arith.cmpi ne, %parallel_loop3A_189, %parallel_loop3A_190 : i32
      %parallel_loop3A_192 = arith.andi %parallel_loop3A_188, %parallel_loop3A_191 : i1
      %parallel_loop3A_193 = arith.constant 1 : i32
      %parallel_loop3A_194 = arith.subi %parallel_loop3A_173, %parallel_loop3A_193 : i32
      %parallel_loop3A_195 = arith.select %parallel_loop3A_192, %parallel_loop3A_194, %parallel_loop3A_173 : i32
      %parallel_loop3A_196 = arith.constant 8 : i32
      %parallel_loop3A_197 = arith.constant 0 : i32
      %parallel_loop3A_198 = arith.cmpi eq, %parallel_loop3A_196, %parallel_loop3A_197 : i32
      %parallel_loop3A_199 = arith.constant 1 : i32
      %parallel_loop3A_200 = arith.select %parallel_loop3A_198, %parallel_loop3A_199, %parallel_loop3A_196 : i32
      %parallel_loop3A_201 = arith.remsi %parallel_loop3A_171, %parallel_loop3A_200 : i32
      %parallel_loop3A_202 = arith.constant 0 : i32
      %parallel_loop3A_203 = arith.cmpi ne, %parallel_loop3A_201, %parallel_loop3A_202 : i32
      %parallel_loop3A_204 = arith.constant 0 : i32
      %parallel_loop3A_205 = arith.cmpi slt, %parallel_loop3A_201, %parallel_loop3A_204 : i32
      %parallel_loop3A_206 = arith.constant 0 : i32
      %parallel_loop3A_207 = arith.cmpi slt, %parallel_loop3A_200, %parallel_loop3A_206 : i32
      %parallel_loop3A_208 = arith.xori %parallel_loop3A_205, %parallel_loop3A_207 : i1
      %parallel_loop3A_209 = arith.andi %parallel_loop3A_208, %parallel_loop3A_203 : i1
      %parallel_loop3A_210 = arith.addi %parallel_loop3A_201, %parallel_loop3A_200 : i32
      %parallel_loop3A_211 = arith.select %parallel_loop3A_209, %parallel_loop3A_210, %parallel_loop3A_201 : i32
      %parallel_loop3A_212 = arith.constant 16 : i32
      %parallel_loop3A_213 = arith.muli %parallel_loop3A_211, %parallel_loop3A_212 : i32
      %parallel_loop3A_214 = arith.constant 16 : i32
      %parallel_loop3A_215 = arith.muli %parallel_loop3A_171, %parallel_loop3A_214 : i32
      %parallel_loop3A_216 = arith.constant 2048 : i32
      %parallel_loop3A_217 = arith.addi %parallel_loop3A_216, %parallel_loop3A_215 : i32
      %parallel_loop3A_218 = arith.index_cast %parallel_loop3A_217 : i32 to index
      %parallel_loop3A_219 = tpu.vector_load %arg7[%parallel_loop3A_218] {strides = array<i32>} : memref<4096xi32, #tpu.memory_space<vmem>>, vector<16xi32>,
      %parallel_loop3A_220 = arith.constant 0 : i32
      %parallel_loop3A_221 = arith.constant 0 : i32
      %parallel_loop3A_222 = tpu.memref_slice %arg5[%parallel_loop3A_220, %parallel_loop3A_221] : memref<16x1000xf32, #tpu.memory_space<vmem>> -> memref<1x1000xf32, #tpu.memory_space<vmem>>
      %parallel_loop3A_223 = tpu.memref_squeeze %parallel_loop3A_222 : memref<1x1000xf32, #tpu.memory_space<vmem>> -> memref<1000xf32, #tpu.memory_space<vmem>>
      %parallel_loop3A_224 = tpu.vector_load_idx %parallel_loop3A_223[%parallel_loop3A_219] : memref<1000xf32, #tpu.memory_space<vmem>>[vector<16xi32>], vector<16xf32>,
      %parallel_loop3A_225 = arith.constant 0 : i32
      %parallel_loop3A_226 = arith.constant 0 : i32
      %parallel_loop3A_227 = arith.index_cast %parallel_loop3A_225 : i32 to index
      %parallel_loop3A_228 = arith.index_cast %parallel_loop3A_195 : i32 to index
      %parallel_loop3A_229 = arith.index_cast %parallel_loop3A_226 : i32 to index
      %parallel_loop3A_230 = arith.index_cast %parallel_loop3A_213 : i32 to index
      %parallel_loop3A_231 = tpu.vector_load %arg10[%parallel_loop3A_227, %parallel_loop3A_228, %parallel_loop3A_229, %parallel_loop3A_230] {strides = array<i32>} : memref<2x16x8x128xf32, #tpu.memory_space<vmem>>, vector<16xf32>,
      tpu.vector_store %arg10[%parallel_loop3A_227, %parallel_loop3A_228, %parallel_loop3A_229, %parallel_loop3A_230], %parallel_loop3A_224 {strides = array<i32>} : memref<2x16x8x128xf32, #tpu.memory_space<vmem>>, vector<16xf32>,
      %parallel_loop3A_232 = arith.constant 1 : i32
      %parallel_loop3A_233 = arith.constant 0 : i32
      %parallel_loop3A_234 = tpu.memref_slice %arg5[%parallel_loop3A_232, %parallel_loop3A_233] : memref<16x1000xf32, #tpu.memory_space<vmem>> -> memref<1x1000xf32, #tpu.memory_space<vmem>>
      %parallel_loop3A_235 = tpu.memref_squeeze %parallel_loop3A_234 : memref<1x1000xf32, #tpu.memory_space<vmem>> -> memref<1000xf32, #tpu.memory_space<vmem>>
      %parallel_loop3A_236 = tpu.vector_load_idx %parallel_loop3A_235[%parallel_loop3A_219] : memref<1000xf32, #tpu.memory_space<vmem>>[vector<16xi32>], vector<16xf32>,
      %parallel_loop3A_237 = arith.constant 0 : i32
      %parallel_loop3A_238 = arith.constant 1 : i32
      %parallel_loop3A_239 = arith.index_cast %parallel_loop3A_237 : i32 to index
      %parallel_loop3A_240 = arith.index_cast %parallel_loop3A_195 : i32 to index
      %parallel_loop3A_241 = arith.index_cast %parallel_loop3A_238 : i32 to index
      %parallel_loop3A_242 = arith.index_cast %parallel_loop3A_213 : i32 to index
      %parallel_loop3A_243 = tpu.vector_load %arg10[%parallel_loop3A_239, %parallel_loop3A_240, %parallel_loop3A_241, %parallel_loop3A_242] {strides = array<i32>} : memref<2x16x8x128xf32, #tpu.memory_space<vmem>>, vector<16xf32>,
      tpu.vector_store %arg10[%parallel_loop3A_239, %parallel_loop3A_240, %parallel_loop3A_241, %parallel_loop3A_242], %parallel_loop3A_236 {strides = array<i32>} : memref<2x16x8x128xf32, #tpu.memory_space<vmem>>, vector<16xf32>,
      %parallel_loop3A_244 = arith.constant 2 : i32
      %parallel_loop3A_245 = arith.constant 0 : i32
      %parallel_loop3A_246 = tpu.memref_slice %arg5[%parallel_loop3A_244, %parallel_loop3A_245] : memref<16x1000xf32, #tpu.memory_space<vmem>> -> memref<1x1000xf32, #tpu.memory_space<vmem>>
      %parallel_loop3A_247 = tpu.memref_squeeze %parallel_loop3A_246 : memref<1x1000xf32, #tpu.memory_space<vmem>> -> memref<1000xf32, #tpu.memory_space<vmem>>
      %parallel_loop3A_248 = tpu.vector_load_idx %parallel_loop3A_247[%parallel_loop3A_219] : memref<1000xf32, #tpu.memory_space<vmem>>[vector<16xi32>], vector<16xf32>,
      %parallel_loop3A_249 = arith.constant 0 : i32
      %parallel_loop3A_250 = arith.constant 2 : i32
      %parallel_loop3A_251 = arith.index_cast %parallel_loop3A_249 : i32 to index
      %parallel_loop3A_252 = arith.index_cast %parallel_loop3A_195 : i32 to index
      %parallel_loop3A_253 = arith.index_cast %parallel_loop3A_250 : i32 to index
      %parallel_loop3A_254 = arith.index_cast %parallel_loop3A_213 : i32 to index
      %parallel_loop3A_255 = tpu.vector_load %arg10[%parallel_loop3A_251, %parallel_loop3A_252, %parallel_loop3A_253, %parallel_loop3A_254] {strides = array<i32>} : memref<2x16x8x128xf32, #tpu.memory_space<vmem>>, vector<16xf32>,
      tpu.vector_store %arg10[%parallel_loop3A_251, %parallel_loop3A_252, %parallel_loop3A_253, %parallel_loop3A_254], %parallel_loop3A_248 {strides = array<i32>} : memref<2x16x8x128xf32, #tpu.memory_space<vmem>>, vector<16xf32>,
      %parallel_loop3A_256 = arith.constant 3 : i32
      %parallel_loop3A_257 = arith.constant 0 : i32
      %parallel_loop3A_258 = tpu.memref_slice %arg5[%parallel_loop3A_256, %parallel_loop3A_257] : memref<16x1000xf32, #tpu.memory_space<vmem>> -> memref<1x1000xf32, #tpu.memory_space<vmem>>
      %parallel_loop3A_259 = tpu.memref_squeeze %parallel_loop3A_258 : memref<1x1000xf32, #tpu.memory_space<vmem>> -> memref<1000xf32, #tpu.memory_space<vmem>>
      %parallel_loop3A_260 = tpu.vector_load_idx %parallel_loop3A_259[%parallel_loop3A_219] : memref<1000xf32, #tpu.memory_space<vmem>>[vector<16xi32>], vector<16xf32>,
      %parallel_loop3A_261 = arith.constant 0 : i32
      %parallel_loop3A_262 = arith.constant 3 : i32
      %parallel_loop3A_263 = arith.index_cast %parallel_loop3A_261 : i32 to index
      %parallel_loop3A_264 = arith.index_cast %parallel_loop3A_195 : i32 to index
      %parallel_loop3A_265 = arith.index_cast %parallel_loop3A_262 : i32 to index
      %parallel_loop3A_266 = arith.index_cast %parallel_loop3A_213 : i32 to index
      %parallel_loop3A_267 = tpu.vector_load %arg10[%parallel_loop3A_263, %parallel_loop3A_264, %parallel_loop3A_265, %parallel_loop3A_266] {strides = array<i32>} : memref<2x16x8x128xf32, #tpu.memory_space<vmem>>, vector<16xf32>,
      tpu.vector_store %arg10[%parallel_loop3A_263, %parallel_loop3A_264, %parallel_loop3A_265, %parallel_loop3A_266], %parallel_loop3A_260 {strides = array<i32>} : memref<2x16x8x128xf32, #tpu.memory_space<vmem>>, vector<16xf32>,
      %parallel_loop3A_268 = arith.constant 4 : i32
      %parallel_loop3A_269 = arith.constant 0 : i32
      %parallel_loop3A_270 = tpu.memref_slice %arg5[%parallel_loop3A_268, %parallel_loop3A_269] : memref<16x1000xf32, #tpu.memory_space<vmem>> -> memref<1x1000xf32, #tpu.memory_space<vmem>>
      %parallel_loop3A_271 = tpu.memref_squeeze %parallel_loop3A_270 : memref<1x1000xf32, #tpu.memory_space<vmem>> -> memref<1000xf32, #tpu.memory_space<vmem>>
      %parallel_loop3A_272 = tpu.vector_load_idx %parallel_loop3A_271[%parallel_loop3A_219] : memref<1000xf32, #tpu.memory_space<vmem>>[vector<16xi32>], vector<16xf32>,
      %parallel_loop3A_273 = arith.constant 0 : i32
      %parallel_loop3A_274 = arith.constant 4 : i32
      %parallel_loop3A_275 = arith.index_cast %parallel_loop3A_273 : i32 to index
      %parallel_loop3A_276 = arith.index_cast %parallel_loop3A_195 : i32 to index
      %parallel_loop3A_277 = arith.index_cast %parallel_loop3A_274 : i32 to index
      %parallel_loop3A_278 = arith.index_cast %parallel_loop3A_213 : i32 to index
      %parallel_loop3A_279 = tpu.vector_load %arg10[%parallel_loop3A_275, %parallel_loop3A_276, %parallel_loop3A_277, %parallel_loop3A_278] {strides = array<i32>} : memref<2x16x8x128xf32, #tpu.memory_space<vmem>>, vector<16xf32>,
      tpu.vector_store %arg10[%parallel_loop3A_275, %parallel_loop3A_276, %parallel_loop3A_277, %parallel_loop3A_278], %parallel_loop3A_272 {strides = array<i32>} : memref<2x16x8x128xf32, #tpu.memory_space<vmem>>, vector<16xf32>,
      %parallel_loop3A_280 = arith.constant 5 : i32
      %parallel_loop3A_281 = arith.constant 0 : i32
      %parallel_loop3A_282 = tpu.memref_slice %arg5[%parallel_loop3A_280, %parallel_loop3A_281] : memref<16x1000xf32, #tpu.memory_space<vmem>> -> memref<1x1000xf32, #tpu.memory_space<vmem>>
      %parallel_loop3A_283 = tpu.memref_squeeze %parallel_loop3A_282 : memref<1x1000xf32, #tpu.memory_space<vmem>> -> memref<1000xf32, #tpu.memory_space<vmem>>
      %parallel_loop3A_284 = tpu.vector_load_idx %parallel_loop3A_283[%parallel_loop3A_219] : memref<1000xf32, #tpu.memory_space<vmem>>[vector<16xi32>], vector<16xf32>,
      %parallel_loop3A_285 = arith.constant 0 : i32
      %parallel_loop3A_286 = arith.constant 5 : i32
      %parallel_loop3A_287 = arith.index_cast %parallel_loop3A_285 : i32 to index
      %parallel_loop3A_288 = arith.index_cast %parallel_loop3A_195 : i32 to index
      %parallel_loop3A_289 = arith.index_cast %parallel_loop3A_286 : i32 to index
      %parallel_loop3A_290 = arith.index_cast %parallel_loop3A_213 : i32 to index
      %parallel_loop3A_291 = tpu.vector_load %arg10[%parallel_loop3A_287, %parallel_loop3A_288, %parallel_loop3A_289, %parallel_loop3A_290] {strides = array<i32>} : memref<2x16x8x128xf32, #tpu.memory_space<vmem>>, vector<16xf32>,
      tpu.vector_store %arg10[%parallel_loop3A_287, %parallel_loop3A_288, %parallel_loop3A_289, %parallel_loop3A_290], %parallel_loop3A_284 {strides = array<i32>} : memref<2x16x8x128xf32, #tpu.memory_space<vmem>>, vector<16xf32>,
      %parallel_loop3A_292 = arith.constant 6 : i32
      %parallel_loop3A_293 = arith.constant 0 : i32
      %parallel_loop3A_294 = tpu.memref_slice %arg5[%parallel_loop3A_292, %parallel_loop3A_293] : memref<16x1000xf32, #tpu.memory_space<vmem>> -> memref<1x1000xf32, #tpu.memory_space<vmem>>
      %parallel_loop3A_295 = tpu.memref_squeeze %parallel_loop3A_294 : memref<1x1000xf32, #tpu.memory_space<vmem>> -> memref<1000xf32, #tpu.memory_space<vmem>>
      %parallel_loop3A_296 = tpu.vector_load_idx %parallel_loop3A_295[%parallel_loop3A_219] : memref<1000xf32, #tpu.memory_space<vmem>>[vector<16xi32>], vector<16xf32>,
      %parallel_loop3A_297 = arith.constant 0 : i32
      %parallel_loop3A_298 = arith.constant 6 : i32
      %parallel_loop3A_299 = arith.index_cast %parallel_loop3A_297 : i32 to index
      %parallel_loop3A_300 = arith.index_cast %parallel_loop3A_195 : i32 to index
      %parallel_loop3A_301 = arith.index_cast %parallel_loop3A_298 : i32 to index
      %parallel_loop3A_302 = arith.index_cast %parallel_loop3A_213 : i32 to index
      %parallel_loop3A_303 = tpu.vector_load %arg10[%parallel_loop3A_299, %parallel_loop3A_300, %parallel_loop3A_301, %parallel_loop3A_302] {strides = array<i32>} : memref<2x16x8x128xf32, #tpu.memory_space<vmem>>, vector<16xf32>,
      tpu.vector_store %arg10[%parallel_loop3A_299, %parallel_loop3A_300, %parallel_loop3A_301, %parallel_loop3A_302], %parallel_loop3A_296 {strides = array<i32>} : memref<2x16x8x128xf32, #tpu.memory_space<vmem>>, vector<16xf32>,
      %parallel_loop3A_304 = arith.constant 7 : i32
      %parallel_loop3A_305 = arith.constant 0 : i32
      %parallel_loop3A_306 = tpu.memref_slice %arg5[%parallel_loop3A_304, %parallel_loop3A_305] : memref<16x1000xf32, #tpu.memory_space<vmem>> -> memref<1x1000xf32, #tpu.memory_space<vmem>>
      %parallel_loop3A_307 = tpu.memref_squeeze %parallel_loop3A_306 : memref<1x1000xf32, #tpu.memory_space<vmem>> -> memref<1000xf32, #tpu.memory_space<vmem>>
      %parallel_loop3A_308 = tpu.vector_load_idx %parallel_loop3A_307[%parallel_loop3A_219] : memref<1000xf32, #tpu.memory_space<vmem>>[vector<16xi32>], vector<16xf32>,
      %parallel_loop3A_309 = arith.constant 0 : i32
      %parallel_loop3A_310 = arith.constant 7 : i32
      %parallel_loop3A_311 = arith.index_cast %parallel_loop3A_309 : i32 to index
      %parallel_loop3A_312 = arith.index_cast %parallel_loop3A_195 : i32 to index
      %parallel_loop3A_313 = arith.index_cast %parallel_loop3A_310 : i32 to index
      %parallel_loop3A_314 = arith.index_cast %parallel_loop3A_213 : i32 to index
      %parallel_loop3A_315 = tpu.vector_load %arg10[%parallel_loop3A_311, %parallel_loop3A_312, %parallel_loop3A_313, %parallel_loop3A_314] {strides = array<i32>} : memref<2x16x8x128xf32, #tpu.memory_space<vmem>>, vector<16xf32>,
      tpu.vector_store %arg10[%parallel_loop3A_311, %parallel_loop3A_312, %parallel_loop3A_313, %parallel_loop3A_314], %parallel_loop3A_308 {strides = array<i32>} : memref<2x16x8x128xf32, #tpu.memory_space<vmem>>, vector<16xf32>,
      %parallel_loop3A_316 = arith.constant 8 : i32
      %parallel_loop3A_317 = arith.constant 0 : i32
      %parallel_loop3A_318 = tpu.memref_slice %arg5[%parallel_loop3A_316, %parallel_loop3A_317] : memref<16x1000xf32, #tpu.memory_space<vmem>> -> memref<1x1000xf32, #tpu.memory_space<vmem>>
      %parallel_loop3A_319 = tpu.memref_squeeze %parallel_loop3A_318 : memref<1x1000xf32, #tpu.memory_space<vmem>> -> memref<1000xf32, #tpu.memory_space<vmem>>
      %parallel_loop3A_320 = tpu.vector_load_idx %parallel_loop3A_319[%parallel_loop3A_219] : memref<1000xf32, #tpu.memory_space<vmem>>[vector<16xi32>], vector<16xf32>,
      %parallel_loop3A_321 = arith.constant 1 : i32
      %parallel_loop3A_322 = arith.constant 0 : i32
      %parallel_loop3A_323 = arith.index_cast %parallel_loop3A_321 : i32 to index
      %parallel_loop3A_324 = arith.index_cast %parallel_loop3A_195 : i32 to index
      %parallel_loop3A_325 = arith.index_cast %parallel_loop3A_322 : i32 to index
      %parallel_loop3A_326 = arith.index_cast %parallel_loop3A_213 : i32 to index
      %parallel_loop3A_327 = tpu.vector_load %arg10[%parallel_loop3A_323, %parallel_loop3A_324, %parallel_loop3A_325, %parallel_loop3A_326] {strides = array<i32>} : memref<2x16x8x128xf32, #tpu.memory_space<vmem>>, vector<16xf32>,
      tpu.vector_store %arg10[%parallel_loop3A_323, %parallel_loop3A_324, %parallel_loop3A_325, %parallel_loop3A_326], %parallel_loop3A_320 {strides = array<i32>} : memref<2x16x8x128xf32, #tpu.memory_space<vmem>>, vector<16xf32>,
      %parallel_loop3A_328 = arith.constant 9 : i32
      %parallel_loop3A_329 = arith.constant 0 : i32
      %parallel_loop3A_330 = tpu.memref_slice %arg5[%parallel_loop3A_328, %parallel_loop3A_329] : memref<16x1000xf32, #tpu.memory_space<vmem>> -> memref<1x1000xf32, #tpu.memory_space<vmem>>
      %parallel_loop3A_331 = tpu.memref_squeeze %parallel_loop3A_330 : memref<1x1000xf32, #tpu.memory_space<vmem>> -> memref<1000xf32, #tpu.memory_space<vmem>>
      %parallel_loop3A_332 = tpu.vector_load_idx %parallel_loop3A_331[%parallel_loop3A_219] : memref<1000xf32, #tpu.memory_space<vmem>>[vector<16xi32>], vector<16xf32>,
      %parallel_loop3A_333 = arith.constant 1 : i32
      %parallel_loop3A_334 = arith.constant 1 : i32
      %parallel_loop3A_335 = arith.index_cast %parallel_loop3A_333 : i32 to index
      %parallel_loop3A_336 = arith.index_cast %parallel_loop3A_195 : i32 to index
      %parallel_loop3A_337 = arith.index_cast %parallel_loop3A_334 : i32 to index
      %parallel_loop3A_338 = arith.index_cast %parallel_loop3A_213 : i32 to index
      %parallel_loop3A_339 = tpu.vector_load %arg10[%parallel_loop3A_335, %parallel_loop3A_336, %parallel_loop3A_337, %parallel_loop3A_338] {strides = array<i32>} : memref<2x16x8x128xf32, #tpu.memory_space<vmem>>, vector<16xf32>,
      tpu.vector_store %arg10[%parallel_loop3A_335, %parallel_loop3A_336, %parallel_loop3A_337, %parallel_loop3A_338], %parallel_loop3A_332 {strides = array<i32>} : memref<2x16x8x128xf32, #tpu.memory_space<vmem>>, vector<16xf32>,
      %parallel_loop3A_340 = arith.constant 10 : i32
      %parallel_loop3A_341 = arith.constant 0 : i32
      %parallel_loop3A_342 = tpu.memref_slice %arg5[%parallel_loop3A_340, %parallel_loop3A_341] : memref<16x1000xf32, #tpu.memory_space<vmem>> -> memref<1x1000xf32, #tpu.memory_space<vmem>>
      %parallel_loop3A_343 = tpu.memref_squeeze %parallel_loop3A_342 : memref<1x1000xf32, #tpu.memory_space<vmem>> -> memref<1000xf32, #tpu.memory_space<vmem>>
      %parallel_loop3A_344 = tpu.vector_load_idx %parallel_loop3A_343[%parallel_loop3A_219] : memref<1000xf32, #tpu.memory_space<vmem>>[vector<16xi32>], vector<16xf32>,
      %parallel_loop3A_345 = arith.constant 1 : i32
      %parallel_loop3A_346 = arith.constant 2 : i32
      %parallel_loop3A_347 = arith.index_cast %parallel_loop3A_345 : i32 to index
      %parallel_loop3A_348 = arith.index_cast %parallel_loop3A_195 : i32 to index
      %parallel_loop3A_349 = arith.index_cast %parallel_loop3A_346 : i32 to index
      %parallel_loop3A_350 = arith.index_cast %parallel_loop3A_213 : i32 to index
      %parallel_loop3A_351 = tpu.vector_load %arg10[%parallel_loop3A_347, %parallel_loop3A_348, %parallel_loop3A_349, %parallel_loop3A_350] {strides = array<i32>} : memref<2x16x8x128xf32, #tpu.memory_space<vmem>>, vector<16xf32>,
      tpu.vector_store %arg10[%parallel_loop3A_347, %parallel_loop3A_348, %parallel_loop3A_349, %parallel_loop3A_350], %parallel_loop3A_344 {strides = array<i32>} : memref<2x16x8x128xf32, #tpu.memory_space<vmem>>, vector<16xf32>,
      %parallel_loop3A_352 = arith.constant 11 : i32
      %parallel_loop3A_353 = arith.constant 0 : i32
      %parallel_loop3A_354 = tpu.memref_slice %arg5[%parallel_loop3A_352, %parallel_loop3A_353] : memref<16x1000xf32, #tpu.memory_space<vmem>> -> memref<1x1000xf32, #tpu.memory_space<vmem>>
      %parallel_loop3A_355 = tpu.memref_squeeze %parallel_loop3A_354 : memref<1x1000xf32, #tpu.memory_space<vmem>> -> memref<1000xf32, #tpu.memory_space<vmem>>
      %parallel_loop3A_356 = tpu.vector_load_idx %parallel_loop3A_355[%parallel_loop3A_219] : memref<1000xf32, #tpu.memory_space<vmem>>[vector<16xi32>], vector<16xf32>,
      %parallel_loop3A_357 = arith.constant 1 : i32
      %parallel_loop3A_358 = arith.constant 3 : i32
      %parallel_loop3A_359 = arith.index_cast %parallel_loop3A_357 : i32 to index
      %parallel_loop3A_360 = arith.index_cast %parallel_loop3A_195 : i32 to index
      %parallel_loop3A_361 = arith.index_cast %parallel_loop3A_358 : i32 to index
      %parallel_loop3A_362 = arith.index_cast %parallel_loop3A_213 : i32 to index
      %parallel_loop3A_363 = tpu.vector_load %arg10[%parallel_loop3A_359, %parallel_loop3A_360, %parallel_loop3A_361, %parallel_loop3A_362] {strides = array<i32>} : memref<2x16x8x128xf32, #tpu.memory_space<vmem>>, vector<16xf32>,
      tpu.vector_store %arg10[%parallel_loop3A_359, %parallel_loop3A_360, %parallel_loop3A_361, %parallel_loop3A_362], %parallel_loop3A_356 {strides = array<i32>} : memref<2x16x8x128xf32, #tpu.memory_space<vmem>>, vector<16xf32>,
      %parallel_loop3A_364 = arith.constant 12 : i32
      %parallel_loop3A_365 = arith.constant 0 : i32
      %parallel_loop3A_366 = tpu.memref_slice %arg5[%parallel_loop3A_364, %parallel_loop3A_365] : memref<16x1000xf32, #tpu.memory_space<vmem>> -> memref<1x1000xf32, #tpu.memory_space<vmem>>
      %parallel_loop3A_367 = tpu.memref_squeeze %parallel_loop3A_366 : memref<1x1000xf32, #tpu.memory_space<vmem>> -> memref<1000xf32, #tpu.memory_space<vmem>>
      %parallel_loop3A_368 = tpu.vector_load_idx %parallel_loop3A_367[%parallel_loop3A_219] : memref<1000xf32, #tpu.memory_space<vmem>>[vector<16xi32>], vector<16xf32>,
      %parallel_loop3A_369 = arith.constant 1 : i32
      %parallel_loop3A_370 = arith.constant 4 : i32
      %parallel_loop3A_371 = arith.index_cast %parallel_loop3A_369 : i32 to index
      %parallel_loop3A_372 = arith.index_cast %parallel_loop3A_195 : i32 to index
      %parallel_loop3A_373 = arith.index_cast %parallel_loop3A_370 : i32 to index
      %parallel_loop3A_374 = arith.index_cast %parallel_loop3A_213 : i32 to index
      %parallel_loop3A_375 = tpu.vector_load %arg10[%parallel_loop3A_371, %parallel_loop3A_372, %parallel_loop3A_373, %parallel_loop3A_374] {strides = array<i32>} : memref<2x16x8x128xf32, #tpu.memory_space<vmem>>, vector<16xf32>,
      tpu.vector_store %arg10[%parallel_loop3A_371, %parallel_loop3A_372, %parallel_loop3A_373, %parallel_loop3A_374], %parallel_loop3A_368 {strides = array<i32>} : memref<2x16x8x128xf32, #tpu.memory_space<vmem>>, vector<16xf32>,
      %parallel_loop3A_376 = arith.constant 13 : i32
      %parallel_loop3A_377 = arith.constant 0 : i32
      %parallel_loop3A_378 = tpu.memref_slice %arg5[%parallel_loop3A_376, %parallel_loop3A_377] : memref<16x1000xf32, #tpu.memory_space<vmem>> -> memref<1x1000xf32, #tpu.memory_space<vmem>>
      %parallel_loop3A_379 = tpu.memref_squeeze %parallel_loop3A_378 : memref<1x1000xf32, #tpu.memory_space<vmem>> -> memref<1000xf32, #tpu.memory_space<vmem>>
      %parallel_loop3A_380 = tpu.vector_load_idx %parallel_loop3A_379[%parallel_loop3A_219] : memref<1000xf32, #tpu.memory_space<vmem>>[vector<16xi32>], vector<16xf32>,
      %parallel_loop3A_381 = arith.constant 1 : i32
      %parallel_loop3A_382 = arith.constant 5 : i32
      %parallel_loop3A_383 = arith.index_cast %parallel_loop3A_381 : i32 to index
      %parallel_loop3A_384 = arith.index_cast %parallel_loop3A_195 : i32 to index
      %parallel_loop3A_385 = arith.index_cast %parallel_loop3A_382 : i32 to index
      %parallel_loop3A_386 = arith.index_cast %parallel_loop3A_213 : i32 to index
      %parallel_loop3A_387 = tpu.vector_load %arg10[%parallel_loop3A_383, %parallel_loop3A_384, %parallel_loop3A_385, %parallel_loop3A_386] {strides = array<i32>} : memref<2x16x8x128xf32, #tpu.memory_space<vmem>>, vector<16xf32>,
      tpu.vector_store %arg10[%parallel_loop3A_383, %parallel_loop3A_384, %parallel_loop3A_385, %parallel_loop3A_386], %parallel_loop3A_380 {strides = array<i32>} : memref<2x16x8x128xf32, #tpu.memory_space<vmem>>, vector<16xf32>,
      %parallel_loop3A_388 = arith.constant 14 : i32
      %parallel_loop3A_389 = arith.constant 0 : i32
      %parallel_loop3A_390 = tpu.memref_slice %arg5[%parallel_loop3A_388, %parallel_loop3A_389] : memref<16x1000xf32, #tpu.memory_space<vmem>> -> memref<1x1000xf32, #tpu.memory_space<vmem>>
      %parallel_loop3A_391 = tpu.memref_squeeze %parallel_loop3A_390 : memref<1x1000xf32, #tpu.memory_space<vmem>> -> memref<1000xf32, #tpu.memory_space<vmem>>
      %parallel_loop3A_392 = tpu.vector_load_idx %parallel_loop3A_391[%parallel_loop3A_219] : memref<1000xf32, #tpu.memory_space<vmem>>[vector<16xi32>], vector<16xf32>,
      %parallel_loop3A_393 = arith.constant 1 : i32
      %parallel_loop3A_394 = arith.constant 6 : i32
      %parallel_loop3A_395 = arith.index_cast %parallel_loop3A_393 : i32 to index
      %parallel_loop3A_396 = arith.index_cast %parallel_loop3A_195 : i32 to index
      %parallel_loop3A_397 = arith.index_cast %parallel_loop3A_394 : i32 to index
      %parallel_loop3A_398 = arith.index_cast %parallel_loop3A_213 : i32 to index
      %parallel_loop3A_399 = tpu.vector_load %arg10[%parallel_loop3A_395, %parallel_loop3A_396, %parallel_loop3A_397, %parallel_loop3A_398] {strides = array<i32>} : memref<2x16x8x128xf32, #tpu.memory_space<vmem>>, vector<16xf32>,
      tpu.vector_store %arg10[%parallel_loop3A_395, %parallel_loop3A_396, %parallel_loop3A_397, %parallel_loop3A_398], %parallel_loop3A_392 {strides = array<i32>} : memref<2x16x8x128xf32, #tpu.memory_space<vmem>>, vector<16xf32>,
      %parallel_loop3A_400 = arith.constant 15 : i32
      %parallel_loop3A_401 = arith.constant 0 : i32
      %parallel_loop3A_402 = tpu.memref_slice %arg5[%parallel_loop3A_400, %parallel_loop3A_401] : memref<16x1000xf32, #tpu.memory_space<vmem>> -> memref<1x1000xf32, #tpu.memory_space<vmem>>
      %parallel_loop3A_403 = tpu.memref_squeeze %parallel_loop3A_402 : memref<1x1000xf32, #tpu.memory_space<vmem>> -> memref<1000xf32, #tpu.memory_space<vmem>>
      %parallel_loop3A_404 = tpu.vector_load_idx %parallel_loop3A_403[%parallel_loop3A_219] : memref<1000xf32, #tpu.memory_space<vmem>>[vector<16xi32>], vector<16xf32>,
      %parallel_loop3A_405 = arith.constant 1 : i32
      %parallel_loop3A_406 = arith.constant 7 : i32
      %parallel_loop3A_407 = arith.index_cast %parallel_loop3A_405 : i32 to index
      %parallel_loop3A_408 = arith.index_cast %parallel_loop3A_195 : i32 to index
      %parallel_loop3A_409 = arith.index_cast %parallel_loop3A_406 : i32 to index
      %parallel_loop3A_410 = arith.index_cast %parallel_loop3A_213 : i32 to index
      %parallel_loop3A_411 = tpu.vector_load %arg10[%parallel_loop3A_407, %parallel_loop3A_408, %parallel_loop3A_409, %parallel_loop3A_410] {strides = array<i32>} : memref<2x16x8x128xf32, #tpu.memory_space<vmem>>, vector<16xf32>,
      tpu.vector_store %arg10[%parallel_loop3A_407, %parallel_loop3A_408, %parallel_loop3A_409, %parallel_loop3A_410], %parallel_loop3A_404 {strides = array<i32>} : memref<2x16x8x128xf32, #tpu.memory_space<vmem>>, vector<16xf32>,
    } {sc.loop_unroll_factor = 8 : i64, sc.parallel_access}
    %dma_start3A_126 = arith.constant 0 : i32
    %dma_start3A_127 = arith.constant 16 : i32
    %dma_start3A_128 = arith.constant 0 : i32
    %dma_start3A_129 = arith.constant 0 : i32
    %dma_start3A_130 = tpu.memref_slice %arg4[%select_n3A_76, %select_n3A_92, %dma_start3A_126, %dma_start3A_127, %dma_start3A_128, %dma_start3A_129] : memref<26x25x2x32x8x128xf32, #tpu.memory_space<hbm>> -> memref<1x1x2x16x8x128xf32, #tpu.memory_space<hbm>>
    %dma_start3A_131 = tpu.memref_squeeze %dma_start3A_130 : memref<1x1x2x16x8x128xf32, #tpu.memory_space<hbm>> -> memref<2x16x8x128xf32, #tpu.memory_space<hbm>>
    %dma_start3A_132 = arith.constant 0 : i32
    %dma_start3A_133 = arith.constant 16 : i32
    %dma_start3A_134 = arith.constant 0 : i32
    %dma_start3A_135 = arith.constant 0 : i32
    %dma_start3A_136 = tpu.memref_slice %arg4[%select_n3A_76, %select_n3A_92, %dma_start3A_132, %dma_start3A_133, %dma_start3A_134, %dma_start3A_135] : memref<26x25x2x32x8x128xf32, #tpu.memory_space<hbm>> -> memref<1x1x2x16x8x128xf32, #tpu.memory_space<hbm>>
    %dma_start3A_137 = tpu.memref_squeeze %dma_start3A_136 : memref<1x1x2x16x8x128xf32, #tpu.memory_space<hbm>> -> memref<2x16x8x128xf32, #tpu.memory_space<hbm>>
    tpu.enqueue_dma source(%arg10 : memref<2x16x8x128xf32, #tpu.memory_space<vmem>>) target(%dma_start3A_137 : memref<2x16x8x128xf32, #tpu.memory_space<hbm>>) target_semaphore(%arg11 : memref<!tpu.dma_semaphore, #tpu.memory_space<semaphore_mem>>)
    %scan3A = arith.constant 0 : i32
    %scan3A_138 = arith.constant 0 : i32
    %scan3A_139 = arith.constant 10 : i32
    %scan3A_140 = arith.addi %scan3A_138, %scan3A_139 : i32
    %scan3A_141 = arith.constant 1 : i32
    scf.for %scan3A_171 = %scan3A_138 to %scan3A_140 step %scan3A_141  : i32 {
      %mul3A_172 = arith.constant 2 : i32
      %mul3A_173 = arith.muli %mul3A_172, %scan3A_171 : i32
      %add3A_174 = arith.constant 1 : i32
      %add3A_175 = arith.addi %mul3A_173, %add3A_174 : i32
      %mul3A_176 = arith.constant 32 : i32
      %mul3A_177 = arith.muli %mul3A_176, %add3A_175 : i32
      %add3A_178 = arith.addi %add3A, %mul3A_177 : i32
      %mul3A_179 = arith.constant 2 : i32
      %mul3A_180 = arith.muli %mul3A_179, %scan3A_171 : i32
      %add3A_181 = arith.constant 2 : i32
      %add3A_182 = arith.addi %mul3A_180, %add3A_181 : i32
      %mul3A_183 = arith.constant 32 : i32
      %mul3A_184 = arith.muli %mul3A_183, %add3A_182 : i32
      %add3A_185 = arith.addi %add3A, %mul3A_184 : i32
      %lt3A_186 = arith.constant 650 : i32
      %lt3A_187 = arith.cmpi slt, %add3A_178, %lt3A_186 : i32
      %convert_element_type3A_188 = arith.extui %lt3A_187 : i1 to i32
      %cond3A_189 = arith.constant 0 : i32
      %cond3A_190 = arith.cmpi ne, %convert_element_type3A_188, %cond3A_189 : i32
      scf.if %cond3A_190 {
        %mul3A_196 = arith.constant 2 : i32
        %mul3A_197 = arith.muli %mul3A_196, %scan3A_171 : i32
        %add3A_198 = arith.constant 2 : i32
        %add3A_199 = arith.addi %mul3A_197, %add3A_198 : i32
        %mul3A_200 = arith.constant 32 : i32
        %mul3A_201 = arith.muli %mul3A_200, %add3A_199 : i32
        %add3A_202 = arith.addi %add3A, %mul3A_201 : i32
        %lt3A_203 = arith.constant 650 : i32
        %lt3A_204 = arith.cmpi slt, %add3A_202, %lt3A_203 : i32
        %convert_element_type3A_205 = arith.extui %lt3A_204 : i1 to i32
        %cond3A_206 = arith.constant 0 : i32
        %cond3A_207 = arith.cmpi ne, %convert_element_type3A_205, %cond3A_206 : i32
        scf.if %cond3A_207 {
          %jit3A_323 = arith.constant 25 : i32
          %div3A_324 = arith.divsi %add3A_202, %jit3A_323 : i32
          %sign3A_325 = arith.constant 0 : i32
          %sign3A_326 = arith.cmpi sgt, %add3A_202, %sign3A_325 : i32
          %sign3A_327 = arith.extui %sign3A_326 : i1 to i32
          %sign3A_328 = arith.constant 0 : i32
          %sign3A_329 = arith.cmpi slt, %add3A_202, %sign3A_328 : i32
          %sign3A_330 = arith.extui %sign3A_329 : i1 to i32
          %sign3A_331 = arith.subi %sign3A_327, %sign3A_330 : i32
          %sign3A_332 = arith.constant 0 : i32
          %sign3A_333 = arith.cmpi sgt, %jit3A_323, %sign3A_332 : i32
          %sign3A_334 = arith.extui %sign3A_333 : i1 to i32
          %sign3A_335 = arith.constant 0 : i32
          %sign3A_336 = arith.cmpi slt, %jit3A_323, %sign3A_335 : i32
          %sign3A_337 = arith.extui %sign3A_336 : i1 to i32
          %sign3A_338 = arith.subi %sign3A_334, %sign3A_337 : i32
          %ne3A_339 = arith.cmpi ne, %sign3A_331, %sign3A_338 : i32
          %rem3A_340 = arith.remsi %add3A_202, %jit3A_323 : i32
          %ne3A_341 = arith.constant 0 : i32
          %ne3A_342 = arith.cmpi ne, %rem3A_340, %ne3A_341 : i32
          %and3A_343 = arith.andi %ne3A_339, %ne3A_342 : i1
          %sub3A_344 = arith.constant 1 : i32
          %sub3A_345 = arith.subi %div3A_324, %sub3A_344 : i32
          %select_n3A_346 = arith.select %and3A_343, %sub3A_345, %div3A_324 : i32
          %jit3A_347 = arith.constant 25 : i32
          %eq3A_348 = arith.constant 0 : i32
          %eq3A_349 = arith.cmpi eq, %jit3A_347, %eq3A_348 : i32
          %jit3A_350 = arith.constant 1 : i32
          %select_n3A_351 = arith.select %eq3A_349, %jit3A_350, %jit3A_347 : i32
          %rem3A_352 = arith.remsi %add3A_202, %select_n3A_351 : i32
          %ne3A_353 = arith.constant 0 : i32
          %ne3A_354 = arith.cmpi ne, %rem3A_352, %ne3A_353 : i32
          %lt3A_355 = arith.constant 0 : i32
          %lt3A_356 = arith.cmpi slt, %rem3A_352, %lt3A_355 : i32
          %lt3A_357 = arith.constant 0 : i32
          %lt3A_358 = arith.cmpi slt, %select_n3A_351, %lt3A_357 : i32
          %ne3A_359 = arith.xori %lt3A_356, %lt3A_358 : i1
          %and3A_360 = arith.andi %ne3A_359, %ne3A_354 : i1
          %add3A_361 = arith.addi %rem3A_352, %select_n3A_351 : i32
          %select_n3A_362 = arith.select %and3A_360, %add3A_361, %rem3A_352 : i32
          %ge3A_363 = arith.cmpi sge, %select_n3A_362, %select_n3A_346 : i32
          %jit3A_364 = arith.constant 1 : i32
          %jit3A_365 = arith.constant 0 : i32
          %select_n3A_366 = arith.select %ge3A_363, %jit3A_364, %jit3A_365 : i32
          %add3A_367 = arith.addi %select_n3A_362, %select_n3A_366 : i32
          %dma_start3A_368 = arith.constant 0 : i32
          %dma_start3A_369 = arith.constant 0 : i32
          %dma_start3A_370 = tpu.memref_slice %arg3[%select_n3A_346, %add3A_367, %dma_start3A_368, %dma_start3A_369] : memref<26x26x16x1000xf32, #tpu.memory_space<hbm>> -> memref<1x1x16x1000xf32, #tpu.memory_space<hbm>>
          %dma_start3A_371 = tpu.memref_squeeze %dma_start3A_370 : memref<1x1x16x1000xf32, #tpu.memory_space<hbm>> -> memref<16x1000xf32, #tpu.memory_space<hbm>>
          %dma_start3A_372 = arith.constant 0 : i32
          %dma_start3A_373 = arith.constant 0 : i32
          %dma_start3A_374 = tpu.memref_slice %arg3[%select_n3A_346, %add3A_367, %dma_start3A_372, %dma_start3A_373] : memref<26x26x16x1000xf32, #tpu.memory_space<hbm>> -> memref<1x1x16x1000xf32, #tpu.memory_space<hbm>>
          %dma_start3A_375 = tpu.memref_squeeze %dma_start3A_374 : memref<1x1x16x1000xf32, #tpu.memory_space<hbm>> -> memref<16x1000xf32, #tpu.memory_space<hbm>>
          tpu.enqueue_dma source(%dma_start3A_375 : memref<16x1000xf32, #tpu.memory_space<hbm>>) target(%arg5 : memref<16x1000xf32, #tpu.memory_space<vmem>>) target_semaphore(%arg12 : memref<!tpu.dma_semaphore, #tpu.memory_space<semaphore_mem>>)
          %dma_start3A_376 = arith.constant 0 : i32
          %dma_start3A_377 = tpu.memref_slice %arg2[%select_n3A_346, %dma_start3A_376] : memref<26x4096xi32, #tpu.memory_space<hbm>> -> memref<1x4096xi32, #tpu.memory_space<hbm>>
          %dma_start3A_378 = tpu.memref_squeeze %dma_start3A_377 : memref<1x4096xi32, #tpu.memory_space<hbm>> -> memref<4096xi32, #tpu.memory_space<hbm>>
          %dma_start3A_379 = arith.constant 0 : i32
          %dma_start3A_380 = tpu.memref_slice %arg2[%select_n3A_346, %dma_start3A_379] : memref<26x4096xi32, #tpu.memory_space<hbm>> -> memref<1x4096xi32, #tpu.memory_space<hbm>>
          %dma_start3A_381 = tpu.memref_squeeze %dma_start3A_380 : memref<1x4096xi32, #tpu.memory_space<hbm>> -> memref<4096xi32, #tpu.memory_space<hbm>>
          tpu.enqueue_dma source(%dma_start3A_381 : memref<4096xi32, #tpu.memory_space<hbm>>) target(%arg7 : memref<4096xi32, #tpu.memory_space<vmem>>) target_semaphore(%arg12 : memref<!tpu.dma_semaphore, #tpu.memory_space<semaphore_mem>>)
        } else {
        }
        %jit3A_208 = arith.constant 25 : i32
        %div3A_209 = arith.divsi %add3A_178, %jit3A_208 : i32
        %sign3A_210 = arith.constant 0 : i32
        %sign3A_211 = arith.cmpi sgt, %add3A_178, %sign3A_210 : i32
        %sign3A_212 = arith.extui %sign3A_211 : i1 to i32
        %sign3A_213 = arith.constant 0 : i32
        %sign3A_214 = arith.cmpi slt, %add3A_178, %sign3A_213 : i32
        %sign3A_215 = arith.extui %sign3A_214 : i1 to i32
        %sign3A_216 = arith.subi %sign3A_212, %sign3A_215 : i32
        %sign3A_217 = arith.constant 0 : i32
        %sign3A_218 = arith.cmpi sgt, %jit3A_208, %sign3A_217 : i32
        %sign3A_219 = arith.extui %sign3A_218 : i1 to i32
        %sign3A_220 = arith.constant 0 : i32
        %sign3A_221 = arith.cmpi slt, %jit3A_208, %sign3A_220 : i32
        %sign3A_222 = arith.extui %sign3A_221 : i1 to i32
        %sign3A_223 = arith.subi %sign3A_219, %sign3A_222 : i32
        %ne3A_224 = arith.cmpi ne, %sign3A_216, %sign3A_223 : i32
        %rem3A_225 = arith.remsi %add3A_178, %jit3A_208 : i32
        %ne3A_226 = arith.constant 0 : i32
        %ne3A_227 = arith.cmpi ne, %rem3A_225, %ne3A_226 : i32
        %and3A_228 = arith.andi %ne3A_224, %ne3A_227 : i1
        %sub3A_229 = arith.constant 1 : i32
        %sub3A_230 = arith.subi %div3A_209, %sub3A_229 : i32
        %select_n3A_231 = arith.select %and3A_228, %sub3A_230, %div3A_209 : i32
        %jit3A_232 = arith.constant 25 : i32
        %eq3A_233 = arith.constant 0 : i32
        %eq3A_234 = arith.cmpi eq, %jit3A_232, %eq3A_233 : i32
        %jit3A_235 = arith.constant 1 : i32
        %select_n3A_236 = arith.select %eq3A_234, %jit3A_235, %jit3A_232 : i32
        %rem3A_237 = arith.remsi %add3A_178, %select_n3A_236 : i32
        %ne3A_238 = arith.constant 0 : i32
        %ne3A_239 = arith.cmpi ne, %rem3A_237, %ne3A_238 : i32
        %lt3A_240 = arith.constant 0 : i32
        %lt3A_241 = arith.cmpi slt, %rem3A_237, %lt3A_240 : i32
        %lt3A_242 = arith.constant 0 : i32
        %lt3A_243 = arith.cmpi slt, %select_n3A_236, %lt3A_242 : i32
        %ne3A_244 = arith.xori %lt3A_241, %lt3A_243 : i1
        %and3A_245 = arith.andi %ne3A_244, %ne3A_239 : i1
        %add3A_246 = arith.addi %rem3A_237, %select_n3A_236 : i32
        %select_n3A_247 = arith.select %and3A_245, %add3A_246, %rem3A_237 : i32
        %dma_wait3A_248 = arith.constant 0 : i32
        %dma_wait3A_249 = arith.constant 0 : i32
        %dma_wait3A_250 = arith.constant 0 : i32
        %dma_wait3A_251 = arith.constant 0 : i32
        %dma_wait3A_252 = tpu.memref_slice %arg3[%dma_wait3A_248, %dma_wait3A_249, %dma_wait3A_250, %dma_wait3A_251] : memref<26x26x16x1000xf32, #tpu.memory_space<hbm>> -> memref<1x1x16x1000xf32, #tpu.memory_space<hbm>>
        %dma_wait3A_253 = tpu.memref_squeeze %dma_wait3A_252 : memref<1x1x16x1000xf32, #tpu.memory_space<hbm>> -> memref<16x1000xf32, #tpu.memory_space<hbm>>
        %dma_wait3A_254 = arith.constant 0 : i32
        %dma_wait3A_255 = arith.constant 0 : i32
        %dma_wait3A_256 = tpu.memref_slice %arg3[%dma_wait3A_248, %dma_wait3A_249, %dma_wait3A_254, %dma_wait3A_255] : memref<26x26x16x1000xf32, #tpu.memory_space<hbm>> -> memref<1x1x16x1000xf32, #tpu.memory_space<hbm>>
        %dma_wait3A_257 = tpu.memref_squeeze %dma_wait3A_256 : memref<1x1x16x1000xf32, #tpu.memory_space<hbm>> -> memref<16x1000xf32, #tpu.memory_space<hbm>>
        tpu.wait_dma2 semaphore(%arg12 : memref<!tpu.dma_semaphore, #tpu.memory_space<semaphore_mem>>) src(%dma_wait3A_257 : memref<16x1000xf32, #tpu.memory_space<hbm>>) dst(%arg6 : memref<16x1000xf32, #tpu.memory_space<vmem>>)
        %dma_wait3A_258 = arith.constant 0 : i32
        %dma_wait3A_259 = arith.constant 0 : i32
        %dma_wait3A_260 = tpu.memref_slice %arg2[%dma_wait3A_258, %dma_wait3A_259] : memref<26x4096xi32, #tpu.memory_space<hbm>> -> memref<1x4096xi32, #tpu.memory_space<hbm>>
        %dma_wait3A_261 = tpu.memref_squeeze %dma_wait3A_260 : memref<1x4096xi32, #tpu.memory_space<hbm>> -> memref<4096xi32, #tpu.memory_space<hbm>>
        %dma_wait3A_262 = arith.constant 0 : i32
        %dma_wait3A_263 = tpu.memref_slice %arg2[%dma_wait3A_258, %dma_wait3A_262] : memref<26x4096xi32, #tpu.memory_space<hbm>> -> memref<1x4096xi32, #tpu.memory_space<hbm>>
        %dma_wait3A_264 = tpu.memref_squeeze %dma_wait3A_263 : memref<1x4096xi32, #tpu.memory_space<hbm>> -> memref<4096xi32, #tpu.memory_space<hbm>>
        tpu.wait_dma2 semaphore(%arg12 : memref<!tpu.dma_semaphore, #tpu.memory_space<semaphore_mem>>) src(%dma_wait3A_264 : memref<4096xi32, #tpu.memory_space<hbm>>) dst(%arg8 : memref<4096xi32, #tpu.memory_space<vmem>>)
        %dma_wait3A_265 = arith.constant 0 : i32
        %dma_wait3A_266 = arith.constant 0 : i32
        %dma_wait3A_267 = arith.constant 0 : i32
        %dma_wait3A_268 = arith.constant 0 : i32
        %dma_wait3A_269 = arith.constant 0 : i32
        %dma_wait3A_270 = arith.constant 0 : i32
        %dma_wait3A_271 = tpu.memref_slice %arg4[%dma_wait3A_265, %dma_wait3A_266, %dma_wait3A_267, %dma_wait3A_268, %dma_wait3A_269, %dma_wait3A_270] : memref<26x25x2x32x8x128xf32, #tpu.memory_space<hbm>> -> memref<1x1x2x16x8x128xf32, #tpu.memory_space<hbm>>
        %dma_wait3A_272 = tpu.memref_squeeze %dma_wait3A_271 : memref<1x1x2x16x8x128xf32, #tpu.memory_space<hbm>> -> memref<2x16x8x128xf32, #tpu.memory_space<hbm>>
        %dma_wait3A_273 = arith.constant 0 : i32
        %dma_wait3A_274 = arith.constant 0 : i32
        %dma_wait3A_275 = arith.constant 0 : i32
        %dma_wait3A_276 = arith.constant 0 : i32
        %dma_wait3A_277 = tpu.memref_slice %arg4[%dma_wait3A_265, %dma_wait3A_266, %dma_wait3A_273, %dma_wait3A_274, %dma_wait3A_275, %dma_wait3A_276] : memref<26x25x2x32x8x128xf32, #tpu.memory_space<hbm>> -> memref<1x1x2x16x8x128xf32, #tpu.memory_space<hbm>>
        %dma_wait3A_278 = tpu.memref_squeeze %dma_wait3A_277 : memref<1x1x2x16x8x128xf32, #tpu.memory_space<hbm>> -> memref<2x16x8x128xf32, #tpu.memory_space<hbm>>
        tpu.wait_dma2 semaphore(%arg11 : memref<!tpu.dma_semaphore, #tpu.memory_space<semaphore_mem>>) src(%dma_wait3A_278 : memref<2x16x8x128xf32, #tpu.memory_space<hbm>>) dst(%arg9 : memref<2x16x8x128xf32, #tpu.memory_space<vmem>>)
        %parallel_loop3A_279 = arith.constant 0 : i32
        %parallel_loop3A_280 = arith.constant 128 : i32
        %parallel_loop3A_281 = arith.constant 1 : i32
        scf.for %parallel_loop3A_323 = %parallel_loop3A_279 to %parallel_loop3A_280 step %parallel_loop3A_281  : i32 {
          %parallel_loop3A_324 = arith.constant 8 : i32
          %parallel_loop3A_325 = arith.divsi %parallel_loop3A_323, %parallel_loop3A_324 : i32
          %parallel_loop3A_326 = arith.constant 0 : i32
          %parallel_loop3A_327 = arith.cmpi sgt, %parallel_loop3A_323, %parallel_loop3A_326 : i32
          %parallel_loop3A_328 = arith.extui %parallel_loop3A_327 : i1 to i32
          %parallel_loop3A_329 = arith.constant 0 : i32
          %parallel_loop3A_330 = arith.cmpi slt, %parallel_loop3A_323, %parallel_loop3A_329 : i32
          %parallel_loop3A_331 = arith.extui %parallel_loop3A_330 : i1 to i32
          %parallel_loop3A_332 = arith.subi %parallel_loop3A_328, %parallel_loop3A_331 : i32
          %parallel_loop3A_333 = arith.constant 0 : i32
          %parallel_loop3A_334 = arith.cmpi sgt, %parallel_loop3A_324, %parallel_loop3A_333 : i32
          %parallel_loop3A_335 = arith.extui %parallel_loop3A_334 : i1 to i32
          %parallel_loop3A_336 = arith.constant 0 : i32
          %parallel_loop3A_337 = arith.cmpi slt, %parallel_loop3A_324, %parallel_loop3A_336 : i32
          %parallel_loop3A_338 = arith.extui %parallel_loop3A_337 : i1 to i32
          %parallel_loop3A_339 = arith.subi %parallel_loop3A_335, %parallel_loop3A_338 : i32
          %parallel_loop3A_340 = arith.cmpi ne, %parallel_loop3A_332, %parallel_loop3A_339 : i32
          %parallel_loop3A_341 = arith.remsi %parallel_loop3A_323, %parallel_loop3A_324 : i32
          %parallel_loop3A_342 = arith.constant 0 : i32
          %parallel_loop3A_343 = arith.cmpi ne, %parallel_loop3A_341, %parallel_loop3A_342 : i32
          %parallel_loop3A_344 = arith.andi %parallel_loop3A_340, %parallel_loop3A_343 : i1
          %parallel_loop3A_345 = arith.constant 1 : i32
          %parallel_loop3A_346 = arith.subi %parallel_loop3A_325, %parallel_loop3A_345 : i32
          %parallel_loop3A_347 = arith.select %parallel_loop3A_344, %parallel_loop3A_346, %parallel_loop3A_325 : i32
          %parallel_loop3A_348 = arith.constant 8 : i32
          %parallel_loop3A_349 = arith.constant 0 : i32
          %parallel_loop3A_350 = arith.cmpi eq, %parallel_loop3A_348, %parallel_loop3A_349 : i32
          %parallel_loop3A_351 = arith.constant 1 : i32
          %parallel_loop3A_352 = arith.select %parallel_loop3A_350, %parallel_loop3A_351, %parallel_loop3A_348 : i32
          %parallel_loop3A_353 = arith.remsi %parallel_loop3A_323, %parallel_loop3A_352 : i32
          %parallel_loop3A_354 = arith.constant 0 : i32
          %parallel_loop3A_355 = arith.cmpi ne, %parallel_loop3A_353, %parallel_loop3A_354 : i32
          %parallel_loop3A_356 = arith.constant 0 : i32
          %parallel_loop3A_357 = arith.cmpi slt, %parallel_loop3A_353, %parallel_loop3A_356 : i32
          %parallel_loop3A_358 = arith.constant 0 : i32
          %parallel_loop3A_359 = arith.cmpi slt, %parallel_loop3A_352, %parallel_loop3A_358 : i32
          %parallel_loop3A_360 = arith.xori %parallel_loop3A_357, %parallel_loop3A_359 : i1
          %parallel_loop3A_361 = arith.andi %parallel_loop3A_360, %parallel_loop3A_355 : i1
          %parallel_loop3A_362 = arith.addi %parallel_loop3A_353, %parallel_loop3A_352 : i32
          %parallel_loop3A_363 = arith.select %parallel_loop3A_361, %parallel_loop3A_362, %parallel_loop3A_353 : i32
          %parallel_loop3A_364 = arith.constant 16 : i32
          %parallel_loop3A_365 = arith.muli %parallel_loop3A_363, %parallel_loop3A_364 : i32
          %parallel_loop3A_366 = arith.constant 16 : i32
          %parallel_loop3A_367 = arith.muli %parallel_loop3A_323, %parallel_loop3A_366 : i32
          %parallel_loop3A_368 = arith.constant 0 : i32
          %parallel_loop3A_369 = arith.addi %parallel_loop3A_368, %parallel_loop3A_367 : i32
          %parallel_loop3A_370 = arith.index_cast %parallel_loop3A_369 : i32 to index
          %parallel_loop3A_371 = tpu.vector_load %arg8[%parallel_loop3A_370] {strides = array<i32>} : memref<4096xi32, #tpu.memory_space<vmem>>, vector<16xi32>,
          %parallel_loop3A_372 = arith.constant 0 : i32
          %parallel_loop3A_373 = arith.constant 0 : i32
          %parallel_loop3A_374 = tpu.memref_slice %arg6[%parallel_loop3A_372, %parallel_loop3A_373] : memref<16x1000xf32, #tpu.memory_space<vmem>> -> memref<1x1000xf32, #tpu.memory_space<vmem>>
          %parallel_loop3A_375 = tpu.memref_squeeze %parallel_loop3A_374 : memref<1x1000xf32, #tpu.memory_space<vmem>> -> memref<1000xf32, #tpu.memory_space<vmem>>
          %parallel_loop3A_376 = tpu.vector_load_idx %parallel_loop3A_375[%parallel_loop3A_371] : memref<1000xf32, #tpu.memory_space<vmem>>[vector<16xi32>], vector<16xf32>,
          %parallel_loop3A_377 = arith.constant 0 : i32
          %parallel_loop3A_378 = arith.constant 0 : i32
          %parallel_loop3A_379 = arith.index_cast %parallel_loop3A_377 : i32 to index
          %parallel_loop3A_380 = arith.index_cast %parallel_loop3A_347 : i32 to index
          %parallel_loop3A_381 = arith.index_cast %parallel_loop3A_378 : i32 to index
          %parallel_loop3A_382 = arith.index_cast %parallel_loop3A_365 : i32 to index
          %parallel_loop3A_383 = tpu.vector_load %arg9[%parallel_loop3A_379, %parallel_loop3A_380, %parallel_loop3A_381, %parallel_loop3A_382] {strides = array<i32>} : memref<2x16x8x128xf32, #tpu.memory_space<vmem>>, vector<16xf32>,
          tpu.vector_store %arg9[%parallel_loop3A_379, %parallel_loop3A_380, %parallel_loop3A_381, %parallel_loop3A_382], %parallel_loop3A_376 {strides = array<i32>} : memref<2x16x8x128xf32, #tpu.memory_space<vmem>>, vector<16xf32>,
          %parallel_loop3A_384 = arith.constant 1 : i32
          %parallel_loop3A_385 = arith.constant 0 : i32
          %parallel_loop3A_386 = tpu.memref_slice %arg6[%parallel_loop3A_384, %parallel_loop3A_385] : memref<16x1000xf32, #tpu.memory_space<vmem>> -> memref<1x1000xf32, #tpu.memory_space<vmem>>
          %parallel_loop3A_387 = tpu.memref_squeeze %parallel_loop3A_386 : memref<1x1000xf32, #tpu.memory_space<vmem>> -> memref<1000xf32, #tpu.memory_space<vmem>>
          %parallel_loop3A_388 = tpu.vector_load_idx %parallel_loop3A_387[%parallel_loop3A_371] : memref<1000xf32, #tpu.memory_space<vmem>>[vector<16xi32>], vector<16xf32>,
          %parallel_loop3A_389 = arith.constant 0 : i32
          %parallel_loop3A_390 = arith.constant 1 : i32
          %parallel_loop3A_391 = arith.index_cast %parallel_loop3A_389 : i32 to index
          %parallel_loop3A_392 = arith.index_cast %parallel_loop3A_347 : i32 to index
          %parallel_loop3A_393 = arith.index_cast %parallel_loop3A_390 : i32 to index
          %parallel_loop3A_394 = arith.index_cast %parallel_loop3A_365 : i32 to index
          %parallel_loop3A_395 = tpu.vector_load %arg9[%parallel_loop3A_391, %parallel_loop3A_392, %parallel_loop3A_393, %parallel_loop3A_394] {strides = array<i32>} : memref<2x16x8x128xf32, #tpu.memory_space<vmem>>, vector<16xf32>,
          tpu.vector_store %arg9[%parallel_loop3A_391, %parallel_loop3A_392, %parallel_loop3A_393, %parallel_loop3A_394], %parallel_loop3A_388 {strides = array<i32>} : memref<2x16x8x128xf32, #tpu.memory_space<vmem>>, vector<16xf32>,
          %parallel_loop3A_396 = arith.constant 2 : i32
          %parallel_loop3A_397 = arith.constant 0 : i32
          %parallel_loop3A_398 = tpu.memref_slice %arg6[%parallel_loop3A_396, %parallel_loop3A_397] : memref<16x1000xf32, #tpu.memory_space<vmem>> -> memref<1x1000xf32, #tpu.memory_space<vmem>>
          %parallel_loop3A_399 = tpu.memref_squeeze %parallel_loop3A_398 : memref<1x1000xf32, #tpu.memory_space<vmem>> -> memref<1000xf32, #tpu.memory_space<vmem>>
          %parallel_loop3A_400 = tpu.vector_load_idx %parallel_loop3A_399[%parallel_loop3A_371] : memref<1000xf32, #tpu.memory_space<vmem>>[vector<16xi32>], vector<16xf32>,
          %parallel_loop3A_401 = arith.constant 0 : i32
          %parallel_loop3A_402 = arith.constant 2 : i32
          %parallel_loop3A_403 = arith.index_cast %parallel_loop3A_401 : i32 to index
          %parallel_loop3A_404 = arith.index_cast %parallel_loop3A_347 : i32 to index
          %parallel_loop3A_405 = arith.index_cast %parallel_loop3A_402 : i32 to index
          %parallel_loop3A_406 = arith.index_cast %parallel_loop3A_365 : i32 to index
          %parallel_loop3A_407 = tpu.vector_load %arg9[%parallel_loop3A_403, %parallel_loop3A_404, %parallel_loop3A_405, %parallel_loop3A_406] {strides = array<i32>} : memref<2x16x8x128xf32, #tpu.memory_space<vmem>>, vector<16xf32>,
          tpu.vector_store %arg9[%parallel_loop3A_403, %parallel_loop3A_404, %parallel_loop3A_405, %parallel_loop3A_406], %parallel_loop3A_400 {strides = array<i32>} : memref<2x16x8x128xf32, #tpu.memory_space<vmem>>, vector<16xf32>,
          %parallel_loop3A_408 = arith.constant 3 : i32
          %parallel_loop3A_409 = arith.constant 0 : i32
          %parallel_loop3A_410 = tpu.memref_slice %arg6[%parallel_loop3A_408, %parallel_loop3A_409] : memref<16x1000xf32, #tpu.memory_space<vmem>> -> memref<1x1000xf32, #tpu.memory_space<vmem>>
          %parallel_loop3A_411 = tpu.memref_squeeze %parallel_loop3A_410 : memref<1x1000xf32, #tpu.memory_space<vmem>> -> memref<1000xf32, #tpu.memory_space<vmem>>
          %parallel_loop3A_412 = tpu.vector_load_idx %parallel_loop3A_411[%parallel_loop3A_371] : memref<1000xf32, #tpu.memory_space<vmem>>[vector<16xi32>], vector<16xf32>,
          %parallel_loop3A_413 = arith.constant 0 : i32
          %parallel_loop3A_414 = arith.constant 3 : i32
          %parallel_loop3A_415 = arith.index_cast %parallel_loop3A_413 : i32 to index
          %parallel_loop3A_416 = arith.index_cast %parallel_loop3A_347 : i32 to index
          %parallel_loop3A_417 = arith.index_cast %parallel_loop3A_414 : i32 to index
          %parallel_loop3A_418 = arith.index_cast %parallel_loop3A_365 : i32 to index
          %parallel_loop3A_419 = tpu.vector_load %arg9[%parallel_loop3A_415, %parallel_loop3A_416, %parallel_loop3A_417, %parallel_loop3A_418] {strides = array<i32>} : memref<2x16x8x128xf32, #tpu.memory_space<vmem>>, vector<16xf32>,
          tpu.vector_store %arg9[%parallel_loop3A_415, %parallel_loop3A_416, %parallel_loop3A_417, %parallel_loop3A_418], %parallel_loop3A_412 {strides = array<i32>} : memref<2x16x8x128xf32, #tpu.memory_space<vmem>>, vector<16xf32>,
          %parallel_loop3A_420 = arith.constant 4 : i32
          %parallel_loop3A_421 = arith.constant 0 : i32
          %parallel_loop3A_422 = tpu.memref_slice %arg6[%parallel_loop3A_420, %parallel_loop3A_421] : memref<16x1000xf32, #tpu.memory_space<vmem>> -> memref<1x1000xf32, #tpu.memory_space<vmem>>
          %parallel_loop3A_423 = tpu.memref_squeeze %parallel_loop3A_422 : memref<1x1000xf32, #tpu.memory_space<vmem>> -> memref<1000xf32, #tpu.memory_space<vmem>>
          %parallel_loop3A_424 = tpu.vector_load_idx %parallel_loop3A_423[%parallel_loop3A_371] : memref<1000xf32, #tpu.memory_space<vmem>>[vector<16xi32>], vector<16xf32>,
          %parallel_loop3A_425 = arith.constant 0 : i32
          %parallel_loop3A_426 = arith.constant 4 : i32
          %parallel_loop3A_427 = arith.index_cast %parallel_loop3A_425 : i32 to index
          %parallel_loop3A_428 = arith.index_cast %parallel_loop3A_347 : i32 to index
          %parallel_loop3A_429 = arith.index_cast %parallel_loop3A_426 : i32 to index
          %parallel_loop3A_430 = arith.index_cast %parallel_loop3A_365 : i32 to index
          %parallel_loop3A_431 = tpu.vector_load %arg9[%parallel_loop3A_427, %parallel_loop3A_428, %parallel_loop3A_429, %parallel_loop3A_430] {strides = array<i32>} : memref<2x16x8x128xf32, #tpu.memory_space<vmem>>, vector<16xf32>,
          tpu.vector_store %arg9[%parallel_loop3A_427, %parallel_loop3A_428, %parallel_loop3A_429, %parallel_loop3A_430], %parallel_loop3A_424 {strides = array<i32>} : memref<2x16x8x128xf32, #tpu.memory_space<vmem>>, vector<16xf32>,
          %parallel_loop3A_432 = arith.constant 5 : i32
          %parallel_loop3A_433 = arith.constant 0 : i32
          %parallel_loop3A_434 = tpu.memref_slice %arg6[%parallel_loop3A_432, %parallel_loop3A_433] : memref<16x1000xf32, #tpu.memory_space<vmem>> -> memref<1x1000xf32, #tpu.memory_space<vmem>>
          %parallel_loop3A_435 = tpu.memref_squeeze %parallel_loop3A_434 : memref<1x1000xf32, #tpu.memory_space<vmem>> -> memref<1000xf32, #tpu.memory_space<vmem>>
          %parallel_loop3A_436 = tpu.vector_load_idx %parallel_loop3A_435[%parallel_loop3A_371] : memref<1000xf32, #tpu.memory_space<vmem>>[vector<16xi32>], vector<16xf32>,
          %parallel_loop3A_437 = arith.constant 0 : i32
          %parallel_loop3A_438 = arith.constant 5 : i32
          %parallel_loop3A_439 = arith.index_cast %parallel_loop3A_437 : i32 to index
          %parallel_loop3A_440 = arith.index_cast %parallel_loop3A_347 : i32 to index
          %parallel_loop3A_441 = arith.index_cast %parallel_loop3A_438 : i32 to index
          %parallel_loop3A_442 = arith.index_cast %parallel_loop3A_365 : i32 to index
          %parallel_loop3A_443 = tpu.vector_load %arg9[%parallel_loop3A_439, %parallel_loop3A_440, %parallel_loop3A_441, %parallel_loop3A_442] {strides = array<i32>} : memref<2x16x8x128xf32, #tpu.memory_space<vmem>>, vector<16xf32>,
          tpu.vector_store %arg9[%parallel_loop3A_439, %parallel_loop3A_440, %parallel_loop3A_441, %parallel_loop3A_442], %parallel_loop3A_436 {strides = array<i32>} : memref<2x16x8x128xf32, #tpu.memory_space<vmem>>, vector<16xf32>,
          %parallel_loop3A_444 = arith.constant 6 : i32
          %parallel_loop3A_445 = arith.constant 0 : i32
          %parallel_loop3A_446 = tpu.memref_slice %arg6[%parallel_loop3A_444, %parallel_loop3A_445] : memref<16x1000xf32, #tpu.memory_space<vmem>> -> memref<1x1000xf32, #tpu.memory_space<vmem>>
          %parallel_loop3A_447 = tpu.memref_squeeze %parallel_loop3A_446 : memref<1x1000xf32, #tpu.memory_space<vmem>> -> memref<1000xf32, #tpu.memory_space<vmem>>
          %parallel_loop3A_448 = tpu.vector_load_idx %parallel_loop3A_447[%parallel_loop3A_371] : memref<1000xf32, #tpu.memory_space<vmem>>[vector<16xi32>], vector<16xf32>,
          %parallel_loop3A_449 = arith.constant 0 : i32
          %parallel_loop3A_450 = arith.constant 6 : i32
          %parallel_loop3A_451 = arith.index_cast %parallel_loop3A_449 : i32 to index
          %parallel_loop3A_452 = arith.index_cast %parallel_loop3A_347 : i32 to index
          %parallel_loop3A_453 = arith.index_cast %parallel_loop3A_450 : i32 to index
          %parallel_loop3A_454 = arith.index_cast %parallel_loop3A_365 : i32 to index
          %parallel_loop3A_455 = tpu.vector_load %arg9[%parallel_loop3A_451, %parallel_loop3A_452, %parallel_loop3A_453, %parallel_loop3A_454] {strides = array<i32>} : memref<2x16x8x128xf32, #tpu.memory_space<vmem>>, vector<16xf32>,
          tpu.vector_store %arg9[%parallel_loop3A_451, %parallel_loop3A_452, %parallel_loop3A_453, %parallel_loop3A_454], %parallel_loop3A_448 {strides = array<i32>} : memref<2x16x8x128xf32, #tpu.memory_space<vmem>>, vector<16xf32>,
          %parallel_loop3A_456 = arith.constant 7 : i32
          %parallel_loop3A_457 = arith.constant 0 : i32
          %parallel_loop3A_458 = tpu.memref_slice %arg6[%parallel_loop3A_456, %parallel_loop3A_457] : memref<16x1000xf32, #tpu.memory_space<vmem>> -> memref<1x1000xf32, #tpu.memory_space<vmem>>
          %parallel_loop3A_459 = tpu.memref_squeeze %parallel_loop3A_458 : memref<1x1000xf32, #tpu.memory_space<vmem>> -> memref<1000xf32, #tpu.memory_space<vmem>>
          %parallel_loop3A_460 = tpu.vector_load_idx %parallel_loop3A_459[%parallel_loop3A_371] : memref<1000xf32, #tpu.memory_space<vmem>>[vector<16xi32>], vector<16xf32>,
          %parallel_loop3A_461 = arith.constant 0 : i32
          %parallel_loop3A_462 = arith.constant 7 : i32
          %parallel_loop3A_463 = arith.index_cast %parallel_loop3A_461 : i32 to index
          %parallel_loop3A_464 = arith.index_cast %parallel_loop3A_347 : i32 to index
          %parallel_loop3A_465 = arith.index_cast %parallel_loop3A_462 : i32 to index
          %parallel_loop3A_466 = arith.index_cast %parallel_loop3A_365 : i32 to index
          %parallel_loop3A_467 = tpu.vector_load %arg9[%parallel_loop3A_463, %parallel_loop3A_464, %parallel_loop3A_465, %parallel_loop3A_466] {strides = array<i32>} : memref<2x16x8x128xf32, #tpu.memory_space<vmem>>, vector<16xf32>,
          tpu.vector_store %arg9[%parallel_loop3A_463, %parallel_loop3A_464, %parallel_loop3A_465, %parallel_loop3A_466], %parallel_loop3A_460 {strides = array<i32>} : memref<2x16x8x128xf32, #tpu.memory_space<vmem>>, vector<16xf32>,
          %parallel_loop3A_468 = arith.constant 8 : i32
          %parallel_loop3A_469 = arith.constant 0 : i32
          %parallel_loop3A_470 = tpu.memref_slice %arg6[%parallel_loop3A_468, %parallel_loop3A_469] : memref<16x1000xf32, #tpu.memory_space<vmem>> -> memref<1x1000xf32, #tpu.memory_space<vmem>>
          %parallel_loop3A_471 = tpu.memref_squeeze %parallel_loop3A_470 : memref<1x1000xf32, #tpu.memory_space<vmem>> -> memref<1000xf32, #tpu.memory_space<vmem>>
          %parallel_loop3A_472 = tpu.vector_load_idx %parallel_loop3A_471[%parallel_loop3A_371] : memref<1000xf32, #tpu.memory_space<vmem>>[vector<16xi32>], vector<16xf32>,
          %parallel_loop3A_473 = arith.constant 1 : i32
          %parallel_loop3A_474 = arith.constant 0 : i32
          %parallel_loop3A_475 = arith.index_cast %parallel_loop3A_473 : i32 to index
          %parallel_loop3A_476 = arith.index_cast %parallel_loop3A_347 : i32 to index
          %parallel_loop3A_477 = arith.index_cast %parallel_loop3A_474 : i32 to index
          %parallel_loop3A_478 = arith.index_cast %parallel_loop3A_365 : i32 to index
          %parallel_loop3A_479 = tpu.vector_load %arg9[%parallel_loop3A_475, %parallel_loop3A_476, %parallel_loop3A_477, %parallel_loop3A_478] {strides = array<i32>} : memref<2x16x8x128xf32, #tpu.memory_space<vmem>>, vector<16xf32>,
          tpu.vector_store %arg9[%parallel_loop3A_475, %parallel_loop3A_476, %parallel_loop3A_477, %parallel_loop3A_478], %parallel_loop3A_472 {strides = array<i32>} : memref<2x16x8x128xf32, #tpu.memory_space<vmem>>, vector<16xf32>,
          %parallel_loop3A_480 = arith.constant 9 : i32
          %parallel_loop3A_481 = arith.constant 0 : i32
          %parallel_loop3A_482 = tpu.memref_slice %arg6[%parallel_loop3A_480, %parallel_loop3A_481] : memref<16x1000xf32, #tpu.memory_space<vmem>> -> memref<1x1000xf32, #tpu.memory_space<vmem>>
          %parallel_loop3A_483 = tpu.memref_squeeze %parallel_loop3A_482 : memref<1x1000xf32, #tpu.memory_space<vmem>> -> memref<1000xf32, #tpu.memory_space<vmem>>
          %parallel_loop3A_484 = tpu.vector_load_idx %parallel_loop3A_483[%parallel_loop3A_371] : memref<1000xf32, #tpu.memory_space<vmem>>[vector<16xi32>], vector<16xf32>,
          %parallel_loop3A_485 = arith.constant 1 : i32
          %parallel_loop3A_486 = arith.constant 1 : i32
          %parallel_loop3A_487 = arith.index_cast %parallel_loop3A_485 : i32 to index
          %parallel_loop3A_488 = arith.index_cast %parallel_loop3A_347 : i32 to index
          %parallel_loop3A_489 = arith.index_cast %parallel_loop3A_486 : i32 to index
          %parallel_loop3A_490 = arith.index_cast %parallel_loop3A_365 : i32 to index
          %parallel_loop3A_491 = tpu.vector_load %arg9[%parallel_loop3A_487, %parallel_loop3A_488, %parallel_loop3A_489, %parallel_loop3A_490] {strides = array<i32>} : memref<2x16x8x128xf32, #tpu.memory_space<vmem>>, vector<16xf32>,
          tpu.vector_store %arg9[%parallel_loop3A_487, %parallel_loop3A_488, %parallel_loop3A_489, %parallel_loop3A_490], %parallel_loop3A_484 {strides = array<i32>} : memref<2x16x8x128xf32, #tpu.memory_space<vmem>>, vector<16xf32>,
          %parallel_loop3A_492 = arith.constant 10 : i32
          %parallel_loop3A_493 = arith.constant 0 : i32
          %parallel_loop3A_494 = tpu.memref_slice %arg6[%parallel_loop3A_492, %parallel_loop3A_493] : memref<16x1000xf32, #tpu.memory_space<vmem>> -> memref<1x1000xf32, #tpu.memory_space<vmem>>
          %parallel_loop3A_495 = tpu.memref_squeeze %parallel_loop3A_494 : memref<1x1000xf32, #tpu.memory_space<vmem>> -> memref<1000xf32, #tpu.memory_space<vmem>>
          %parallel_loop3A_496 = tpu.vector_load_idx %parallel_loop3A_495[%parallel_loop3A_371] : memref<1000xf32, #tpu.memory_space<vmem>>[vector<16xi32>], vector<16xf32>,
          %parallel_loop3A_497 = arith.constant 1 : i32
          %parallel_loop3A_498 = arith.constant 2 : i32
          %parallel_loop3A_499 = arith.index_cast %parallel_loop3A_497 : i32 to index
          %parallel_loop3A_500 = arith.index_cast %parallel_loop3A_347 : i32 to index
          %parallel_loop3A_501 = arith.index_cast %parallel_loop3A_498 : i32 to index
          %parallel_loop3A_502 = arith.index_cast %parallel_loop3A_365 : i32 to index
          %parallel_loop3A_503 = tpu.vector_load %arg9[%parallel_loop3A_499, %parallel_loop3A_500, %parallel_loop3A_501, %parallel_loop3A_502] {strides = array<i32>} : memref<2x16x8x128xf32, #tpu.memory_space<vmem>>, vector<16xf32>,
          tpu.vector_store %arg9[%parallel_loop3A_499, %parallel_loop3A_500, %parallel_loop3A_501, %parallel_loop3A_502], %parallel_loop3A_496 {strides = array<i32>} : memref<2x16x8x128xf32, #tpu.memory_space<vmem>>, vector<16xf32>,
          %parallel_loop3A_504 = arith.constant 11 : i32
          %parallel_loop3A_505 = arith.constant 0 : i32
          %parallel_loop3A_506 = tpu.memref_slice %arg6[%parallel_loop3A_504, %parallel_loop3A_505] : memref<16x1000xf32, #tpu.memory_space<vmem>> -> memref<1x1000xf32, #tpu.memory_space<vmem>>
          %parallel_loop3A_507 = tpu.memref_squeeze %parallel_loop3A_506 : memref<1x1000xf32, #tpu.memory_space<vmem>> -> memref<1000xf32, #tpu.memory_space<vmem>>
          %parallel_loop3A_508 = tpu.vector_load_idx %parallel_loop3A_507[%parallel_loop3A_371] : memref<1000xf32, #tpu.memory_space<vmem>>[vector<16xi32>], vector<16xf32>,
          %parallel_loop3A_509 = arith.constant 1 : i32
          %parallel_loop3A_510 = arith.constant 3 : i32
          %parallel_loop3A_511 = arith.index_cast %parallel_loop3A_509 : i32 to index
          %parallel_loop3A_512 = arith.index_cast %parallel_loop3A_347 : i32 to index
          %parallel_loop3A_513 = arith.index_cast %parallel_loop3A_510 : i32 to index
          %parallel_loop3A_514 = arith.index_cast %parallel_loop3A_365 : i32 to index
          %parallel_loop3A_515 = tpu.vector_load %arg9[%parallel_loop3A_511, %parallel_loop3A_512, %parallel_loop3A_513, %parallel_loop3A_514] {strides = array<i32>} : memref<2x16x8x128xf32, #tpu.memory_space<vmem>>, vector<16xf32>,
          tpu.vector_store %arg9[%parallel_loop3A_511, %parallel_loop3A_512, %parallel_loop3A_513, %parallel_loop3A_514], %parallel_loop3A_508 {strides = array<i32>} : memref<2x16x8x128xf32, #tpu.memory_space<vmem>>, vector<16xf32>,
          %parallel_loop3A_516 = arith.constant 12 : i32
          %parallel_loop3A_517 = arith.constant 0 : i32
          %parallel_loop3A_518 = tpu.memref_slice %arg6[%parallel_loop3A_516, %parallel_loop3A_517] : memref<16x1000xf32, #tpu.memory_space<vmem>> -> memref<1x1000xf32, #tpu.memory_space<vmem>>
          %parallel_loop3A_519 = tpu.memref_squeeze %parallel_loop3A_518 : memref<1x1000xf32, #tpu.memory_space<vmem>> -> memref<1000xf32, #tpu.memory_space<vmem>>
          %parallel_loop3A_520 = tpu.vector_load_idx %parallel_loop3A_519[%parallel_loop3A_371] : memref<1000xf32, #tpu.memory_space<vmem>>[vector<16xi32>], vector<16xf32>,
          %parallel_loop3A_521 = arith.constant 1 : i32
          %parallel_loop3A_522 = arith.constant 4 : i32
          %parallel_loop3A_523 = arith.index_cast %parallel_loop3A_521 : i32 to index
          %parallel_loop3A_524 = arith.index_cast %parallel_loop3A_347 : i32 to index
          %parallel_loop3A_525 = arith.index_cast %parallel_loop3A_522 : i32 to index
          %parallel_loop3A_526 = arith.index_cast %parallel_loop3A_365 : i32 to index
          %parallel_loop3A_527 = tpu.vector_load %arg9[%parallel_loop3A_523, %parallel_loop3A_524, %parallel_loop3A_525, %parallel_loop3A_526] {strides = array<i32>} : memref<2x16x8x128xf32, #tpu.memory_space<vmem>>, vector<16xf32>,
          tpu.vector_store %arg9[%parallel_loop3A_523, %parallel_loop3A_524, %parallel_loop3A_525, %parallel_loop3A_526], %parallel_loop3A_520 {strides = array<i32>} : memref<2x16x8x128xf32, #tpu.memory_space<vmem>>, vector<16xf32>,
          %parallel_loop3A_528 = arith.constant 13 : i32
          %parallel_loop3A_529 = arith.constant 0 : i32
          %parallel_loop3A_530 = tpu.memref_slice %arg6[%parallel_loop3A_528, %parallel_loop3A_529] : memref<16x1000xf32, #tpu.memory_space<vmem>> -> memref<1x1000xf32, #tpu.memory_space<vmem>>
          %parallel_loop3A_531 = tpu.memref_squeeze %parallel_loop3A_530 : memref<1x1000xf32, #tpu.memory_space<vmem>> -> memref<1000xf32, #tpu.memory_space<vmem>>
          %parallel_loop3A_532 = tpu.vector_load_idx %parallel_loop3A_531[%parallel_loop3A_371] : memref<1000xf32, #tpu.memory_space<vmem>>[vector<16xi32>], vector<16xf32>,
          %parallel_loop3A_533 = arith.constant 1 : i32
          %parallel_loop3A_534 = arith.constant 5 : i32
          %parallel_loop3A_535 = arith.index_cast %parallel_loop3A_533 : i32 to index
          %parallel_loop3A_536 = arith.index_cast %parallel_loop3A_347 : i32 to index
          %parallel_loop3A_537 = arith.index_cast %parallel_loop3A_534 : i32 to index
          %parallel_loop3A_538 = arith.index_cast %parallel_loop3A_365 : i32 to index
          %parallel_loop3A_539 = tpu.vector_load %arg9[%parallel_loop3A_535, %parallel_loop3A_536, %parallel_loop3A_537, %parallel_loop3A_538] {strides = array<i32>} : memref<2x16x8x128xf32, #tpu.memory_space<vmem>>, vector<16xf32>,
          tpu.vector_store %arg9[%parallel_loop3A_535, %parallel_loop3A_536, %parallel_loop3A_537, %parallel_loop3A_538], %parallel_loop3A_532 {strides = array<i32>} : memref<2x16x8x128xf32, #tpu.memory_space<vmem>>, vector<16xf32>,
          %parallel_loop3A_540 = arith.constant 14 : i32
          %parallel_loop3A_541 = arith.constant 0 : i32
          %parallel_loop3A_542 = tpu.memref_slice %arg6[%parallel_loop3A_540, %parallel_loop3A_541] : memref<16x1000xf32, #tpu.memory_space<vmem>> -> memref<1x1000xf32, #tpu.memory_space<vmem>>
          %parallel_loop3A_543 = tpu.memref_squeeze %parallel_loop3A_542 : memref<1x1000xf32, #tpu.memory_space<vmem>> -> memref<1000xf32, #tpu.memory_space<vmem>>
          %parallel_loop3A_544 = tpu.vector_load_idx %parallel_loop3A_543[%parallel_loop3A_371] : memref<1000xf32, #tpu.memory_space<vmem>>[vector<16xi32>], vector<16xf32>,
          %parallel_loop3A_545 = arith.constant 1 : i32
          %parallel_loop3A_546 = arith.constant 6 : i32
          %parallel_loop3A_547 = arith.index_cast %parallel_loop3A_545 : i32 to index
          %parallel_loop3A_548 = arith.index_cast %parallel_loop3A_347 : i32 to index
          %parallel_loop3A_549 = arith.index_cast %parallel_loop3A_546 : i32 to index
          %parallel_loop3A_550 = arith.index_cast %parallel_loop3A_365 : i32 to index
          %parallel_loop3A_551 = tpu.vector_load %arg9[%parallel_loop3A_547, %parallel_loop3A_548, %parallel_loop3A_549, %parallel_loop3A_550] {strides = array<i32>} : memref<2x16x8x128xf32, #tpu.memory_space<vmem>>, vector<16xf32>,
          tpu.vector_store %arg9[%parallel_loop3A_547, %parallel_loop3A_548, %parallel_loop3A_549, %parallel_loop3A_550], %parallel_loop3A_544 {strides = array<i32>} : memref<2x16x8x128xf32, #tpu.memory_space<vmem>>, vector<16xf32>,
          %parallel_loop3A_552 = arith.constant 15 : i32
          %parallel_loop3A_553 = arith.constant 0 : i32
          %parallel_loop3A_554 = tpu.memref_slice %arg6[%parallel_loop3A_552, %parallel_loop3A_553] : memref<16x1000xf32, #tpu.memory_space<vmem>> -> memref<1x1000xf32, #tpu.memory_space<vmem>>
          %parallel_loop3A_555 = tpu.memref_squeeze %parallel_loop3A_554 : memref<1x1000xf32, #tpu.memory_space<vmem>> -> memref<1000xf32, #tpu.memory_space<vmem>>
          %parallel_loop3A_556 = tpu.vector_load_idx %parallel_loop3A_555[%parallel_loop3A_371] : memref<1000xf32, #tpu.memory_space<vmem>>[vector<16xi32>], vector<16xf32>,
          %parallel_loop3A_557 = arith.constant 1 : i32
          %parallel_loop3A_558 = arith.constant 7 : i32
          %parallel_loop3A_559 = arith.index_cast %parallel_loop3A_557 : i32 to index
          %parallel_loop3A_560 = arith.index_cast %parallel_loop3A_347 : i32 to index
          %parallel_loop3A_561 = arith.index_cast %parallel_loop3A_558 : i32 to index
          %parallel_loop3A_562 = arith.index_cast %parallel_loop3A_365 : i32 to index
          %parallel_loop3A_563 = tpu.vector_load %arg9[%parallel_loop3A_559, %parallel_loop3A_560, %parallel_loop3A_561, %parallel_loop3A_562] {strides = array<i32>} : memref<2x16x8x128xf32, #tpu.memory_space<vmem>>, vector<16xf32>,
          tpu.vector_store %arg9[%parallel_loop3A_559, %parallel_loop3A_560, %parallel_loop3A_561, %parallel_loop3A_562], %parallel_loop3A_556 {strides = array<i32>} : memref<2x16x8x128xf32, #tpu.memory_space<vmem>>, vector<16xf32>,
        } {sc.loop_unroll_factor = 8 : i64, sc.parallel_access}
        %dma_wait3A_282 = arith.constant 0 : i32
        %dma_wait3A_283 = arith.constant 0 : i32
        %dma_wait3A_284 = arith.constant 0 : i32
        %dma_wait3A_285 = arith.constant 0 : i32
        %dma_wait3A_286 = arith.constant 0 : i32
        %dma_wait3A_287 = arith.constant 0 : i32
        %dma_wait3A_288 = tpu.memref_slice %arg4[%dma_wait3A_282, %dma_wait3A_283, %dma_wait3A_284, %dma_wait3A_285, %dma_wait3A_286, %dma_wait3A_287] : memref<26x25x2x32x8x128xf32, #tpu.memory_space<hbm>> -> memref<1x1x2x16x8x128xf32, #tpu.memory_space<hbm>>
        %dma_wait3A_289 = tpu.memref_squeeze %dma_wait3A_288 : memref<1x1x2x16x8x128xf32, #tpu.memory_space<hbm>> -> memref<2x16x8x128xf32, #tpu.memory_space<hbm>>
        %dma_wait3A_290 = arith.constant 0 : i32
        %dma_wait3A_291 = arith.constant 0 : i32
        %dma_wait3A_292 = arith.constant 0 : i32
        %dma_wait3A_293 = arith.constant 0 : i32
        %dma_wait3A_294 = tpu.memref_slice %arg4[%dma_wait3A_282, %dma_wait3A_283, %dma_wait3A_290, %dma_wait3A_291, %dma_wait3A_292, %dma_wait3A_293] : memref<26x25x2x32x8x128xf32, #tpu.memory_space<hbm>> -> memref<1x1x2x16x8x128xf32, #tpu.memory_space<hbm>>
        %dma_wait3A_295 = tpu.memref_squeeze %dma_wait3A_294 : memref<1x1x2x16x8x128xf32, #tpu.memory_space<hbm>> -> memref<2x16x8x128xf32, #tpu.memory_space<hbm>>
        tpu.wait_dma2 semaphore(%arg11 : memref<!tpu.dma_semaphore, #tpu.memory_space<semaphore_mem>>) src(%dma_wait3A_295 : memref<2x16x8x128xf32, #tpu.memory_space<hbm>>) dst(%arg10 : memref<2x16x8x128xf32, #tpu.memory_space<vmem>>)
        %dma_start3A_296 = arith.constant 0 : i32
        %dma_start3A_297 = arith.constant 0 : i32
        %dma_start3A_298 = arith.constant 0 : i32
        %dma_start3A_299 = arith.constant 0 : i32
        %dma_start3A_300 = tpu.memref_slice %arg4[%select_n3A_231, %select_n3A_247, %dma_start3A_296, %dma_start3A_297, %dma_start3A_298, %dma_start3A_299] : memref<26x25x2x32x8x128xf32, #tpu.memory_space<hbm>> -> memref<1x1x2x16x8x128xf32, #tpu.memory_space<hbm>>
        %dma_start3A_301 = tpu.memref_squeeze %dma_start3A_300 : memref<1x1x2x16x8x128xf32, #tpu.memory_space<hbm>> -> memref<2x16x8x128xf32, #tpu.memory_space<hbm>>
        %dma_start3A_302 = arith.constant 0 : i32
        %dma_start3A_303 = arith.constant 0 : i32
        %dma_start3A_304 = arith.constant 0 : i32
        %dma_start3A_305 = arith.constant 0 : i32
        %dma_start3A_306 = tpu.memref_slice %arg4[%select_n3A_231, %select_n3A_247, %dma_start3A_302, %dma_start3A_303, %dma_start3A_304, %dma_start3A_305] : memref<26x25x2x32x8x128xf32, #tpu.memory_space<hbm>> -> memref<1x1x2x16x8x128xf32, #tpu.memory_space<hbm>>
        %dma_start3A_307 = tpu.memref_squeeze %dma_start3A_306 : memref<1x1x2x16x8x128xf32, #tpu.memory_space<hbm>> -> memref<2x16x8x128xf32, #tpu.memory_space<hbm>>
        tpu.enqueue_dma source(%arg9 : memref<2x16x8x128xf32, #tpu.memory_space<vmem>>) target(%dma_start3A_307 : memref<2x16x8x128xf32, #tpu.memory_space<hbm>>) target_semaphore(%arg11 : memref<!tpu.dma_semaphore, #tpu.memory_space<semaphore_mem>>)
        %parallel_loop3A_308 = arith.constant 0 : i32
        %parallel_loop3A_309 = arith.constant 128 : i32
        %parallel_loop3A_310 = arith.constant 1 : i32
        scf.for %parallel_loop3A_323 = %parallel_loop3A_308 to %parallel_loop3A_309 step %parallel_loop3A_310  : i32 {
          %parallel_loop3A_324 = arith.constant 8 : i32
          %parallel_loop3A_325 = arith.divsi %parallel_loop3A_323, %parallel_loop3A_324 : i32
          %parallel_loop3A_326 = arith.constant 0 : i32
          %parallel_loop3A_327 = arith.cmpi sgt, %parallel_loop3A_323, %parallel_loop3A_326 : i32
          %parallel_loop3A_328 = arith.extui %parallel_loop3A_327 : i1 to i32
          %parallel_loop3A_329 = arith.constant 0 : i32
          %parallel_loop3A_330 = arith.cmpi slt, %parallel_loop3A_323, %parallel_loop3A_329 : i32
          %parallel_loop3A_331 = arith.extui %parallel_loop3A_330 : i1 to i32
          %parallel_loop3A_332 = arith.subi %parallel_loop3A_328, %parallel_loop3A_331 : i32
          %parallel_loop3A_333 = arith.constant 0 : i32
          %parallel_loop3A_334 = arith.cmpi sgt, %parallel_loop3A_324, %parallel_loop3A_333 : i32
          %parallel_loop3A_335 = arith.extui %parallel_loop3A_334 : i1 to i32
          %parallel_loop3A_336 = arith.constant 0 : i32
          %parallel_loop3A_337 = arith.cmpi slt, %parallel_loop3A_324, %parallel_loop3A_336 : i32
          %parallel_loop3A_338 = arith.extui %parallel_loop3A_337 : i1 to i32
          %parallel_loop3A_339 = arith.subi %parallel_loop3A_335, %parallel_loop3A_338 : i32
          %parallel_loop3A_340 = arith.cmpi ne, %parallel_loop3A_332, %parallel_loop3A_339 : i32
          %parallel_loop3A_341 = arith.remsi %parallel_loop3A_323, %parallel_loop3A_324 : i32
          %parallel_loop3A_342 = arith.constant 0 : i32
          %parallel_loop3A_343 = arith.cmpi ne, %parallel_loop3A_341, %parallel_loop3A_342 : i32
          %parallel_loop3A_344 = arith.andi %parallel_loop3A_340, %parallel_loop3A_343 : i1
          %parallel_loop3A_345 = arith.constant 1 : i32
          %parallel_loop3A_346 = arith.subi %parallel_loop3A_325, %parallel_loop3A_345 : i32
          %parallel_loop3A_347 = arith.select %parallel_loop3A_344, %parallel_loop3A_346, %parallel_loop3A_325 : i32
          %parallel_loop3A_348 = arith.constant 8 : i32
          %parallel_loop3A_349 = arith.constant 0 : i32
          %parallel_loop3A_350 = arith.cmpi eq, %parallel_loop3A_348, %parallel_loop3A_349 : i32
          %parallel_loop3A_351 = arith.constant 1 : i32
          %parallel_loop3A_352 = arith.select %parallel_loop3A_350, %parallel_loop3A_351, %parallel_loop3A_348 : i32
          %parallel_loop3A_353 = arith.remsi %parallel_loop3A_323, %parallel_loop3A_352 : i32
          %parallel_loop3A_354 = arith.constant 0 : i32
          %parallel_loop3A_355 = arith.cmpi ne, %parallel_loop3A_353, %parallel_loop3A_354 : i32
          %parallel_loop3A_356 = arith.constant 0 : i32
          %parallel_loop3A_357 = arith.cmpi slt, %parallel_loop3A_353, %parallel_loop3A_356 : i32
          %parallel_loop3A_358 = arith.constant 0 : i32
          %parallel_loop3A_359 = arith.cmpi slt, %parallel_loop3A_352, %parallel_loop3A_358 : i32
          %parallel_loop3A_360 = arith.xori %parallel_loop3A_357, %parallel_loop3A_359 : i1
          %parallel_loop3A_361 = arith.andi %parallel_loop3A_360, %parallel_loop3A_355 : i1
          %parallel_loop3A_362 = arith.addi %parallel_loop3A_353, %parallel_loop3A_352 : i32
          %parallel_loop3A_363 = arith.select %parallel_loop3A_361, %parallel_loop3A_362, %parallel_loop3A_353 : i32
          %parallel_loop3A_364 = arith.constant 16 : i32
          %parallel_loop3A_365 = arith.muli %parallel_loop3A_363, %parallel_loop3A_364 : i32
          %parallel_loop3A_366 = arith.constant 16 : i32
          %parallel_loop3A_367 = arith.muli %parallel_loop3A_323, %parallel_loop3A_366 : i32
          %parallel_loop3A_368 = arith.constant 2048 : i32
          %parallel_loop3A_369 = arith.addi %parallel_loop3A_368, %parallel_loop3A_367 : i32
          %parallel_loop3A_370 = arith.index_cast %parallel_loop3A_369 : i32 to index
          %parallel_loop3A_371 = tpu.vector_load %arg8[%parallel_loop3A_370] {strides = array<i32>} : memref<4096xi32, #tpu.memory_space<vmem>>, vector<16xi32>,
          %parallel_loop3A_372 = arith.constant 0 : i32
          %parallel_loop3A_373 = arith.constant 0 : i32
          %parallel_loop3A_374 = tpu.memref_slice %arg6[%parallel_loop3A_372, %parallel_loop3A_373] : memref<16x1000xf32, #tpu.memory_space<vmem>> -> memref<1x1000xf32, #tpu.memory_space<vmem>>
          %parallel_loop3A_375 = tpu.memref_squeeze %parallel_loop3A_374 : memref<1x1000xf32, #tpu.memory_space<vmem>> -> memref<1000xf32, #tpu.memory_space<vmem>>
          %parallel_loop3A_376 = tpu.vector_load_idx %parallel_loop3A_375[%parallel_loop3A_371] : memref<1000xf32, #tpu.memory_space<vmem>>[vector<16xi32>], vector<16xf32>,
          %parallel_loop3A_377 = arith.constant 0 : i32
          %parallel_loop3A_378 = arith.constant 0 : i32
          %parallel_loop3A_379 = arith.index_cast %parallel_loop3A_377 : i32 to index
          %parallel_loop3A_380 = arith.index_cast %parallel_loop3A_347 : i32 to index
          %parallel_loop3A_381 = arith.index_cast %parallel_loop3A_378 : i32 to index
          %parallel_loop3A_382 = arith.index_cast %parallel_loop3A_365 : i32 to index
          %parallel_loop3A_383 = tpu.vector_load %arg10[%parallel_loop3A_379, %parallel_loop3A_380, %parallel_loop3A_381, %parallel_loop3A_382] {strides = array<i32>} : memref<2x16x8x128xf32, #tpu.memory_space<vmem>>, vector<16xf32>,
          tpu.vector_store %arg10[%parallel_loop3A_379, %parallel_loop3A_380, %parallel_loop3A_381, %parallel_loop3A_382], %parallel_loop3A_376 {strides = array<i32>} : memref<2x16x8x128xf32, #tpu.memory_space<vmem>>, vector<16xf32>,
          %parallel_loop3A_384 = arith.constant 1 : i32
          %parallel_loop3A_385 = arith.constant 0 : i32
          %parallel_loop3A_386 = tpu.memref_slice %arg6[%parallel_loop3A_384, %parallel_loop3A_385] : memref<16x1000xf32, #tpu.memory_space<vmem>> -> memref<1x1000xf32, #tpu.memory_space<vmem>>
          %parallel_loop3A_387 = tpu.memref_squeeze %parallel_loop3A_386 : memref<1x1000xf32, #tpu.memory_space<vmem>> -> memref<1000xf32, #tpu.memory_space<vmem>>
          %parallel_loop3A_388 = tpu.vector_load_idx %parallel_loop3A_387[%parallel_loop3A_371] : memref<1000xf32, #tpu.memory_space<vmem>>[vector<16xi32>], vector<16xf32>,
          %parallel_loop3A_389 = arith.constant 0 : i32
          %parallel_loop3A_390 = arith.constant 1 : i32
          %parallel_loop3A_391 = arith.index_cast %parallel_loop3A_389 : i32 to index
          %parallel_loop3A_392 = arith.index_cast %parallel_loop3A_347 : i32 to index
          %parallel_loop3A_393 = arith.index_cast %parallel_loop3A_390 : i32 to index
          %parallel_loop3A_394 = arith.index_cast %parallel_loop3A_365 : i32 to index
          %parallel_loop3A_395 = tpu.vector_load %arg10[%parallel_loop3A_391, %parallel_loop3A_392, %parallel_loop3A_393, %parallel_loop3A_394] {strides = array<i32>} : memref<2x16x8x128xf32, #tpu.memory_space<vmem>>, vector<16xf32>,
          tpu.vector_store %arg10[%parallel_loop3A_391, %parallel_loop3A_392, %parallel_loop3A_393, %parallel_loop3A_394], %parallel_loop3A_388 {strides = array<i32>} : memref<2x16x8x128xf32, #tpu.memory_space<vmem>>, vector<16xf32>,
          %parallel_loop3A_396 = arith.constant 2 : i32
          %parallel_loop3A_397 = arith.constant 0 : i32
          %parallel_loop3A_398 = tpu.memref_slice %arg6[%parallel_loop3A_396, %parallel_loop3A_397] : memref<16x1000xf32, #tpu.memory_space<vmem>> -> memref<1x1000xf32, #tpu.memory_space<vmem>>
          %parallel_loop3A_399 = tpu.memref_squeeze %parallel_loop3A_398 : memref<1x1000xf32, #tpu.memory_space<vmem>> -> memref<1000xf32, #tpu.memory_space<vmem>>
          %parallel_loop3A_400 = tpu.vector_load_idx %parallel_loop3A_399[%parallel_loop3A_371] : memref<1000xf32, #tpu.memory_space<vmem>>[vector<16xi32>], vector<16xf32>,
          %parallel_loop3A_401 = arith.constant 0 : i32
          %parallel_loop3A_402 = arith.constant 2 : i32
          %parallel_loop3A_403 = arith.index_cast %parallel_loop3A_401 : i32 to index
          %parallel_loop3A_404 = arith.index_cast %parallel_loop3A_347 : i32 to index
          %parallel_loop3A_405 = arith.index_cast %parallel_loop3A_402 : i32 to index
          %parallel_loop3A_406 = arith.index_cast %parallel_loop3A_365 : i32 to index
          %parallel_loop3A_407 = tpu.vector_load %arg10[%parallel_loop3A_403, %parallel_loop3A_404, %parallel_loop3A_405, %parallel_loop3A_406] {strides = array<i32>} : memref<2x16x8x128xf32, #tpu.memory_space<vmem>>, vector<16xf32>,
          tpu.vector_store %arg10[%parallel_loop3A_403, %parallel_loop3A_404, %parallel_loop3A_405, %parallel_loop3A_406], %parallel_loop3A_400 {strides = array<i32>} : memref<2x16x8x128xf32, #tpu.memory_space<vmem>>, vector<16xf32>,
          %parallel_loop3A_408 = arith.constant 3 : i32
          %parallel_loop3A_409 = arith.constant 0 : i32
          %parallel_loop3A_410 = tpu.memref_slice %arg6[%parallel_loop3A_408, %parallel_loop3A_409] : memref<16x1000xf32, #tpu.memory_space<vmem>> -> memref<1x1000xf32, #tpu.memory_space<vmem>>
          %parallel_loop3A_411 = tpu.memref_squeeze %parallel_loop3A_410 : memref<1x1000xf32, #tpu.memory_space<vmem>> -> memref<1000xf32, #tpu.memory_space<vmem>>
          %parallel_loop3A_412 = tpu.vector_load_idx %parallel_loop3A_411[%parallel_loop3A_371] : memref<1000xf32, #tpu.memory_space<vmem>>[vector<16xi32>], vector<16xf32>,
          %parallel_loop3A_413 = arith.constant 0 : i32
          %parallel_loop3A_414 = arith.constant 3 : i32
          %parallel_loop3A_415 = arith.index_cast %parallel_loop3A_413 : i32 to index
          %parallel_loop3A_416 = arith.index_cast %parallel_loop3A_347 : i32 to index
          %parallel_loop3A_417 = arith.index_cast %parallel_loop3A_414 : i32 to index
          %parallel_loop3A_418 = arith.index_cast %parallel_loop3A_365 : i32 to index
          %parallel_loop3A_419 = tpu.vector_load %arg10[%parallel_loop3A_415, %parallel_loop3A_416, %parallel_loop3A_417, %parallel_loop3A_418] {strides = array<i32>} : memref<2x16x8x128xf32, #tpu.memory_space<vmem>>, vector<16xf32>,
          tpu.vector_store %arg10[%parallel_loop3A_415, %parallel_loop3A_416, %parallel_loop3A_417, %parallel_loop3A_418], %parallel_loop3A_412 {strides = array<i32>} : memref<2x16x8x128xf32, #tpu.memory_space<vmem>>, vector<16xf32>,
          %parallel_loop3A_420 = arith.constant 4 : i32
          %parallel_loop3A_421 = arith.constant 0 : i32
          %parallel_loop3A_422 = tpu.memref_slice %arg6[%parallel_loop3A_420, %parallel_loop3A_421] : memref<16x1000xf32, #tpu.memory_space<vmem>> -> memref<1x1000xf32, #tpu.memory_space<vmem>>
          %parallel_loop3A_423 = tpu.memref_squeeze %parallel_loop3A_422 : memref<1x1000xf32, #tpu.memory_space<vmem>> -> memref<1000xf32, #tpu.memory_space<vmem>>
          %parallel_loop3A_424 = tpu.vector_load_idx %parallel_loop3A_423[%parallel_loop3A_371] : memref<1000xf32, #tpu.memory_space<vmem>>[vector<16xi32>], vector<16xf32>,
          %parallel_loop3A_425 = arith.constant 0 : i32
          %parallel_loop3A_426 = arith.constant 4 : i32
          %parallel_loop3A_427 = arith.index_cast %parallel_loop3A_425 : i32 to index
          %parallel_loop3A_428 = arith.index_cast %parallel_loop3A_347 : i32 to index
          %parallel_loop3A_429 = arith.index_cast %parallel_loop3A_426 : i32 to index
          %parallel_loop3A_430 = arith.index_cast %parallel_loop3A_365 : i32 to index
          %parallel_loop3A_431 = tpu.vector_load %arg10[%parallel_loop3A_427, %parallel_loop3A_428, %parallel_loop3A_429, %parallel_loop3A_430] {strides = array<i32>} : memref<2x16x8x128xf32, #tpu.memory_space<vmem>>, vector<16xf32>,
          tpu.vector_store %arg10[%parallel_loop3A_427, %parallel_loop3A_428, %parallel_loop3A_429, %parallel_loop3A_430], %parallel_loop3A_424 {strides = array<i32>} : memref<2x16x8x128xf32, #tpu.memory_space<vmem>>, vector<16xf32>,
          %parallel_loop3A_432 = arith.constant 5 : i32
          %parallel_loop3A_433 = arith.constant 0 : i32
          %parallel_loop3A_434 = tpu.memref_slice %arg6[%parallel_loop3A_432, %parallel_loop3A_433] : memref<16x1000xf32, #tpu.memory_space<vmem>> -> memref<1x1000xf32, #tpu.memory_space<vmem>>
          %parallel_loop3A_435 = tpu.memref_squeeze %parallel_loop3A_434 : memref<1x1000xf32, #tpu.memory_space<vmem>> -> memref<1000xf32, #tpu.memory_space<vmem>>
          %parallel_loop3A_436 = tpu.vector_load_idx %parallel_loop3A_435[%parallel_loop3A_371] : memref<1000xf32, #tpu.memory_space<vmem>>[vector<16xi32>], vector<16xf32>,
          %parallel_loop3A_437 = arith.constant 0 : i32
          %parallel_loop3A_438 = arith.constant 5 : i32
          %parallel_loop3A_439 = arith.index_cast %parallel_loop3A_437 : i32 to index
          %parallel_loop3A_440 = arith.index_cast %parallel_loop3A_347 : i32 to index
          %parallel_loop3A_441 = arith.index_cast %parallel_loop3A_438 : i32 to index
          %parallel_loop3A_442 = arith.index_cast %parallel_loop3A_365 : i32 to index
          %parallel_loop3A_443 = tpu.vector_load %arg10[%parallel_loop3A_439, %parallel_loop3A_440, %parallel_loop3A_441, %parallel_loop3A_442] {strides = array<i32>} : memref<2x16x8x128xf32, #tpu.memory_space<vmem>>, vector<16xf32>,
          tpu.vector_store %arg10[%parallel_loop3A_439, %parallel_loop3A_440, %parallel_loop3A_441, %parallel_loop3A_442], %parallel_loop3A_436 {strides = array<i32>} : memref<2x16x8x128xf32, #tpu.memory_space<vmem>>, vector<16xf32>,
          %parallel_loop3A_444 = arith.constant 6 : i32
          %parallel_loop3A_445 = arith.constant 0 : i32
          %parallel_loop3A_446 = tpu.memref_slice %arg6[%parallel_loop3A_444, %parallel_loop3A_445] : memref<16x1000xf32, #tpu.memory_space<vmem>> -> memref<1x1000xf32, #tpu.memory_space<vmem>>
          %parallel_loop3A_447 = tpu.memref_squeeze %parallel_loop3A_446 : memref<1x1000xf32, #tpu.memory_space<vmem>> -> memref<1000xf32, #tpu.memory_space<vmem>>
          %parallel_loop3A_448 = tpu.vector_load_idx %parallel_loop3A_447[%parallel_loop3A_371] : memref<1000xf32, #tpu.memory_space<vmem>>[vector<16xi32>], vector<16xf32>,
          %parallel_loop3A_449 = arith.constant 0 : i32
          %parallel_loop3A_450 = arith.constant 6 : i32
          %parallel_loop3A_451 = arith.index_cast %parallel_loop3A_449 : i32 to index
          %parallel_loop3A_452 = arith.index_cast %parallel_loop3A_347 : i32 to index
          %parallel_loop3A_453 = arith.index_cast %parallel_loop3A_450 : i32 to index
          %parallel_loop3A_454 = arith.index_cast %parallel_loop3A_365 : i32 to index
          %parallel_loop3A_455 = tpu.vector_load %arg10[%parallel_loop3A_451, %parallel_loop3A_452, %parallel_loop3A_453, %parallel_loop3A_454] {strides = array<i32>} : memref<2x16x8x128xf32, #tpu.memory_space<vmem>>, vector<16xf32>,
          tpu.vector_store %arg10[%parallel_loop3A_451, %parallel_loop3A_452, %parallel_loop3A_453, %parallel_loop3A_454], %parallel_loop3A_448 {strides = array<i32>} : memref<2x16x8x128xf32, #tpu.memory_space<vmem>>, vector<16xf32>,
          %parallel_loop3A_456 = arith.constant 7 : i32
          %parallel_loop3A_457 = arith.constant 0 : i32
          %parallel_loop3A_458 = tpu.memref_slice %arg6[%parallel_loop3A_456, %parallel_loop3A_457] : memref<16x1000xf32, #tpu.memory_space<vmem>> -> memref<1x1000xf32, #tpu.memory_space<vmem>>
          %parallel_loop3A_459 = tpu.memref_squeeze %parallel_loop3A_458 : memref<1x1000xf32, #tpu.memory_space<vmem>> -> memref<1000xf32, #tpu.memory_space<vmem>>
          %parallel_loop3A_460 = tpu.vector_load_idx %parallel_loop3A_459[%parallel_loop3A_371] : memref<1000xf32, #tpu.memory_space<vmem>>[vector<16xi32>], vector<16xf32>,
          %parallel_loop3A_461 = arith.constant 0 : i32
          %parallel_loop3A_462 = arith.constant 7 : i32
          %parallel_loop3A_463 = arith.index_cast %parallel_loop3A_461 : i32 to index
          %parallel_loop3A_464 = arith.index_cast %parallel_loop3A_347 : i32 to index
          %parallel_loop3A_465 = arith.index_cast %parallel_loop3A_462 : i32 to index
          %parallel_loop3A_466 = arith.index_cast %parallel_loop3A_365 : i32 to index
          %parallel_loop3A_467 = tpu.vector_load %arg10[%parallel_loop3A_463, %parallel_loop3A_464, %parallel_loop3A_465, %parallel_loop3A_466] {strides = array<i32>} : memref<2x16x8x128xf32, #tpu.memory_space<vmem>>, vector<16xf32>,
          tpu.vector_store %arg10[%parallel_loop3A_463, %parallel_loop3A_464, %parallel_loop3A_465, %parallel_loop3A_466], %parallel_loop3A_460 {strides = array<i32>} : memref<2x16x8x128xf32, #tpu.memory_space<vmem>>, vector<16xf32>,
          %parallel_loop3A_468 = arith.constant 8 : i32
          %parallel_loop3A_469 = arith.constant 0 : i32
          %parallel_loop3A_470 = tpu.memref_slice %arg6[%parallel_loop3A_468, %parallel_loop3A_469] : memref<16x1000xf32, #tpu.memory_space<vmem>> -> memref<1x1000xf32, #tpu.memory_space<vmem>>
          %parallel_loop3A_471 = tpu.memref_squeeze %parallel_loop3A_470 : memref<1x1000xf32, #tpu.memory_space<vmem>> -> memref<1000xf32, #tpu.memory_space<vmem>>
          %parallel_loop3A_472 = tpu.vector_load_idx %parallel_loop3A_471[%parallel_loop3A_371] : memref<1000xf32, #tpu.memory_space<vmem>>[vector<16xi32>], vector<16xf32>,
          %parallel_loop3A_473 = arith.constant 1 : i32
          %parallel_loop3A_474 = arith.constant 0 : i32
          %parallel_loop3A_475 = arith.index_cast %parallel_loop3A_473 : i32 to index
          %parallel_loop3A_476 = arith.index_cast %parallel_loop3A_347 : i32 to index
          %parallel_loop3A_477 = arith.index_cast %parallel_loop3A_474 : i32 to index
          %parallel_loop3A_478 = arith.index_cast %parallel_loop3A_365 : i32 to index
          %parallel_loop3A_479 = tpu.vector_load %arg10[%parallel_loop3A_475, %parallel_loop3A_476, %parallel_loop3A_477, %parallel_loop3A_478] {strides = array<i32>} : memref<2x16x8x128xf32, #tpu.memory_space<vmem>>, vector<16xf32>,
          tpu.vector_store %arg10[%parallel_loop3A_475, %parallel_loop3A_476, %parallel_loop3A_477, %parallel_loop3A_478], %parallel_loop3A_472 {strides = array<i32>} : memref<2x16x8x128xf32, #tpu.memory_space<vmem>>, vector<16xf32>,
          %parallel_loop3A_480 = arith.constant 9 : i32
          %parallel_loop3A_481 = arith.constant 0 : i32
          %parallel_loop3A_482 = tpu.memref_slice %arg6[%parallel_loop3A_480, %parallel_loop3A_481] : memref<16x1000xf32, #tpu.memory_space<vmem>> -> memref<1x1000xf32, #tpu.memory_space<vmem>>
          %parallel_loop3A_483 = tpu.memref_squeeze %parallel_loop3A_482 : memref<1x1000xf32, #tpu.memory_space<vmem>> -> memref<1000xf32, #tpu.memory_space<vmem>>
          %parallel_loop3A_484 = tpu.vector_load_idx %parallel_loop3A_483[%parallel_loop3A_371] : memref<1000xf32, #tpu.memory_space<vmem>>[vector<16xi32>], vector<16xf32>,
          %parallel_loop3A_485 = arith.constant 1 : i32
          %parallel_loop3A_486 = arith.constant 1 : i32
          %parallel_loop3A_487 = arith.index_cast %parallel_loop3A_485 : i32 to index
          %parallel_loop3A_488 = arith.index_cast %parallel_loop3A_347 : i32 to index
          %parallel_loop3A_489 = arith.index_cast %parallel_loop3A_486 : i32 to index
          %parallel_loop3A_490 = arith.index_cast %parallel_loop3A_365 : i32 to index
          %parallel_loop3A_491 = tpu.vector_load %arg10[%parallel_loop3A_487, %parallel_loop3A_488, %parallel_loop3A_489, %parallel_loop3A_490] {strides = array<i32>} : memref<2x16x8x128xf32, #tpu.memory_space<vmem>>, vector<16xf32>,
          tpu.vector_store %arg10[%parallel_loop3A_487, %parallel_loop3A_488, %parallel_loop3A_489, %parallel_loop3A_490], %parallel_loop3A_484 {strides = array<i32>} : memref<2x16x8x128xf32, #tpu.memory_space<vmem>>, vector<16xf32>,
          %parallel_loop3A_492 = arith.constant 10 : i32
          %parallel_loop3A_493 = arith.constant 0 : i32
          %parallel_loop3A_494 = tpu.memref_slice %arg6[%parallel_loop3A_492, %parallel_loop3A_493] : memref<16x1000xf32, #tpu.memory_space<vmem>> -> memref<1x1000xf32, #tpu.memory_space<vmem>>
          %parallel_loop3A_495 = tpu.memref_squeeze %parallel_loop3A_494 : memref<1x1000xf32, #tpu.memory_space<vmem>> -> memref<1000xf32, #tpu.memory_space<vmem>>
          %parallel_loop3A_496 = tpu.vector_load_idx %parallel_loop3A_495[%parallel_loop3A_371] : memref<1000xf32, #tpu.memory_space<vmem>>[vector<16xi32>], vector<16xf32>,
          %parallel_loop3A_497 = arith.constant 1 : i32
          %parallel_loop3A_498 = arith.constant 2 : i32
          %parallel_loop3A_499 = arith.index_cast %parallel_loop3A_497 : i32 to index
          %parallel_loop3A_500 = arith.index_cast %parallel_loop3A_347 : i32 to index
          %parallel_loop3A_501 = arith.index_cast %parallel_loop3A_498 : i32 to index
          %parallel_loop3A_502 = arith.index_cast %parallel_loop3A_365 : i32 to index
          %parallel_loop3A_503 = tpu.vector_load %arg10[%parallel_loop3A_499, %parallel_loop3A_500, %parallel_loop3A_501, %parallel_loop3A_502] {strides = array<i32>} : memref<2x16x8x128xf32, #tpu.memory_space<vmem>>, vector<16xf32>,
          tpu.vector_store %arg10[%parallel_loop3A_499, %parallel_loop3A_500, %parallel_loop3A_501, %parallel_loop3A_502], %parallel_loop3A_496 {strides = array<i32>} : memref<2x16x8x128xf32, #tpu.memory_space<vmem>>, vector<16xf32>,
          %parallel_loop3A_504 = arith.constant 11 : i32
          %parallel_loop3A_505 = arith.constant 0 : i32
          %parallel_loop3A_506 = tpu.memref_slice %arg6[%parallel_loop3A_504, %parallel_loop3A_505] : memref<16x1000xf32, #tpu.memory_space<vmem>> -> memref<1x1000xf32, #tpu.memory_space<vmem>>
          %parallel_loop3A_507 = tpu.memref_squeeze %parallel_loop3A_506 : memref<1x1000xf32, #tpu.memory_space<vmem>> -> memref<1000xf32, #tpu.memory_space<vmem>>
          %parallel_loop3A_508 = tpu.vector_load_idx %parallel_loop3A_507[%parallel_loop3A_371] : memref<1000xf32, #tpu.memory_space<vmem>>[vector<16xi32>], vector<16xf32>,
          %parallel_loop3A_509 = arith.constant 1 : i32
          %parallel_loop3A_510 = arith.constant 3 : i32
          %parallel_loop3A_511 = arith.index_cast %parallel_loop3A_509 : i32 to index
          %parallel_loop3A_512 = arith.index_cast %parallel_loop3A_347 : i32 to index
          %parallel_loop3A_513 = arith.index_cast %parallel_loop3A_510 : i32 to index
          %parallel_loop3A_514 = arith.index_cast %parallel_loop3A_365 : i32 to index
          %parallel_loop3A_515 = tpu.vector_load %arg10[%parallel_loop3A_511, %parallel_loop3A_512, %parallel_loop3A_513, %parallel_loop3A_514] {strides = array<i32>} : memref<2x16x8x128xf32, #tpu.memory_space<vmem>>, vector<16xf32>,
          tpu.vector_store %arg10[%parallel_loop3A_511, %parallel_loop3A_512, %parallel_loop3A_513, %parallel_loop3A_514], %parallel_loop3A_508 {strides = array<i32>} : memref<2x16x8x128xf32, #tpu.memory_space<vmem>>, vector<16xf32>,
          %parallel_loop3A_516 = arith.constant 12 : i32
          %parallel_loop3A_517 = arith.constant 0 : i32
          %parallel_loop3A_518 = tpu.memref_slice %arg6[%parallel_loop3A_516, %parallel_loop3A_517] : memref<16x1000xf32, #tpu.memory_space<vmem>> -> memref<1x1000xf32, #tpu.memory_space<vmem>>
          %parallel_loop3A_519 = tpu.memref_squeeze %parallel_loop3A_518 : memref<1x1000xf32, #tpu.memory_space<vmem>> -> memref<1000xf32, #tpu.memory_space<vmem>>
          %parallel_loop3A_520 = tpu.vector_load_idx %parallel_loop3A_519[%parallel_loop3A_371] : memref<1000xf32, #tpu.memory_space<vmem>>[vector<16xi32>], vector<16xf32>,
          %parallel_loop3A_521 = arith.constant 1 : i32
          %parallel_loop3A_522 = arith.constant 4 : i32
          %parallel_loop3A_523 = arith.index_cast %parallel_loop3A_521 : i32 to index
          %parallel_loop3A_524 = arith.index_cast %parallel_loop3A_347 : i32 to index
          %parallel_loop3A_525 = arith.index_cast %parallel_loop3A_522 : i32 to index
          %parallel_loop3A_526 = arith.index_cast %parallel_loop3A_365 : i32 to index
          %parallel_loop3A_527 = tpu.vector_load %arg10[%parallel_loop3A_523, %parallel_loop3A_524, %parallel_loop3A_525, %parallel_loop3A_526] {strides = array<i32>} : memref<2x16x8x128xf32, #tpu.memory_space<vmem>>, vector<16xf32>,
          tpu.vector_store %arg10[%parallel_loop3A_523, %parallel_loop3A_524, %parallel_loop3A_525, %parallel_loop3A_526], %parallel_loop3A_520 {strides = array<i32>} : memref<2x16x8x128xf32, #tpu.memory_space<vmem>>, vector<16xf32>,
          %parallel_loop3A_528 = arith.constant 13 : i32
          %parallel_loop3A_529 = arith.constant 0 : i32
          %parallel_loop3A_530 = tpu.memref_slice %arg6[%parallel_loop3A_528, %parallel_loop3A_529] : memref<16x1000xf32, #tpu.memory_space<vmem>> -> memref<1x1000xf32, #tpu.memory_space<vmem>>
          %parallel_loop3A_531 = tpu.memref_squeeze %parallel_loop3A_530 : memref<1x1000xf32, #tpu.memory_space<vmem>> -> memref<1000xf32, #tpu.memory_space<vmem>>
          %parallel_loop3A_532 = tpu.vector_load_idx %parallel_loop3A_531[%parallel_loop3A_371] : memref<1000xf32, #tpu.memory_space<vmem>>[vector<16xi32>], vector<16xf32>,
          %parallel_loop3A_533 = arith.constant 1 : i32
          %parallel_loop3A_534 = arith.constant 5 : i32
          %parallel_loop3A_535 = arith.index_cast %parallel_loop3A_533 : i32 to index
          %parallel_loop3A_536 = arith.index_cast %parallel_loop3A_347 : i32 to index
          %parallel_loop3A_537 = arith.index_cast %parallel_loop3A_534 : i32 to index
          %parallel_loop3A_538 = arith.index_cast %parallel_loop3A_365 : i32 to index
          %parallel_loop3A_539 = tpu.vector_load %arg10[%parallel_loop3A_535, %parallel_loop3A_536, %parallel_loop3A_537, %parallel_loop3A_538] {strides = array<i32>} : memref<2x16x8x128xf32, #tpu.memory_space<vmem>>, vector<16xf32>,
          tpu.vector_store %arg10[%parallel_loop3A_535, %parallel_loop3A_536, %parallel_loop3A_537, %parallel_loop3A_538], %parallel_loop3A_532 {strides = array<i32>} : memref<2x16x8x128xf32, #tpu.memory_space<vmem>>, vector<16xf32>,
          %parallel_loop3A_540 = arith.constant 14 : i32
          %parallel_loop3A_541 = arith.constant 0 : i32
          %parallel_loop3A_542 = tpu.memref_slice %arg6[%parallel_loop3A_540, %parallel_loop3A_541] : memref<16x1000xf32, #tpu.memory_space<vmem>> -> memref<1x1000xf32, #tpu.memory_space<vmem>>
          %parallel_loop3A_543 = tpu.memref_squeeze %parallel_loop3A_542 : memref<1x1000xf32, #tpu.memory_space<vmem>> -> memref<1000xf32, #tpu.memory_space<vmem>>
          %parallel_loop3A_544 = tpu.vector_load_idx %parallel_loop3A_543[%parallel_loop3A_371] : memref<1000xf32, #tpu.memory_space<vmem>>[vector<16xi32>], vector<16xf32>,
          %parallel_loop3A_545 = arith.constant 1 : i32
          %parallel_loop3A_546 = arith.constant 6 : i32
          %parallel_loop3A_547 = arith.index_cast %parallel_loop3A_545 : i32 to index
          %parallel_loop3A_548 = arith.index_cast %parallel_loop3A_347 : i32 to index
          %parallel_loop3A_549 = arith.index_cast %parallel_loop3A_546 : i32 to index
          %parallel_loop3A_550 = arith.index_cast %parallel_loop3A_365 : i32 to index
          %parallel_loop3A_551 = tpu.vector_load %arg10[%parallel_loop3A_547, %parallel_loop3A_548, %parallel_loop3A_549, %parallel_loop3A_550] {strides = array<i32>} : memref<2x16x8x128xf32, #tpu.memory_space<vmem>>, vector<16xf32>,
          tpu.vector_store %arg10[%parallel_loop3A_547, %parallel_loop3A_548, %parallel_loop3A_549, %parallel_loop3A_550], %parallel_loop3A_544 {strides = array<i32>} : memref<2x16x8x128xf32, #tpu.memory_space<vmem>>, vector<16xf32>,
          %parallel_loop3A_552 = arith.constant 15 : i32
          %parallel_loop3A_553 = arith.constant 0 : i32
          %parallel_loop3A_554 = tpu.memref_slice %arg6[%parallel_loop3A_552, %parallel_loop3A_553] : memref<16x1000xf32, #tpu.memory_space<vmem>> -> memref<1x1000xf32, #tpu.memory_space<vmem>>
          %parallel_loop3A_555 = tpu.memref_squeeze %parallel_loop3A_554 : memref<1x1000xf32, #tpu.memory_space<vmem>> -> memref<1000xf32, #tpu.memory_space<vmem>>
          %parallel_loop3A_556 = tpu.vector_load_idx %parallel_loop3A_555[%parallel_loop3A_371] : memref<1000xf32, #tpu.memory_space<vmem>>[vector<16xi32>], vector<16xf32>,
          %parallel_loop3A_557 = arith.constant 1 : i32
          %parallel_loop3A_558 = arith.constant 7 : i32
          %parallel_loop3A_559 = arith.index_cast %parallel_loop3A_557 : i32 to index
          %parallel_loop3A_560 = arith.index_cast %parallel_loop3A_347 : i32 to index
          %parallel_loop3A_561 = arith.index_cast %parallel_loop3A_558 : i32 to index
          %parallel_loop3A_562 = arith.index_cast %parallel_loop3A_365 : i32 to index
          %parallel_loop3A_563 = tpu.vector_load %arg10[%parallel_loop3A_559, %parallel_loop3A_560, %parallel_loop3A_561, %parallel_loop3A_562] {strides = array<i32>} : memref<2x16x8x128xf32, #tpu.memory_space<vmem>>, vector<16xf32>,
          tpu.vector_store %arg10[%parallel_loop3A_559, %parallel_loop3A_560, %parallel_loop3A_561, %parallel_loop3A_562], %parallel_loop3A_556 {strides = array<i32>} : memref<2x16x8x128xf32, #tpu.memory_space<vmem>>, vector<16xf32>,
        } {sc.loop_unroll_factor = 8 : i64, sc.parallel_access}
        %dma_start3A_311 = arith.constant 0 : i32
        %dma_start3A_312 = arith.constant 16 : i32
        %dma_start3A_313 = arith.constant 0 : i32
        %dma_start3A_314 = arith.constant 0 : i32
        %dma_start3A_315 = tpu.memref_slice %arg4[%select_n3A_231, %select_n3A_247, %dma_start3A_311, %dma_start3A_312, %dma_start3A_313, %dma_start3A_314] : memref<26x25x2x32x8x128xf32, #tpu.memory_space<hbm>> -> memref<1x1x2x16x8x128xf32, #tpu.memory_space<hbm>>
        %dma_start3A_316 = tpu.memref_squeeze %dma_start3A_315 : memref<1x1x2x16x8x128xf32, #tpu.memory_space<hbm>> -> memref<2x16x8x128xf32, #tpu.memory_space<hbm>>
        %dma_start3A_317 = arith.constant 0 : i32
        %dma_start3A_318 = arith.constant 16 : i32
        %dma_start3A_319 = arith.constant 0 : i32
        %dma_start3A_320 = arith.constant 0 : i32
        %dma_start3A_321 = tpu.memref_slice %arg4[%select_n3A_231, %select_n3A_247, %dma_start3A_317, %dma_start3A_318, %dma_start3A_319, %dma_start3A_320] : memref<26x25x2x32x8x128xf32, #tpu.memory_space<hbm>> -> memref<1x1x2x16x8x128xf32, #tpu.memory_space<hbm>>
        %dma_start3A_322 = tpu.memref_squeeze %dma_start3A_321 : memref<1x1x2x16x8x128xf32, #tpu.memory_space<hbm>> -> memref<2x16x8x128xf32, #tpu.memory_space<hbm>>
        tpu.enqueue_dma source(%arg10 : memref<2x16x8x128xf32, #tpu.memory_space<vmem>>) target(%dma_start3A_322 : memref<2x16x8x128xf32, #tpu.memory_space<hbm>>) target_semaphore(%arg11 : memref<!tpu.dma_semaphore, #tpu.memory_space<semaphore_mem>>)
      } else {
      }
      %lt3A_191 = arith.constant 650 : i32
      %lt3A_192 = arith.cmpi slt, %add3A_185, %lt3A_191 : i32
      %convert_element_type3A_193 = arith.extui %lt3A_192 : i1 to i32
      %cond3A_194 = arith.constant 0 : i32
      %cond3A_195 = arith.cmpi ne, %convert_element_type3A_193, %cond3A_194 : i32
      scf.if %cond3A_195 {
        %mul3A_196 = arith.constant 2 : i32
        %mul3A_197 = arith.muli %mul3A_196, %scan3A_171 : i32
        %add3A_198 = arith.constant 3 : i32
        %add3A_199 = arith.addi %mul3A_197, %add3A_198 : i32
        %mul3A_200 = arith.constant 32 : i32
        %mul3A_201 = arith.muli %mul3A_200, %add3A_199 : i32
        %add3A_202 = arith.addi %add3A, %mul3A_201 : i32
        %lt3A_203 = arith.constant 650 : i32
        %lt3A_204 = arith.cmpi slt, %add3A_202, %lt3A_203 : i32
        %convert_element_type3A_205 = arith.extui %lt3A_204 : i1 to i32
        %cond3A_206 = arith.constant 0 : i32
        %cond3A_207 = arith.cmpi ne, %convert_element_type3A_205, %cond3A_206 : i32
        scf.if %cond3A_207 {
          %jit3A_323 = arith.constant 25 : i32
          %div3A_324 = arith.divsi %add3A_202, %jit3A_323 : i32
          %sign3A_325 = arith.constant 0 : i32
          %sign3A_326 = arith.cmpi sgt, %add3A_202, %sign3A_325 : i32
          %sign3A_327 = arith.extui %sign3A_326 : i1 to i32
          %sign3A_328 = arith.constant 0 : i32
          %sign3A_329 = arith.cmpi slt, %add3A_202, %sign3A_328 : i32
          %sign3A_330 = arith.extui %sign3A_329 : i1 to i32
          %sign3A_331 = arith.subi %sign3A_327, %sign3A_330 : i32
          %sign3A_332 = arith.constant 0 : i32
          %sign3A_333 = arith.cmpi sgt, %jit3A_323, %sign3A_332 : i32
          %sign3A_334 = arith.extui %sign3A_333 : i1 to i32
          %sign3A_335 = arith.constant 0 : i32
          %sign3A_336 = arith.cmpi slt, %jit3A_323, %sign3A_335 : i32
          %sign3A_337 = arith.extui %sign3A_336 : i1 to i32
          %sign3A_338 = arith.subi %sign3A_334, %sign3A_337 : i32
          %ne3A_339 = arith.cmpi ne, %sign3A_331, %sign3A_338 : i32
          %rem3A_340 = arith.remsi %add3A_202, %jit3A_323 : i32
          %ne3A_341 = arith.constant 0 : i32
          %ne3A_342 = arith.cmpi ne, %rem3A_340, %ne3A_341 : i32
          %and3A_343 = arith.andi %ne3A_339, %ne3A_342 : i1
          %sub3A_344 = arith.constant 1 : i32
          %sub3A_345 = arith.subi %div3A_324, %sub3A_344 : i32
          %select_n3A_346 = arith.select %and3A_343, %sub3A_345, %div3A_324 : i32
          %jit3A_347 = arith.constant 25 : i32
          %eq3A_348 = arith.constant 0 : i32
          %eq3A_349 = arith.cmpi eq, %jit3A_347, %eq3A_348 : i32
          %jit3A_350 = arith.constant 1 : i32
          %select_n3A_351 = arith.select %eq3A_349, %jit3A_350, %jit3A_347 : i32
          %rem3A_352 = arith.remsi %add3A_202, %select_n3A_351 : i32
          %ne3A_353 = arith.constant 0 : i32
          %ne3A_354 = arith.cmpi ne, %rem3A_352, %ne3A_353 : i32
          %lt3A_355 = arith.constant 0 : i32
          %lt3A_356 = arith.cmpi slt, %rem3A_352, %lt3A_355 : i32
          %lt3A_357 = arith.constant 0 : i32
          %lt3A_358 = arith.cmpi slt, %select_n3A_351, %lt3A_357 : i32
          %ne3A_359 = arith.xori %lt3A_356, %lt3A_358 : i1
          %and3A_360 = arith.andi %ne3A_359, %ne3A_354 : i1
          %add3A_361 = arith.addi %rem3A_352, %select_n3A_351 : i32
          %select_n3A_362 = arith.select %and3A_360, %add3A_361, %rem3A_352 : i32
          %ge3A_363 = arith.cmpi sge, %select_n3A_362, %select_n3A_346 : i32
          %jit3A_364 = arith.constant 1 : i32
          %jit3A_365 = arith.constant 0 : i32
          %select_n3A_366 = arith.select %ge3A_363, %jit3A_364, %jit3A_365 : i32
          %add3A_367 = arith.addi %select_n3A_362, %select_n3A_366 : i32
          %dma_start3A_368 = arith.constant 0 : i32
          %dma_start3A_369 = arith.constant 0 : i32
          %dma_start3A_370 = tpu.memref_slice %arg3[%select_n3A_346, %add3A_367, %dma_start3A_368, %dma_start3A_369] : memref<26x26x16x1000xf32, #tpu.memory_space<hbm>> -> memref<1x1x16x1000xf32, #tpu.memory_space<hbm>>
          %dma_start3A_371 = tpu.memref_squeeze %dma_start3A_370 : memref<1x1x16x1000xf32, #tpu.memory_space<hbm>> -> memref<16x1000xf32, #tpu.memory_space<hbm>>
          %dma_start3A_372 = arith.constant 0 : i32
          %dma_start3A_373 = arith.constant 0 : i32
          %dma_start3A_374 = tpu.memref_slice %arg3[%select_n3A_346, %add3A_367, %dma_start3A_372, %dma_start3A_373] : memref<26x26x16x1000xf32, #tpu.memory_space<hbm>> -> memref<1x1x16x1000xf32, #tpu.memory_space<hbm>>
          %dma_start3A_375 = tpu.memref_squeeze %dma_start3A_374 : memref<1x1x16x1000xf32, #tpu.memory_space<hbm>> -> memref<16x1000xf32, #tpu.memory_space<hbm>>
          tpu.enqueue_dma source(%dma_start3A_375 : memref<16x1000xf32, #tpu.memory_space<hbm>>) target(%arg6 : memref<16x1000xf32, #tpu.memory_space<vmem>>) target_semaphore(%arg12 : memref<!tpu.dma_semaphore, #tpu.memory_space<semaphore_mem>>)
          %dma_start3A_376 = arith.constant 0 : i32
          %dma_start3A_377 = tpu.memref_slice %arg2[%select_n3A_346, %dma_start3A_376] : memref<26x4096xi32, #tpu.memory_space<hbm>> -> memref<1x4096xi32, #tpu.memory_space<hbm>>
          %dma_start3A_378 = tpu.memref_squeeze %dma_start3A_377 : memref<1x4096xi32, #tpu.memory_space<hbm>> -> memref<4096xi32, #tpu.memory_space<hbm>>
          %dma_start3A_379 = arith.constant 0 : i32
          %dma_start3A_380 = tpu.memref_slice %arg2[%select_n3A_346, %dma_start3A_379] : memref<26x4096xi32, #tpu.memory_space<hbm>> -> memref<1x4096xi32, #tpu.memory_space<hbm>>
          %dma_start3A_381 = tpu.memref_squeeze %dma_start3A_380 : memref<1x4096xi32, #tpu.memory_space<hbm>> -> memref<4096xi32, #tpu.memory_space<hbm>>
          tpu.enqueue_dma source(%dma_start3A_381 : memref<4096xi32, #tpu.memory_space<hbm>>) target(%arg8 : memref<4096xi32, #tpu.memory_space<vmem>>) target_semaphore(%arg12 : memref<!tpu.dma_semaphore, #tpu.memory_space<semaphore_mem>>)
        } else {
        }
        %jit3A_208 = arith.constant 25 : i32
        %div3A_209 = arith.divsi %add3A_185, %jit3A_208 : i32
        %sign3A_210 = arith.constant 0 : i32
        %sign3A_211 = arith.cmpi sgt, %add3A_185, %sign3A_210 : i32
        %sign3A_212 = arith.extui %sign3A_211 : i1 to i32
        %sign3A_213 = arith.constant 0 : i32
        %sign3A_214 = arith.cmpi slt, %add3A_185, %sign3A_213 : i32
        %sign3A_215 = arith.extui %sign3A_214 : i1 to i32
        %sign3A_216 = arith.subi %sign3A_212, %sign3A_215 : i32
        %sign3A_217 = arith.constant 0 : i32
        %sign3A_218 = arith.cmpi sgt, %jit3A_208, %sign3A_217 : i32
        %sign3A_219 = arith.extui %sign3A_218 : i1 to i32
        %sign3A_220 = arith.constant 0 : i32
        %sign3A_221 = arith.cmpi slt, %jit3A_208, %sign3A_220 : i32
        %sign3A_222 = arith.extui %sign3A_221 : i1 to i32
        %sign3A_223 = arith.subi %sign3A_219, %sign3A_222 : i32
        %ne3A_224 = arith.cmpi ne, %sign3A_216, %sign3A_223 : i32
        %rem3A_225 = arith.remsi %add3A_185, %jit3A_208 : i32
        %ne3A_226 = arith.constant 0 : i32
        %ne3A_227 = arith.cmpi ne, %rem3A_225, %ne3A_226 : i32
        %and3A_228 = arith.andi %ne3A_224, %ne3A_227 : i1
        %sub3A_229 = arith.constant 1 : i32
        %sub3A_230 = arith.subi %div3A_209, %sub3A_229 : i32
        %select_n3A_231 = arith.select %and3A_228, %sub3A_230, %div3A_209 : i32
        %jit3A_232 = arith.constant 25 : i32
        %eq3A_233 = arith.constant 0 : i32
        %eq3A_234 = arith.cmpi eq, %jit3A_232, %eq3A_233 : i32
        %jit3A_235 = arith.constant 1 : i32
        %select_n3A_236 = arith.select %eq3A_234, %jit3A_235, %jit3A_232 : i32
        %rem3A_237 = arith.remsi %add3A_185, %select_n3A_236 : i32
        %ne3A_238 = arith.constant 0 : i32
        %ne3A_239 = arith.cmpi ne, %rem3A_237, %ne3A_238 : i32
        %lt3A_240 = arith.constant 0 : i32
        %lt3A_241 = arith.cmpi slt, %rem3A_237, %lt3A_240 : i32
        %lt3A_242 = arith.constant 0 : i32
        %lt3A_243 = arith.cmpi slt, %select_n3A_236, %lt3A_242 : i32
        %ne3A_244 = arith.xori %lt3A_241, %lt3A_243 : i1
        %and3A_245 = arith.andi %ne3A_244, %ne3A_239 : i1
        %add3A_246 = arith.addi %rem3A_237, %select_n3A_236 : i32
        %select_n3A_247 = arith.select %and3A_245, %add3A_246, %rem3A_237 : i32
        %dma_wait3A_248 = arith.constant 0 : i32
        %dma_wait3A_249 = arith.constant 0 : i32
        %dma_wait3A_250 = arith.constant 0 : i32
        %dma_wait3A_251 = arith.constant 0 : i32
        %dma_wait3A_252 = tpu.memref_slice %arg3[%dma_wait3A_248, %dma_wait3A_249, %dma_wait3A_250, %dma_wait3A_251] : memref<26x26x16x1000xf32, #tpu.memory_space<hbm>> -> memref<1x1x16x1000xf32, #tpu.memory_space<hbm>>
        %dma_wait3A_253 = tpu.memref_squeeze %dma_wait3A_252 : memref<1x1x16x1000xf32, #tpu.memory_space<hbm>> -> memref<16x1000xf32, #tpu.memory_space<hbm>>
        %dma_wait3A_254 = arith.constant 0 : i32
        %dma_wait3A_255 = arith.constant 0 : i32
        %dma_wait3A_256 = tpu.memref_slice %arg3[%dma_wait3A_248, %dma_wait3A_249, %dma_wait3A_254, %dma_wait3A_255] : memref<26x26x16x1000xf32, #tpu.memory_space<hbm>> -> memref<1x1x16x1000xf32, #tpu.memory_space<hbm>>
        %dma_wait3A_257 = tpu.memref_squeeze %dma_wait3A_256 : memref<1x1x16x1000xf32, #tpu.memory_space<hbm>> -> memref<16x1000xf32, #tpu.memory_space<hbm>>
        tpu.wait_dma2 semaphore(%arg12 : memref<!tpu.dma_semaphore, #tpu.memory_space<semaphore_mem>>) src(%dma_wait3A_257 : memref<16x1000xf32, #tpu.memory_space<hbm>>) dst(%arg5 : memref<16x1000xf32, #tpu.memory_space<vmem>>)
        %dma_wait3A_258 = arith.constant 0 : i32
        %dma_wait3A_259 = arith.constant 0 : i32
        %dma_wait3A_260 = tpu.memref_slice %arg2[%dma_wait3A_258, %dma_wait3A_259] : memref<26x4096xi32, #tpu.memory_space<hbm>> -> memref<1x4096xi32, #tpu.memory_space<hbm>>
        %dma_wait3A_261 = tpu.memref_squeeze %dma_wait3A_260 : memref<1x4096xi32, #tpu.memory_space<hbm>> -> memref<4096xi32, #tpu.memory_space<hbm>>
        %dma_wait3A_262 = arith.constant 0 : i32
        %dma_wait3A_263 = tpu.memref_slice %arg2[%dma_wait3A_258, %dma_wait3A_262] : memref<26x4096xi32, #tpu.memory_space<hbm>> -> memref<1x4096xi32, #tpu.memory_space<hbm>>
        %dma_wait3A_264 = tpu.memref_squeeze %dma_wait3A_263 : memref<1x4096xi32, #tpu.memory_space<hbm>> -> memref<4096xi32, #tpu.memory_space<hbm>>
        tpu.wait_dma2 semaphore(%arg12 : memref<!tpu.dma_semaphore, #tpu.memory_space<semaphore_mem>>) src(%dma_wait3A_264 : memref<4096xi32, #tpu.memory_space<hbm>>) dst(%arg7 : memref<4096xi32, #tpu.memory_space<vmem>>)
        %dma_wait3A_265 = arith.constant 0 : i32
        %dma_wait3A_266 = arith.constant 0 : i32
        %dma_wait3A_267 = arith.constant 0 : i32
        %dma_wait3A_268 = arith.constant 0 : i32
        %dma_wait3A_269 = arith.constant 0 : i32
        %dma_wait3A_270 = arith.constant 0 : i32
        %dma_wait3A_271 = tpu.memref_slice %arg4[%dma_wait3A_265, %dma_wait3A_266, %dma_wait3A_267, %dma_wait3A_268, %dma_wait3A_269, %dma_wait3A_270] : memref<26x25x2x32x8x128xf32, #tpu.memory_space<hbm>> -> memref<1x1x2x16x8x128xf32, #tpu.memory_space<hbm>>
        %dma_wait3A_272 = tpu.memref_squeeze %dma_wait3A_271 : memref<1x1x2x16x8x128xf32, #tpu.memory_space<hbm>> -> memref<2x16x8x128xf32, #tpu.memory_space<hbm>>
        %dma_wait3A_273 = arith.constant 0 : i32
        %dma_wait3A_274 = arith.constant 0 : i32
        %dma_wait3A_275 = arith.constant 0 : i32
        %dma_wait3A_276 = arith.constant 0 : i32
        %dma_wait3A_277 = tpu.memref_slice %arg4[%dma_wait3A_265, %dma_wait3A_266, %dma_wait3A_273, %dma_wait3A_274, %dma_wait3A_275, %dma_wait3A_276] : memref<26x25x2x32x8x128xf32, #tpu.memory_space<hbm>> -> memref<1x1x2x16x8x128xf32, #tpu.memory_space<hbm>>
        %dma_wait3A_278 = tpu.memref_squeeze %dma_wait3A_277 : memref<1x1x2x16x8x128xf32, #tpu.memory_space<hbm>> -> memref<2x16x8x128xf32, #tpu.memory_space<hbm>>
        tpu.wait_dma2 semaphore(%arg11 : memref<!tpu.dma_semaphore, #tpu.memory_space<semaphore_mem>>) src(%dma_wait3A_278 : memref<2x16x8x128xf32, #tpu.memory_space<hbm>>) dst(%arg9 : memref<2x16x8x128xf32, #tpu.memory_space<vmem>>)
        %parallel_loop3A_279 = arith.constant 0 : i32
        %parallel_loop3A_280 = arith.constant 128 : i32
        %parallel_loop3A_281 = arith.constant 1 : i32
        scf.for %parallel_loop3A_323 = %parallel_loop3A_279 to %parallel_loop3A_280 step %parallel_loop3A_281  : i32 {
          %parallel_loop3A_324 = arith.constant 8 : i32
          %parallel_loop3A_325 = arith.divsi %parallel_loop3A_323, %parallel_loop3A_324 : i32
          %parallel_loop3A_326 = arith.constant 0 : i32
          %parallel_loop3A_327 = arith.cmpi sgt, %parallel_loop3A_323, %parallel_loop3A_326 : i32
          %parallel_loop3A_328 = arith.extui %parallel_loop3A_327 : i1 to i32
          %parallel_loop3A_329 = arith.constant 0 : i32
          %parallel_loop3A_330 = arith.cmpi slt, %parallel_loop3A_323, %parallel_loop3A_329 : i32
          %parallel_loop3A_331 = arith.extui %parallel_loop3A_330 : i1 to i32
          %parallel_loop3A_332 = arith.subi %parallel_loop3A_328, %parallel_loop3A_331 : i32
          %parallel_loop3A_333 = arith.constant 0 : i32
          %parallel_loop3A_334 = arith.cmpi sgt, %parallel_loop3A_324, %parallel_loop3A_333 : i32
          %parallel_loop3A_335 = arith.extui %parallel_loop3A_334 : i1 to i32
          %parallel_loop3A_336 = arith.constant 0 : i32
          %parallel_loop3A_337 = arith.cmpi slt, %parallel_loop3A_324, %parallel_loop3A_336 : i32
          %parallel_loop3A_338 = arith.extui %parallel_loop3A_337 : i1 to i32
          %parallel_loop3A_339 = arith.subi %parallel_loop3A_335, %parallel_loop3A_338 : i32
          %parallel_loop3A_340 = arith.cmpi ne, %parallel_loop3A_332, %parallel_loop3A_339 : i32
          %parallel_loop3A_341 = arith.remsi %parallel_loop3A_323, %parallel_loop3A_324 : i32
          %parallel_loop3A_342 = arith.constant 0 : i32
          %parallel_loop3A_343 = arith.cmpi ne, %parallel_loop3A_341, %parallel_loop3A_342 : i32
          %parallel_loop3A_344 = arith.andi %parallel_loop3A_340, %parallel_loop3A_343 : i1
          %parallel_loop3A_345 = arith.constant 1 : i32
          %parallel_loop3A_346 = arith.subi %parallel_loop3A_325, %parallel_loop3A_345 : i32
          %parallel_loop3A_347 = arith.select %parallel_loop3A_344, %parallel_loop3A_346, %parallel_loop3A_325 : i32
          %parallel_loop3A_348 = arith.constant 8 : i32
          %parallel_loop3A_349 = arith.constant 0 : i32
          %parallel_loop3A_350 = arith.cmpi eq, %parallel_loop3A_348, %parallel_loop3A_349 : i32
          %parallel_loop3A_351 = arith.constant 1 : i32
          %parallel_loop3A_352 = arith.select %parallel_loop3A_350, %parallel_loop3A_351, %parallel_loop3A_348 : i32
          %parallel_loop3A_353 = arith.remsi %parallel_loop3A_323, %parallel_loop3A_352 : i32
          %parallel_loop3A_354 = arith.constant 0 : i32
          %parallel_loop3A_355 = arith.cmpi ne, %parallel_loop3A_353, %parallel_loop3A_354 : i32
          %parallel_loop3A_356 = arith.constant 0 : i32
          %parallel_loop3A_357 = arith.cmpi slt, %parallel_loop3A_353, %parallel_loop3A_356 : i32
          %parallel_loop3A_358 = arith.constant 0 : i32
          %parallel_loop3A_359 = arith.cmpi slt, %parallel_loop3A_352, %parallel_loop3A_358 : i32
          %parallel_loop3A_360 = arith.xori %parallel_loop3A_357, %parallel_loop3A_359 : i1
          %parallel_loop3A_361 = arith.andi %parallel_loop3A_360, %parallel_loop3A_355 : i1
          %parallel_loop3A_362 = arith.addi %parallel_loop3A_353, %parallel_loop3A_352 : i32
          %parallel_loop3A_363 = arith.select %parallel_loop3A_361, %parallel_loop3A_362, %parallel_loop3A_353 : i32
          %parallel_loop3A_364 = arith.constant 16 : i32
          %parallel_loop3A_365 = arith.muli %parallel_loop3A_363, %parallel_loop3A_364 : i32
          %parallel_loop3A_366 = arith.constant 16 : i32
          %parallel_loop3A_367 = arith.muli %parallel_loop3A_323, %parallel_loop3A_366 : i32
          %parallel_loop3A_368 = arith.constant 0 : i32
          %parallel_loop3A_369 = arith.addi %parallel_loop3A_368, %parallel_loop3A_367 : i32
          %parallel_loop3A_370 = arith.index_cast %parallel_loop3A_369 : i32 to index
          %parallel_loop3A_371 = tpu.vector_load %arg7[%parallel_loop3A_370] {strides = array<i32>} : memref<4096xi32, #tpu.memory_space<vmem>>, vector<16xi32>,
          %parallel_loop3A_372 = arith.constant 0 : i32
          %parallel_loop3A_373 = arith.constant 0 : i32
          %parallel_loop3A_374 = tpu.memref_slice %arg5[%parallel_loop3A_372, %parallel_loop3A_373] : memref<16x1000xf32, #tpu.memory_space<vmem>> -> memref<1x1000xf32, #tpu.memory_space<vmem>>
          %parallel_loop3A_375 = tpu.memref_squeeze %parallel_loop3A_374 : memref<1x1000xf32, #tpu.memory_space<vmem>> -> memref<1000xf32, #tpu.memory_space<vmem>>
          %parallel_loop3A_376 = tpu.vector_load_idx %parallel_loop3A_375[%parallel_loop3A_371] : memref<1000xf32, #tpu.memory_space<vmem>>[vector<16xi32>], vector<16xf32>,
          %parallel_loop3A_377 = arith.constant 0 : i32
          %parallel_loop3A_378 = arith.constant 0 : i32
          %parallel_loop3A_379 = arith.index_cast %parallel_loop3A_377 : i32 to index
          %parallel_loop3A_380 = arith.index_cast %parallel_loop3A_347 : i32 to index
          %parallel_loop3A_381 = arith.index_cast %parallel_loop3A_378 : i32 to index
          %parallel_loop3A_382 = arith.index_cast %parallel_loop3A_365 : i32 to index
          %parallel_loop3A_383 = tpu.vector_load %arg9[%parallel_loop3A_379, %parallel_loop3A_380, %parallel_loop3A_381, %parallel_loop3A_382] {strides = array<i32>} : memref<2x16x8x128xf32, #tpu.memory_space<vmem>>, vector<16xf32>,
          tpu.vector_store %arg9[%parallel_loop3A_379, %parallel_loop3A_380, %parallel_loop3A_381, %parallel_loop3A_382], %parallel_loop3A_376 {strides = array<i32>} : memref<2x16x8x128xf32, #tpu.memory_space<vmem>>, vector<16xf32>,
          %parallel_loop3A_384 = arith.constant 1 : i32
          %parallel_loop3A_385 = arith.constant 0 : i32
          %parallel_loop3A_386 = tpu.memref_slice %arg5[%parallel_loop3A_384, %parallel_loop3A_385] : memref<16x1000xf32, #tpu.memory_space<vmem>> -> memref<1x1000xf32, #tpu.memory_space<vmem>>
          %parallel_loop3A_387 = tpu.memref_squeeze %parallel_loop3A_386 : memref<1x1000xf32, #tpu.memory_space<vmem>> -> memref<1000xf32, #tpu.memory_space<vmem>>
          %parallel_loop3A_388 = tpu.vector_load_idx %parallel_loop3A_387[%parallel_loop3A_371] : memref<1000xf32, #tpu.memory_space<vmem>>[vector<16xi32>], vector<16xf32>,
          %parallel_loop3A_389 = arith.constant 0 : i32
          %parallel_loop3A_390 = arith.constant 1 : i32
          %parallel_loop3A_391 = arith.index_cast %parallel_loop3A_389 : i32 to index
          %parallel_loop3A_392 = arith.index_cast %parallel_loop3A_347 : i32 to index
          %parallel_loop3A_393 = arith.index_cast %parallel_loop3A_390 : i32 to index
          %parallel_loop3A_394 = arith.index_cast %parallel_loop3A_365 : i32 to index
          %parallel_loop3A_395 = tpu.vector_load %arg9[%parallel_loop3A_391, %parallel_loop3A_392, %parallel_loop3A_393, %parallel_loop3A_394] {strides = array<i32>} : memref<2x16x8x128xf32, #tpu.memory_space<vmem>>, vector<16xf32>,
          tpu.vector_store %arg9[%parallel_loop3A_391, %parallel_loop3A_392, %parallel_loop3A_393, %parallel_loop3A_394], %parallel_loop3A_388 {strides = array<i32>} : memref<2x16x8x128xf32, #tpu.memory_space<vmem>>, vector<16xf32>,
          %parallel_loop3A_396 = arith.constant 2 : i32
          %parallel_loop3A_397 = arith.constant 0 : i32
          %parallel_loop3A_398 = tpu.memref_slice %arg5[%parallel_loop3A_396, %parallel_loop3A_397] : memref<16x1000xf32, #tpu.memory_space<vmem>> -> memref<1x1000xf32, #tpu.memory_space<vmem>>
          %parallel_loop3A_399 = tpu.memref_squeeze %parallel_loop3A_398 : memref<1x1000xf32, #tpu.memory_space<vmem>> -> memref<1000xf32, #tpu.memory_space<vmem>>
          %parallel_loop3A_400 = tpu.vector_load_idx %parallel_loop3A_399[%parallel_loop3A_371] : memref<1000xf32, #tpu.memory_space<vmem>>[vector<16xi32>], vector<16xf32>,
          %parallel_loop3A_401 = arith.constant 0 : i32
          %parallel_loop3A_402 = arith.constant 2 : i32
          %parallel_loop3A_403 = arith.index_cast %parallel_loop3A_401 : i32 to index
          %parallel_loop3A_404 = arith.index_cast %parallel_loop3A_347 : i32 to index
          %parallel_loop3A_405 = arith.index_cast %parallel_loop3A_402 : i32 to index
          %parallel_loop3A_406 = arith.index_cast %parallel_loop3A_365 : i32 to index
          %parallel_loop3A_407 = tpu.vector_load %arg9[%parallel_loop3A_403, %parallel_loop3A_404, %parallel_loop3A_405, %parallel_loop3A_406] {strides = array<i32>} : memref<2x16x8x128xf32, #tpu.memory_space<vmem>>, vector<16xf32>,
          tpu.vector_store %arg9[%parallel_loop3A_403, %parallel_loop3A_404, %parallel_loop3A_405, %parallel_loop3A_406], %parallel_loop3A_400 {strides = array<i32>} : memref<2x16x8x128xf32, #tpu.memory_space<vmem>>, vector<16xf32>,
          %parallel_loop3A_408 = arith.constant 3 : i32
          %parallel_loop3A_409 = arith.constant 0 : i32
          %parallel_loop3A_410 = tpu.memref_slice %arg5[%parallel_loop3A_408, %parallel_loop3A_409] : memref<16x1000xf32, #tpu.memory_space<vmem>> -> memref<1x1000xf32, #tpu.memory_space<vmem>>
          %parallel_loop3A_411 = tpu.memref_squeeze %parallel_loop3A_410 : memref<1x1000xf32, #tpu.memory_space<vmem>> -> memref<1000xf32, #tpu.memory_space<vmem>>
          %parallel_loop3A_412 = tpu.vector_load_idx %parallel_loop3A_411[%parallel_loop3A_371] : memref<1000xf32, #tpu.memory_space<vmem>>[vector<16xi32>], vector<16xf32>,
          %parallel_loop3A_413 = arith.constant 0 : i32
          %parallel_loop3A_414 = arith.constant 3 : i32
          %parallel_loop3A_415 = arith.index_cast %parallel_loop3A_413 : i32 to index
          %parallel_loop3A_416 = arith.index_cast %parallel_loop3A_347 : i32 to index
          %parallel_loop3A_417 = arith.index_cast %parallel_loop3A_414 : i32 to index
          %parallel_loop3A_418 = arith.index_cast %parallel_loop3A_365 : i32 to index
          %parallel_loop3A_419 = tpu.vector_load %arg9[%parallel_loop3A_415, %parallel_loop3A_416, %parallel_loop3A_417, %parallel_loop3A_418] {strides = array<i32>} : memref<2x16x8x128xf32, #tpu.memory_space<vmem>>, vector<16xf32>,
          tpu.vector_store %arg9[%parallel_loop3A_415, %parallel_loop3A_416, %parallel_loop3A_417, %parallel_loop3A_418], %parallel_loop3A_412 {strides = array<i32>} : memref<2x16x8x128xf32, #tpu.memory_space<vmem>>, vector<16xf32>,
          %parallel_loop3A_420 = arith.constant 4 : i32
          %parallel_loop3A_421 = arith.constant 0 : i32
          %parallel_loop3A_422 = tpu.memref_slice %arg5[%parallel_loop3A_420, %parallel_loop3A_421] : memref<16x1000xf32, #tpu.memory_space<vmem>> -> memref<1x1000xf32, #tpu.memory_space<vmem>>
          %parallel_loop3A_423 = tpu.memref_squeeze %parallel_loop3A_422 : memref<1x1000xf32, #tpu.memory_space<vmem>> -> memref<1000xf32, #tpu.memory_space<vmem>>
          %parallel_loop3A_424 = tpu.vector_load_idx %parallel_loop3A_423[%parallel_loop3A_371] : memref<1000xf32, #tpu.memory_space<vmem>>[vector<16xi32>], vector<16xf32>,
          %parallel_loop3A_425 = arith.constant 0 : i32
          %parallel_loop3A_426 = arith.constant 4 : i32
          %parallel_loop3A_427 = arith.index_cast %parallel_loop3A_425 : i32 to index
          %parallel_loop3A_428 = arith.index_cast %parallel_loop3A_347 : i32 to index
          %parallel_loop3A_429 = arith.index_cast %parallel_loop3A_426 : i32 to index
          %parallel_loop3A_430 = arith.index_cast %parallel_loop3A_365 : i32 to index
          %parallel_loop3A_431 = tpu.vector_load %arg9[%parallel_loop3A_427, %parallel_loop3A_428, %parallel_loop3A_429, %parallel_loop3A_430] {strides = array<i32>} : memref<2x16x8x128xf32, #tpu.memory_space<vmem>>, vector<16xf32>,
          tpu.vector_store %arg9[%parallel_loop3A_427, %parallel_loop3A_428, %parallel_loop3A_429, %parallel_loop3A_430], %parallel_loop3A_424 {strides = array<i32>} : memref<2x16x8x128xf32, #tpu.memory_space<vmem>>, vector<16xf32>,
          %parallel_loop3A_432 = arith.constant 5 : i32
          %parallel_loop3A_433 = arith.constant 0 : i32
          %parallel_loop3A_434 = tpu.memref_slice %arg5[%parallel_loop3A_432, %parallel_loop3A_433] : memref<16x1000xf32, #tpu.memory_space<vmem>> -> memref<1x1000xf32, #tpu.memory_space<vmem>>
          %parallel_loop3A_435 = tpu.memref_squeeze %parallel_loop3A_434 : memref<1x1000xf32, #tpu.memory_space<vmem>> -> memref<1000xf32, #tpu.memory_space<vmem>>
          %parallel_loop3A_436 = tpu.vector_load_idx %parallel_loop3A_435[%parallel_loop3A_371] : memref<1000xf32, #tpu.memory_space<vmem>>[vector<16xi32>], vector<16xf32>,
          %parallel_loop3A_437 = arith.constant 0 : i32
          %parallel_loop3A_438 = arith.constant 5 : i32
          %parallel_loop3A_439 = arith.index_cast %parallel_loop3A_437 : i32 to index
          %parallel_loop3A_440 = arith.index_cast %parallel_loop3A_347 : i32 to index
          %parallel_loop3A_441 = arith.index_cast %parallel_loop3A_438 : i32 to index
          %parallel_loop3A_442 = arith.index_cast %parallel_loop3A_365 : i32 to index
          %parallel_loop3A_443 = tpu.vector_load %arg9[%parallel_loop3A_439, %parallel_loop3A_440, %parallel_loop3A_441, %parallel_loop3A_442] {strides = array<i32>} : memref<2x16x8x128xf32, #tpu.memory_space<vmem>>, vector<16xf32>,
          tpu.vector_store %arg9[%parallel_loop3A_439, %parallel_loop3A_440, %parallel_loop3A_441, %parallel_loop3A_442], %parallel_loop3A_436 {strides = array<i32>} : memref<2x16x8x128xf32, #tpu.memory_space<vmem>>, vector<16xf32>,
          %parallel_loop3A_444 = arith.constant 6 : i32
          %parallel_loop3A_445 = arith.constant 0 : i32
          %parallel_loop3A_446 = tpu.memref_slice %arg5[%parallel_loop3A_444, %parallel_loop3A_445] : memref<16x1000xf32, #tpu.memory_space<vmem>> -> memref<1x1000xf32, #tpu.memory_space<vmem>>
          %parallel_loop3A_447 = tpu.memref_squeeze %parallel_loop3A_446 : memref<1x1000xf32, #tpu.memory_space<vmem>> -> memref<1000xf32, #tpu.memory_space<vmem>>
          %parallel_loop3A_448 = tpu.vector_load_idx %parallel_loop3A_447[%parallel_loop3A_371] : memref<1000xf32, #tpu.memory_space<vmem>>[vector<16xi32>], vector<16xf32>,
          %parallel_loop3A_449 = arith.constant 0 : i32
          %parallel_loop3A_450 = arith.constant 6 : i32
          %parallel_loop3A_451 = arith.index_cast %parallel_loop3A_449 : i32 to index
          %parallel_loop3A_452 = arith.index_cast %parallel_loop3A_347 : i32 to index
          %parallel_loop3A_453 = arith.index_cast %parallel_loop3A_450 : i32 to index
          %parallel_loop3A_454 = arith.index_cast %parallel_loop3A_365 : i32 to index
          %parallel_loop3A_455 = tpu.vector_load %arg9[%parallel_loop3A_451, %parallel_loop3A_452, %parallel_loop3A_453, %parallel_loop3A_454] {strides = array<i32>} : memref<2x16x8x128xf32, #tpu.memory_space<vmem>>, vector<16xf32>,
          tpu.vector_store %arg9[%parallel_loop3A_451, %parallel_loop3A_452, %parallel_loop3A_453, %parallel_loop3A_454], %parallel_loop3A_448 {strides = array<i32>} : memref<2x16x8x128xf32, #tpu.memory_space<vmem>>, vector<16xf32>,
          %parallel_loop3A_456 = arith.constant 7 : i32
          %parallel_loop3A_457 = arith.constant 0 : i32
          %parallel_loop3A_458 = tpu.memref_slice %arg5[%parallel_loop3A_456, %parallel_loop3A_457] : memref<16x1000xf32, #tpu.memory_space<vmem>> -> memref<1x1000xf32, #tpu.memory_space<vmem>>
          %parallel_loop3A_459 = tpu.memref_squeeze %parallel_loop3A_458 : memref<1x1000xf32, #tpu.memory_space<vmem>> -> memref<1000xf32, #tpu.memory_space<vmem>>
          %parallel_loop3A_460 = tpu.vector_load_idx %parallel_loop3A_459[%parallel_loop3A_371] : memref<1000xf32, #tpu.memory_space<vmem>>[vector<16xi32>], vector<16xf32>,
          %parallel_loop3A_461 = arith.constant 0 : i32
          %parallel_loop3A_462 = arith.constant 7 : i32
          %parallel_loop3A_463 = arith.index_cast %parallel_loop3A_461 : i32 to index
          %parallel_loop3A_464 = arith.index_cast %parallel_loop3A_347 : i32 to index
          %parallel_loop3A_465 = arith.index_cast %parallel_loop3A_462 : i32 to index
          %parallel_loop3A_466 = arith.index_cast %parallel_loop3A_365 : i32 to index
          %parallel_loop3A_467 = tpu.vector_load %arg9[%parallel_loop3A_463, %parallel_loop3A_464, %parallel_loop3A_465, %parallel_loop3A_466] {strides = array<i32>} : memref<2x16x8x128xf32, #tpu.memory_space<vmem>>, vector<16xf32>,
          tpu.vector_store %arg9[%parallel_loop3A_463, %parallel_loop3A_464, %parallel_loop3A_465, %parallel_loop3A_466], %parallel_loop3A_460 {strides = array<i32>} : memref<2x16x8x128xf32, #tpu.memory_space<vmem>>, vector<16xf32>,
          %parallel_loop3A_468 = arith.constant 8 : i32
          %parallel_loop3A_469 = arith.constant 0 : i32
          %parallel_loop3A_470 = tpu.memref_slice %arg5[%parallel_loop3A_468, %parallel_loop3A_469] : memref<16x1000xf32, #tpu.memory_space<vmem>> -> memref<1x1000xf32, #tpu.memory_space<vmem>>
          %parallel_loop3A_471 = tpu.memref_squeeze %parallel_loop3A_470 : memref<1x1000xf32, #tpu.memory_space<vmem>> -> memref<1000xf32, #tpu.memory_space<vmem>>
          %parallel_loop3A_472 = tpu.vector_load_idx %parallel_loop3A_471[%parallel_loop3A_371] : memref<1000xf32, #tpu.memory_space<vmem>>[vector<16xi32>], vector<16xf32>,
          %parallel_loop3A_473 = arith.constant 1 : i32
          %parallel_loop3A_474 = arith.constant 0 : i32
          %parallel_loop3A_475 = arith.index_cast %parallel_loop3A_473 : i32 to index
          %parallel_loop3A_476 = arith.index_cast %parallel_loop3A_347 : i32 to index
          %parallel_loop3A_477 = arith.index_cast %parallel_loop3A_474 : i32 to index
          %parallel_loop3A_478 = arith.index_cast %parallel_loop3A_365 : i32 to index
          %parallel_loop3A_479 = tpu.vector_load %arg9[%parallel_loop3A_475, %parallel_loop3A_476, %parallel_loop3A_477, %parallel_loop3A_478] {strides = array<i32>} : memref<2x16x8x128xf32, #tpu.memory_space<vmem>>, vector<16xf32>,
          tpu.vector_store %arg9[%parallel_loop3A_475, %parallel_loop3A_476, %parallel_loop3A_477, %parallel_loop3A_478], %parallel_loop3A_472 {strides = array<i32>} : memref<2x16x8x128xf32, #tpu.memory_space<vmem>>, vector<16xf32>,
          %parallel_loop3A_480 = arith.constant 9 : i32
          %parallel_loop3A_481 = arith.constant 0 : i32
          %parallel_loop3A_482 = tpu.memref_slice %arg5[%parallel_loop3A_480, %parallel_loop3A_481] : memref<16x1000xf32, #tpu.memory_space<vmem>> -> memref<1x1000xf32, #tpu.memory_space<vmem>>
          %parallel_loop3A_483 = tpu.memref_squeeze %parallel_loop3A_482 : memref<1x1000xf32, #tpu.memory_space<vmem>> -> memref<1000xf32, #tpu.memory_space<vmem>>
          %parallel_loop3A_484 = tpu.vector_load_idx %parallel_loop3A_483[%parallel_loop3A_371] : memref<1000xf32, #tpu.memory_space<vmem>>[vector<16xi32>], vector<16xf32>,
          %parallel_loop3A_485 = arith.constant 1 : i32
          %parallel_loop3A_486 = arith.constant 1 : i32
          %parallel_loop3A_487 = arith.index_cast %parallel_loop3A_485 : i32 to index
          %parallel_loop3A_488 = arith.index_cast %parallel_loop3A_347 : i32 to index
          %parallel_loop3A_489 = arith.index_cast %parallel_loop3A_486 : i32 to index
          %parallel_loop3A_490 = arith.index_cast %parallel_loop3A_365 : i32 to index
          %parallel_loop3A_491 = tpu.vector_load %arg9[%parallel_loop3A_487, %parallel_loop3A_488, %parallel_loop3A_489, %parallel_loop3A_490] {strides = array<i32>} : memref<2x16x8x128xf32, #tpu.memory_space<vmem>>, vector<16xf32>,
          tpu.vector_store %arg9[%parallel_loop3A_487, %parallel_loop3A_488, %parallel_loop3A_489, %parallel_loop3A_490], %parallel_loop3A_484 {strides = array<i32>} : memref<2x16x8x128xf32, #tpu.memory_space<vmem>>, vector<16xf32>,
          %parallel_loop3A_492 = arith.constant 10 : i32
          %parallel_loop3A_493 = arith.constant 0 : i32
          %parallel_loop3A_494 = tpu.memref_slice %arg5[%parallel_loop3A_492, %parallel_loop3A_493] : memref<16x1000xf32, #tpu.memory_space<vmem>> -> memref<1x1000xf32, #tpu.memory_space<vmem>>
          %parallel_loop3A_495 = tpu.memref_squeeze %parallel_loop3A_494 : memref<1x1000xf32, #tpu.memory_space<vmem>> -> memref<1000xf32, #tpu.memory_space<vmem>>
          %parallel_loop3A_496 = tpu.vector_load_idx %parallel_loop3A_495[%parallel_loop3A_371] : memref<1000xf32, #tpu.memory_space<vmem>>[vector<16xi32>], vector<16xf32>,
          %parallel_loop3A_497 = arith.constant 1 : i32
          %parallel_loop3A_498 = arith.constant 2 : i32
          %parallel_loop3A_499 = arith.index_cast %parallel_loop3A_497 : i32 to index
          %parallel_loop3A_500 = arith.index_cast %parallel_loop3A_347 : i32 to index
          %parallel_loop3A_501 = arith.index_cast %parallel_loop3A_498 : i32 to index
          %parallel_loop3A_502 = arith.index_cast %parallel_loop3A_365 : i32 to index
          %parallel_loop3A_503 = tpu.vector_load %arg9[%parallel_loop3A_499, %parallel_loop3A_500, %parallel_loop3A_501, %parallel_loop3A_502] {strides = array<i32>} : memref<2x16x8x128xf32, #tpu.memory_space<vmem>>, vector<16xf32>,
          tpu.vector_store %arg9[%parallel_loop3A_499, %parallel_loop3A_500, %parallel_loop3A_501, %parallel_loop3A_502], %parallel_loop3A_496 {strides = array<i32>} : memref<2x16x8x128xf32, #tpu.memory_space<vmem>>, vector<16xf32>,
          %parallel_loop3A_504 = arith.constant 11 : i32
          %parallel_loop3A_505 = arith.constant 0 : i32
          %parallel_loop3A_506 = tpu.memref_slice %arg5[%parallel_loop3A_504, %parallel_loop3A_505] : memref<16x1000xf32, #tpu.memory_space<vmem>> -> memref<1x1000xf32, #tpu.memory_space<vmem>>
          %parallel_loop3A_507 = tpu.memref_squeeze %parallel_loop3A_506 : memref<1x1000xf32, #tpu.memory_space<vmem>> -> memref<1000xf32, #tpu.memory_space<vmem>>
          %parallel_loop3A_508 = tpu.vector_load_idx %parallel_loop3A_507[%parallel_loop3A_371] : memref<1000xf32, #tpu.memory_space<vmem>>[vector<16xi32>], vector<16xf32>,
          %parallel_loop3A_509 = arith.constant 1 : i32
          %parallel_loop3A_510 = arith.constant 3 : i32
          %parallel_loop3A_511 = arith.index_cast %parallel_loop3A_509 : i32 to index
          %parallel_loop3A_512 = arith.index_cast %parallel_loop3A_347 : i32 to index
          %parallel_loop3A_513 = arith.index_cast %parallel_loop3A_510 : i32 to index
          %parallel_loop3A_514 = arith.index_cast %parallel_loop3A_365 : i32 to index
          %parallel_loop3A_515 = tpu.vector_load %arg9[%parallel_loop3A_511, %parallel_loop3A_512, %parallel_loop3A_513, %parallel_loop3A_514] {strides = array<i32>} : memref<2x16x8x128xf32, #tpu.memory_space<vmem>>, vector<16xf32>,
          tpu.vector_store %arg9[%parallel_loop3A_511, %parallel_loop3A_512, %parallel_loop3A_513, %parallel_loop3A_514], %parallel_loop3A_508 {strides = array<i32>} : memref<2x16x8x128xf32, #tpu.memory_space<vmem>>, vector<16xf32>,
          %parallel_loop3A_516 = arith.constant 12 : i32
          %parallel_loop3A_517 = arith.constant 0 : i32
          %parallel_loop3A_518 = tpu.memref_slice %arg5[%parallel_loop3A_516, %parallel_loop3A_517] : memref<16x1000xf32, #tpu.memory_space<vmem>> -> memref<1x1000xf32, #tpu.memory_space<vmem>>
          %parallel_loop3A_519 = tpu.memref_squeeze %parallel_loop3A_518 : memref<1x1000xf32, #tpu.memory_space<vmem>> -> memref<1000xf32, #tpu.memory_space<vmem>>
          %parallel_loop3A_520 = tpu.vector_load_idx %parallel_loop3A_519[%parallel_loop3A_371] : memref<1000xf32, #tpu.memory_space<vmem>>[vector<16xi32>], vector<16xf32>,
          %parallel_loop3A_521 = arith.constant 1 : i32
          %parallel_loop3A_522 = arith.constant 4 : i32
          %parallel_loop3A_523 = arith.index_cast %parallel_loop3A_521 : i32 to index
          %parallel_loop3A_524 = arith.index_cast %parallel_loop3A_347 : i32 to index
          %parallel_loop3A_525 = arith.index_cast %parallel_loop3A_522 : i32 to index
          %parallel_loop3A_526 = arith.index_cast %parallel_loop3A_365 : i32 to index
          %parallel_loop3A_527 = tpu.vector_load %arg9[%parallel_loop3A_523, %parallel_loop3A_524, %parallel_loop3A_525, %parallel_loop3A_526] {strides = array<i32>} : memref<2x16x8x128xf32, #tpu.memory_space<vmem>>, vector<16xf32>,
          tpu.vector_store %arg9[%parallel_loop3A_523, %parallel_loop3A_524, %parallel_loop3A_525, %parallel_loop3A_526], %parallel_loop3A_520 {strides = array<i32>} : memref<2x16x8x128xf32, #tpu.memory_space<vmem>>, vector<16xf32>,
          %parallel_loop3A_528 = arith.constant 13 : i32
          %parallel_loop3A_529 = arith.constant 0 : i32
          %parallel_loop3A_530 = tpu.memref_slice %arg5[%parallel_loop3A_528, %parallel_loop3A_529] : memref<16x1000xf32, #tpu.memory_space<vmem>> -> memref<1x1000xf32, #tpu.memory_space<vmem>>
          %parallel_loop3A_531 = tpu.memref_squeeze %parallel_loop3A_530 : memref<1x1000xf32, #tpu.memory_space<vmem>> -> memref<1000xf32, #tpu.memory_space<vmem>>
          %parallel_loop3A_532 = tpu.vector_load_idx %parallel_loop3A_531[%parallel_loop3A_371] : memref<1000xf32, #tpu.memory_space<vmem>>[vector<16xi32>], vector<16xf32>,
          %parallel_loop3A_533 = arith.constant 1 : i32
          %parallel_loop3A_534 = arith.constant 5 : i32
          %parallel_loop3A_535 = arith.index_cast %parallel_loop3A_533 : i32 to index
          %parallel_loop3A_536 = arith.index_cast %parallel_loop3A_347 : i32 to index
          %parallel_loop3A_537 = arith.index_cast %parallel_loop3A_534 : i32 to index
          %parallel_loop3A_538 = arith.index_cast %parallel_loop3A_365 : i32 to index
          %parallel_loop3A_539 = tpu.vector_load %arg9[%parallel_loop3A_535, %parallel_loop3A_536, %parallel_loop3A_537, %parallel_loop3A_538] {strides = array<i32>} : memref<2x16x8x128xf32, #tpu.memory_space<vmem>>, vector<16xf32>,
          tpu.vector_store %arg9[%parallel_loop3A_535, %parallel_loop3A_536, %parallel_loop3A_537, %parallel_loop3A_538], %parallel_loop3A_532 {strides = array<i32>} : memref<2x16x8x128xf32, #tpu.memory_space<vmem>>, vector<16xf32>,
          %parallel_loop3A_540 = arith.constant 14 : i32
          %parallel_loop3A_541 = arith.constant 0 : i32
          %parallel_loop3A_542 = tpu.memref_slice %arg5[%parallel_loop3A_540, %parallel_loop3A_541] : memref<16x1000xf32, #tpu.memory_space<vmem>> -> memref<1x1000xf32, #tpu.memory_space<vmem>>
          %parallel_loop3A_543 = tpu.memref_squeeze %parallel_loop3A_542 : memref<1x1000xf32, #tpu.memory_space<vmem>> -> memref<1000xf32, #tpu.memory_space<vmem>>
          %parallel_loop3A_544 = tpu.vector_load_idx %parallel_loop3A_543[%parallel_loop3A_371] : memref<1000xf32, #tpu.memory_space<vmem>>[vector<16xi32>], vector<16xf32>,
          %parallel_loop3A_545 = arith.constant 1 : i32
          %parallel_loop3A_546 = arith.constant 6 : i32
          %parallel_loop3A_547 = arith.index_cast %parallel_loop3A_545 : i32 to index
          %parallel_loop3A_548 = arith.index_cast %parallel_loop3A_347 : i32 to index
          %parallel_loop3A_549 = arith.index_cast %parallel_loop3A_546 : i32 to index
          %parallel_loop3A_550 = arith.index_cast %parallel_loop3A_365 : i32 to index
          %parallel_loop3A_551 = tpu.vector_load %arg9[%parallel_loop3A_547, %parallel_loop3A_548, %parallel_loop3A_549, %parallel_loop3A_550] {strides = array<i32>} : memref<2x16x8x128xf32, #tpu.memory_space<vmem>>, vector<16xf32>,
          tpu.vector_store %arg9[%parallel_loop3A_547, %parallel_loop3A_548, %parallel_loop3A_549, %parallel_loop3A_550], %parallel_loop3A_544 {strides = array<i32>} : memref<2x16x8x128xf32, #tpu.memory_space<vmem>>, vector<16xf32>,
          %parallel_loop3A_552 = arith.constant 15 : i32
          %parallel_loop3A_553 = arith.constant 0 : i32
          %parallel_loop3A_554 = tpu.memref_slice %arg5[%parallel_loop3A_552, %parallel_loop3A_553] : memref<16x1000xf32, #tpu.memory_space<vmem>> -> memref<1x1000xf32, #tpu.memory_space<vmem>>
          %parallel_loop3A_555 = tpu.memref_squeeze %parallel_loop3A_554 : memref<1x1000xf32, #tpu.memory_space<vmem>> -> memref<1000xf32, #tpu.memory_space<vmem>>
          %parallel_loop3A_556 = tpu.vector_load_idx %parallel_loop3A_555[%parallel_loop3A_371] : memref<1000xf32, #tpu.memory_space<vmem>>[vector<16xi32>], vector<16xf32>,
          %parallel_loop3A_557 = arith.constant 1 : i32
          %parallel_loop3A_558 = arith.constant 7 : i32
          %parallel_loop3A_559 = arith.index_cast %parallel_loop3A_557 : i32 to index
          %parallel_loop3A_560 = arith.index_cast %parallel_loop3A_347 : i32 to index
          %parallel_loop3A_561 = arith.index_cast %parallel_loop3A_558 : i32 to index
          %parallel_loop3A_562 = arith.index_cast %parallel_loop3A_365 : i32 to index
          %parallel_loop3A_563 = tpu.vector_load %arg9[%parallel_loop3A_559, %parallel_loop3A_560, %parallel_loop3A_561, %parallel_loop3A_562] {strides = array<i32>} : memref<2x16x8x128xf32, #tpu.memory_space<vmem>>, vector<16xf32>,
          tpu.vector_store %arg9[%parallel_loop3A_559, %parallel_loop3A_560, %parallel_loop3A_561, %parallel_loop3A_562], %parallel_loop3A_556 {strides = array<i32>} : memref<2x16x8x128xf32, #tpu.memory_space<vmem>>, vector<16xf32>,
        } {sc.loop_unroll_factor = 8 : i64, sc.parallel_access}
        %dma_wait3A_282 = arith.constant 0 : i32
        %dma_wait3A_283 = arith.constant 0 : i32
        %dma_wait3A_284 = arith.constant 0 : i32
        %dma_wait3A_285 = arith.constant 0 : i32
        %dma_wait3A_286 = arith.constant 0 : i32
        %dma_wait3A_287 = arith.constant 0 : i32
        %dma_wait3A_288 = tpu.memref_slice %arg4[%dma_wait3A_282, %dma_wait3A_283, %dma_wait3A_284, %dma_wait3A_285, %dma_wait3A_286, %dma_wait3A_287] : memref<26x25x2x32x8x128xf32, #tpu.memory_space<hbm>> -> memref<1x1x2x16x8x128xf32, #tpu.memory_space<hbm>>
        %dma_wait3A_289 = tpu.memref_squeeze %dma_wait3A_288 : memref<1x1x2x16x8x128xf32, #tpu.memory_space<hbm>> -> memref<2x16x8x128xf32, #tpu.memory_space<hbm>>
        %dma_wait3A_290 = arith.constant 0 : i32
        %dma_wait3A_291 = arith.constant 0 : i32
        %dma_wait3A_292 = arith.constant 0 : i32
        %dma_wait3A_293 = arith.constant 0 : i32
        %dma_wait3A_294 = tpu.memref_slice %arg4[%dma_wait3A_282, %dma_wait3A_283, %dma_wait3A_290, %dma_wait3A_291, %dma_wait3A_292, %dma_wait3A_293] : memref<26x25x2x32x8x128xf32, #tpu.memory_space<hbm>> -> memref<1x1x2x16x8x128xf32, #tpu.memory_space<hbm>>
        %dma_wait3A_295 = tpu.memref_squeeze %dma_wait3A_294 : memref<1x1x2x16x8x128xf32, #tpu.memory_space<hbm>> -> memref<2x16x8x128xf32, #tpu.memory_space<hbm>>
        tpu.wait_dma2 semaphore(%arg11 : memref<!tpu.dma_semaphore, #tpu.memory_space<semaphore_mem>>) src(%dma_wait3A_295 : memref<2x16x8x128xf32, #tpu.memory_space<hbm>>) dst(%arg10 : memref<2x16x8x128xf32, #tpu.memory_space<vmem>>)
        %dma_start3A_296 = arith.constant 0 : i32
        %dma_start3A_297 = arith.constant 0 : i32
        %dma_start3A_298 = arith.constant 0 : i32
        %dma_start3A_299 = arith.constant 0 : i32
        %dma_start3A_300 = tpu.memref_slice %arg4[%select_n3A_231, %select_n3A_247, %dma_start3A_296, %dma_start3A_297, %dma_start3A_298, %dma_start3A_299] : memref<26x25x2x32x8x128xf32, #tpu.memory_space<hbm>> -> memref<1x1x2x16x8x128xf32, #tpu.memory_space<hbm>>
        %dma_start3A_301 = tpu.memref_squeeze %dma_start3A_300 : memref<1x1x2x16x8x128xf32, #tpu.memory_space<hbm>> -> memref<2x16x8x128xf32, #tpu.memory_space<hbm>>
        %dma_start3A_302 = arith.constant 0 : i32
        %dma_start3A_303 = arith.constant 0 : i32
        %dma_start3A_304 = arith.constant 0 : i32
        %dma_start3A_305 = arith.constant 0 : i32
        %dma_start3A_306 = tpu.memref_slice %arg4[%select_n3A_231, %select_n3A_247, %dma_start3A_302, %dma_start3A_303, %dma_start3A_304, %dma_start3A_305] : memref<26x25x2x32x8x128xf32, #tpu.memory_space<hbm>> -> memref<1x1x2x16x8x128xf32, #tpu.memory_space<hbm>>
        %dma_start3A_307 = tpu.memref_squeeze %dma_start3A_306 : memref<1x1x2x16x8x128xf32, #tpu.memory_space<hbm>> -> memref<2x16x8x128xf32, #tpu.memory_space<hbm>>
        tpu.enqueue_dma source(%arg9 : memref<2x16x8x128xf32, #tpu.memory_space<vmem>>) target(%dma_start3A_307 : memref<2x16x8x128xf32, #tpu.memory_space<hbm>>) target_semaphore(%arg11 : memref<!tpu.dma_semaphore, #tpu.memory_space<semaphore_mem>>)
        %parallel_loop3A_308 = arith.constant 0 : i32
        %parallel_loop3A_309 = arith.constant 128 : i32
        %parallel_loop3A_310 = arith.constant 1 : i32
        scf.for %parallel_loop3A_323 = %parallel_loop3A_308 to %parallel_loop3A_309 step %parallel_loop3A_310  : i32 {
          %parallel_loop3A_324 = arith.constant 8 : i32
          %parallel_loop3A_325 = arith.divsi %parallel_loop3A_323, %parallel_loop3A_324 : i32
          %parallel_loop3A_326 = arith.constant 0 : i32
          %parallel_loop3A_327 = arith.cmpi sgt, %parallel_loop3A_323, %parallel_loop3A_326 : i32
          %parallel_loop3A_328 = arith.extui %parallel_loop3A_327 : i1 to i32
          %parallel_loop3A_329 = arith.constant 0 : i32
          %parallel_loop3A_330 = arith.cmpi slt, %parallel_loop3A_323, %parallel_loop3A_329 : i32
          %parallel_loop3A_331 = arith.extui %parallel_loop3A_330 : i1 to i32
          %parallel_loop3A_332 = arith.subi %parallel_loop3A_328, %parallel_loop3A_331 : i32
          %parallel_loop3A_333 = arith.constant 0 : i32
          %parallel_loop3A_334 = arith.cmpi sgt, %parallel_loop3A_324, %parallel_loop3A_333 : i32
          %parallel_loop3A_335 = arith.extui %parallel_loop3A_334 : i1 to i32
          %parallel_loop3A_336 = arith.constant 0 : i32
          %parallel_loop3A_337 = arith.cmpi slt, %parallel_loop3A_324, %parallel_loop3A_336 : i32
          %parallel_loop3A_338 = arith.extui %parallel_loop3A_337 : i1 to i32
          %parallel_loop3A_339 = arith.subi %parallel_loop3A_335, %parallel_loop3A_338 : i32
          %parallel_loop3A_340 = arith.cmpi ne, %parallel_loop3A_332, %parallel_loop3A_339 : i32
          %parallel_loop3A_341 = arith.remsi %parallel_loop3A_323, %parallel_loop3A_324 : i32
          %parallel_loop3A_342 = arith.constant 0 : i32
          %parallel_loop3A_343 = arith.cmpi ne, %parallel_loop3A_341, %parallel_loop3A_342 : i32
          %parallel_loop3A_344 = arith.andi %parallel_loop3A_340, %parallel_loop3A_343 : i1
          %parallel_loop3A_345 = arith.constant 1 : i32
          %parallel_loop3A_346 = arith.subi %parallel_loop3A_325, %parallel_loop3A_345 : i32
          %parallel_loop3A_347 = arith.select %parallel_loop3A_344, %parallel_loop3A_346, %parallel_loop3A_325 : i32
          %parallel_loop3A_348 = arith.constant 8 : i32
          %parallel_loop3A_349 = arith.constant 0 : i32
          %parallel_loop3A_350 = arith.cmpi eq, %parallel_loop3A_348, %parallel_loop3A_349 : i32
          %parallel_loop3A_351 = arith.constant 1 : i32
          %parallel_loop3A_352 = arith.select %parallel_loop3A_350, %parallel_loop3A_351, %parallel_loop3A_348 : i32
          %parallel_loop3A_353 = arith.remsi %parallel_loop3A_323, %parallel_loop3A_352 : i32
          %parallel_loop3A_354 = arith.constant 0 : i32
          %parallel_loop3A_355 = arith.cmpi ne, %parallel_loop3A_353, %parallel_loop3A_354 : i32
          %parallel_loop3A_356 = arith.constant 0 : i32
          %parallel_loop3A_357 = arith.cmpi slt, %parallel_loop3A_353, %parallel_loop3A_356 : i32
          %parallel_loop3A_358 = arith.constant 0 : i32
          %parallel_loop3A_359 = arith.cmpi slt, %parallel_loop3A_352, %parallel_loop3A_358 : i32
          %parallel_loop3A_360 = arith.xori %parallel_loop3A_357, %parallel_loop3A_359 : i1
          %parallel_loop3A_361 = arith.andi %parallel_loop3A_360, %parallel_loop3A_355 : i1
          %parallel_loop3A_362 = arith.addi %parallel_loop3A_353, %parallel_loop3A_352 : i32
          %parallel_loop3A_363 = arith.select %parallel_loop3A_361, %parallel_loop3A_362, %parallel_loop3A_353 : i32
          %parallel_loop3A_364 = arith.constant 16 : i32
          %parallel_loop3A_365 = arith.muli %parallel_loop3A_363, %parallel_loop3A_364 : i32
          %parallel_loop3A_366 = arith.constant 16 : i32
          %parallel_loop3A_367 = arith.muli %parallel_loop3A_323, %parallel_loop3A_366 : i32
          %parallel_loop3A_368 = arith.constant 2048 : i32
          %parallel_loop3A_369 = arith.addi %parallel_loop3A_368, %parallel_loop3A_367 : i32
          %parallel_loop3A_370 = arith.index_cast %parallel_loop3A_369 : i32 to index
          %parallel_loop3A_371 = tpu.vector_load %arg7[%parallel_loop3A_370] {strides = array<i32>} : memref<4096xi32, #tpu.memory_space<vmem>>, vector<16xi32>,
          %parallel_loop3A_372 = arith.constant 0 : i32
          %parallel_loop3A_373 = arith.constant 0 : i32
          %parallel_loop3A_374 = tpu.memref_slice %arg5[%parallel_loop3A_372, %parallel_loop3A_373] : memref<16x1000xf32, #tpu.memory_space<vmem>> -> memref<1x1000xf32, #tpu.memory_space<vmem>>
          %parallel_loop3A_375 = tpu.memref_squeeze %parallel_loop3A_374 : memref<1x1000xf32, #tpu.memory_space<vmem>> -> memref<1000xf32, #tpu.memory_space<vmem>>
          %parallel_loop3A_376 = tpu.vector_load_idx %parallel_loop3A_375[%parallel_loop3A_371] : memref<1000xf32, #tpu.memory_space<vmem>>[vector<16xi32>], vector<16xf32>,
          %parallel_loop3A_377 = arith.constant 0 : i32
          %parallel_loop3A_378 = arith.constant 0 : i32
          %parallel_loop3A_379 = arith.index_cast %parallel_loop3A_377 : i32 to index
          %parallel_loop3A_380 = arith.index_cast %parallel_loop3A_347 : i32 to index
          %parallel_loop3A_381 = arith.index_cast %parallel_loop3A_378 : i32 to index
          %parallel_loop3A_382 = arith.index_cast %parallel_loop3A_365 : i32 to index
          %parallel_loop3A_383 = tpu.vector_load %arg10[%parallel_loop3A_379, %parallel_loop3A_380, %parallel_loop3A_381, %parallel_loop3A_382] {strides = array<i32>} : memref<2x16x8x128xf32, #tpu.memory_space<vmem>>, vector<16xf32>,
          tpu.vector_store %arg10[%parallel_loop3A_379, %parallel_loop3A_380, %parallel_loop3A_381, %parallel_loop3A_382], %parallel_loop3A_376 {strides = array<i32>} : memref<2x16x8x128xf32, #tpu.memory_space<vmem>>, vector<16xf32>,
          %parallel_loop3A_384 = arith.constant 1 : i32
          %parallel_loop3A_385 = arith.constant 0 : i32
          %parallel_loop3A_386 = tpu.memref_slice %arg5[%parallel_loop3A_384, %parallel_loop3A_385] : memref<16x1000xf32, #tpu.memory_space<vmem>> -> memref<1x1000xf32, #tpu.memory_space<vmem>>
          %parallel_loop3A_387 = tpu.memref_squeeze %parallel_loop3A_386 : memref<1x1000xf32, #tpu.memory_space<vmem>> -> memref<1000xf32, #tpu.memory_space<vmem>>
          %parallel_loop3A_388 = tpu.vector_load_idx %parallel_loop3A_387[%parallel_loop3A_371] : memref<1000xf32, #tpu.memory_space<vmem>>[vector<16xi32>], vector<16xf32>,
          %parallel_loop3A_389 = arith.constant 0 : i32
          %parallel_loop3A_390 = arith.constant 1 : i32
          %parallel_loop3A_391 = arith.index_cast %parallel_loop3A_389 : i32 to index
          %parallel_loop3A_392 = arith.index_cast %parallel_loop3A_347 : i32 to index
          %parallel_loop3A_393 = arith.index_cast %parallel_loop3A_390 : i32 to index
          %parallel_loop3A_394 = arith.index_cast %parallel_loop3A_365 : i32 to index
          %parallel_loop3A_395 = tpu.vector_load %arg10[%parallel_loop3A_391, %parallel_loop3A_392, %parallel_loop3A_393, %parallel_loop3A_394] {strides = array<i32>} : memref<2x16x8x128xf32, #tpu.memory_space<vmem>>, vector<16xf32>,
          tpu.vector_store %arg10[%parallel_loop3A_391, %parallel_loop3A_392, %parallel_loop3A_393, %parallel_loop3A_394], %parallel_loop3A_388 {strides = array<i32>} : memref<2x16x8x128xf32, #tpu.memory_space<vmem>>, vector<16xf32>,
          %parallel_loop3A_396 = arith.constant 2 : i32
          %parallel_loop3A_397 = arith.constant 0 : i32
          %parallel_loop3A_398 = tpu.memref_slice %arg5[%parallel_loop3A_396, %parallel_loop3A_397] : memref<16x1000xf32, #tpu.memory_space<vmem>> -> memref<1x1000xf32, #tpu.memory_space<vmem>>
          %parallel_loop3A_399 = tpu.memref_squeeze %parallel_loop3A_398 : memref<1x1000xf32, #tpu.memory_space<vmem>> -> memref<1000xf32, #tpu.memory_space<vmem>>
          %parallel_loop3A_400 = tpu.vector_load_idx %parallel_loop3A_399[%parallel_loop3A_371] : memref<1000xf32, #tpu.memory_space<vmem>>[vector<16xi32>], vector<16xf32>,
          %parallel_loop3A_401 = arith.constant 0 : i32
          %parallel_loop3A_402 = arith.constant 2 : i32
          %parallel_loop3A_403 = arith.index_cast %parallel_loop3A_401 : i32 to index
          %parallel_loop3A_404 = arith.index_cast %parallel_loop3A_347 : i32 to index
          %parallel_loop3A_405 = arith.index_cast %parallel_loop3A_402 : i32 to index
          %parallel_loop3A_406 = arith.index_cast %parallel_loop3A_365 : i32 to index
          %parallel_loop3A_407 = tpu.vector_load %arg10[%parallel_loop3A_403, %parallel_loop3A_404, %parallel_loop3A_405, %parallel_loop3A_406] {strides = array<i32>} : memref<2x16x8x128xf32, #tpu.memory_space<vmem>>, vector<16xf32>,
          tpu.vector_store %arg10[%parallel_loop3A_403, %parallel_loop3A_404, %parallel_loop3A_405, %parallel_loop3A_406], %parallel_loop3A_400 {strides = array<i32>} : memref<2x16x8x128xf32, #tpu.memory_space<vmem>>, vector<16xf32>,
          %parallel_loop3A_408 = arith.constant 3 : i32
          %parallel_loop3A_409 = arith.constant 0 : i32
          %parallel_loop3A_410 = tpu.memref_slice %arg5[%parallel_loop3A_408, %parallel_loop3A_409] : memref<16x1000xf32, #tpu.memory_space<vmem>> -> memref<1x1000xf32, #tpu.memory_space<vmem>>
          %parallel_loop3A_411 = tpu.memref_squeeze %parallel_loop3A_410 : memref<1x1000xf32, #tpu.memory_space<vmem>> -> memref<1000xf32, #tpu.memory_space<vmem>>
          %parallel_loop3A_412 = tpu.vector_load_idx %parallel_loop3A_411[%parallel_loop3A_371] : memref<1000xf32, #tpu.memory_space<vmem>>[vector<16xi32>], vector<16xf32>,
          %parallel_loop3A_413 = arith.constant 0 : i32
          %parallel_loop3A_414 = arith.constant 3 : i32
          %parallel_loop3A_415 = arith.index_cast %parallel_loop3A_413 : i32 to index
          %parallel_loop3A_416 = arith.index_cast %parallel_loop3A_347 : i32 to index
          %parallel_loop3A_417 = arith.index_cast %parallel_loop3A_414 : i32 to index
          %parallel_loop3A_418 = arith.index_cast %parallel_loop3A_365 : i32 to index
          %parallel_loop3A_419 = tpu.vector_load %arg10[%parallel_loop3A_415, %parallel_loop3A_416, %parallel_loop3A_417, %parallel_loop3A_418] {strides = array<i32>} : memref<2x16x8x128xf32, #tpu.memory_space<vmem>>, vector<16xf32>,
          tpu.vector_store %arg10[%parallel_loop3A_415, %parallel_loop3A_416, %parallel_loop3A_417, %parallel_loop3A_418], %parallel_loop3A_412 {strides = array<i32>} : memref<2x16x8x128xf32, #tpu.memory_space<vmem>>, vector<16xf32>,
          %parallel_loop3A_420 = arith.constant 4 : i32
          %parallel_loop3A_421 = arith.constant 0 : i32
          %parallel_loop3A_422 = tpu.memref_slice %arg5[%parallel_loop3A_420, %parallel_loop3A_421] : memref<16x1000xf32, #tpu.memory_space<vmem>> -> memref<1x1000xf32, #tpu.memory_space<vmem>>
          %parallel_loop3A_423 = tpu.memref_squeeze %parallel_loop3A_422 : memref<1x1000xf32, #tpu.memory_space<vmem>> -> memref<1000xf32, #tpu.memory_space<vmem>>
          %parallel_loop3A_424 = tpu.vector_load_idx %parallel_loop3A_423[%parallel_loop3A_371] : memref<1000xf32, #tpu.memory_space<vmem>>[vector<16xi32>], vector<16xf32>,
          %parallel_loop3A_425 = arith.constant 0 : i32
          %parallel_loop3A_426 = arith.constant 4 : i32
          %parallel_loop3A_427 = arith.index_cast %parallel_loop3A_425 : i32 to index
          %parallel_loop3A_428 = arith.index_cast %parallel_loop3A_347 : i32 to index
          %parallel_loop3A_429 = arith.index_cast %parallel_loop3A_426 : i32 to index
          %parallel_loop3A_430 = arith.index_cast %parallel_loop3A_365 : i32 to index
          %parallel_loop3A_431 = tpu.vector_load %arg10[%parallel_loop3A_427, %parallel_loop3A_428, %parallel_loop3A_429, %parallel_loop3A_430] {strides = array<i32>} : memref<2x16x8x128xf32, #tpu.memory_space<vmem>>, vector<16xf32>,
          tpu.vector_store %arg10[%parallel_loop3A_427, %parallel_loop3A_428, %parallel_loop3A_429, %parallel_loop3A_430], %parallel_loop3A_424 {strides = array<i32>} : memref<2x16x8x128xf32, #tpu.memory_space<vmem>>, vector<16xf32>,
          %parallel_loop3A_432 = arith.constant 5 : i32
          %parallel_loop3A_433 = arith.constant 0 : i32
          %parallel_loop3A_434 = tpu.memref_slice %arg5[%parallel_loop3A_432, %parallel_loop3A_433] : memref<16x1000xf32, #tpu.memory_space<vmem>> -> memref<1x1000xf32, #tpu.memory_space<vmem>>
          %parallel_loop3A_435 = tpu.memref_squeeze %parallel_loop3A_434 : memref<1x1000xf32, #tpu.memory_space<vmem>> -> memref<1000xf32, #tpu.memory_space<vmem>>
          %parallel_loop3A_436 = tpu.vector_load_idx %parallel_loop3A_435[%parallel_loop3A_371] : memref<1000xf32, #tpu.memory_space<vmem>>[vector<16xi32>], vector<16xf32>,
          %parallel_loop3A_437 = arith.constant 0 : i32
          %parallel_loop3A_438 = arith.constant 5 : i32
          %parallel_loop3A_439 = arith.index_cast %parallel_loop3A_437 : i32 to index
          %parallel_loop3A_440 = arith.index_cast %parallel_loop3A_347 : i32 to index
          %parallel_loop3A_441 = arith.index_cast %parallel_loop3A_438 : i32 to index
          %parallel_loop3A_442 = arith.index_cast %parallel_loop3A_365 : i32 to index
          %parallel_loop3A_443 = tpu.vector_load %arg10[%parallel_loop3A_439, %parallel_loop3A_440, %parallel_loop3A_441, %parallel_loop3A_442] {strides = array<i32>} : memref<2x16x8x128xf32, #tpu.memory_space<vmem>>, vector<16xf32>,
          tpu.vector_store %arg10[%parallel_loop3A_439, %parallel_loop3A_440, %parallel_loop3A_441, %parallel_loop3A_442], %parallel_loop3A_436 {strides = array<i32>} : memref<2x16x8x128xf32, #tpu.memory_space<vmem>>, vector<16xf32>,
          %parallel_loop3A_444 = arith.constant 6 : i32
          %parallel_loop3A_445 = arith.constant 0 : i32
          %parallel_loop3A_446 = tpu.memref_slice %arg5[%parallel_loop3A_444, %parallel_loop3A_445] : memref<16x1000xf32, #tpu.memory_space<vmem>> -> memref<1x1000xf32, #tpu.memory_space<vmem>>
          %parallel_loop3A_447 = tpu.memref_squeeze %parallel_loop3A_446 : memref<1x1000xf32, #tpu.memory_space<vmem>> -> memref<1000xf32, #tpu.memory_space<vmem>>
          %parallel_loop3A_448 = tpu.vector_load_idx %parallel_loop3A_447[%parallel_loop3A_371] : memref<1000xf32, #tpu.memory_space<vmem>>[vector<16xi32>], vector<16xf32>,
          %parallel_loop3A_449 = arith.constant 0 : i32
          %parallel_loop3A_450 = arith.constant 6 : i32
          %parallel_loop3A_451 = arith.index_cast %parallel_loop3A_449 : i32 to index
          %parallel_loop3A_452 = arith.index_cast %parallel_loop3A_347 : i32 to index
          %parallel_loop3A_453 = arith.index_cast %parallel_loop3A_450 : i32 to index
          %parallel_loop3A_454 = arith.index_cast %parallel_loop3A_365 : i32 to index
          %parallel_loop3A_455 = tpu.vector_load %arg10[%parallel_loop3A_451, %parallel_loop3A_452, %parallel_loop3A_453, %parallel_loop3A_454] {strides = array<i32>} : memref<2x16x8x128xf32, #tpu.memory_space<vmem>>, vector<16xf32>,
          tpu.vector_store %arg10[%parallel_loop3A_451, %parallel_loop3A_452, %parallel_loop3A_453, %parallel_loop3A_454], %parallel_loop3A_448 {strides = array<i32>} : memref<2x16x8x128xf32, #tpu.memory_space<vmem>>, vector<16xf32>,
          %parallel_loop3A_456 = arith.constant 7 : i32
          %parallel_loop3A_457 = arith.constant 0 : i32
          %parallel_loop3A_458 = tpu.memref_slice %arg5[%parallel_loop3A_456, %parallel_loop3A_457] : memref<16x1000xf32, #tpu.memory_space<vmem>> -> memref<1x1000xf32, #tpu.memory_space<vmem>>
          %parallel_loop3A_459 = tpu.memref_squeeze %parallel_loop3A_458 : memref<1x1000xf32, #tpu.memory_space<vmem>> -> memref<1000xf32, #tpu.memory_space<vmem>>
          %parallel_loop3A_460 = tpu.vector_load_idx %parallel_loop3A_459[%parallel_loop3A_371] : memref<1000xf32, #tpu.memory_space<vmem>>[vector<16xi32>], vector<16xf32>,
          %parallel_loop3A_461 = arith.constant 0 : i32
          %parallel_loop3A_462 = arith.constant 7 : i32
          %parallel_loop3A_463 = arith.index_cast %parallel_loop3A_461 : i32 to index
          %parallel_loop3A_464 = arith.index_cast %parallel_loop3A_347 : i32 to index
          %parallel_loop3A_465 = arith.index_cast %parallel_loop3A_462 : i32 to index
          %parallel_loop3A_466 = arith.index_cast %parallel_loop3A_365 : i32 to index
          %parallel_loop3A_467 = tpu.vector_load %arg10[%parallel_loop3A_463, %parallel_loop3A_464, %parallel_loop3A_465, %parallel_loop3A_466] {strides = array<i32>} : memref<2x16x8x128xf32, #tpu.memory_space<vmem>>, vector<16xf32>,
          tpu.vector_store %arg10[%parallel_loop3A_463, %parallel_loop3A_464, %parallel_loop3A_465, %parallel_loop3A_466], %parallel_loop3A_460 {strides = array<i32>} : memref<2x16x8x128xf32, #tpu.memory_space<vmem>>, vector<16xf32>,
          %parallel_loop3A_468 = arith.constant 8 : i32
          %parallel_loop3A_469 = arith.constant 0 : i32
          %parallel_loop3A_470 = tpu.memref_slice %arg5[%parallel_loop3A_468, %parallel_loop3A_469] : memref<16x1000xf32, #tpu.memory_space<vmem>> -> memref<1x1000xf32, #tpu.memory_space<vmem>>
          %parallel_loop3A_471 = tpu.memref_squeeze %parallel_loop3A_470 : memref<1x1000xf32, #tpu.memory_space<vmem>> -> memref<1000xf32, #tpu.memory_space<vmem>>
          %parallel_loop3A_472 = tpu.vector_load_idx %parallel_loop3A_471[%parallel_loop3A_371] : memref<1000xf32, #tpu.memory_space<vmem>>[vector<16xi32>], vector<16xf32>,
          %parallel_loop3A_473 = arith.constant 1 : i32
          %parallel_loop3A_474 = arith.constant 0 : i32
          %parallel_loop3A_475 = arith.index_cast %parallel_loop3A_473 : i32 to index
          %parallel_loop3A_476 = arith.index_cast %parallel_loop3A_347 : i32 to index
          %parallel_loop3A_477 = arith.index_cast %parallel_loop3A_474 : i32 to index
          %parallel_loop3A_478 = arith.index_cast %parallel_loop3A_365 : i32 to index
          %parallel_loop3A_479 = tpu.vector_load %arg10[%parallel_loop3A_475, %parallel_loop3A_476, %parallel_loop3A_477, %parallel_loop3A_478] {strides = array<i32>} : memref<2x16x8x128xf32, #tpu.memory_space<vmem>>, vector<16xf32>,
          tpu.vector_store %arg10[%parallel_loop3A_475, %parallel_loop3A_476, %parallel_loop3A_477, %parallel_loop3A_478], %parallel_loop3A_472 {strides = array<i32>} : memref<2x16x8x128xf32, #tpu.memory_space<vmem>>, vector<16xf32>,
          %parallel_loop3A_480 = arith.constant 9 : i32
          %parallel_loop3A_481 = arith.constant 0 : i32
          %parallel_loop3A_482 = tpu.memref_slice %arg5[%parallel_loop3A_480, %parallel_loop3A_481] : memref<16x1000xf32, #tpu.memory_space<vmem>> -> memref<1x1000xf32, #tpu.memory_space<vmem>>
          %parallel_loop3A_483 = tpu.memref_squeeze %parallel_loop3A_482 : memref<1x1000xf32, #tpu.memory_space<vmem>> -> memref<1000xf32, #tpu.memory_space<vmem>>
          %parallel_loop3A_484 = tpu.vector_load_idx %parallel_loop3A_483[%parallel_loop3A_371] : memref<1000xf32, #tpu.memory_space<vmem>>[vector<16xi32>], vector<16xf32>,
          %parallel_loop3A_485 = arith.constant 1 : i32
          %parallel_loop3A_486 = arith.constant 1 : i32
          %parallel_loop3A_487 = arith.index_cast %parallel_loop3A_485 : i32 to index
          %parallel_loop3A_488 = arith.index_cast %parallel_loop3A_347 : i32 to index
          %parallel_loop3A_489 = arith.index_cast %parallel_loop3A_486 : i32 to index
          %parallel_loop3A_490 = arith.index_cast %parallel_loop3A_365 : i32 to index
          %parallel_loop3A_491 = tpu.vector_load %arg10[%parallel_loop3A_487, %parallel_loop3A_488, %parallel_loop3A_489, %parallel_loop3A_490] {strides = array<i32>} : memref<2x16x8x128xf32, #tpu.memory_space<vmem>>, vector<16xf32>,
          tpu.vector_store %arg10[%parallel_loop3A_487, %parallel_loop3A_488, %parallel_loop3A_489, %parallel_loop3A_490], %parallel_loop3A_484 {strides = array<i32>} : memref<2x16x8x128xf32, #tpu.memory_space<vmem>>, vector<16xf32>,
          %parallel_loop3A_492 = arith.constant 10 : i32
          %parallel_loop3A_493 = arith.constant 0 : i32
          %parallel_loop3A_494 = tpu.memref_slice %arg5[%parallel_loop3A_492, %parallel_loop3A_493] : memref<16x1000xf32, #tpu.memory_space<vmem>> -> memref<1x1000xf32, #tpu.memory_space<vmem>>
          %parallel_loop3A_495 = tpu.memref_squeeze %parallel_loop3A_494 : memref<1x1000xf32, #tpu.memory_space<vmem>> -> memref<1000xf32, #tpu.memory_space<vmem>>
          %parallel_loop3A_496 = tpu.vector_load_idx %parallel_loop3A_495[%parallel_loop3A_371] : memref<1000xf32, #tpu.memory_space<vmem>>[vector<16xi32>], vector<16xf32>,
          %parallel_loop3A_497 = arith.constant 1 : i32
          %parallel_loop3A_498 = arith.constant 2 : i32
          %parallel_loop3A_499 = arith.index_cast %parallel_loop3A_497 : i32 to index
          %parallel_loop3A_500 = arith.index_cast %parallel_loop3A_347 : i32 to index
          %parallel_loop3A_501 = arith.index_cast %parallel_loop3A_498 : i32 to index
          %parallel_loop3A_502 = arith.index_cast %parallel_loop3A_365 : i32 to index
          %parallel_loop3A_503 = tpu.vector_load %arg10[%parallel_loop3A_499, %parallel_loop3A_500, %parallel_loop3A_501, %parallel_loop3A_502] {strides = array<i32>} : memref<2x16x8x128xf32, #tpu.memory_space<vmem>>, vector<16xf32>,
          tpu.vector_store %arg10[%parallel_loop3A_499, %parallel_loop3A_500, %parallel_loop3A_501, %parallel_loop3A_502], %parallel_loop3A_496 {strides = array<i32>} : memref<2x16x8x128xf32, #tpu.memory_space<vmem>>, vector<16xf32>,
          %parallel_loop3A_504 = arith.constant 11 : i32
          %parallel_loop3A_505 = arith.constant 0 : i32
          %parallel_loop3A_506 = tpu.memref_slice %arg5[%parallel_loop3A_504, %parallel_loop3A_505] : memref<16x1000xf32, #tpu.memory_space<vmem>> -> memref<1x1000xf32, #tpu.memory_space<vmem>>
          %parallel_loop3A_507 = tpu.memref_squeeze %parallel_loop3A_506 : memref<1x1000xf32, #tpu.memory_space<vmem>> -> memref<1000xf32, #tpu.memory_space<vmem>>
          %parallel_loop3A_508 = tpu.vector_load_idx %parallel_loop3A_507[%parallel_loop3A_371] : memref<1000xf32, #tpu.memory_space<vmem>>[vector<16xi32>], vector<16xf32>,
          %parallel_loop3A_509 = arith.constant 1 : i32
          %parallel_loop3A_510 = arith.constant 3 : i32
          %parallel_loop3A_511 = arith.index_cast %parallel_loop3A_509 : i32 to index
          %parallel_loop3A_512 = arith.index_cast %parallel_loop3A_347 : i32 to index
          %parallel_loop3A_513 = arith.index_cast %parallel_loop3A_510 : i32 to index
          %parallel_loop3A_514 = arith.index_cast %parallel_loop3A_365 : i32 to index
          %parallel_loop3A_515 = tpu.vector_load %arg10[%parallel_loop3A_511, %parallel_loop3A_512, %parallel_loop3A_513, %parallel_loop3A_514] {strides = array<i32>} : memref<2x16x8x128xf32, #tpu.memory_space<vmem>>, vector<16xf32>,
          tpu.vector_store %arg10[%parallel_loop3A_511, %parallel_loop3A_512, %parallel_loop3A_513, %parallel_loop3A_514], %parallel_loop3A_508 {strides = array<i32>} : memref<2x16x8x128xf32, #tpu.memory_space<vmem>>, vector<16xf32>,
          %parallel_loop3A_516 = arith.constant 12 : i32
          %parallel_loop3A_517 = arith.constant 0 : i32
          %parallel_loop3A_518 = tpu.memref_slice %arg5[%parallel_loop3A_516, %parallel_loop3A_517] : memref<16x1000xf32, #tpu.memory_space<vmem>> -> memref<1x1000xf32, #tpu.memory_space<vmem>>
          %parallel_loop3A_519 = tpu.memref_squeeze %parallel_loop3A_518 : memref<1x1000xf32, #tpu.memory_space<vmem>> -> memref<1000xf32, #tpu.memory_space<vmem>>
          %parallel_loop3A_520 = tpu.vector_load_idx %parallel_loop3A_519[%parallel_loop3A_371] : memref<1000xf32, #tpu.memory_space<vmem>>[vector<16xi32>], vector<16xf32>,
          %parallel_loop3A_521 = arith.constant 1 : i32
          %parallel_loop3A_522 = arith.constant 4 : i32
          %parallel_loop3A_523 = arith.index_cast %parallel_loop3A_521 : i32 to index
          %parallel_loop3A_524 = arith.index_cast %parallel_loop3A_347 : i32 to index
          %parallel_loop3A_525 = arith.index_cast %parallel_loop3A_522 : i32 to index
          %parallel_loop3A_526 = arith.index_cast %parallel_loop3A_365 : i32 to index
          %parallel_loop3A_527 = tpu.vector_load %arg10[%parallel_loop3A_523, %parallel_loop3A_524, %parallel_loop3A_525, %parallel_loop3A_526] {strides = array<i32>} : memref<2x16x8x128xf32, #tpu.memory_space<vmem>>, vector<16xf32>,
          tpu.vector_store %arg10[%parallel_loop3A_523, %parallel_loop3A_524, %parallel_loop3A_525, %parallel_loop3A_526], %parallel_loop3A_520 {strides = array<i32>} : memref<2x16x8x128xf32, #tpu.memory_space<vmem>>, vector<16xf32>,
          %parallel_loop3A_528 = arith.constant 13 : i32
          %parallel_loop3A_529 = arith.constant 0 : i32
          %parallel_loop3A_530 = tpu.memref_slice %arg5[%parallel_loop3A_528, %parallel_loop3A_529] : memref<16x1000xf32, #tpu.memory_space<vmem>> -> memref<1x1000xf32, #tpu.memory_space<vmem>>
          %parallel_loop3A_531 = tpu.memref_squeeze %parallel_loop3A_530 : memref<1x1000xf32, #tpu.memory_space<vmem>> -> memref<1000xf32, #tpu.memory_space<vmem>>
          %parallel_loop3A_532 = tpu.vector_load_idx %parallel_loop3A_531[%parallel_loop3A_371] : memref<1000xf32, #tpu.memory_space<vmem>>[vector<16xi32>], vector<16xf32>,
          %parallel_loop3A_533 = arith.constant 1 : i32
          %parallel_loop3A_534 = arith.constant 5 : i32
          %parallel_loop3A_535 = arith.index_cast %parallel_loop3A_533 : i32 to index
          %parallel_loop3A_536 = arith.index_cast %parallel_loop3A_347 : i32 to index
          %parallel_loop3A_537 = arith.index_cast %parallel_loop3A_534 : i32 to index
          %parallel_loop3A_538 = arith.index_cast %parallel_loop3A_365 : i32 to index
          %parallel_loop3A_539 = tpu.vector_load %arg10[%parallel_loop3A_535, %parallel_loop3A_536, %parallel_loop3A_537, %parallel_loop3A_538] {strides = array<i32>} : memref<2x16x8x128xf32, #tpu.memory_space<vmem>>, vector<16xf32>,
          tpu.vector_store %arg10[%parallel_loop3A_535, %parallel_loop3A_536, %parallel_loop3A_537, %parallel_loop3A_538], %parallel_loop3A_532 {strides = array<i32>} : memref<2x16x8x128xf32, #tpu.memory_space<vmem>>, vector<16xf32>,
          %parallel_loop3A_540 = arith.constant 14 : i32
          %parallel_loop3A_541 = arith.constant 0 : i32
          %parallel_loop3A_542 = tpu.memref_slice %arg5[%parallel_loop3A_540, %parallel_loop3A_541] : memref<16x1000xf32, #tpu.memory_space<vmem>> -> memref<1x1000xf32, #tpu.memory_space<vmem>>
          %parallel_loop3A_543 = tpu.memref_squeeze %parallel_loop3A_542 : memref<1x1000xf32, #tpu.memory_space<vmem>> -> memref<1000xf32, #tpu.memory_space<vmem>>
          %parallel_loop3A_544 = tpu.vector_load_idx %parallel_loop3A_543[%parallel_loop3A_371] : memref<1000xf32, #tpu.memory_space<vmem>>[vector<16xi32>], vector<16xf32>,
          %parallel_loop3A_545 = arith.constant 1 : i32
          %parallel_loop3A_546 = arith.constant 6 : i32
          %parallel_loop3A_547 = arith.index_cast %parallel_loop3A_545 : i32 to index
          %parallel_loop3A_548 = arith.index_cast %parallel_loop3A_347 : i32 to index
          %parallel_loop3A_549 = arith.index_cast %parallel_loop3A_546 : i32 to index
          %parallel_loop3A_550 = arith.index_cast %parallel_loop3A_365 : i32 to index
          %parallel_loop3A_551 = tpu.vector_load %arg10[%parallel_loop3A_547, %parallel_loop3A_548, %parallel_loop3A_549, %parallel_loop3A_550] {strides = array<i32>} : memref<2x16x8x128xf32, #tpu.memory_space<vmem>>, vector<16xf32>,
          tpu.vector_store %arg10[%parallel_loop3A_547, %parallel_loop3A_548, %parallel_loop3A_549, %parallel_loop3A_550], %parallel_loop3A_544 {strides = array<i32>} : memref<2x16x8x128xf32, #tpu.memory_space<vmem>>, vector<16xf32>,
          %parallel_loop3A_552 = arith.constant 15 : i32
          %parallel_loop3A_553 = arith.constant 0 : i32
          %parallel_loop3A_554 = tpu.memref_slice %arg5[%parallel_loop3A_552, %parallel_loop3A_553] : memref<16x1000xf32, #tpu.memory_space<vmem>> -> memref<1x1000xf32, #tpu.memory_space<vmem>>
          %parallel_loop3A_555 = tpu.memref_squeeze %parallel_loop3A_554 : memref<1x1000xf32, #tpu.memory_space<vmem>> -> memref<1000xf32, #tpu.memory_space<vmem>>
          %parallel_loop3A_556 = tpu.vector_load_idx %parallel_loop3A_555[%parallel_loop3A_371] : memref<1000xf32, #tpu.memory_space<vmem>>[vector<16xi32>], vector<16xf32>,
          %parallel_loop3A_557 = arith.constant 1 : i32
          %parallel_loop3A_558 = arith.constant 7 : i32
          %parallel_loop3A_559 = arith.index_cast %parallel_loop3A_557 : i32 to index
          %parallel_loop3A_560 = arith.index_cast %parallel_loop3A_347 : i32 to index
          %parallel_loop3A_561 = arith.index_cast %parallel_loop3A_558 : i32 to index
          %parallel_loop3A_562 = arith.index_cast %parallel_loop3A_365 : i32 to index
          %parallel_loop3A_563 = tpu.vector_load %arg10[%parallel_loop3A_559, %parallel_loop3A_560, %parallel_loop3A_561, %parallel_loop3A_562] {strides = array<i32>} : memref<2x16x8x128xf32, #tpu.memory_space<vmem>>, vector<16xf32>,
          tpu.vector_store %arg10[%parallel_loop3A_559, %parallel_loop3A_560, %parallel_loop3A_561, %parallel_loop3A_562], %parallel_loop3A_556 {strides = array<i32>} : memref<2x16x8x128xf32, #tpu.memory_space<vmem>>, vector<16xf32>,
        } {sc.loop_unroll_factor = 8 : i64, sc.parallel_access}
        %dma_start3A_311 = arith.constant 0 : i32
        %dma_start3A_312 = arith.constant 16 : i32
        %dma_start3A_313 = arith.constant 0 : i32
        %dma_start3A_314 = arith.constant 0 : i32
        %dma_start3A_315 = tpu.memref_slice %arg4[%select_n3A_231, %select_n3A_247, %dma_start3A_311, %dma_start3A_312, %dma_start3A_313, %dma_start3A_314] : memref<26x25x2x32x8x128xf32, #tpu.memory_space<hbm>> -> memref<1x1x2x16x8x128xf32, #tpu.memory_space<hbm>>
        %dma_start3A_316 = tpu.memref_squeeze %dma_start3A_315 : memref<1x1x2x16x8x128xf32, #tpu.memory_space<hbm>> -> memref<2x16x8x128xf32, #tpu.memory_space<hbm>>
        %dma_start3A_317 = arith.constant 0 : i32
        %dma_start3A_318 = arith.constant 16 : i32
        %dma_start3A_319 = arith.constant 0 : i32
        %dma_start3A_320 = arith.constant 0 : i32
        %dma_start3A_321 = tpu.memref_slice %arg4[%select_n3A_231, %select_n3A_247, %dma_start3A_317, %dma_start3A_318, %dma_start3A_319, %dma_start3A_320] : memref<26x25x2x32x8x128xf32, #tpu.memory_space<hbm>> -> memref<1x1x2x16x8x128xf32, #tpu.memory_space<hbm>>
        %dma_start3A_322 = tpu.memref_squeeze %dma_start3A_321 : memref<1x1x2x16x8x128xf32, #tpu.memory_space<hbm>> -> memref<2x16x8x128xf32, #tpu.memory_space<hbm>>
        tpu.enqueue_dma source(%arg10 : memref<2x16x8x128xf32, #tpu.memory_space<vmem>>) target(%dma_start3A_322 : memref<2x16x8x128xf32, #tpu.memory_space<hbm>>) target_semaphore(%arg11 : memref<!tpu.dma_semaphore, #tpu.memory_space<semaphore_mem>>)
      } else {
      }
    }
    %scan3A_142 = arith.constant 10 : i32
    %dma_wait3A_143 = arith.constant 0 : i32
    %dma_wait3A_144 = arith.constant 0 : i32
    %dma_wait3A_145 = arith.constant 0 : i32
    %dma_wait3A_146 = arith.constant 0 : i32
    %dma_wait3A_147 = arith.constant 0 : i32
    %dma_wait3A_148 = arith.constant 0 : i32
    %dma_wait3A_149 = tpu.memref_slice %arg4[%dma_wait3A_143, %dma_wait3A_144, %dma_wait3A_145, %dma_wait3A_146, %dma_wait3A_147, %dma_wait3A_148] : memref<26x25x2x32x8x128xf32, #tpu.memory_space<hbm>> -> memref<1x1x2x16x8x128xf32, #tpu.memory_space<hbm>>
    %dma_wait3A_150 = tpu.memref_squeeze %dma_wait3A_149 : memref<1x1x2x16x8x128xf32, #tpu.memory_space<hbm>> -> memref<2x16x8x128xf32, #tpu.memory_space<hbm>>
    %dma_wait3A_151 = arith.constant 0 : i32
    %dma_wait3A_152 = arith.constant 0 : i32
    %dma_wait3A_153 = arith.constant 0 : i32
    %dma_wait3A_154 = arith.constant 0 : i32
    %dma_wait3A_155 = tpu.memref_slice %arg4[%dma_wait3A_143, %dma_wait3A_144, %dma_wait3A_151, %dma_wait3A_152, %dma_wait3A_153, %dma_wait3A_154] : memref<26x25x2x32x8x128xf32, #tpu.memory_space<hbm>> -> memref<1x1x2x16x8x128xf32, #tpu.memory_space<hbm>>
    %dma_wait3A_156 = tpu.memref_squeeze %dma_wait3A_155 : memref<1x1x2x16x8x128xf32, #tpu.memory_space<hbm>> -> memref<2x16x8x128xf32, #tpu.memory_space<hbm>>
    tpu.wait_dma2 semaphore(%arg11 : memref<!tpu.dma_semaphore, #tpu.memory_space<semaphore_mem>>) src(%dma_wait3A_156 : memref<2x16x8x128xf32, #tpu.memory_space<hbm>>) dst(%arg9 : memref<2x16x8x128xf32, #tpu.memory_space<vmem>>)
    %dma_wait3A_157 = arith.constant 0 : i32
    %dma_wait3A_158 = arith.constant 0 : i32
    %dma_wait3A_159 = arith.constant 0 : i32
    %dma_wait3A_160 = arith.constant 0 : i32
    %dma_wait3A_161 = arith.constant 0 : i32
    %dma_wait3A_162 = arith.constant 0 : i32
    %dma_wait3A_163 = tpu.memref_slice %arg4[%dma_wait3A_157, %dma_wait3A_158, %dma_wait3A_159, %dma_wait3A_160, %dma_wait3A_161, %dma_wait3A_162] : memref<26x25x2x32x8x128xf32, #tpu.memory_space<hbm>> -> memref<1x1x2x16x8x128xf32, #tpu.memory_space<hbm>>
    %dma_wait3A_164 = tpu.memref_squeeze %dma_wait3A_163 : memref<1x1x2x16x8x128xf32, #tpu.memory_space<hbm>> -> memref<2x16x8x128xf32, #tpu.memory_space<hbm>>
    %dma_wait3A_165 = arith.constant 0 : i32
    %dma_wait3A_166 = arith.constant 0 : i32
    %dma_wait3A_167 = arith.constant 0 : i32
    %dma_wait3A_168 = arith.constant 0 : i32
    %dma_wait3A_169 = tpu.memref_slice %arg4[%dma_wait3A_157, %dma_wait3A_158, %dma_wait3A_165, %dma_wait3A_166, %dma_wait3A_167, %dma_wait3A_168] : memref<26x25x2x32x8x128xf32, #tpu.memory_space<hbm>> -> memref<1x1x2x16x8x128xf32, #tpu.memory_space<hbm>>
    %dma_wait3A_170 = tpu.memref_squeeze %dma_wait3A_169 : memref<1x1x2x16x8x128xf32, #tpu.memory_space<hbm>> -> memref<2x16x8x128xf32, #tpu.memory_space<hbm>>
    tpu.wait_dma2 semaphore(%arg11 : memref<!tpu.dma_semaphore, #tpu.memory_space<semaphore_mem>>) src(%dma_wait3A_170 : memref<2x16x8x128xf32, #tpu.memory_space<hbm>>) dst(%arg10 : memref<2x16x8x128xf32, #tpu.memory_space<vmem>>)
    return
  }
}

</mosaic_0001>

<sc_bundles>
// kernel: kernel.3.cloned.1.call-start
scs
__scs_entry_jumppad:
0x0: {  	(pc) =	sbr.rel $0x88, $3  }
0x1: {  	(tag) =	ssettag $0x0;
	lr =	simm.s32 $0x1  }
0x2: {  	[smem:$0x3F9F] =	sst lr;
	_ =	strace $0xD0000000  }
0x3: {  	_ = 	snop  }
0x4: {  	_ = 	snop  }
0x5: {  	_ = 	snop  }
0x6: {  	_ = 	snop  }
0x7: {  	_ = 	snop  }
__scs_overlays_trampoline_lowered:
0x8: {  	[smem:$0x3FAE] =	sst s0  }
0x9: {  	[smem:$0x3FAF] =	sst s1  }
0xa: {  	[smem:$0x3FB0] =	sst s2  }
0xb: {  	[smem:$0x3FB1] =	sst s3  }
0xc: {  	[smem:$0x3FB2] =	sst s4  }
0xd: {  	[smem:$0x3FB3] =	sst s5  }
0xe: {  	[smem:$0x3FB4] =	sst s6  }
0xf: {  	[smem:$0x3FB5] =	sst s7  }
0x10: {  	[smem:$0x3FB6] =	sst s8  }
0x11: {  	[smem:$0x3FB7] =	sst s9;
	s0 =	simm.s32 @!p0 $0x0  }
0x12: {  	s1 =	sld [smem:$0x3F9D];
	s0 =	simm.s32 @p0 $0x1  }
0x13: {  	[smem:$0x3FB8] =	sst s0;
	s0 =	simm.s32 @!p1 $0x0  }
0x14: {  	s2 =	sld [smem:$0x3F9C];
	s0 =	simm.s32 @p1 $0x1  }
0x15: {  	[smem:$0x3FB9] =	sst s0;
	s0 =	simm.s32 @!p2 $0x0  }
0x16: {  	s3 =	sld [smem:$0x3FDB];
	s0 =	simm.s32 @p2 $0x1  }
0x17: {  	s4 =	simm.s32 $0x1BF5;
	[smem:$0x3FBB] =	sst s0  }
0x18: {  	s0 =	sld [smem:$0x3F9E];
	_ =	swait.ge [sflag:s4], $0x0  }
0x19: {  	s7 =	sld [smem:$0x3F9F]  }
0x1a: {  	s8 =	sadd.s32 $0xFFFFE003, lr  }
0x1b: {  	s9 =	sadd.s32 $0xFFFFFEF7, lr;
	s5 =	simm.s32 $0xFFFFFFFF;
	p2 =	slt.u32 s8, $0xFFFFF086  }
0x1c: {  	p1 =	slt.u32 s9, $0xF7A;
	s5 =	simm.s32 @!p2 $0x0  }
0x1d: {  	s5 =	simm.s32 @p1 $0x1;
	p0 =	seq.s32 s7, s2  }
0x1e: {  	s7 =	smul.u32 @!p0 $0xF7A, s2;
	p2 =	seq.s32 @!p0 s5, $0x0  }
0x1f: {  	s9 =	smul.u32 $0xF7A, s1;
	s8 =	simm.s32 @!p0 $0x1BF5;
	p2 =	por !p2, p0  }
0x20: {  	[sflag:s8] =	ssyncset.s32 @!p0 $0xFFFFF086;
	s6 =	sadd.s32 @!p0 s3, s7;
	s7 =	simm.s32 @!p0 $0x108  }
0x21: {  	s3 =	sadd.s32 s3, s9;
	s6 =	sadd.s32 @!p0 $0x88, s6;
	s7 =	simm.s32 @p2 $0x1082  }
0x22: {  	[simem:s7], [sflag:s8] =	dma.local @!p0 [hbm:s6], $0xF7A  }
0x23: {  	s9 =	sor.u32 $0xD0000000, s2;
	s6 =	simm.s32 $0x108;
	_ =	swait.ge @!p0 [sflag:s8], $0x0  }
0x24: {  	s3 =	sadd.s32 $0x88, s3;
	s6 =	simm.s32 @!p1 $0x1082;
	[sflag:s4] =	ssyncset.s32 $0xFFFFF086  }
0x25: {  	[simem:s6], [sflag:s4] =	dma.local [hbm:s3], $0xF7A  }
0x26: {  	[smem:$0x3F9F] =	sst s1;
	(tag) =	ssettag s2;
	_ =	strace s9  }
0x27: {  	s1 =	sld [smem:$0x3FAF]  }
0x28: {  	s2 =	sld [smem:$0x3FB0]  }
0x29: {  	s4 =	sld [smem:$0x3FB2]  }
0x2a: {  	p0 =	seq.s32 s5, $0x0;
	s5 =	sld [smem:$0x3FB3]  }
0x2b: {  	s6 =	sld [smem:$0x3FB4]  }
0x2c: {  	s7 =	sld [smem:$0x3FB5]  }
0x2d: {  	s3 =	simm.s32 $0x108;
	s8 =	sld [smem:$0x3FB6]  }
0x2e: {  	s3 =	simm.s32 @!p0 $0x1082;
	s9 =	sld [smem:$0x3FB7]  }
0x2f: {  	lr =	sadd.s32 s0, s3;
	s0 =	sld [smem:$0x3FAE]  }
0x30: {  	s3 =	sld [smem:$0x3FB1]  }
0x31: {  	[smem:$0x3FBA] =	sst s10  }
0x32: {  	s10 =	sld [smem:$0x3FB8];
	_ =	sdelay $0x3  }
0x33: {  	p0 =	seq.s32 s10, $0x1;
	s10 =	sld [smem:$0x3FBA];
	_ =	sdelay $0x3  }
0x34: {  	[smem:$0x3FBA] =	sst s10  }
0x35: {  	s10 =	sld [smem:$0x3FB9];
	_ =	sdelay $0x3  }
0x36: {  	p1 =	seq.s32 s10, $0x1;
	s10 =	sld [smem:$0x3FBA];
	_ =	sdelay $0x3  }
0x37: {  	[smem:$0x3FBA] =	sst s10  }
0x38: {  	s10 =	sld [smem:$0x3FBB]  }
0x39: {  	_ = 	snop;
	(pc) =	sbr.ind lr, $3  }
0x3a: {  	_ = 	snop  }
0x3b: {  	_ = 	snop  }
0x3c: {  	p2 =	seq.s32 s10, $0x1;
	s10 =	sld [smem:$0x3FBA]  }
0x3d: {  	_ =	shalt  }
0x3e: {  	_ =	shalt  }
0x3f: {  	_ =	shalt  }
0x40: {  	_ =	shalt  }
0x41: {  	_ =	shalt  }
0x42: {  	_ =	shalt  }
0x43: {  	_ =	shalt  }
0x44: {  	_ =	shalt  }
0x45: {  	_ =	shalt  }
0x46: {  	_ =	shalt  }
0x47: {  	_ =	shalt  }
0x48: {  	_ =	shalt  }
0x49: {  	_ =	shalt  }
0x4a: {  	_ =	shalt  }
0x4b: {  	_ =	shalt  }
0x4c: {  	_ =	shalt  }
0x4d: {  	_ =	shalt  }
0x4e: {  	_ =	shalt  }
0x4f: {  	_ =	shalt  }
0x50: {  	_ =	shalt  }
0x51: {  	_ =	shalt  }
0x52: {  	_ =	shalt  }
0x53: {  	_ =	shalt  }
0x54: {  	_ =	shalt  }
0x55: {  	_ =	shalt  }
0x56: {  	_ =	shalt  }
0x57: {  	_ =	shalt  }
0x58: {  	_ =	shalt  }
0x59: {  	_ =	shalt  }
0x5a: {  	_ =	shalt  }
0x5b: {  	_ =	shalt  }
0x5c: {  	_ =	shalt  }
0x5d: {  	_ =	shalt  }
0x5e: {  	_ =	shalt  }
0x5f: {  	_ =	shalt  }
0x60: {  	_ =	shalt  }
0x61: {  	_ =	shalt  }
0x62: {  	_ =	shalt  }
0x63: {  	_ =	shalt  }
0x64: {  	_ =	shalt  }
0x65: {  	_ =	shalt  }
0x66: {  	_ =	shalt  }
0x67: {  	_ =	shalt  }
0x68: {  	_ =	shalt  }
0x69: {  	_ =	shalt  }
0x6a: {  	_ =	shalt  }
0x6b: {  	_ =	shalt  }
0x6c: {  	_ =	shalt  }
0x6d: {  	_ =	shalt  }
0x6e: {  	_ =	shalt  }
0x6f: {  	_ =	shalt  }
0x70: {  	_ =	shalt  }
0x71: {  	_ =	shalt  }
0x72: {  	_ =	shalt  }
0x73: {  	_ =	shalt  }
0x74: {  	_ =	shalt  }
0x75: {  	_ =	shalt  }
0x76: {  	_ =	shalt  }
0x77: {  	_ =	shalt  }
0x78: {  	_ =	shalt  }
0x79: {  	_ =	shalt  }
0x7a: {  	_ =	shalt  }
0x7b: {  	_ =	shalt  }
0x7c: {  	_ =	shalt  }
0x7d: {  	_ =	shalt  }
0x7e: {  	_ =	shalt  }
0x7f: {  	_ =	shalt  }
0x80: {  	_ =	shalt  }
0x81: {  	_ =	shalt  }
0x82: {  	_ =	shalt  }
0x83: {  	_ =	shalt  }
0x84: {  	_ =	shalt  }
0x85: {  	_ =	shalt  }
0x86: {  	_ =	shalt  }
0x87: {  	_ =	shalt  }
.Lfunc_end0:
.L_simem_size_0:
called_computation_lowered:
.L_overlay_start_0:
0x88: {  	s2 =	sld [smem:$0x3FD9]  }
0x89: {  	s3 =	sld [smem:$0x3FFE];
	_ =	sdelay $0x1  }
0x8a: {  	s1 =	srdreg.scid  }
0x8b: {  	s0 =	sand.u32 $0x1, s1  }
0x8c: {  	s17 =	sshll.u32 s0, $0xA;
	s2 =	sadd.s32 s3, s2  }
0x8d: {  	s2 =	sadd.s32 s2, s17  }
0x8e: {  	[smem:$0x3FC6] =	sst s2  }
0x8f: {  	_ = 	snop  }
0x90: {  	s2 =	sld [smem:$0x3FD0];
	(tm) =	ssettm $0x1  }
0x91: {  	s18 =	sld [smem:$0x3FFB];
	_ =	sdelay $0x3  }
0x92: {  	_ =	strace s18  }
0x93: {  	s3 =	sld [smem:$0x3FFC];
	_ =	sdelay $0x3  }
0x94: {  	_ =	strace s3  }
0x95: {  	s3 =	sld [smem:$0x3FFD];
	_ =	sdelay $0x3  }
0x96: {  	_ =	strace s3  }
0x97: {  	_ =	strace $0x8FFFFFFF  }
0x98: {  	s19 =	sld [smem:$0x3FDB];
	_ =	sdelay $0x1  }
0x99: {  	s4 =	simm.s32 $_scs_section_size  }
0x9a: {  	s5 =	simm.s32 $_size__tile_overlayer_lowered;
	s6 =	simm.s32 $_tile_overlayer_lowered  }
0x9b: {  	s22 =	simm.s32 $0x1BFF;
	s21 =	sshll.u32 s6, $0x1;
	s3 =	sadd.s32 s4, s19  }
0x9c: {  	s7 =	simm.s32 $0x0;
	s20 =	sshll.u32 s5, $0x1;
	s5 =	sadd.s32 s21, s3  }
0x9d: {  	[timem:s7], [sflag:s22] =	dma.local [hbm:s5], s20  }
0x9e: {  	_ =	swait.ge [sflag:s22], s20  }
0x9f: {  	s4 =	ssub.s32 $0x0, s20;
	[sflag:s22] =	ssyncset.done $0x0  }
0xa0: {  	[sflag:s22] =	ssyncadd.s32 s4;
	_ =	sdelay $0x1  }
0xa1: {  	s23 =	simm.s32 $0x1B8B  }
0xa2: {  	_ =	swait.ge [sflag:s23], $0x1  }
0xa3: {  	[sflag:s23] =	ssyncset.done $0x0  }
0xa4: {  	s25 =	simm.s32 $0x1B8E;
	s24 =	sld [smem:$0x3FFE];
	[sflag:s23] =	ssyncadd.s32 $0xFFFFFFFF  }
0xa5: {  	s26 =	simm.s32 $execute0_lowered;
	[smem:$0x3FD2] =	sst s25  }
0xa6: {  	s5 =	sshll.u32 s26, $0x1;
	_ =	strace $0x80000046;
	[dreg:$0x1] =	wrdreg $0xFFFFFFFF  }
0xa7: {  	s28 =	simm.s32 $_size_execute0_lowered;
	s3 =	sadd.s32 s3, s5;
	[dreg:$0x0] =	wrdreg $0x0  }
0xa8: {  	s5 =	sshll.u32 s28, $0x1;
	[dreg:$0x2] =	wrdreg s3  }
0xa9: {  	[dreg:$0x3] =	wrdreg s5  }
0xaa: {  	[dreg:$0x4] =	wrdreg $0xC0  }
0xab: {  	_ =	task [dreg:s7], $0x5FFFF  }
0xac: {  	[dreg:$0x1] =	wrdreg $0xFFFFFFFF  }
0xad: {  	[dreg:$0x0] =	wrdreg $0x60  }
0xae: {  	[dreg:$0x2] =	wrdreg s24  }
0xaf: {  	[dreg:$0x3] =	wrdreg s2  }
0xb0: {  	[dreg:$0x4] =	wrdreg $0x9  }
0xb1: {  	_ =	task.clear_ibuf [dreg:s7], $0x5FFFF;
	_ =	strace $0x90000046  }
0xb2: {  	s29 =	simm.s32 $0x9;
	_ =	strace $0x80000048  }
0xb3: {  	_ =	swait.ge [sflag:s29], $0x1  }
0xb4: {  	[sflag:s29] =	ssyncadd.s32 $0xFFFFFFFF  }
0xb5: {  	_ =	strace $0x90000048  }
0xb6: {  	_ =	sfence  }
0xb7: {  	s30 =	sld [smem:$0x0];
	_ =	sdelay $0x2  }
0xb8: {  	s31 =	sshll.u32 s1, $0xD;
	s1 =	sshrl.u32 s1, $0x2  }
0xb9: {  	s3 =	sand.u32 $0x4000, s31;
	s1 =	sadd.s32 s1, s30  }
0xba: {  	s0 =	sor.u32 s3, s0;
	s1 =	sshll.u32 s1, $0x11  }
0xbb: {  	s0 =	sor.u32 s1, s0  }
0xbc: {  	s0 =	sadd.s32 $0x8F2B, s0  }
0xbd: {  	[sflag:s0] =	ssyncadd.remote.s32 $0x1  }
0xbe: {  	_ =	sfence.sel $0xFFFF  }
0xbf: {  	[dreg:$0x0] =	wrdreg $0xFFFFFFFF;
	(pc) =	sbr.abs _section_cstart, $3  }
0xc0: {  	[dreg:$0x1] =	wrdreg $0xFFFFFFFF  }
0xc1: {  	_ =	task.clear_ibuf [dreg:s7], $0x2FFFF;
	_ =	strace $0x9FFFFFFF  }
0xc2: {  	(tm) =	ssettm $0x7FFFFFFF  }
0xc3: {  	_ =	shalt  }
tec
execute0_lowered:
.L_overlay_start_1:
0x0: {  	(tag) =	ssettag $0x1  }
0x1: {  	s0 =	srdreg.scid;
	s2 =	rddreg [dreg:$0x0]  }
0x2: {  	s1 =	stileid.u32;
	s9 =	rddreg [dreg:$0x1];
	s24 =	simm.s32 $0x0  }
0x3: {  	s4 =	simm.s32 $0x1;
	s15 =	simm.s32 $0x55F0;
	s11 =	simm.s32 $0x61A8  }
0x4: {  	s12 =	simm.s32 $0x6978;
	s13 =	simm.s32 $0x6D60;
	s21 =	simm.s32 $0x7530  }
0x5: {  	s0 =	sand.u32 $0x1, s0;
	s1 =	sshll.u32 s1, $0x1;
	[smem:$0x7FF] =	sst s24  }
0x6: {  	s19 =	sadd.s32 $0x400, s2;
	s10 =	sadd.s32 $0x3800, s2;
	s2 =	simm.s32 $0x1  }
0x7: {  	s28 =	sadd.s32 $0x800, s9;
	_ =	strace $0x80000047;
	[dreg:$0x5] =	wrdreg s10  }
0x8: {  	s8 =	sor.u32 s0, s1;
	s0 =	ssub.s32 $0x2, s0;
	[dreg:$0x9] =	wrdreg s28  }
0x9: {  	[dreg:$0x4] =	wrdreg s19;
	s1 =	sor.u32 $0x20, s8;
	p0 =	sgt.u32 s8, $0x18  }
0xa: {  	s5 =	sadd.s32 $0xFFFFFFE7, s8;
	s7 =	sshrl.u32 s0, $0x1;
	s30 =	sor.u32 $0x40, s8  }
0xb: {  	[dreg:$0x3] =	wrdreg s8;
	s31 =	sor.u32 $0x60, s8;
	s3 =	sand.u32 $0xFF, s1  }
0xc: {  	s4 =	simm.s32 @!p0 $0x0;
	[dreg:$0xd] =	wrdreg s30;
	s3 =	smul.u32 $0x29, s3  }
0xd: {  	s5 =	smin.u32 s8, s5;
	s0 =	ssub.s32 s0, s7;
	[dreg:$0xe] =	wrdreg s31  }
0xe: {  	s7 =	simm.s32 $0x7148;
	p1 =	sge.u32 s5, s4;
	s3 =	sshrl.u32 s3, $0xA  }
0xf: {  	s4 =	simm.s32 $0x65900;
	s0 =	smax.u32 s0, $0x1;
	s6 =	smul.u32 $0x19, s3  }
0x10: {  	s2 =	simm.s32 @!p1 $0x0;
	s4 =	simm.s32 @!p0 $0x0;
	[dreg:$0xf] =	wrdreg s0  }
0x11: {  	s0 =	simm.s32 $0x3E80;
	s2 =	sadd.s32 s2, s5;
	s1 =	ssub.s32 s1, s6  }
0x12: {  	s5 =	sshll.u32 s5, $0x10;
	s2 =	smul.u32 $0x3E80, s2;
	s1 =	sand.u32 $0xFF, s1  }
0x13: {  	s23 =	smul.u32 $0x65900, s3;
	s6 =	simm.s32 $0x1;
	p1 =	sge.u32 s1, s3  }
0x14: {  	s26 =	sshll.u32 s3, $0x9;
	s2 =	sadd.s32 s4, s2;
	s6 =	simm.s32 @!p1 $0x0  }
0x15: {  	s4 =	simm.s32 $0x190000;
	s2 =	sshrl.u32 s2, $0x3;
	s1 =	sadd.s32 s6, s1  }
0x16: {  	s4 =	simm.s32 @!p0 $0x0;
	s2 =	sadd.s32 s10, s2;
	s1 =	smul.u32 $0x3E80, s1  }
0x17: {  	s25 =	sadd.s32 s5, s4;
	[dreg:$0x6] =	wrdreg s2;
	s2 =	simm.s32 $0x200  }
0x18: {  	s5 =	simm.s32 $0x59D8;
	s2 =	simm.s32 @!p0 $0x0;
	s1 =	sadd.s32 s23, s1  }
0x19: {  	s4 =	simm.s32 $0x7918;
	s2 =	sadd.s32 s19, s2;
	s1 =	sshrl.u32 s1, $0x3  }
.Ltmp0:
0x1a: {  	[dreg:$0x7] =	wrdreg s2;
	s1 =	sadd.s32 s10, s1;
	(pc) =	sbr.rel .LBB2_1-.Ltmp0, $4  }
0x1b: {  	s2 =	sadd.s32 s19, s26;
	[dreg:$0x8] =	wrdreg s1;
	s1 =	sshrl.u32 s25, $0x3  }
0x1c: {  	s6 =	simm.s32 $0x5DC0;
	[dreg:$0xa] =	wrdreg s2;
	s29 =	sadd.s32 s9, s1  }
0x1d: {  	s2 =	simm.s32 $0x5208;
	s1 =	sadd.s32 s1, s28;
	[dreg:$0xb] =	wrdreg s29  }
0x1e: {  	s10 =	simm.s32 $0x6590;
	[dreg:$0xc] =	wrdreg s1;
	s1 =	simm.s32 $0x0  }
.LBB2_17:
0x1f: {  	s22 =	simm.s32 $0x1  }
0x20: {  	_ =	swait.ge [sflag:s22], $0x8000  }
0x21: {  	[sflag:s22] =	ssyncset.done $0x0  }
0x22: {  	[sflag:s22] =	ssyncadd.s32 $0xFFFF8000  }
0x23: {  	_ =	swait.ge [sflag:s22], $0x8000  }
0x24: {  	s1 =	rddreg [dreg:$0x10]  }
0x25: {  	s23 =	rddreg [dreg:$0xf];
	s1 =	sadd.s32 $0x1, s1  }
0x26: {  	p0 =	sne.s32 s1, s23  }
.Ltmp1:
0x27: {  	_ = 	snop;
	(pc) =	sbr.rel @!p0 .LBB2_18-.Ltmp1, $3  }
0x28: {  	_ =	sdelay $0x1  }
0x29: {  	[sflag:s22] =	ssyncset.done $0x0  }
0x2a: {  	s24 =	simm.s32 $0x0;
	[sflag:s22] =	ssyncadd.s32 $0xFFFF8000  }
.LBB2_1:
0x2b: {  	[dreg:$0x10] =	wrdreg s1  }
0x2c: {  	s22 =	rddreg [dreg:$0x6]  }
0x2d: {  	[tilespmem:s24], [sflag:$0x2] =	stream.linear.gather [hbm4b:s22+s24], $0x3E80, $0x38;
	[tilespmem:$0x19D00] =	vst v63  }
0x2e: {  	s16 =	rddreg [dreg:$0x7];
	s23 =	simm.s32 $0x7D00  }
0x2f: {  	[tilespmem:s23], [sflag:$0x2] =	stream.linear.gather [hbm4b:s16+s24], $0x1000, $0x38;
	[tilespmem:$0x19D00] =	vst v63  }
0x30: {  	s17 =	rddreg [dreg:$0x8]  }
0x31: {  	[tilespmem:s0], [sflag:$0x2] =	stream.linear.gather [hbm4b:s17+s24], $0x3E80, $0x38;
	[tilespmem:$0x19D00] =	vst v63  }
0x32: {  	s18 =	rddreg [dreg:$0xa];
	s19 =	simm.s32 $0x8D00;
	s20 =	simm.s32 $0x2  }
0x33: {  	[tilespmem:s19], [sflag:$0x2] =	stream.linear.gather [hbm4b:s18+s24], $0x1000, $0x38;
	[tilespmem:$0x19D00] =	vst v63  }
0x34: {  	_ =	swait.ge [sflag:s20], $0x3E80  }
0x35: {  	[sflag:s20] =	ssyncset.done $0x0  }
0x36: {  	[sflag:s20] =	ssyncadd.s32 $0xFFFFC180  }
0x37: {  	_ =	swait.ge [sflag:s20], $0x1000  }
0x38: {  	[sflag:s20] =	ssyncset.done $0x0  }
0x39: {  	s23 =	simm.s32 $0x7D40;
	[sflag:s20] =	ssyncadd.s32 $0xFFFFF000  }
0x3a: {  	v7 =	vld [tilespmem:s23+$0x30]  }
0x3b: {  	v5 =	vld [tilespmem:s23+$0xFFFFFFD0]  }
0x3c: {  	v4 =	vld [tilespmem:s23+$0xFFFFFFE0]  }
0x3d: {  	v3 =	vld [tilespmem:s23+$0xFFFFFFF0]  }
0x3e: {  	v2 =	vld [tilespmem:s23+$0x0]  }
0x3f: {  	v1 =	vld [tilespmem:s23+$0x10]  }
0x40: {  	v0 =	vld [tilespmem:s23+$0x20]  }
0x41: {  	v6 =	vld [tilespmem:s23+$0xFFFFFFC0]  }
0x42: {  	v8 =	vld.idx.msk [tilespmem:v7+s24+$0x0], $0xffff  }
0x43: {  	v9 =	vld.idx.msk [tilespmem:v5+s24+$0x0], $0xffff  }
0x44: {  	v10 =	vld.idx.msk [tilespmem:v4+s24+$0x0], $0xffff  }
0x45: {  	v11 =	vld.idx.msk [tilespmem:v3+s24+$0x0], $0xffff  }
0x46: {  	v12 =	vld.idx.msk [tilespmem:v2+s24+$0x0], $0xffff  }
0x47: {  	s25 =	simm.s32 $0x9D00;
	v13 =	vld.idx.msk [tilespmem:v1+s24+$0x0], $0xffff  }
0x48: {  	v14 =	vld.idx.msk [tilespmem:v0+s24+$0x0], $0xffff;
	[tilespmem:s25+$0x70] =	vst v8  }
0x49: {  	s26 =	simm.s32 $0x3E8;
	[tilespmem:s25+$0x10] =	vst v9;
	v9 =	vld.idx.msk [tilespmem:v6+s24+$0x0], $0xffff  }
0x4a: {  	[tilespmem:s25+$0x20] =	vst v10;
	v8 =	vld.idx.msk [tilespmem:v7+s26+$0x0], $0xffff  }
0x4b: {  	[tilespmem:s25+$0x30] =	vst v11;
	v10 =	vld.idx.msk [tilespmem:v5+s26+$0x0], $0xffff  }
0x4c: {  	[tilespmem:s25+$0x40] =	vst v12;
	v11 =	vld.idx.msk [tilespmem:v4+s26+$0x0], $0xffff  }
0x4d: {  	[tilespmem:s25+$0x50] =	vst v13;
	v21 =	vld.idx.msk [tilespmem:v3+s26+$0x0], $0xffff  }
0x4e: {  	[tilespmem:s25+$0x60] =	vst v14;
	v22 =	vld.idx.msk [tilespmem:v2+s26+$0x0], $0xffff  }
0x4f: {  	v23 =	vld.idx.msk [tilespmem:v1+s26+$0x0], $0xffff;
	[tilespmem:s25+$0x0] =	vst v9  }
0x50: {  	[tilespmem:s25+$0xF0] =	vst v8;
	v9 =	vld.idx.msk [tilespmem:v6+s26+$0x0], $0xffff  }
0x51: {  	s28 =	simm.s32 $0x7D0;
	[tilespmem:s25+$0x90] =	vst v10;
	v10 =	vld.idx.msk [tilespmem:v0+s26+$0x0], $0xffff  }
0x52: {  	[tilespmem:s25+$0xA0] =	vst v11;
	v8 =	vld.idx.msk [tilespmem:v7+s28+$0x0], $0xffff  }
0x53: {  	[tilespmem:s25+$0xB0] =	vst v21;
	v11 =	vld.idx.msk [tilespmem:v5+s28+$0x0], $0xffff  }
0x54: {  	[tilespmem:s25+$0xC0] =	vst v22;
	v24 =	vld.idx.msk [tilespmem:v4+s28+$0x0], $0xffff  }
0x55: {  	[tilespmem:s25+$0xD0] =	vst v23;
	v25 =	vld.idx.msk [tilespmem:v3+s28+$0x0], $0xffff  }
0x56: {  	v26 =	vld.idx.msk [tilespmem:v2+s28+$0x0], $0xffff;
	[tilespmem:s25+$0x80] =	vst v9  }
0x57: {  	[tilespmem:s25+$0xE0] =	vst v10;
	v10 =	vld.idx.msk [tilespmem:v1+s28+$0x0], $0xffff  }
0x58: {  	[tilespmem:s25+$0x170] =	vst v8;
	v9 =	vld.idx.msk [tilespmem:v6+s28+$0x0], $0xffff  }
0x59: {  	s29 =	simm.s32 $0xBB8;
	[tilespmem:s25+$0x110] =	vst v11;
	v11 =	vld.idx.msk [tilespmem:v0+s28+$0x0], $0xffff  }
0x5a: {  	[tilespmem:s25+$0x120] =	vst v24;
	v8 =	vld.idx.msk [tilespmem:v7+s29+$0x0], $0xffff  }
0x5b: {  	[tilespmem:s25+$0x130] =	vst v25;
	v27 =	vld.idx.msk [tilespmem:v5+s29+$0x0], $0xffff  }
0x5c: {  	[tilespmem:s25+$0x140] =	vst v26;
	v28 =	vld.idx.msk [tilespmem:v4+s29+$0x0], $0xffff  }
0x5d: {  	v29 =	vld.idx.msk [tilespmem:v3+s29+$0x0], $0xffff;
	[tilespmem:s25+$0x150] =	vst v10  }
0x5e: {  	v10 =	vld.idx.msk [tilespmem:v2+s29+$0x0], $0xffff;
	[tilespmem:s25+$0x100] =	vst v9  }
0x5f: {  	[tilespmem:s25+$0x160] =	vst v11;
	v11 =	vld.idx.msk [tilespmem:v1+s29+$0x0], $0xffff  }
0x60: {  	[tilespmem:s25+$0x1F0] =	vst v8;
	v9 =	vld.idx.msk [tilespmem:v6+s29+$0x0], $0xffff  }
0x61: {  	s30 =	simm.s32 $0xFA0;
	[tilespmem:s25+$0x190] =	vst v27;
	v30 =	vld.idx.msk [tilespmem:v0+s29+$0x0], $0xffff  }
0x62: {  	[tilespmem:s25+$0x1A0] =	vst v28;
	v8 =	vld.idx.msk [tilespmem:v7+s30+$0x0], $0xffff  }
0x63: {  	[tilespmem:s25+$0x1B0] =	vst v29;
	v31 =	vld.idx.msk [tilespmem:v5+s30+$0x0], $0xffff  }
0x64: {  	v32 =	vld.idx.msk [tilespmem:v4+s30+$0x0], $0xffff;
	[tilespmem:s25+$0x1C0] =	vst v10  }
0x65: {  	v10 =	vld.idx.msk [tilespmem:v3+s30+$0x0], $0xffff;
	[tilespmem:s25+$0x1D0] =	vst v11  }
0x66: {  	v11 =	vld.idx.msk [tilespmem:v2+s30+$0x0], $0xffff;
	[tilespmem:s25+$0x180] =	vst v9  }
0x67: {  	[tilespmem:s25+$0x1E0] =	vst v30;
	v33 =	vld.idx.msk [tilespmem:v1+s30+$0x0], $0xffff  }
0x68: {  	[tilespmem:s25+$0x270] =	vst v8;
	v9 =	vld.idx.msk [tilespmem:v6+s30+$0x0], $0xffff  }
0x69: {  	s31 =	simm.s32 $0x1388;
	[tilespmem:s25+$0x210] =	vst v31;
	v34 =	vld.idx.msk [tilespmem:v0+s30+$0x0], $0xffff  }
0x6a: {  	[tilespmem:s25+$0x220] =	vst v32;
	v8 =	vld.idx.msk [tilespmem:v7+s31+$0x0], $0xffff  }
0x6b: {  	v35 =	vld.idx.msk [tilespmem:v5+s31+$0x0], $0xffff;
	[tilespmem:s25+$0x230] =	vst v10  }
0x6c: {  	v10 =	vld.idx.msk [tilespmem:v4+s31+$0x0], $0xffff;
	[tilespmem:s25+$0x240] =	vst v11  }
0x6d: {  	v11 =	vld.idx.msk [tilespmem:v3+s31+$0x0], $0xffff;
	[tilespmem:s25+$0x250] =	vst v33  }
0x6e: {  	v36 =	vld.idx.msk [tilespmem:v2+s31+$0x0], $0xffff;
	[tilespmem:s25+$0x200] =	vst v9  }
0x6f: {  	[tilespmem:s25+$0x260] =	vst v34;
	v37 =	vld.idx.msk [tilespmem:v1+s31+$0x0], $0xffff  }
0x70: {  	[tilespmem:s25+$0x2F0] =	vst v8;
	v9 =	vld.idx.msk [tilespmem:v6+s31+$0x0], $0xffff  }
0x71: {  	s1 =	simm.s32 $0x1770;
	[tilespmem:s25+$0x290] =	vst v35;
	v38 =	vld.idx.msk [tilespmem:v0+s31+$0x0], $0xffff  }
0x72: {  	v8 =	vld.idx.msk [tilespmem:v7+s1+$0x0], $0xffff;
	[tilespmem:s25+$0x2A0] =	vst v10  }
0x73: {  	v10 =	vld.idx.msk [tilespmem:v5+s1+$0x0], $0xffff;
	[tilespmem:s25+$0x2B0] =	vst v11  }
0x74: {  	v11 =	vld.idx.msk [tilespmem:v4+s1+$0x0], $0xffff;
	[tilespmem:s25+$0x2C0] =	vst v36  }
0x75: {  	v39 =	vld.idx.msk [tilespmem:v3+s1+$0x0], $0xffff;
	[tilespmem:s25+$0x2D0] =	vst v37  }
0x76: {  	v40 =	vld.idx.msk [tilespmem:v2+s1+$0x0], $0xffff;
	[tilespmem:s25+$0x280] =	vst v9  }
0x77: {  	[tilespmem:s25+$0x2E0] =	vst v38;
	v41 =	vld.idx.msk [tilespmem:v1+s1+$0x0], $0xffff  }
0x78: {  	s0 =	simm.s32 $0x1B58;
	[tilespmem:s25+$0x370] =	vst v8;
	v9 =	vld.idx.msk [tilespmem:v6+s1+$0x0], $0xffff  }
0x79: {  	[tilespmem:s25+$0x310] =	vst v10;
	v8 =	vld.idx.msk [tilespmem:v7+s0+$0x0], $0xffff  }
0x7a: {  	[tilespmem:s25+$0x320] =	vst v11;
	v11 =	vld.idx.msk [tilespmem:v5+s0+$0x0], $0xffff  }
0x7b: {  	[tilespmem:s25+$0x330] =	vst v39;
	v42 =	vld.idx.msk [tilespmem:v4+s0+$0x0], $0xffff  }
0x7c: {  	[tilespmem:s25+$0x340] =	vst v40;
	v43 =	vld.idx.msk [tilespmem:v3+s0+$0x0], $0xffff  }
0x7d: {  	[tilespmem:s25+$0x350] =	vst v41;
	v44 =	vld.idx.msk [tilespmem:v2+s0+$0x0], $0xffff  }
0x7e: {  	[tilespmem:s25+$0x300] =	vst v9;
	v9 =	vld.idx.msk [tilespmem:v0+s1+$0x0], $0xffff  }
0x7f: {  	s18 =	simm.s32 $0x1F40;
	[tilespmem:s25+$0x3F0] =	vst v8;
	v10 =	vld.idx.msk [tilespmem:v6+s0+$0x0], $0xffff  }
0x80: {  	[tilespmem:s25+$0x390] =	vst v11;
	v8 =	vld.idx.msk [tilespmem:v7+s18+$0x0], $0xffff  }
0x81: {  	[tilespmem:s25+$0x3A0] =	vst v42;
	v45 =	vld.idx.msk [tilespmem:v5+s18+$0x0], $0xffff  }
0x82: {  	[tilespmem:s25+$0x3B0] =	vst v43;
	v46 =	vld.idx.msk [tilespmem:v4+s18+$0x0], $0xffff  }
0x83: {  	[tilespmem:s25+$0x3C0] =	vst v44;
	v47 =	vld.idx.msk [tilespmem:v3+s18+$0x0], $0xffff  }
0x84: {  	[tilespmem:s25+$0x360] =	vst v9;
	v9 =	vld.idx.msk [tilespmem:v1+s0+$0x0], $0xffff  }
0x85: {  	[tilespmem:s25+$0x380] =	vst v10;
	v10 =	vld.idx.msk [tilespmem:v0+s0+$0x0], $0xffff  }
0x86: {  	s20 =	simm.s32 $0x2328;
	[tilespmem:s25+$0x4070] =	vst v8;
	v11 =	vld.idx.msk [tilespmem:v6+s18+$0x0], $0xffff  }
0x87: {  	[tilespmem:s25+$0x4010] =	vst v45;
	v8 =	vld.idx.msk [tilespmem:v7+s20+$0x0], $0xffff  }
0x88: {  	[tilespmem:s25+$0x4020] =	vst v46;
	v49 =	vld.idx.msk [tilespmem:v5+s20+$0x0], $0xffff  }
0x89: {  	[tilespmem:s25+$0x4030] =	vst v47;
	v50 =	vld.idx.msk [tilespmem:v4+s20+$0x0], $0xffff  }
0x8a: {  	[tilespmem:s25+$0x3D0] =	vst v9;
	v9 =	vld.idx.msk [tilespmem:v2+s18+$0x0], $0xffff  }
0x8b: {  	[tilespmem:s25+$0x3E0] =	vst v10;
	v10 =	vld.idx.msk [tilespmem:v1+s18+$0x0], $0xffff  }
0x8c: {  	[tilespmem:s25+$0x4000] =	vst v11;
	v11 =	vld.idx.msk [tilespmem:v0+s18+$0x0], $0xffff  }
0x8d: {  	s8 =	simm.s32 $0x2710;
	[tilespmem:s25+$0x40F0] =	vst v8;
	v48 =	vld.idx.msk [tilespmem:v6+s20+$0x0], $0xffff  }
0x8e: {  	[tilespmem:s25+$0x4090] =	vst v49;
	v8 =	vld.idx.msk [tilespmem:v7+s8+$0x0], $0xffff  }
0x8f: {  	[tilespmem:s25+$0x40A0] =	vst v50;
	v53 =	vld.idx.msk [tilespmem:v5+s8+$0x0], $0xffff  }
0x90: {  	[tilespmem:s25+$0x4040] =	vst v9;
	v9 =	vld.idx.msk [tilespmem:v3+s20+$0x0], $0xffff  }
0x91: {  	[tilespmem:s25+$0x4050] =	vst v10;
	v10 =	vld.idx.msk [tilespmem:v2+s20+$0x0], $0xffff  }
0x92: {  	[tilespmem:s25+$0x4060] =	vst v11;
	v11 =	vld.idx.msk [tilespmem:v1+s20+$0x0], $0xffff  }
0x93: {  	[tilespmem:s25+$0x4080] =	vst v48;
	v51 =	vld.idx.msk [tilespmem:v0+s20+$0x0], $0xffff  }
0x94: {  	s9 =	simm.s32 $0x2AF8;
	[tilespmem:s25+$0x4170] =	vst v8;
	v52 =	vld.idx.msk [tilespmem:v6+s8+$0x0], $0xffff  }
0x95: {  	[tilespmem:s25+$0x4110] =	vst v53;
	v8 =	vld.idx.msk [tilespmem:v7+s9+$0x0], $0xffff  }
0x96: {  	[tilespmem:s25+$0x40B0] =	vst v9;
	v9 =	vld.idx.msk [tilespmem:v4+s8+$0x0], $0xffff  }
0x97: {  	[tilespmem:s25+$0x40C0] =	vst v10;
	v10 =	vld.idx.msk [tilespmem:v3+s8+$0x0], $0xffff  }
0x98: {  	[tilespmem:s25+$0x40D0] =	vst v11;
	v11 =	vld.idx.msk [tilespmem:v2+s8+$0x0], $0xffff  }
0x99: {  	[tilespmem:s25+$0x40E0] =	vst v51;
	v54 =	vld.idx.msk [tilespmem:v1+s8+$0x0], $0xffff  }
0x9a: {  	[tilespmem:s25+$0x4100] =	vst v52;
	v55 =	vld.idx.msk [tilespmem:v0+s8+$0x0], $0xffff  }
0x9b: {  	[tilespmem:s25+$0x41F0] =	vst v8;
	v56 =	vld.idx.msk [tilespmem:v6+s9+$0x0], $0xffff  }
0x9c: {  	s19 =	simm.s32 $0x2EE0;
	[tilespmem:s25+$0x4120] =	vst v9;
	v9 =	vld.idx.msk [tilespmem:v5+s9+$0x0], $0xffff  }
0x9d: {  	v8 =	vld.idx.msk [tilespmem:v7+s19+$0x0], $0xffff;
	[tilespmem:s25+$0x4130] =	vst v10  }
0x9e: {  	v10 =	vld.idx.msk [tilespmem:v4+s9+$0x0], $0xffff;
	[tilespmem:s25+$0x4140] =	vst v11  }
0x9f: {  	v11 =	vld.idx.msk [tilespmem:v3+s9+$0x0], $0xffff;
	[tilespmem:s25+$0x4150] =	vst v54  }
0xa0: {  	v57 =	vld.idx.msk [tilespmem:v2+s9+$0x0], $0xffff;
	[tilespmem:s25+$0x4160] =	vst v55  }
0xa1: {  	v58 =	vld.idx.msk [tilespmem:v1+s9+$0x0], $0xffff;
	[tilespmem:s25+$0x4180] =	vst v56  }
0xa2: {  	s17 =	simm.s32 $0x32C8;
	v59 =	vld.idx.msk [tilespmem:v0+s9+$0x0], $0xffff;
	[tilespmem:s25+$0x4270] =	vst v8  }
0xa3: {  	[tilespmem:s25+$0x4190] =	vst v9;
	v8 =	vld.idx.msk [tilespmem:v7+s17+$0x0], $0xffff  }
0xa4: {  	v9 =	vld.idx.msk [tilespmem:v6+s19+$0x0], $0xffff;
	[tilespmem:s25+$0x41A0] =	vst v10  }
0xa5: {  	v10 =	vld.idx.msk [tilespmem:v5+s19+$0x0], $0xffff;
	[tilespmem:s25+$0x41B0] =	vst v11  }
0xa6: {  	v11 =	vld.idx.msk [tilespmem:v4+s19+$0x0], $0xffff;
	[tilespmem:s25+$0x41C0] =	vst v57  }
0xa7: {  	v60 =	vld.idx.msk [tilespmem:v3+s19+$0x0], $0xffff;
	[tilespmem:s25+$0x41D0] =	vst v58  }
0xa8: {  	s16 =	simm.s32 $0x36B0;
	v61 =	vld.idx.msk [tilespmem:v2+s19+$0x0], $0xffff;
	[tilespmem:s25+$0x42F0] =	vst v8  }
0xa9: {  	[tilespmem:s25+$0x41E0] =	vst v59;
	v8 =	vld.idx.msk [tilespmem:v7+s16+$0x0], $0xffff  }
0xaa: {  	v62 =	vld.idx.msk [tilespmem:v1+s19+$0x0], $0xffff;
	[tilespmem:s25+$0x4200] =	vst v9  }
0xab: {  	[tilespmem:s25+$0x4210] =	vst v10;
	v9 =	vld.idx.msk [tilespmem:v6+s17+$0x0], $0xffff  }
0xac: {  	[tilespmem:s25+$0x4220] =	vst v11;
	v10 =	vld.idx.msk [tilespmem:v5+s17+$0x0], $0xffff  }
0xad: {  	[tilespmem:s25+$0x4230] =	vst v60;
	v11 =	vld.idx.msk [tilespmem:v4+s17+$0x0], $0xffff  }
0xae: {  	s3 =	simm.s32 $0x3A98;
	[tilespmem:s25+$0x4370] =	vst v8;
	v8 =	vld.idx.msk [tilespmem:v0+s19+$0x0], $0xffff  }
0xaf: {  	[tilespmem:s25+$0x4240] =	vst v61;
	v7 =	vld.idx.msk [tilespmem:v7+s3+$0x0], $0xffff  }
0xb0: {  	v12 =	vld.idx.msk [tilespmem:v3+s17+$0x0], $0xffff;
	[tilespmem:s25+$0x4250] =	vst v62  }
0xb1: {  	v13 =	vld.idx.msk [tilespmem:v2+s17+$0x0], $0xffff;
	[tilespmem:s25+$0x4280] =	vst v9  }
0xb2: {  	[tilespmem:s25+$0x4290] =	vst v10;
	v9 =	vld.idx.msk [tilespmem:v6+s16+$0x0], $0xffff  }
0xb3: {  	v10 =	vld.idx.msk [tilespmem:v5+s16+$0x0], $0xffff;
	[tilespmem:s25+$0x4260] =	vst v8  }
0xb4: {  	[tilespmem:s25+$0x43F0] =	vst v7;
	v7 =	vld.idx.msk [tilespmem:v1+s17+$0x0], $0xffff  }
0xb5: {  	[tilespmem:s25+$0x42A0] =	vst v11;
	v8 =	vld.idx.msk [tilespmem:v0+s17+$0x0], $0xffff  }
0xb6: {  	v11 =	vld.idx.msk [tilespmem:v4+s16+$0x0], $0xffff;
	[tilespmem:s25+$0x42B0] =	vst v12  }
0xb7: {  	v12 =	vld.idx.msk [tilespmem:v3+s16+$0x0], $0xffff;
	[tilespmem:s25+$0x42C0] =	vst v13  }
0xb8: {  	v13 =	vld.idx.msk [tilespmem:v2+s16+$0x0], $0xffff;
	[tilespmem:s25+$0x4300] =	vst v9  }
0xb9: {  	v63 =	vld.idx.msk [tilespmem:v6+s3+$0x0], $0xffff;
	[tilespmem:s25+$0x42D0] =	vst v7  }
0xba: {  	[tilespmem:s25+$0x42E0] =	vst v8;
	v7 =	vld.idx.msk [tilespmem:v1+s16+$0x0], $0xffff  }
0xbb: {  	[tilespmem:s25+$0x4310] =	vst v10;
	v9 =	vld.idx.msk [tilespmem:v0+s16+$0x0], $0xffff  }
0xbc: {  	v6 =	vld.idx.msk [tilespmem:v5+s3+$0x0], $0xffff;
	[tilespmem:s25+$0x4330] =	vst v12  }
0xbd: {  	[tilespmem:s25+$0x4320] =	vst v11;
	v3 =	vld.idx.msk [tilespmem:v3+s3+$0x0], $0xffff  }
0xbe: {  	[tilespmem:s25+$0x4340] =	vst v13;
	v8 =	vld.idx.msk [tilespmem:v4+s3+$0x0], $0xffff  }
0xbf: {  	v4 =	vld.idx.msk [tilespmem:v2+s3+$0x0], $0xffff;
	[tilespmem:s25+$0x4350] =	vst v7  }
0xc0: {  	[tilespmem:s25+$0x4360] =	vst v9;
	v5 =	vld.idx.msk [tilespmem:v1+s3+$0x0], $0xffff  }
0xc1: {  	s14 =	simm.s32 $0x0;
	s22 =	simm.s32 $0x9D00;
	s23 =	simm.s32 $0x7DC0;
	[tilespmem:s25+$0x4380] =	vst v63;
	v1 =	vld.idx.msk [tilespmem:v0+s3+$0x0], $0xffff  }
.LBB2_2:
0xc2: {  	v7 =	vld [tilespmem:s23+$0x30];
	s14 =	sadd.s32 $0x8, s14;
	[tilespmem:s22+$0x4390] =	vst v6  }
0xc3: {  	v0 =	vld [tilespmem:s23+$0xFFFFFFD0];
	p0 =	slt.u32 s14, $0x78;
	[tilespmem:s22+$0x43A0] =	vst v8  }
0xc4: {  	v2 =	vld [tilespmem:s23+$0xFFFFFFE0];
	[tilespmem:s22+$0x43B0] =	vst v3  }
0xc5: {  	v3 =	vld [tilespmem:s23+$0xFFFFFFF0];
	[tilespmem:s22+$0x43C0] =	vst v4  }
0xc6: {  	v4 =	vld [tilespmem:s23+$0x0];
	[tilespmem:s22+$0x43D0] =	vst v5  }
0xc7: {  	v5 =	vld [tilespmem:s23+$0x10];
	[tilespmem:s22+$0x43E0] =	vst v1  }
0xc8: {  	v1 =	vld [tilespmem:s23+$0x20]  }
0xc9: {  	v6 =	vld [tilespmem:s23+$0xFFFFFFC0]  }
0xca: {  	v8 =	vld.idx.msk [tilespmem:v7+s24+$0x0], $0xffff  }
0xcb: {  	v9 =	vld.idx.msk [tilespmem:v0+s24+$0x0], $0xffff  }
0xcc: {  	v10 =	vld.idx.msk [tilespmem:v2+s24+$0x0], $0xffff  }
0xcd: {  	v11 =	vld.idx.msk [tilespmem:v3+s24+$0x0], $0xffff  }
0xce: {  	v12 =	vld.idx.msk [tilespmem:v4+s24+$0x0], $0xffff  }
0xcf: {  	s22 =	sadd.s32 $0x400, s22;
	v13 =	vld.idx.msk [tilespmem:v5+s24+$0x0], $0xffff  }
0xd0: {  	v14 =	vld.idx.msk [tilespmem:v1+s24+$0x0], $0xffff;
	[tilespmem:s22+$0x70] =	vst v8  }
0xd1: {  	[tilespmem:s22+$0x10] =	vst v9;
	v8 =	vld.idx.msk [tilespmem:v7+s26+$0x0], $0xffff  }
0xd2: {  	v9 =	vld.idx.msk [tilespmem:v6+s24+$0x0], $0xffff;
	[tilespmem:s22+$0x20] =	vst v10  }
0xd3: {  	v10 =	vld.idx.msk [tilespmem:v0+s26+$0x0], $0xffff;
	[tilespmem:s22+$0x30] =	vst v11  }
0xd4: {  	v11 =	vld.idx.msk [tilespmem:v2+s26+$0x0], $0xffff;
	[tilespmem:s22+$0x40] =	vst v12  }
0xd5: {  	v12 =	vld.idx.msk [tilespmem:v3+s26+$0x0], $0xffff;
	[tilespmem:s22+$0x50] =	vst v13  }
0xd6: {  	v13 =	vld.idx.msk [tilespmem:v4+s26+$0x0], $0xffff;
	[tilespmem:s22+$0x60] =	vst v14  }
0xd7: {  	v14 =	vld.idx.msk [tilespmem:v5+s26+$0x0], $0xffff;
	[tilespmem:s22+$0xF0] =	vst v8  }
0xd8: {  	[tilespmem:s22+$0x0] =	vst v9;
	v8 =	vld.idx.msk [tilespmem:v7+s28+$0x0], $0xffff  }
0xd9: {  	v9 =	vld.idx.msk [tilespmem:v6+s26+$0x0], $0xffff;
	[tilespmem:s22+$0x90] =	vst v10  }
0xda: {  	[tilespmem:s22+$0xA0] =	vst v11;
	v10 =	vld.idx.msk [tilespmem:v1+s26+$0x0], $0xffff  }
0xdb: {  	v11 =	vld.idx.msk [tilespmem:v0+s28+$0x0], $0xffff;
	[tilespmem:s22+$0xB0] =	vst v12  }
0xdc: {  	v12 =	vld.idx.msk [tilespmem:v2+s28+$0x0], $0xffff;
	[tilespmem:s22+$0xC0] =	vst v13  }
0xdd: {  	v13 =	vld.idx.msk [tilespmem:v3+s28+$0x0], $0xffff;
	[tilespmem:s22+$0xD0] =	vst v14  }
0xde: {  	v14 =	vld.idx.msk [tilespmem:v4+s28+$0x0], $0xffff;
	[tilespmem:s22+$0x170] =	vst v8  }
0xdf: {  	[tilespmem:s22+$0x80] =	vst v9;
	v8 =	vld.idx.msk [tilespmem:v7+s29+$0x0], $0xffff  }
0xe0: {  	v9 =	vld.idx.msk [tilespmem:v6+s28+$0x0], $0xffff;
	[tilespmem:s22+$0xE0] =	vst v10  }
0xe1: {  	[tilespmem:s22+$0x110] =	vst v11;
	v10 =	vld.idx.msk [tilespmem:v5+s28+$0x0], $0xffff  }
0xe2: {  	[tilespmem:s22+$0x120] =	vst v12;
	v11 =	vld.idx.msk [tilespmem:v1+s28+$0x0], $0xffff  }
0xe3: {  	v12 =	vld.idx.msk [tilespmem:v0+s29+$0x0], $0xffff;
	[tilespmem:s22+$0x130] =	vst v13  }
0xe4: {  	v13 =	vld.idx.msk [tilespmem:v2+s29+$0x0], $0xffff;
	[tilespmem:s22+$0x140] =	vst v14  }
0xe5: {  	v14 =	vld.idx.msk [tilespmem:v3+s29+$0x0], $0xffff;
	[tilespmem:s22+$0x1F0] =	vst v8  }
0xe6: {  	[tilespmem:s22+$0x100] =	vst v9;
	v8 =	vld.idx.msk [tilespmem:v7+s30+$0x0], $0xffff  }
0xe7: {  	v9 =	vld.idx.msk [tilespmem:v6+s29+$0x0], $0xffff;
	[tilespmem:s22+$0x150] =	vst v10  }
0xe8: {  	v10 =	vld.idx.msk [tilespmem:v4+s29+$0x0], $0xffff;
	[tilespmem:s22+$0x160] =	vst v11  }
0xe9: {  	[tilespmem:s22+$0x190] =	vst v12;
	v11 =	vld.idx.msk [tilespmem:v5+s29+$0x0], $0xffff  }
0xea: {  	[tilespmem:s22+$0x1A0] =	vst v13;
	v12 =	vld.idx.msk [tilespmem:v1+s29+$0x0], $0xffff  }
0xeb: {  	v13 =	vld.idx.msk [tilespmem:v0+s30+$0x0], $0xffff;
	[tilespmem:s22+$0x1B0] =	vst v14  }
0xec: {  	v14 =	vld.idx.msk [tilespmem:v2+s30+$0x0], $0xffff;
	[tilespmem:s22+$0x270] =	vst v8  }
0xed: {  	[tilespmem:s22+$0x180] =	vst v9;
	v8 =	vld.idx.msk [tilespmem:v7+s31+$0x0], $0xffff  }
0xee: {  	v9 =	vld.idx.msk [tilespmem:v6+s30+$0x0], $0xffff;
	[tilespmem:s22+$0x1C0] =	vst v10  }
0xef: {  	v10 =	vld.idx.msk [tilespmem:v3+s30+$0x0], $0xffff;
	[tilespmem:s22+$0x1D0] =	vst v11  }
0xf0: {  	v11 =	vld.idx.msk [tilespmem:v4+s30+$0x0], $0xffff;
	[tilespmem:s22+$0x1E0] =	vst v12  }
0xf1: {  	[tilespmem:s22+$0x210] =	vst v13;
	v12 =	vld.idx.msk [tilespmem:v5+s30+$0x0], $0xffff  }
0xf2: {  	[tilespmem:s22+$0x220] =	vst v14;
	v13 =	vld.idx.msk [tilespmem:v1+s30+$0x0], $0xffff  }
0xf3: {  	v14 =	vld.idx.msk [tilespmem:v0+s31+$0x0], $0xffff;
	[tilespmem:s22+$0x2F0] =	vst v8  }
0xf4: {  	[tilespmem:s22+$0x200] =	vst v9;
	v8 =	vld.idx.msk [tilespmem:v7+s1+$0x0], $0xffff  }
0xf5: {  	v9 =	vld.idx.msk [tilespmem:v6+s31+$0x0], $0xffff;
	[tilespmem:s22+$0x230] =	vst v10  }
0xf6: {  	v10 =	vld.idx.msk [tilespmem:v2+s31+$0x0], $0xffff;
	[tilespmem:s22+$0x240] =	vst v11  }
0xf7: {  	v11 =	vld.idx.msk [tilespmem:v3+s31+$0x0], $0xffff;
	[tilespmem:s22+$0x250] =	vst v12  }
0xf8: {  	v12 =	vld.idx.msk [tilespmem:v4+s31+$0x0], $0xffff;
	[tilespmem:s22+$0x260] =	vst v13  }
0xf9: {  	[tilespmem:s22+$0x290] =	vst v14;
	v13 =	vld.idx.msk [tilespmem:v5+s31+$0x0], $0xffff  }
0xfa: {  	v14 =	vld.idx.msk [tilespmem:v1+s31+$0x0], $0xffff;
	[tilespmem:s22+$0x370] =	vst v8  }
0xfb: {  	[tilespmem:s22+$0x280] =	vst v9;
	v8 =	vld.idx.msk [tilespmem:v7+s0+$0x0], $0xffff  }
0xfc: {  	v9 =	vld.idx.msk [tilespmem:v6+s1+$0x0], $0xffff;
	[tilespmem:s22+$0x2A0] =	vst v10  }
0xfd: {  	v10 =	vld.idx.msk [tilespmem:v0+s1+$0x0], $0xffff;
	[tilespmem:s22+$0x2B0] =	vst v11  }
0xfe: {  	v11 =	vld.idx.msk [tilespmem:v2+s1+$0x0], $0xffff;
	[tilespmem:s22+$0x2C0] =	vst v12  }
0xff: {  	v12 =	vld.idx.msk [tilespmem:v3+s1+$0x0], $0xffff;
	[tilespmem:s22+$0x2D0] =	vst v13  }
0x100: {  	v13 =	vld.idx.msk [tilespmem:v4+s1+$0x0], $0xffff;
	[tilespmem:s22+$0x2E0] =	vst v14  }
0x101: {  	v14 =	vld.idx.msk [tilespmem:v5+s1+$0x0], $0xffff;
	[tilespmem:s22+$0x3F0] =	vst v8  }
0x102: {  	[tilespmem:s22+$0x300] =	vst v9;
	v8 =	vld.idx.msk [tilespmem:v7+s18+$0x0], $0xffff  }
0x103: {  	[tilespmem:s22+$0x310] =	vst v10;
	v9 =	vld.idx.msk [tilespmem:v1+s1+$0x0], $0xffff  }
0x104: {  	v10 =	vld.idx.msk [tilespmem:v6+s0+$0x0], $0xffff;
	[tilespmem:s22+$0x320] =	vst v11  }
0x105: {  	v11 =	vld.idx.msk [tilespmem:v0+s0+$0x0], $0xffff;
	[tilespmem:s22+$0x330] =	vst v12  }
0x106: {  	v12 =	vld.idx.msk [tilespmem:v2+s0+$0x0], $0xffff;
	[tilespmem:s22+$0x340] =	vst v13  }
0x107: {  	v13 =	vld.idx.msk [tilespmem:v3+s0+$0x0], $0xffff;
	[tilespmem:s22+$0x350] =	vst v14  }
0x108: {  	v14 =	vld.idx.msk [tilespmem:v4+s0+$0x0], $0xffff;
	[tilespmem:s22+$0x4070] =	vst v8  }
0x109: {  	[tilespmem:s22+$0x360] =	vst v9;
	v8 =	vld.idx.msk [tilespmem:v7+s20+$0x0], $0xffff  }
0x10a: {  	[tilespmem:s22+$0x380] =	vst v10;
	v9 =	vld.idx.msk [tilespmem:v5+s0+$0x0], $0xffff  }
0x10b: {  	[tilespmem:s22+$0x390] =	vst v11;
	v10 =	vld.idx.msk [tilespmem:v1+s0+$0x0], $0xffff  }
0x10c: {  	v11 =	vld.idx.msk [tilespmem:v6+s18+$0x0], $0xffff;
	[tilespmem:s22+$0x3A0] =	vst v12  }
0x10d: {  	v12 =	vld.idx.msk [tilespmem:v0+s18+$0x0], $0xffff;
	[tilespmem:s22+$0x3B0] =	vst v13  }
0x10e: {  	v13 =	vld.idx.msk [tilespmem:v2+s18+$0x0], $0xffff;
	[tilespmem:s22+$0x3C0] =	vst v14  }
0x10f: {  	v14 =	vld.idx.msk [tilespmem:v3+s18+$0x0], $0xffff;
	[tilespmem:s22+$0x40F0] =	vst v8  }
0x110: {  	[tilespmem:s22+$0x3D0] =	vst v9;
	v8 =	vld.idx.msk [tilespmem:v7+s8+$0x0], $0xffff  }
0x111: {  	v9 =	vld.idx.msk [tilespmem:v4+s18+$0x0], $0xffff;
	[tilespmem:s22+$0x3E0] =	vst v10  }
0x112: {  	[tilespmem:s22+$0x4000] =	vst v11;
	v10 =	vld.idx.msk [tilespmem:v5+s18+$0x0], $0xffff  }
0x113: {  	[tilespmem:s22+$0x4010] =	vst v12;
	v11 =	vld.idx.msk [tilespmem:v1+s18+$0x0], $0xffff  }
0x114: {  	v12 =	vld.idx.msk [tilespmem:v6+s20+$0x0], $0xffff;
	[tilespmem:s22+$0x4020] =	vst v13  }
0x115: {  	v13 =	vld.idx.msk [tilespmem:v0+s20+$0x0], $0xffff;
	[tilespmem:s22+$0x4030] =	vst v14  }
0x116: {  	v14 =	vld.idx.msk [tilespmem:v2+s20+$0x0], $0xffff;
	[tilespmem:s22+$0x4170] =	vst v8  }
0x117: {  	[tilespmem:s22+$0x4040] =	vst v9;
	v8 =	vld.idx.msk [tilespmem:v7+s9+$0x0], $0xffff  }
0x118: {  	v9 =	vld.idx.msk [tilespmem:v3+s20+$0x0], $0xffff;
	[tilespmem:s22+$0x4050] =	vst v10  }
0x119: {  	v10 =	vld.idx.msk [tilespmem:v4+s20+$0x0], $0xffff;
	[tilespmem:s22+$0x4060] =	vst v11  }
0x11a: {  	[tilespmem:s22+$0x4080] =	vst v12;
	v11 =	vld.idx.msk [tilespmem:v5+s20+$0x0], $0xffff  }
0x11b: {  	[tilespmem:s22+$0x4090] =	vst v13;
	v12 =	vld.idx.msk [tilespmem:v1+s20+$0x0], $0xffff  }
0x11c: {  	v13 =	vld.idx.msk [tilespmem:v6+s8+$0x0], $0xffff;
	[tilespmem:s22+$0x40A0] =	vst v14  }
0x11d: {  	v14 =	vld.idx.msk [tilespmem:v0+s8+$0x0], $0xffff;
	[tilespmem:s22+$0x41F0] =	vst v8  }
0x11e: {  	[tilespmem:s22+$0x40B0] =	vst v9;
	v8 =	vld.idx.msk [tilespmem:v7+s19+$0x0], $0xffff  }
0x11f: {  	v9 =	vld.idx.msk [tilespmem:v2+s8+$0x0], $0xffff;
	[tilespmem:s22+$0x40C0] =	vst v10  }
0x120: {  	v10 =	vld.idx.msk [tilespmem:v3+s8+$0x0], $0xffff;
	[tilespmem:s22+$0x40D0] =	vst v11  }
0x121: {  	v11 =	vld.idx.msk [tilespmem:v4+s8+$0x0], $0xffff;
	[tilespmem:s22+$0x40E0] =	vst v12  }
0x122: {  	[tilespmem:s22+$0x4100] =	vst v13;
	v12 =	vld.idx.msk [tilespmem:v5+s8+$0x0], $0xffff  }
0x123: {  	[tilespmem:s22+$0x4110] =	vst v14;
	v13 =	vld.idx.msk [tilespmem:v1+s8+$0x0], $0xffff  }
0x124: {  	v14 =	vld.idx.msk [tilespmem:v6+s9+$0x0], $0xffff;
	[tilespmem:s22+$0x4270] =	vst v8  }
0x125: {  	[tilespmem:s22+$0x4120] =	vst v9;
	v8 =	vld.idx.msk [tilespmem:v7+s17+$0x0], $0xffff  }
0x126: {  	v9 =	vld.idx.msk [tilespmem:v0+s9+$0x0], $0xffff;
	[tilespmem:s22+$0x4130] =	vst v10  }
0x127: {  	v10 =	vld.idx.msk [tilespmem:v2+s9+$0x0], $0xffff;
	[tilespmem:s22+$0x4140] =	vst v11  }
0x128: {  	v11 =	vld.idx.msk [tilespmem:v3+s9+$0x0], $0xffff;
	[tilespmem:s22+$0x4150] =	vst v12  }
0x129: {  	v12 =	vld.idx.msk [tilespmem:v4+s9+$0x0], $0xffff;
	[tilespmem:s22+$0x4160] =	vst v13  }
0x12a: {  	[tilespmem:s22+$0x4180] =	vst v14;
	v13 =	vld.idx.msk [tilespmem:v5+s9+$0x0], $0xffff  }
0x12b: {  	v14 =	vld.idx.msk [tilespmem:v1+s9+$0x0], $0xffff;
	[tilespmem:s22+$0x42F0] =	vst v8  }
0x12c: {  	[tilespmem:s22+$0x4190] =	vst v9;
	v8 =	vld.idx.msk [tilespmem:v7+s16+$0x0], $0xffff  }
0x12d: {  	v9 =	vld.idx.msk [tilespmem:v6+s19+$0x0], $0xffff;
	[tilespmem:s22+$0x41A0] =	vst v10  }
0x12e: {  	v10 =	vld.idx.msk [tilespmem:v0+s19+$0x0], $0xffff;
	[tilespmem:s22+$0x41B0] =	vst v11  }
0x12f: {  	v11 =	vld.idx.msk [tilespmem:v2+s19+$0x0], $0xffff;
	[tilespmem:s22+$0x41C0] =	vst v12  }
0x130: {  	v12 =	vld.idx.msk [tilespmem:v3+s19+$0x0], $0xffff;
	[tilespmem:s22+$0x41D0] =	vst v13  }
0x131: {  	v13 =	vld.idx.msk [tilespmem:v4+s19+$0x0], $0xffff;
	[tilespmem:s22+$0x41E0] =	vst v14  }
0x132: {  	v14 =	vld.idx.msk [tilespmem:v5+s19+$0x0], $0xffff;
	[tilespmem:s22+$0x4370] =	vst v8  }
0x133: {  	[tilespmem:s22+$0x4200] =	vst v9;
	v7 =	vld.idx.msk [tilespmem:v7+s3+$0x0], $0xffff  }
0x134: {  	[tilespmem:s22+$0x4210] =	vst v10;
	v8 =	vld.idx.msk [tilespmem:v1+s19+$0x0], $0xffff  }
0x135: {  	v9 =	vld.idx.msk [tilespmem:v6+s17+$0x0], $0xffff;
	[tilespmem:s22+$0x4220] =	vst v11  }
0x136: {  	v10 =	vld.idx.msk [tilespmem:v0+s17+$0x0], $0xffff;
	[tilespmem:s22+$0x4230] =	vst v12  }
0x137: {  	v11 =	vld.idx.msk [tilespmem:v2+s17+$0x0], $0xffff;
	[tilespmem:s22+$0x4240] =	vst v13  }
0x138: {  	v12 =	vld.idx.msk [tilespmem:v3+s17+$0x0], $0xffff;
	[tilespmem:s22+$0x4250] =	vst v14  }
0x139: {  	v13 =	vld.idx.msk [tilespmem:v4+s17+$0x0], $0xffff;
	[tilespmem:s22+$0x43F0] =	vst v7  }
0x13a: {  	v7 =	vld.idx.msk [tilespmem:v5+s17+$0x0], $0xffff;
	[tilespmem:s22+$0x4260] =	vst v8  }
0x13b: {  	[tilespmem:s22+$0x4280] =	vst v9;
	v8 =	vld.idx.msk [tilespmem:v1+s17+$0x0], $0xffff  }
0x13c: {  	v9 =	vld.idx.msk [tilespmem:v6+s16+$0x0], $0xffff;
	[tilespmem:s22+$0x4290] =	vst v10  }
0x13d: {  	v10 =	vld.idx.msk [tilespmem:v0+s16+$0x0], $0xffff;
	[tilespmem:s22+$0x42A0] =	vst v11  }
0x13e: {  	v11 =	vld.idx.msk [tilespmem:v2+s16+$0x0], $0xffff;
	[tilespmem:s22+$0x42B0] =	vst v12  }
0x13f: {  	v12 =	vld.idx.msk [tilespmem:v3+s16+$0x0], $0xffff;
	[tilespmem:s22+$0x42C0] =	vst v13  }
0x140: {  	v13 =	vld.idx.msk [tilespmem:v4+s16+$0x0], $0xffff;
	[tilespmem:s22+$0x42D0] =	vst v7  }
0x141: {  	v7 =	vld.idx.msk [tilespmem:v5+s16+$0x0], $0xffff;
	[tilespmem:s22+$0x42E0] =	vst v8  }
0x142: {  	[tilespmem:s22+$0x4300] =	vst v9;
	v9 =	vld.idx.msk [tilespmem:v1+s16+$0x0], $0xffff  }
0x143: {  	v14 =	vld.idx.msk [tilespmem:v6+s3+$0x0], $0xffff;
	[tilespmem:s22+$0x4310] =	vst v10  }
0x144: {  	v6 =	vld.idx.msk [tilespmem:v0+s3+$0x0], $0xffff;
	[tilespmem:s22+$0x4320] =	vst v11  }
.Ltmp2:
0x145: {  	v8 =	vld.idx.msk [tilespmem:v2+s3+$0x0], $0xffff;
	[tilespmem:s22+$0x4330] =	vst v12;
	(pc) =	sbr.rel @p0 .LBB2_2-.Ltmp2, $4  }
0x146: {  	v3 =	vld.idx.msk [tilespmem:v3+s3+$0x0], $0xffff;
	[tilespmem:s22+$0x4340] =	vst v13  }
0x147: {  	v4 =	vld.idx.msk [tilespmem:v4+s3+$0x0], $0xffff;
	[tilespmem:s22+$0x4350] =	vst v7  }
0x148: {  	v5 =	vld.idx.msk [tilespmem:v5+s3+$0x0], $0xffff;
	[tilespmem:s22+$0x4360] =	vst v9  }
0x149: {  	s23 =	sadd.s32 $0x80, s23;
	[tilespmem:s22+$0x4380] =	vst v14;
	v1 =	vld.idx.msk [tilespmem:v1+s3+$0x0], $0xffff  }
0x14a: {  	[tilespmem:s22+$0x4390] =	vst v6  }
0x14b: {  	[tilespmem:s22+$0x43A0] =	vst v8  }
0x14c: {  	[tilespmem:s22+$0x43B0] =	vst v3  }
0x14d: {  	[tilespmem:s22+$0x43C0] =	vst v4  }
0x14e: {  	[tilespmem:s22+$0x43D0] =	vst v5  }
0x14f: {  	s23 =	simm.s32 $0x4000;
	[tilespmem:s22+$0x43E0] =	vst v1  }
0x150: {  	s25 =	simm.s32 $0x8000;
	s14 =	simm.s32 $0x9D00;
	s22 =	rddreg [dreg:$0xb]  }
0x151: {  	[hbm4b:s22+s23] =	stream.strided.scatter [tilespmem:s14], [sflag:$0x1], $0x8000, s25, s23, $0x38;
	[tilespmem:$0x19D00] =	vst v63  }
0x152: {  	s25 =	simm.s32 $0x8570  }
0x153: {  	v7 =	vld [tilespmem:s25+$0x0]  }
0x154: {  	v5 =	vld [tilespmem:s25+$0xFFFFFFA0]  }
0x155: {  	v4 =	vld [tilespmem:s25+$0xFFFFFFB0]  }
0x156: {  	v3 =	vld [tilespmem:s25+$0xFFFFFFC0]  }
0x157: {  	v2 =	vld [tilespmem:s25+$0xFFFFFFD0]  }
0x158: {  	v1 =	vld [tilespmem:s25+$0xFFFFFFE0]  }
0x159: {  	v0 =	vld [tilespmem:s25+$0xFFFFFFF0]  }
0x15a: {  	v6 =	vld [tilespmem:s25+$0xFFFFFF90]  }
0x15b: {  	v8 =	vld.idx.msk [tilespmem:v7+s24+$0x0], $0xffff  }
0x15c: {  	v9 =	vld.idx.msk [tilespmem:v5+s24+$0x0], $0xffff  }
0x15d: {  	v10 =	vld.idx.msk [tilespmem:v4+s24+$0x0], $0xffff  }
0x15e: {  	v11 =	vld.idx.msk [tilespmem:v3+s24+$0x0], $0xffff  }
0x15f: {  	v12 =	vld.idx.msk [tilespmem:v2+s24+$0x0], $0xffff  }
0x160: {  	s22 =	simm.s32 $0x11D00;
	v13 =	vld.idx.msk [tilespmem:v1+s24+$0x0], $0xffff  }
0x161: {  	v14 =	vld.idx.msk [tilespmem:v0+s24+$0x0], $0xffff;
	[tilespmem:s22+$0x70] =	vst v8  }
0x162: {  	[tilespmem:s22+$0x10] =	vst v9;
	v9 =	vld.idx.msk [tilespmem:v6+s24+$0x0], $0xffff  }
0x163: {  	[tilespmem:s22+$0x20] =	vst v10;
	v8 =	vld.idx.msk [tilespmem:v7+s26+$0x0], $0xffff  }
0x164: {  	[tilespmem:s22+$0x30] =	vst v11;
	v10 =	vld.idx.msk [tilespmem:v5+s26+$0x0], $0xffff  }
0x165: {  	[tilespmem:s22+$0x40] =	vst v12;
	v11 =	vld.idx.msk [tilespmem:v4+s26+$0x0], $0xffff  }
0x166: {  	[tilespmem:s22+$0x50] =	vst v13;
	v21 =	vld.idx.msk [tilespmem:v3+s26+$0x0], $0xffff  }
0x167: {  	[tilespmem:s22+$0x60] =	vst v14;
	v22 =	vld.idx.msk [tilespmem:v2+s26+$0x0], $0xffff  }
0x168: {  	v23 =	vld.idx.msk [tilespmem:v1+s26+$0x0], $0xffff;
	[tilespmem:s22+$0x0] =	vst v9  }
0x169: {  	[tilespmem:s22+$0xF0] =	vst v8;
	v9 =	vld.idx.msk [tilespmem:v6+s26+$0x0], $0xffff  }
0x16a: {  	[tilespmem:s22+$0x90] =	vst v10;
	v10 =	vld.idx.msk [tilespmem:v0+s26+$0x0], $0xffff  }
0x16b: {  	[tilespmem:s22+$0xA0] =	vst v11;
	v8 =	vld.idx.msk [tilespmem:v7+s28+$0x0], $0xffff  }
0x16c: {  	[tilespmem:s22+$0xB0] =	vst v21;
	v11 =	vld.idx.msk [tilespmem:v5+s28+$0x0], $0xffff  }
0x16d: {  	[tilespmem:s22+$0xC0] =	vst v22;
	v24 =	vld.idx.msk [tilespmem:v4+s28+$0x0], $0xffff  }
0x16e: {  	[tilespmem:s22+$0xD0] =	vst v23;
	v25 =	vld.idx.msk [tilespmem:v3+s28+$0x0], $0xffff  }
0x16f: {  	v26 =	vld.idx.msk [tilespmem:v2+s28+$0x0], $0xffff;
	[tilespmem:s22+$0x80] =	vst v9  }
0x170: {  	[tilespmem:s22+$0xE0] =	vst v10;
	v10 =	vld.idx.msk [tilespmem:v1+s28+$0x0], $0xffff  }
0x171: {  	[tilespmem:s22+$0x170] =	vst v8;
	v9 =	vld.idx.msk [tilespmem:v6+s28+$0x0], $0xffff  }
0x172: {  	[tilespmem:s22+$0x110] =	vst v11;
	v11 =	vld.idx.msk [tilespmem:v0+s28+$0x0], $0xffff  }
0x173: {  	[tilespmem:s22+$0x120] =	vst v24;
	v8 =	vld.idx.msk [tilespmem:v7+s29+$0x0], $0xffff  }
0x174: {  	[tilespmem:s22+$0x130] =	vst v25;
	v27 =	vld.idx.msk [tilespmem:v5+s29+$0x0], $0xffff  }
0x175: {  	[tilespmem:s22+$0x140] =	vst v26;
	v28 =	vld.idx.msk [tilespmem:v4+s29+$0x0], $0xffff  }
0x176: {  	v29 =	vld.idx.msk [tilespmem:v3+s29+$0x0], $0xffff;
	[tilespmem:s22+$0x150] =	vst v10  }
0x177: {  	v10 =	vld.idx.msk [tilespmem:v2+s29+$0x0], $0xffff;
	[tilespmem:s22+$0x100] =	vst v9  }
0x178: {  	[tilespmem:s22+$0x160] =	vst v11;
	v11 =	vld.idx.msk [tilespmem:v1+s29+$0x0], $0xffff  }
0x179: {  	[tilespmem:s22+$0x1F0] =	vst v8;
	v9 =	vld.idx.msk [tilespmem:v6+s29+$0x0], $0xffff  }
0x17a: {  	[tilespmem:s22+$0x190] =	vst v27;
	v30 =	vld.idx.msk [tilespmem:v0+s29+$0x0], $0xffff  }
0x17b: {  	[tilespmem:s22+$0x1A0] =	vst v28;
	v8 =	vld.idx.msk [tilespmem:v7+s30+$0x0], $0xffff  }
0x17c: {  	[tilespmem:s22+$0x1B0] =	vst v29;
	v31 =	vld.idx.msk [tilespmem:v5+s30+$0x0], $0xffff  }
0x17d: {  	v32 =	vld.idx.msk [tilespmem:v4+s30+$0x0], $0xffff;
	[tilespmem:s22+$0x1C0] =	vst v10  }
0x17e: {  	v10 =	vld.idx.msk [tilespmem:v3+s30+$0x0], $0xffff;
	[tilespmem:s22+$0x1D0] =	vst v11  }
0x17f: {  	v11 =	vld.idx.msk [tilespmem:v2+s30+$0x0], $0xffff;
	[tilespmem:s22+$0x180] =	vst v9  }
0x180: {  	[tilespmem:s22+$0x1E0] =	vst v30;
	v33 =	vld.idx.msk [tilespmem:v1+s30+$0x0], $0xffff  }
0x181: {  	[tilespmem:s22+$0x270] =	vst v8;
	v9 =	vld.idx.msk [tilespmem:v6+s30+$0x0], $0xffff  }
0x182: {  	[tilespmem:s22+$0x210] =	vst v31;
	v34 =	vld.idx.msk [tilespmem:v0+s30+$0x0], $0xffff  }
0x183: {  	[tilespmem:s22+$0x220] =	vst v32;
	v8 =	vld.idx.msk [tilespmem:v7+s31+$0x0], $0xffff  }
0x184: {  	v35 =	vld.idx.msk [tilespmem:v5+s31+$0x0], $0xffff;
	[tilespmem:s22+$0x230] =	vst v10  }
0x185: {  	v10 =	vld.idx.msk [tilespmem:v4+s31+$0x0], $0xffff;
	[tilespmem:s22+$0x240] =	vst v11  }
0x186: {  	v11 =	vld.idx.msk [tilespmem:v3+s31+$0x0], $0xffff;
	[tilespmem:s22+$0x250] =	vst v33  }
0x187: {  	v36 =	vld.idx.msk [tilespmem:v2+s31+$0x0], $0xffff;
	[tilespmem:s22+$0x200] =	vst v9  }
0x188: {  	[tilespmem:s22+$0x260] =	vst v34;
	v37 =	vld.idx.msk [tilespmem:v1+s31+$0x0], $0xffff  }
0x189: {  	[tilespmem:s22+$0x2F0] =	vst v8;
	v9 =	vld.idx.msk [tilespmem:v6+s31+$0x0], $0xffff  }
0x18a: {  	[tilespmem:s22+$0x290] =	vst v35;
	v38 =	vld.idx.msk [tilespmem:v0+s31+$0x0], $0xffff  }
0x18b: {  	v8 =	vld.idx.msk [tilespmem:v7+s1+$0x0], $0xffff;
	[tilespmem:s22+$0x2A0] =	vst v10  }
0x18c: {  	v10 =	vld.idx.msk [tilespmem:v5+s1+$0x0], $0xffff;
	[tilespmem:s22+$0x2B0] =	vst v11  }
0x18d: {  	v11 =	vld.idx.msk [tilespmem:v4+s1+$0x0], $0xffff;
	[tilespmem:s22+$0x2C0] =	vst v36  }
0x18e: {  	v39 =	vld.idx.msk [tilespmem:v3+s1+$0x0], $0xffff;
	[tilespmem:s22+$0x2D0] =	vst v37  }
0x18f: {  	v40 =	vld.idx.msk [tilespmem:v2+s1+$0x0], $0xffff;
	[tilespmem:s22+$0x280] =	vst v9  }
0x190: {  	[tilespmem:s22+$0x2E0] =	vst v38;
	v41 =	vld.idx.msk [tilespmem:v1+s1+$0x0], $0xffff  }
0x191: {  	[tilespmem:s22+$0x370] =	vst v8;
	v9 =	vld.idx.msk [tilespmem:v6+s1+$0x0], $0xffff  }
0x192: {  	[tilespmem:s22+$0x310] =	vst v10;
	v8 =	vld.idx.msk [tilespmem:v7+s0+$0x0], $0xffff  }
0x193: {  	[tilespmem:s22+$0x320] =	vst v11;
	v11 =	vld.idx.msk [tilespmem:v5+s0+$0x0], $0xffff  }
0x194: {  	[tilespmem:s22+$0x330] =	vst v39;
	v42 =	vld.idx.msk [tilespmem:v4+s0+$0x0], $0xffff  }
0x195: {  	[tilespmem:s22+$0x340] =	vst v40;
	v43 =	vld.idx.msk [tilespmem:v3+s0+$0x0], $0xffff  }
0x196: {  	[tilespmem:s22+$0x350] =	vst v41;
	v44 =	vld.idx.msk [tilespmem:v2+s0+$0x0], $0xffff  }
0x197: {  	[tilespmem:s22+$0x300] =	vst v9;
	v9 =	vld.idx.msk [tilespmem:v0+s1+$0x0], $0xffff  }
0x198: {  	[tilespmem:s22+$0x3F0] =	vst v8;
	v10 =	vld.idx.msk [tilespmem:v6+s0+$0x0], $0xffff  }
0x199: {  	[tilespmem:s22+$0x390] =	vst v11;
	v8 =	vld.idx.msk [tilespmem:v7+s18+$0x0], $0xffff  }
0x19a: {  	[tilespmem:s22+$0x3A0] =	vst v42;
	v45 =	vld.idx.msk [tilespmem:v5+s18+$0x0], $0xffff  }
0x19b: {  	[tilespmem:s22+$0x3B0] =	vst v43;
	v46 =	vld.idx.msk [tilespmem:v4+s18+$0x0], $0xffff  }
0x19c: {  	[tilespmem:s22+$0x3C0] =	vst v44;
	v47 =	vld.idx.msk [tilespmem:v3+s18+$0x0], $0xffff  }
0x19d: {  	[tilespmem:s22+$0x360] =	vst v9;
	v9 =	vld.idx.msk [tilespmem:v1+s0+$0x0], $0xffff  }
0x19e: {  	[tilespmem:s22+$0x380] =	vst v10;
	v10 =	vld.idx.msk [tilespmem:v0+s0+$0x0], $0xffff  }
0x19f: {  	[tilespmem:s22+$0x4070] =	vst v8;
	v11 =	vld.idx.msk [tilespmem:v6+s18+$0x0], $0xffff  }
0x1a0: {  	[tilespmem:s22+$0x4010] =	vst v45;
	v8 =	vld.idx.msk [tilespmem:v7+s20+$0x0], $0xffff  }
0x1a1: {  	[tilespmem:s22+$0x4020] =	vst v46;
	v49 =	vld.idx.msk [tilespmem:v5+s20+$0x0], $0xffff  }
0x1a2: {  	[tilespmem:s22+$0x4030] =	vst v47;
	v50 =	vld.idx.msk [tilespmem:v4+s20+$0x0], $0xffff  }
0x1a3: {  	[tilespmem:s22+$0x3D0] =	vst v9;
	v9 =	vld.idx.msk [tilespmem:v2+s18+$0x0], $0xffff  }
0x1a4: {  	[tilespmem:s22+$0x3E0] =	vst v10;
	v10 =	vld.idx.msk [tilespmem:v1+s18+$0x0], $0xffff  }
0x1a5: {  	[tilespmem:s22+$0x4000] =	vst v11;
	v11 =	vld.idx.msk [tilespmem:v0+s18+$0x0], $0xffff  }
0x1a6: {  	[tilespmem:s22+$0x40F0] =	vst v8;
	v48 =	vld.idx.msk [tilespmem:v6+s20+$0x0], $0xffff  }
0x1a7: {  	[tilespmem:s22+$0x4090] =	vst v49;
	v8 =	vld.idx.msk [tilespmem:v7+s8+$0x0], $0xffff  }
0x1a8: {  	[tilespmem:s22+$0x40A0] =	vst v50;
	v53 =	vld.idx.msk [tilespmem:v5+s8+$0x0], $0xffff  }
0x1a9: {  	[tilespmem:s22+$0x4040] =	vst v9;
	v9 =	vld.idx.msk [tilespmem:v3+s20+$0x0], $0xffff  }
0x1aa: {  	[tilespmem:s22+$0x4050] =	vst v10;
	v10 =	vld.idx.msk [tilespmem:v2+s20+$0x0], $0xffff  }
0x1ab: {  	[tilespmem:s22+$0x4060] =	vst v11;
	v11 =	vld.idx.msk [tilespmem:v1+s20+$0x0], $0xffff  }
0x1ac: {  	[tilespmem:s22+$0x4080] =	vst v48;
	v51 =	vld.idx.msk [tilespmem:v0+s20+$0x0], $0xffff  }
0x1ad: {  	[tilespmem:s22+$0x4170] =	vst v8;
	v52 =	vld.idx.msk [tilespmem:v6+s8+$0x0], $0xffff  }
0x1ae: {  	[tilespmem:s22+$0x4110] =	vst v53;
	v8 =	vld.idx.msk [tilespmem:v7+s9+$0x0], $0xffff  }
0x1af: {  	[tilespmem:s22+$0x40B0] =	vst v9;
	v9 =	vld.idx.msk [tilespmem:v4+s8+$0x0], $0xffff  }
0x1b0: {  	[tilespmem:s22+$0x40C0] =	vst v10;
	v10 =	vld.idx.msk [tilespmem:v3+s8+$0x0], $0xffff  }
0x1b1: {  	[tilespmem:s22+$0x40D0] =	vst v11;
	v11 =	vld.idx.msk [tilespmem:v2+s8+$0x0], $0xffff  }
0x1b2: {  	[tilespmem:s22+$0x40E0] =	vst v51;
	v54 =	vld.idx.msk [tilespmem:v1+s8+$0x0], $0xffff  }
0x1b3: {  	[tilespmem:s22+$0x4100] =	vst v52;
	v55 =	vld.idx.msk [tilespmem:v0+s8+$0x0], $0xffff  }
0x1b4: {  	[tilespmem:s22+$0x41F0] =	vst v8;
	v56 =	vld.idx.msk [tilespmem:v6+s9+$0x0], $0xffff  }
0x1b5: {  	[tilespmem:s22+$0x4120] =	vst v9;
	v9 =	vld.idx.msk [tilespmem:v5+s9+$0x0], $0xffff  }
0x1b6: {  	v8 =	vld.idx.msk [tilespmem:v7+s19+$0x0], $0xffff;
	[tilespmem:s22+$0x4130] =	vst v10  }
0x1b7: {  	v10 =	vld.idx.msk [tilespmem:v4+s9+$0x0], $0xffff;
	[tilespmem:s22+$0x4140] =	vst v11  }
0x1b8: {  	v11 =	vld.idx.msk [tilespmem:v3+s9+$0x0], $0xffff;
	[tilespmem:s22+$0x4150] =	vst v54  }
0x1b9: {  	v57 =	vld.idx.msk [tilespmem:v2+s9+$0x0], $0xffff;
	[tilespmem:s22+$0x4160] =	vst v55  }
0x1ba: {  	v58 =	vld.idx.msk [tilespmem:v1+s9+$0x0], $0xffff;
	[tilespmem:s22+$0x4180] =	vst v56  }
0x1bb: {  	v59 =	vld.idx.msk [tilespmem:v0+s9+$0x0], $0xffff;
	[tilespmem:s22+$0x4270] =	vst v8  }
0x1bc: {  	[tilespmem:s22+$0x4190] =	vst v9;
	v8 =	vld.idx.msk [tilespmem:v7+s17+$0x0], $0xffff  }
0x1bd: {  	v9 =	vld.idx.msk [tilespmem:v6+s19+$0x0], $0xffff;
	[tilespmem:s22+$0x41A0] =	vst v10  }
0x1be: {  	v10 =	vld.idx.msk [tilespmem:v5+s19+$0x0], $0xffff;
	[tilespmem:s22+$0x41B0] =	vst v11  }
0x1bf: {  	v11 =	vld.idx.msk [tilespmem:v4+s19+$0x0], $0xffff;
	[tilespmem:s22+$0x41C0] =	vst v57  }
0x1c0: {  	v60 =	vld.idx.msk [tilespmem:v3+s19+$0x0], $0xffff;
	[tilespmem:s22+$0x41D0] =	vst v58  }
0x1c1: {  	v61 =	vld.idx.msk [tilespmem:v2+s19+$0x0], $0xffff;
	[tilespmem:s22+$0x42F0] =	vst v8  }
0x1c2: {  	[tilespmem:s22+$0x41E0] =	vst v59;
	v8 =	vld.idx.msk [tilespmem:v7+s16+$0x0], $0xffff  }
0x1c3: {  	v62 =	vld.idx.msk [tilespmem:v1+s19+$0x0], $0xffff;
	[tilespmem:s22+$0x4200] =	vst v9  }
0x1c4: {  	[tilespmem:s22+$0x4210] =	vst v10;
	v9 =	vld.idx.msk [tilespmem:v6+s17+$0x0], $0xffff  }
0x1c5: {  	[tilespmem:s22+$0x4220] =	vst v11;
	v10 =	vld.idx.msk [tilespmem:v5+s17+$0x0], $0xffff  }
0x1c6: {  	[tilespmem:s22+$0x4230] =	vst v60;
	v11 =	vld.idx.msk [tilespmem:v4+s17+$0x0], $0xffff  }
0x1c7: {  	[tilespmem:s22+$0x4370] =	vst v8;
	v8 =	vld.idx.msk [tilespmem:v0+s19+$0x0], $0xffff  }
0x1c8: {  	[tilespmem:s22+$0x4240] =	vst v61;
	v7 =	vld.idx.msk [tilespmem:v7+s3+$0x0], $0xffff  }
0x1c9: {  	v12 =	vld.idx.msk [tilespmem:v3+s17+$0x0], $0xffff;
	[tilespmem:s22+$0x4250] =	vst v62  }
0x1ca: {  	v13 =	vld.idx.msk [tilespmem:v2+s17+$0x0], $0xffff;
	[tilespmem:s22+$0x4280] =	vst v9  }
0x1cb: {  	[tilespmem:s22+$0x4290] =	vst v10;
	v9 =	vld.idx.msk [tilespmem:v6+s16+$0x0], $0xffff  }
0x1cc: {  	v10 =	vld.idx.msk [tilespmem:v5+s16+$0x0], $0xffff;
	[tilespmem:s22+$0x4260] =	vst v8  }
0x1cd: {  	[tilespmem:s22+$0x43F0] =	vst v7;
	v7 =	vld.idx.msk [tilespmem:v1+s17+$0x0], $0xffff  }
0x1ce: {  	[tilespmem:s22+$0x42A0] =	vst v11;
	v8 =	vld.idx.msk [tilespmem:v0+s17+$0x0], $0xffff  }
0x1cf: {  	v11 =	vld.idx.msk [tilespmem:v4+s16+$0x0], $0xffff;
	[tilespmem:s22+$0x42B0] =	vst v12  }
0x1d0: {  	v12 =	vld.idx.msk [tilespmem:v3+s16+$0x0], $0xffff;
	[tilespmem:s22+$0x42C0] =	vst v13  }
0x1d1: {  	v13 =	vld.idx.msk [tilespmem:v2+s16+$0x0], $0xffff;
	[tilespmem:s22+$0x4300] =	vst v9  }
0x1d2: {  	v63 =	vld.idx.msk [tilespmem:v6+s3+$0x0], $0xffff;
	[tilespmem:s22+$0x42D0] =	vst v7  }
0x1d3: {  	[tilespmem:s22+$0x42E0] =	vst v8;
	v7 =	vld.idx.msk [tilespmem:v1+s16+$0x0], $0xffff  }
0x1d4: {  	[tilespmem:s22+$0x4310] =	vst v10;
	v9 =	vld.idx.msk [tilespmem:v0+s16+$0x0], $0xffff  }
0x1d5: {  	v6 =	vld.idx.msk [tilespmem:v5+s3+$0x0], $0xffff;
	[tilespmem:s22+$0x4330] =	vst v12  }
0x1d6: {  	[tilespmem:s22+$0x4320] =	vst v11;
	v3 =	vld.idx.msk [tilespmem:v3+s3+$0x0], $0xffff  }
0x1d7: {  	[tilespmem:s22+$0x4340] =	vst v13;
	v8 =	vld.idx.msk [tilespmem:v4+s3+$0x0], $0xffff  }
0x1d8: {  	v4 =	vld.idx.msk [tilespmem:v2+s3+$0x0], $0xffff;
	[tilespmem:s22+$0x4350] =	vst v7  }
0x1d9: {  	[tilespmem:s22+$0x4360] =	vst v9;
	v5 =	vld.idx.msk [tilespmem:v1+s3+$0x0], $0xffff  }
0x1da: {  	s14 =	simm.s32 $0x0;
	s23 =	simm.s32 $0x85F0;
	[tilespmem:s22+$0x4380] =	vst v63;
	v1 =	vld.idx.msk [tilespmem:v0+s3+$0x0], $0xffff  }
.LBB2_4:
0x1db: {  	v7 =	vld [tilespmem:s23+$0x0];
	s14 =	sadd.s32 $0x8, s14;
	[tilespmem:s22+$0x4390] =	vst v6  }
0x1dc: {  	v0 =	vld [tilespmem:s23+$0xFFFFFFA0];
	p0 =	slt.u32 s14, $0x78;
	[tilespmem:s22+$0x43A0] =	vst v8  }
0x1dd: {  	v2 =	vld [tilespmem:s23+$0xFFFFFFB0];
	[tilespmem:s22+$0x43B0] =	vst v3  }
0x1de: {  	v3 =	vld [tilespmem:s23+$0xFFFFFFC0];
	[tilespmem:s22+$0x43C0] =	vst v4  }
0x1df: {  	v4 =	vld [tilespmem:s23+$0xFFFFFFD0];
	[tilespmem:s22+$0x43D0] =	vst v5  }
0x1e0: {  	v5 =	vld [tilespmem:s23+$0xFFFFFFE0];
	[tilespmem:s22+$0x43E0] =	vst v1  }
0x1e1: {  	v1 =	vld [tilespmem:s23+$0xFFFFFFF0]  }
0x1e2: {  	v6 =	vld [tilespmem:s23+$0xFFFFFF90]  }
0x1e3: {  	v8 =	vld.idx.msk [tilespmem:v7+s24+$0x0], $0xffff  }
0x1e4: {  	v9 =	vld.idx.msk [tilespmem:v0+s24+$0x0], $0xffff  }
0x1e5: {  	v10 =	vld.idx.msk [tilespmem:v2+s24+$0x0], $0xffff  }
0x1e6: {  	v11 =	vld.idx.msk [tilespmem:v3+s24+$0x0], $0xffff  }
0x1e7: {  	v12 =	vld.idx.msk [tilespmem:v4+s24+$0x0], $0xffff  }
0x1e8: {  	s22 =	sadd.s32 $0x400, s22;
	v13 =	vld.idx.msk [tilespmem:v5+s24+$0x0], $0xffff  }
0x1e9: {  	v14 =	vld.idx.msk [tilespmem:v1+s24+$0x0], $0xffff;
	[tilespmem:s22+$0x70] =	vst v8  }
0x1ea: {  	[tilespmem:s22+$0x10] =	vst v9;
	v8 =	vld.idx.msk [tilespmem:v7+s26+$0x0], $0xffff  }
0x1eb: {  	v9 =	vld.idx.msk [tilespmem:v6+s24+$0x0], $0xffff;
	[tilespmem:s22+$0x20] =	vst v10  }
0x1ec: {  	v10 =	vld.idx.msk [tilespmem:v0+s26+$0x0], $0xffff;
	[tilespmem:s22+$0x30] =	vst v11  }
0x1ed: {  	v11 =	vld.idx.msk [tilespmem:v2+s26+$0x0], $0xffff;
	[tilespmem:s22+$0x40] =	vst v12  }
0x1ee: {  	v12 =	vld.idx.msk [tilespmem:v3+s26+$0x0], $0xffff;
	[tilespmem:s22+$0x50] =	vst v13  }
0x1ef: {  	v13 =	vld.idx.msk [tilespmem:v4+s26+$0x0], $0xffff;
	[tilespmem:s22+$0x60] =	vst v14  }
0x1f0: {  	v14 =	vld.idx.msk [tilespmem:v5+s26+$0x0], $0xffff;
	[tilespmem:s22+$0xF0] =	vst v8  }
0x1f1: {  	[tilespmem:s22+$0x0] =	vst v9;
	v8 =	vld.idx.msk [tilespmem:v7+s28+$0x0], $0xffff  }
0x1f2: {  	v9 =	vld.idx.msk [tilespmem:v6+s26+$0x0], $0xffff;
	[tilespmem:s22+$0x90] =	vst v10  }
0x1f3: {  	[tilespmem:s22+$0xA0] =	vst v11;
	v10 =	vld.idx.msk [tilespmem:v1+s26+$0x0], $0xffff  }
0x1f4: {  	v11 =	vld.idx.msk [tilespmem:v0+s28+$0x0], $0xffff;
	[tilespmem:s22+$0xB0] =	vst v12  }
0x1f5: {  	v12 =	vld.idx.msk [tilespmem:v2+s28+$0x0], $0xffff;
	[tilespmem:s22+$0xC0] =	vst v13  }
0x1f6: {  	v13 =	vld.idx.msk [tilespmem:v3+s28+$0x0], $0xffff;
	[tilespmem:s22+$0xD0] =	vst v14  }
0x1f7: {  	v14 =	vld.idx.msk [tilespmem:v4+s28+$0x0], $0xffff;
	[tilespmem:s22+$0x170] =	vst v8  }
0x1f8: {  	[tilespmem:s22+$0x80] =	vst v9;
	v8 =	vld.idx.msk [tilespmem:v7+s29+$0x0], $0xffff  }
0x1f9: {  	v9 =	vld.idx.msk [tilespmem:v6+s28+$0x0], $0xffff;
	[tilespmem:s22+$0xE0] =	vst v10  }
0x1fa: {  	[tilespmem:s22+$0x110] =	vst v11;
	v10 =	vld.idx.msk [tilespmem:v5+s28+$0x0], $0xffff  }
0x1fb: {  	[tilespmem:s22+$0x120] =	vst v12;
	v11 =	vld.idx.msk [tilespmem:v1+s28+$0x0], $0xffff  }
0x1fc: {  	v12 =	vld.idx.msk [tilespmem:v0+s29+$0x0], $0xffff;
	[tilespmem:s22+$0x130] =	vst v13  }
0x1fd: {  	v13 =	vld.idx.msk [tilespmem:v2+s29+$0x0], $0xffff;
	[tilespmem:s22+$0x140] =	vst v14  }
0x1fe: {  	v14 =	vld.idx.msk [tilespmem:v3+s29+$0x0], $0xffff;
	[tilespmem:s22+$0x1F0] =	vst v8  }
0x1ff: {  	[tilespmem:s22+$0x100] =	vst v9;
	v8 =	vld.idx.msk [tilespmem:v7+s30+$0x0], $0xffff  }
0x200: {  	v9 =	vld.idx.msk [tilespmem:v6+s29+$0x0], $0xffff;
	[tilespmem:s22+$0x150] =	vst v10  }
0x201: {  	v10 =	vld.idx.msk [tilespmem:v4+s29+$0x0], $0xffff;
	[tilespmem:s22+$0x160] =	vst v11  }
0x202: {  	[tilespmem:s22+$0x190] =	vst v12;
	v11 =	vld.idx.msk [tilespmem:v5+s29+$0x0], $0xffff  }
0x203: {  	[tilespmem:s22+$0x1A0] =	vst v13;
	v12 =	vld.idx.msk [tilespmem:v1+s29+$0x0], $0xffff  }
0x204: {  	v13 =	vld.idx.msk [tilespmem:v0+s30+$0x0], $0xffff;
	[tilespmem:s22+$0x1B0] =	vst v14  }
0x205: {  	v14 =	vld.idx.msk [tilespmem:v2+s30+$0x0], $0xffff;
	[tilespmem:s22+$0x270] =	vst v8  }
0x206: {  	[tilespmem:s22+$0x180] =	vst v9;
	v8 =	vld.idx.msk [tilespmem:v7+s31+$0x0], $0xffff  }
0x207: {  	v9 =	vld.idx.msk [tilespmem:v6+s30+$0x0], $0xffff;
	[tilespmem:s22+$0x1C0] =	vst v10  }
0x208: {  	v10 =	vld.idx.msk [tilespmem:v3+s30+$0x0], $0xffff;
	[tilespmem:s22+$0x1D0] =	vst v11  }
0x209: {  	v11 =	vld.idx.msk [tilespmem:v4+s30+$0x0], $0xffff;
	[tilespmem:s22+$0x1E0] =	vst v12  }
0x20a: {  	[tilespmem:s22+$0x210] =	vst v13;
	v12 =	vld.idx.msk [tilespmem:v5+s30+$0x0], $0xffff  }
0x20b: {  	[tilespmem:s22+$0x220] =	vst v14;
	v13 =	vld.idx.msk [tilespmem:v1+s30+$0x0], $0xffff  }
0x20c: {  	v14 =	vld.idx.msk [tilespmem:v0+s31+$0x0], $0xffff;
	[tilespmem:s22+$0x2F0] =	vst v8  }
0x20d: {  	[tilespmem:s22+$0x200] =	vst v9;
	v8 =	vld.idx.msk [tilespmem:v7+s1+$0x0], $0xffff  }
0x20e: {  	v9 =	vld.idx.msk [tilespmem:v6+s31+$0x0], $0xffff;
	[tilespmem:s22+$0x230] =	vst v10  }
0x20f: {  	v10 =	vld.idx.msk [tilespmem:v2+s31+$0x0], $0xffff;
	[tilespmem:s22+$0x240] =	vst v11  }
0x210: {  	v11 =	vld.idx.msk [tilespmem:v3+s31+$0x0], $0xffff;
	[tilespmem:s22+$0x250] =	vst v12  }
0x211: {  	v12 =	vld.idx.msk [tilespmem:v4+s31+$0x0], $0xffff;
	[tilespmem:s22+$0x260] =	vst v13  }
0x212: {  	[tilespmem:s22+$0x290] =	vst v14;
	v13 =	vld.idx.msk [tilespmem:v5+s31+$0x0], $0xffff  }
0x213: {  	v14 =	vld.idx.msk [tilespmem:v1+s31+$0x0], $0xffff;
	[tilespmem:s22+$0x370] =	vst v8  }
0x214: {  	[tilespmem:s22+$0x280] =	vst v9;
	v8 =	vld.idx.msk [tilespmem:v7+s0+$0x0], $0xffff  }
0x215: {  	v9 =	vld.idx.msk [tilespmem:v6+s1+$0x0], $0xffff;
	[tilespmem:s22+$0x2A0] =	vst v10  }
0x216: {  	v10 =	vld.idx.msk [tilespmem:v0+s1+$0x0], $0xffff;
	[tilespmem:s22+$0x2B0] =	vst v11  }
0x217: {  	v11 =	vld.idx.msk [tilespmem:v2+s1+$0x0], $0xffff;
	[tilespmem:s22+$0x2C0] =	vst v12  }
0x218: {  	v12 =	vld.idx.msk [tilespmem:v3+s1+$0x0], $0xffff;
	[tilespmem:s22+$0x2D0] =	vst v13  }
0x219: {  	v13 =	vld.idx.msk [tilespmem:v4+s1+$0x0], $0xffff;
	[tilespmem:s22+$0x2E0] =	vst v14  }
0x21a: {  	v14 =	vld.idx.msk [tilespmem:v5+s1+$0x0], $0xffff;
	[tilespmem:s22+$0x3F0] =	vst v8  }
0x21b: {  	[tilespmem:s22+$0x300] =	vst v9;
	v8 =	vld.idx.msk [tilespmem:v7+s18+$0x0], $0xffff  }
0x21c: {  	[tilespmem:s22+$0x310] =	vst v10;
	v9 =	vld.idx.msk [tilespmem:v1+s1+$0x0], $0xffff  }
0x21d: {  	v10 =	vld.idx.msk [tilespmem:v6+s0+$0x0], $0xffff;
	[tilespmem:s22+$0x320] =	vst v11  }
0x21e: {  	v11 =	vld.idx.msk [tilespmem:v0+s0+$0x0], $0xffff;
	[tilespmem:s22+$0x330] =	vst v12  }
0x21f: {  	v12 =	vld.idx.msk [tilespmem:v2+s0+$0x0], $0xffff;
	[tilespmem:s22+$0x340] =	vst v13  }
0x220: {  	v13 =	vld.idx.msk [tilespmem:v3+s0+$0x0], $0xffff;
	[tilespmem:s22+$0x350] =	vst v14  }
0x221: {  	v14 =	vld.idx.msk [tilespmem:v4+s0+$0x0], $0xffff;
	[tilespmem:s22+$0x4070] =	vst v8  }
0x222: {  	[tilespmem:s22+$0x360] =	vst v9;
	v8 =	vld.idx.msk [tilespmem:v7+s20+$0x0], $0xffff  }
0x223: {  	[tilespmem:s22+$0x380] =	vst v10;
	v9 =	vld.idx.msk [tilespmem:v5+s0+$0x0], $0xffff  }
0x224: {  	[tilespmem:s22+$0x390] =	vst v11;
	v10 =	vld.idx.msk [tilespmem:v1+s0+$0x0], $0xffff  }
0x225: {  	v11 =	vld.idx.msk [tilespmem:v6+s18+$0x0], $0xffff;
	[tilespmem:s22+$0x3A0] =	vst v12  }
0x226: {  	v12 =	vld.idx.msk [tilespmem:v0+s18+$0x0], $0xffff;
	[tilespmem:s22+$0x3B0] =	vst v13  }
0x227: {  	v13 =	vld.idx.msk [tilespmem:v2+s18+$0x0], $0xffff;
	[tilespmem:s22+$0x3C0] =	vst v14  }
0x228: {  	v14 =	vld.idx.msk [tilespmem:v3+s18+$0x0], $0xffff;
	[tilespmem:s22+$0x40F0] =	vst v8  }
0x229: {  	[tilespmem:s22+$0x3D0] =	vst v9;
	v8 =	vld.idx.msk [tilespmem:v7+s8+$0x0], $0xffff  }
0x22a: {  	v9 =	vld.idx.msk [tilespmem:v4+s18+$0x0], $0xffff;
	[tilespmem:s22+$0x3E0] =	vst v10  }
0x22b: {  	[tilespmem:s22+$0x4000] =	vst v11;
	v10 =	vld.idx.msk [tilespmem:v5+s18+$0x0], $0xffff  }
0x22c: {  	[tilespmem:s22+$0x4010] =	vst v12;
	v11 =	vld.idx.msk [tilespmem:v1+s18+$0x0], $0xffff  }
0x22d: {  	v12 =	vld.idx.msk [tilespmem:v6+s20+$0x0], $0xffff;
	[tilespmem:s22+$0x4020] =	vst v13  }
0x22e: {  	v13 =	vld.idx.msk [tilespmem:v0+s20+$0x0], $0xffff;
	[tilespmem:s22+$0x4030] =	vst v14  }
0x22f: {  	v14 =	vld.idx.msk [tilespmem:v2+s20+$0x0], $0xffff;
	[tilespmem:s22+$0x4170] =	vst v8  }
0x230: {  	[tilespmem:s22+$0x4040] =	vst v9;
	v8 =	vld.idx.msk [tilespmem:v7+s9+$0x0], $0xffff  }
0x231: {  	v9 =	vld.idx.msk [tilespmem:v3+s20+$0x0], $0xffff;
	[tilespmem:s22+$0x4050] =	vst v10  }
0x232: {  	v10 =	vld.idx.msk [tilespmem:v4+s20+$0x0], $0xffff;
	[tilespmem:s22+$0x4060] =	vst v11  }
0x233: {  	[tilespmem:s22+$0x4080] =	vst v12;
	v11 =	vld.idx.msk [tilespmem:v5+s20+$0x0], $0xffff  }
0x234: {  	[tilespmem:s22+$0x4090] =	vst v13;
	v12 =	vld.idx.msk [tilespmem:v1+s20+$0x0], $0xffff  }
0x235: {  	v13 =	vld.idx.msk [tilespmem:v6+s8+$0x0], $0xffff;
	[tilespmem:s22+$0x40A0] =	vst v14  }
0x236: {  	v14 =	vld.idx.msk [tilespmem:v0+s8+$0x0], $0xffff;
	[tilespmem:s22+$0x41F0] =	vst v8  }
0x237: {  	[tilespmem:s22+$0x40B0] =	vst v9;
	v8 =	vld.idx.msk [tilespmem:v7+s19+$0x0], $0xffff  }
0x238: {  	v9 =	vld.idx.msk [tilespmem:v2+s8+$0x0], $0xffff;
	[tilespmem:s22+$0x40C0] =	vst v10  }
0x239: {  	v10 =	vld.idx.msk [tilespmem:v3+s8+$0x0], $0xffff;
	[tilespmem:s22+$0x40D0] =	vst v11  }
0x23a: {  	v11 =	vld.idx.msk [tilespmem:v4+s8+$0x0], $0xffff;
	[tilespmem:s22+$0x40E0] =	vst v12  }
0x23b: {  	[tilespmem:s22+$0x4100] =	vst v13;
	v12 =	vld.idx.msk [tilespmem:v5+s8+$0x0], $0xffff  }
0x23c: {  	[tilespmem:s22+$0x4110] =	vst v14;
	v13 =	vld.idx.msk [tilespmem:v1+s8+$0x0], $0xffff  }
0x23d: {  	v14 =	vld.idx.msk [tilespmem:v6+s9+$0x0], $0xffff;
	[tilespmem:s22+$0x4270] =	vst v8  }
0x23e: {  	[tilespmem:s22+$0x4120] =	vst v9;
	v8 =	vld.idx.msk [tilespmem:v7+s17+$0x0], $0xffff  }
0x23f: {  	v9 =	vld.idx.msk [tilespmem:v0+s9+$0x0], $0xffff;
	[tilespmem:s22+$0x4130] =	vst v10  }
0x240: {  	v10 =	vld.idx.msk [tilespmem:v2+s9+$0x0], $0xffff;
	[tilespmem:s22+$0x4140] =	vst v11  }
0x241: {  	v11 =	vld.idx.msk [tilespmem:v3+s9+$0x0], $0xffff;
	[tilespmem:s22+$0x4150] =	vst v12  }
0x242: {  	v12 =	vld.idx.msk [tilespmem:v4+s9+$0x0], $0xffff;
	[tilespmem:s22+$0x4160] =	vst v13  }
0x243: {  	[tilespmem:s22+$0x4180] =	vst v14;
	v13 =	vld.idx.msk [tilespmem:v5+s9+$0x0], $0xffff  }
0x244: {  	v14 =	vld.idx.msk [tilespmem:v1+s9+$0x0], $0xffff;
	[tilespmem:s22+$0x42F0] =	vst v8  }
0x245: {  	[tilespmem:s22+$0x4190] =	vst v9;
	v8 =	vld.idx.msk [tilespmem:v7+s16+$0x0], $0xffff  }
0x246: {  	v9 =	vld.idx.msk [tilespmem:v6+s19+$0x0], $0xffff;
	[tilespmem:s22+$0x41A0] =	vst v10  }
0x247: {  	v10 =	vld.idx.msk [tilespmem:v0+s19+$0x0], $0xffff;
	[tilespmem:s22+$0x41B0] =	vst v11  }
0x248: {  	v11 =	vld.idx.msk [tilespmem:v2+s19+$0x0], $0xffff;
	[tilespmem:s22+$0x41C0] =	vst v12  }
0x249: {  	v12 =	vld.idx.msk [tilespmem:v3+s19+$0x0], $0xffff;
	[tilespmem:s22+$0x41D0] =	vst v13  }
0x24a: {  	v13 =	vld.idx.msk [tilespmem:v4+s19+$0x0], $0xffff;
	[tilespmem:s22+$0x41E0] =	vst v14  }
0x24b: {  	v14 =	vld.idx.msk [tilespmem:v5+s19+$0x0], $0xffff;
	[tilespmem:s22+$0x4370] =	vst v8  }
0x24c: {  	[tilespmem:s22+$0x4200] =	vst v9;
	v7 =	vld.idx.msk [tilespmem:v7+s3+$0x0], $0xffff  }
0x24d: {  	[tilespmem:s22+$0x4210] =	vst v10;
	v8 =	vld.idx.msk [tilespmem:v1+s19+$0x0], $0xffff  }
0x24e: {  	v9 =	vld.idx.msk [tilespmem:v6+s17+$0x0], $0xffff;
	[tilespmem:s22+$0x4220] =	vst v11  }
0x24f: {  	v10 =	vld.idx.msk [tilespmem:v0+s17+$0x0], $0xffff;
	[tilespmem:s22+$0x4230] =	vst v12  }
0x250: {  	v11 =	vld.idx.msk [tilespmem:v2+s17+$0x0], $0xffff;
	[tilespmem:s22+$0x4240] =	vst v13  }
0x251: {  	v12 =	vld.idx.msk [tilespmem:v3+s17+$0x0], $0xffff;
	[tilespmem:s22+$0x4250] =	vst v14  }
0x252: {  	v13 =	vld.idx.msk [tilespmem:v4+s17+$0x0], $0xffff;
	[tilespmem:s22+$0x43F0] =	vst v7  }
0x253: {  	v7 =	vld.idx.msk [tilespmem:v5+s17+$0x0], $0xffff;
	[tilespmem:s22+$0x4260] =	vst v8  }
0x254: {  	[tilespmem:s22+$0x4280] =	vst v9;
	v8 =	vld.idx.msk [tilespmem:v1+s17+$0x0], $0xffff  }
0x255: {  	v9 =	vld.idx.msk [tilespmem:v6+s16+$0x0], $0xffff;
	[tilespmem:s22+$0x4290] =	vst v10  }
0x256: {  	v10 =	vld.idx.msk [tilespmem:v0+s16+$0x0], $0xffff;
	[tilespmem:s22+$0x42A0] =	vst v11  }
0x257: {  	v11 =	vld.idx.msk [tilespmem:v2+s16+$0x0], $0xffff;
	[tilespmem:s22+$0x42B0] =	vst v12  }
0x258: {  	v12 =	vld.idx.msk [tilespmem:v3+s16+$0x0], $0xffff;
	[tilespmem:s22+$0x42C0] =	vst v13  }
0x259: {  	v13 =	vld.idx.msk [tilespmem:v4+s16+$0x0], $0xffff;
	[tilespmem:s22+$0x42D0] =	vst v7  }
0x25a: {  	v7 =	vld.idx.msk [tilespmem:v5+s16+$0x0], $0xffff;
	[tilespmem:s22+$0x42E0] =	vst v8  }
0x25b: {  	[tilespmem:s22+$0x4300] =	vst v9;
	v9 =	vld.idx.msk [tilespmem:v1+s16+$0x0], $0xffff  }
0x25c: {  	v14 =	vld.idx.msk [tilespmem:v6+s3+$0x0], $0xffff;
	[tilespmem:s22+$0x4310] =	vst v10  }
0x25d: {  	v6 =	vld.idx.msk [tilespmem:v0+s3+$0x0], $0xffff;
	[tilespmem:s22+$0x4320] =	vst v11  }
.Ltmp3:
0x25e: {  	v8 =	vld.idx.msk [tilespmem:v2+s3+$0x0], $0xffff;
	[tilespmem:s22+$0x4330] =	vst v12;
	(pc) =	sbr.rel @p0 .LBB2_4-.Ltmp3, $4  }
0x25f: {  	v3 =	vld.idx.msk [tilespmem:v3+s3+$0x0], $0xffff;
	[tilespmem:s22+$0x4340] =	vst v13  }
0x260: {  	v4 =	vld.idx.msk [tilespmem:v4+s3+$0x0], $0xffff;
	[tilespmem:s22+$0x4350] =	vst v7  }
0x261: {  	v5 =	vld.idx.msk [tilespmem:v5+s3+$0x0], $0xffff;
	[tilespmem:s22+$0x4360] =	vst v9  }
0x262: {  	s23 =	sadd.s32 $0x80, s23;
	[tilespmem:s22+$0x4380] =	vst v14;
	v1 =	vld.idx.msk [tilespmem:v1+s3+$0x0], $0xffff  }
0x263: {  	[tilespmem:s22+$0x4390] =	vst v6  }
0x264: {  	[tilespmem:s22+$0x43A0] =	vst v8  }
0x265: {  	[tilespmem:s22+$0x43B0] =	vst v3  }
0x266: {  	[tilespmem:s22+$0x43C0] =	vst v4  }
.Ltmp4:
0x267: {  	s1 =	simm.s32 $0x4000;
	s3 =	simm.s32 $0x8000;
	[tilespmem:s22+$0x43D0] =	vst v5;
	(pc) =	sbr.rel .LBB2_6-.Ltmp4, $4  }
0x268: {  	s9 =	simm.s32 $0x11D00;
	s20 =	simm.s32 $0x0;
	s0 =	simm.s32 $0x3E80;
	[tilespmem:s22+$0x43E0] =	vst v1  }
0x269: {  	s14 =	simm.s32 $0x4268;
	s16 =	simm.s32 $0x4650;
	s22 =	rddreg [dreg:$0xc]  }
0x26a: {  	s17 =	simm.s32 $0x4A38;
	s18 =	simm.s32 $0x4E20;
	s19 =	rddreg [dreg:$0x4]  }
0x26b: {  	[hbm4b:s22+s1] =	stream.strided.scatter [tilespmem:s9], [sflag:$0x1], $0x8000, s3, s1, $0x38;
	[tilespmem:$0x19D00] =	vst v63  }
.LBB2_16:
0x26c: {  	s20 =	sadd.s32 $0x1, s20  }
0x26d: {  	p0 =	sne.s32 s20, $0xA  }
.Ltmp5:
0x26e: {  	_ = 	snop;
	(pc) =	sbr.rel @!p0 .LBB2_17-.Ltmp5, $1  }
0x26f: {  	_ =	sdelay $0x3  }
.LBB2_6:
0x270: {  	s26 =	sshll.u32 s20, $0x6;
	s22 =	rddreg [dreg:$0xd]  }
0x271: {  	s25 =	sadd.s32 s22, s26  }
0x272: {  	p0 =	sgt.u32 s25, $0x289  }
0x273: {  	s22 =	smul.u32 @!p0 $0x47AF, s25;
	_ =	sdelay $0x1  }
0x274: {  	s22 =	sshrl.u32 @!p0 s22, $0x10  }
0x275: {  	s23 =	ssub.s32 @!p0 s25, s22  }
0x276: {  	s23 =	sand.u32 @!p0 $0xFFFE, s23  }
0x277: {  	s23 =	sshrl.u32 @!p0 s23, $0x1  }
0x278: {  	s22 =	sadd.s32 @!p0 s22, s23  }
0x279: {  	s22 =	sand.u32 @!p0 $0xFFF0, s22  }
0x27a: {  	s22 =	sshrl.u32 @!p0 s22, $0x4  }
0x27b: {  	s23 =	smul.u32 @!p0 $0x19, s22;
	_ =	sdelay $0x1  }
0x27c: {  	s23 =	ssub.s32 @!p0 s25, s23  }
0x27d: {  	s23 =	sand.u32 @!p0 $0xFFFF, s23  }
0x27e: {  	p1 =	sge.u32 @!p0 s23, s22  }
0x27f: {  	s24 =	simm.s32 @!p0 $0x1;
	p1 =	por !p1, p0  }
0x280: {  	s24 =	simm.s32 @p1 $0x0  }
0x281: {  	s8 =	smul.u32 @!p0 $0x65900, s22;
	s23 =	sadd.s32 @!p0 s23, s24  }
0x282: {  	s23 =	smul.u32 @!p0 $0x3E80, s23;
	_ =	sdelay $0x1  }
0x283: {  	s23 =	sadd.s32 @!p0 s8, s23  }
0x284: {  	s24 =	rddreg [dreg:$0x5];
	s23 =	sshrl.u32 @!p0 s23, $0x3  }
0x285: {  	s22 =	sshll.u32 @!p0 s22, $0x9;
	s23 =	sadd.s32 @!p0 s24, s23;
	s24 =	simm.s32 @!p0 $0x0  }
0x286: {  	[tilespmem:s24], [sflag:$0x2] =	stream.linear.gather @!p0 [hbm4b:s23+s24], $0x3E80, $0x38;
	[tilespmem:$0x19D00] =	vst v63  }
0x287: {  	s28 =	simm.s32 $0x2;
	s22 =	sadd.s32 @!p0 s19, s22;
	s23 =	simm.s32 @!p0 $0x7D00  }
0x288: {  	[tilespmem:s23], [sflag:$0x2] =	stream.linear.gather @!p0 [hbm4b:s22+s24], $0x1000, $0x38;
	[tilespmem:$0x19D00] =	vst v63  }
0x289: {  	_ =	swait.ge [sflag:s28], $0x3E80  }
0x28a: {  	[sflag:s28] =	ssyncset.done $0x0  }
0x28b: {  	[sflag:s28] =	ssyncadd.s32 $0xFFFFC180  }
0x28c: {  	_ =	swait.ge [sflag:s28], $0x1000  }
0x28d: {  	[sflag:s28] =	ssyncset.done $0x0  }
0x28e: {  	s29 =	simm.s32 $0x1;
	[sflag:s28] =	ssyncadd.s32 $0xFFFFF000  }
0x28f: {  	_ =	swait.ge [sflag:s29], $0x8000  }
0x290: {  	[sflag:s29] =	ssyncset.done $0x0  }
0x291: {  	s30 =	simm.s32 $0x8D40;
	[sflag:s29] =	ssyncadd.s32 $0xFFFF8000  }
0x292: {  	v7 =	vld [tilespmem:s30+$0x30]  }
0x293: {  	v5 =	vld [tilespmem:s30+$0xFFFFFFD0]  }
0x294: {  	v4 =	vld [tilespmem:s30+$0xFFFFFFE0]  }
0x295: {  	v3 =	vld [tilespmem:s30+$0xFFFFFFF0]  }
0x296: {  	v2 =	vld [tilespmem:s30+$0x0]  }
0x297: {  	v1 =	vld [tilespmem:s30+$0x10]  }
0x298: {  	v0 =	vld [tilespmem:s30+$0x20]  }
0x299: {  	v6 =	vld [tilespmem:s30+$0xFFFFFFC0]  }
0x29a: {  	v8 =	vld.idx.msk [tilespmem:v7+s0+$0x0], $0xffff  }
0x29b: {  	v9 =	vld.idx.msk [tilespmem:v5+s0+$0x0], $0xffff  }
0x29c: {  	v10 =	vld.idx.msk [tilespmem:v4+s0+$0x0], $0xffff  }
0x29d: {  	v11 =	vld.idx.msk [tilespmem:v3+s0+$0x0], $0xffff  }
0x29e: {  	s22 =	simm.s32 $0x9D00;
	v12 =	vld.idx.msk [tilespmem:v2+s0+$0x0], $0xffff  }
0x29f: {  	v13 =	vld.idx.msk [tilespmem:v1+s0+$0x0], $0xffff;
	[tilespmem:s22+$0x70] =	vst v8  }
0x2a0: {  	v14 =	vld.idx.msk [tilespmem:v0+s0+$0x0], $0xffff;
	[tilespmem:s22+$0x10] =	vst v9  }
0x2a1: {  	v9 =	vld.idx.msk [tilespmem:v6+s0+$0x0], $0xffff;
	[tilespmem:s22+$0x20] =	vst v10  }
0x2a2: {  	[tilespmem:s22+$0x30] =	vst v11;
	v8 =	vld.idx.msk [tilespmem:v7+s14+$0x0], $0xffff  }
0x2a3: {  	[tilespmem:s22+$0x40] =	vst v12;
	v10 =	vld.idx.msk [tilespmem:v5+s14+$0x0], $0xffff  }
0x2a4: {  	[tilespmem:s22+$0x50] =	vst v13;
	v11 =	vld.idx.msk [tilespmem:v4+s14+$0x0], $0xffff  }
0x2a5: {  	[tilespmem:s22+$0x60] =	vst v14;
	v21 =	vld.idx.msk [tilespmem:v3+s14+$0x0], $0xffff  }
0x2a6: {  	v22 =	vld.idx.msk [tilespmem:v2+s14+$0x0], $0xffff;
	[tilespmem:s22+$0x0] =	vst v9  }
0x2a7: {  	v23 =	vld.idx.msk [tilespmem:v1+s14+$0x0], $0xffff;
	[tilespmem:s22+$0xF0] =	vst v8  }
0x2a8: {  	v9 =	vld.idx.msk [tilespmem:v6+s14+$0x0], $0xffff;
	[tilespmem:s22+$0x90] =	vst v10  }
0x2a9: {  	[tilespmem:s22+$0xA0] =	vst v11;
	v10 =	vld.idx.msk [tilespmem:v0+s14+$0x0], $0xffff  }
0x2aa: {  	[tilespmem:s22+$0xB0] =	vst v21;
	v8 =	vld.idx.msk [tilespmem:v7+s16+$0x0], $0xffff  }
0x2ab: {  	[tilespmem:s22+$0xC0] =	vst v22;
	v11 =	vld.idx.msk [tilespmem:v5+s16+$0x0], $0xffff  }
0x2ac: {  	[tilespmem:s22+$0xD0] =	vst v23;
	v24 =	vld.idx.msk [tilespmem:v4+s16+$0x0], $0xffff  }
0x2ad: {  	v25 =	vld.idx.msk [tilespmem:v3+s16+$0x0], $0xffff;
	[tilespmem:s22+$0x80] =	vst v9  }
0x2ae: {  	v26 =	vld.idx.msk [tilespmem:v2+s16+$0x0], $0xffff;
	[tilespmem:s22+$0xE0] =	vst v10  }
0x2af: {  	v10 =	vld.idx.msk [tilespmem:v1+s16+$0x0], $0xffff;
	[tilespmem:s22+$0x170] =	vst v8  }
0x2b0: {  	v9 =	vld.idx.msk [tilespmem:v6+s16+$0x0], $0xffff;
	[tilespmem:s22+$0x110] =	vst v11  }
0x2b1: {  	[tilespmem:s22+$0x120] =	vst v24;
	v11 =	vld.idx.msk [tilespmem:v0+s16+$0x0], $0xffff  }
0x2b2: {  	[tilespmem:s22+$0x130] =	vst v25;
	v8 =	vld.idx.msk [tilespmem:v7+s17+$0x0], $0xffff  }
0x2b3: {  	[tilespmem:s22+$0x140] =	vst v26;
	v27 =	vld.idx.msk [tilespmem:v5+s17+$0x0], $0xffff  }
0x2b4: {  	v28 =	vld.idx.msk [tilespmem:v4+s17+$0x0], $0xffff;
	[tilespmem:s22+$0x150] =	vst v10  }
0x2b5: {  	v29 =	vld.idx.msk [tilespmem:v3+s17+$0x0], $0xffff;
	[tilespmem:s22+$0x100] =	vst v9  }
0x2b6: {  	v10 =	vld.idx.msk [tilespmem:v2+s17+$0x0], $0xffff;
	[tilespmem:s22+$0x160] =	vst v11  }
0x2b7: {  	v11 =	vld.idx.msk [tilespmem:v1+s17+$0x0], $0xffff;
	[tilespmem:s22+$0x1F0] =	vst v8  }
0x2b8: {  	v9 =	vld.idx.msk [tilespmem:v6+s17+$0x0], $0xffff;
	[tilespmem:s22+$0x190] =	vst v27  }
0x2b9: {  	[tilespmem:s22+$0x1A0] =	vst v28;
	v30 =	vld.idx.msk [tilespmem:v0+s17+$0x0], $0xffff  }
0x2ba: {  	[tilespmem:s22+$0x1B0] =	vst v29;
	v8 =	vld.idx.msk [tilespmem:v7+s18+$0x0], $0xffff  }
0x2bb: {  	v31 =	vld.idx.msk [tilespmem:v5+s18+$0x0], $0xffff;
	[tilespmem:s22+$0x1C0] =	vst v10  }
0x2bc: {  	v32 =	vld.idx.msk [tilespmem:v4+s18+$0x0], $0xffff;
	[tilespmem:s22+$0x1D0] =	vst v11  }
0x2bd: {  	v10 =	vld.idx.msk [tilespmem:v3+s18+$0x0], $0xffff;
	[tilespmem:s22+$0x180] =	vst v9  }
0x2be: {  	v11 =	vld.idx.msk [tilespmem:v2+s18+$0x0], $0xffff;
	[tilespmem:s22+$0x1E0] =	vst v30  }
0x2bf: {  	v33 =	vld.idx.msk [tilespmem:v1+s18+$0x0], $0xffff;
	[tilespmem:s22+$0x270] =	vst v8  }
0x2c0: {  	v9 =	vld.idx.msk [tilespmem:v6+s18+$0x0], $0xffff;
	[tilespmem:s22+$0x210] =	vst v31  }
0x2c1: {  	[tilespmem:s22+$0x220] =	vst v32;
	v34 =	vld.idx.msk [tilespmem:v0+s18+$0x0], $0xffff  }
0x2c2: {  	v8 =	vld.idx.msk [tilespmem:v7+s2+$0x0], $0xffff;
	[tilespmem:s22+$0x230] =	vst v10  }
0x2c3: {  	v35 =	vld.idx.msk [tilespmem:v5+s2+$0x0], $0xffff;
	[tilespmem:s22+$0x240] =	vst v11  }
0x2c4: {  	v10 =	vld.idx.msk [tilespmem:v4+s2+$0x0], $0xffff;
	[tilespmem:s22+$0x250] =	vst v33  }
0x2c5: {  	v11 =	vld.idx.msk [tilespmem:v3+s2+$0x0], $0xffff;
	[tilespmem:s22+$0x200] =	vst v9  }
0x2c6: {  	v36 =	vld.idx.msk [tilespmem:v2+s2+$0x0], $0xffff;
	[tilespmem:s22+$0x260] =	vst v34  }
0x2c7: {  	v37 =	vld.idx.msk [tilespmem:v1+s2+$0x0], $0xffff;
	[tilespmem:s22+$0x2F0] =	vst v8  }
0x2c8: {  	v9 =	vld.idx.msk [tilespmem:v6+s2+$0x0], $0xffff;
	[tilespmem:s22+$0x290] =	vst v35  }
0x2c9: {  	v38 =	vld.idx.msk [tilespmem:v0+s2+$0x0], $0xffff;
	[tilespmem:s22+$0x2A0] =	vst v10  }
0x2ca: {  	v8 =	vld.idx.msk [tilespmem:v7+s15+$0x0], $0xffff;
	[tilespmem:s22+$0x2B0] =	vst v11  }
0x2cb: {  	v10 =	vld.idx.msk [tilespmem:v5+s15+$0x0], $0xffff;
	[tilespmem:s22+$0x2C0] =	vst v36  }
0x2cc: {  	v11 =	vld.idx.msk [tilespmem:v4+s15+$0x0], $0xffff;
	[tilespmem:s22+$0x2D0] =	vst v37  }
0x2cd: {  	v39 =	vld.idx.msk [tilespmem:v3+s15+$0x0], $0xffff;
	[tilespmem:s22+$0x280] =	vst v9  }
0x2ce: {  	v40 =	vld.idx.msk [tilespmem:v2+s15+$0x0], $0xffff;
	[tilespmem:s22+$0x2E0] =	vst v38  }
0x2cf: {  	v41 =	vld.idx.msk [tilespmem:v1+s15+$0x0], $0xffff;
	[tilespmem:s22+$0x370] =	vst v8  }
0x2d0: {  	v9 =	vld.idx.msk [tilespmem:v6+s15+$0x0], $0xffff;
	[tilespmem:s22+$0x310] =	vst v10  }
0x2d1: {  	v8 =	vld.idx.msk [tilespmem:v7+s5+$0x0], $0xffff;
	[tilespmem:s22+$0x320] =	vst v11  }
0x2d2: {  	v11 =	vld.idx.msk [tilespmem:v5+s5+$0x0], $0xffff;
	[tilespmem:s22+$0x330] =	vst v39  }
0x2d3: {  	v42 =	vld.idx.msk [tilespmem:v4+s5+$0x0], $0xffff;
	[tilespmem:s22+$0x340] =	vst v40  }
0x2d4: {  	v43 =	vld.idx.msk [tilespmem:v3+s5+$0x0], $0xffff;
	[tilespmem:s22+$0x350] =	vst v41  }
0x2d5: {  	v44 =	vld.idx.msk [tilespmem:v2+s5+$0x0], $0xffff;
	[tilespmem:s22+$0x300] =	vst v9  }
0x2d6: {  	v9 =	vld.idx.msk [tilespmem:v0+s15+$0x0], $0xffff;
	[tilespmem:s22+$0x3F0] =	vst v8  }
0x2d7: {  	v10 =	vld.idx.msk [tilespmem:v6+s5+$0x0], $0xffff;
	[tilespmem:s22+$0x390] =	vst v11  }
0x2d8: {  	v8 =	vld.idx.msk [tilespmem:v7+s6+$0x0], $0xffff;
	[tilespmem:s22+$0x3A0] =	vst v42  }
0x2d9: {  	v45 =	vld.idx.msk [tilespmem:v5+s6+$0x0], $0xffff;
	[tilespmem:s22+$0x3B0] =	vst v43  }
0x2da: {  	v46 =	vld.idx.msk [tilespmem:v4+s6+$0x0], $0xffff;
	[tilespmem:s22+$0x3C0] =	vst v44  }
0x2db: {  	v47 =	vld.idx.msk [tilespmem:v3+s6+$0x0], $0xffff;
	[tilespmem:s22+$0x360] =	vst v9  }
0x2dc: {  	v9 =	vld.idx.msk [tilespmem:v1+s5+$0x0], $0xffff;
	[tilespmem:s22+$0x380] =	vst v10  }
0x2dd: {  	v10 =	vld.idx.msk [tilespmem:v0+s5+$0x0], $0xffff;
	[tilespmem:s22+$0x4070] =	vst v8  }
0x2de: {  	v11 =	vld.idx.msk [tilespmem:v6+s6+$0x0], $0xffff;
	[tilespmem:s22+$0x4010] =	vst v45  }
0x2df: {  	v8 =	vld.idx.msk [tilespmem:v7+s11+$0x0], $0xffff;
	[tilespmem:s22+$0x4020] =	vst v46  }
0x2e0: {  	v49 =	vld.idx.msk [tilespmem:v5+s11+$0x0], $0xffff;
	[tilespmem:s22+$0x4030] =	vst v47  }
0x2e1: {  	v50 =	vld.idx.msk [tilespmem:v4+s11+$0x0], $0xffff;
	[tilespmem:s22+$0x3D0] =	vst v9  }
0x2e2: {  	v9 =	vld.idx.msk [tilespmem:v2+s6+$0x0], $0xffff;
	[tilespmem:s22+$0x3E0] =	vst v10  }
0x2e3: {  	v10 =	vld.idx.msk [tilespmem:v1+s6+$0x0], $0xffff;
	[tilespmem:s22+$0x4000] =	vst v11  }
0x2e4: {  	v11 =	vld.idx.msk [tilespmem:v0+s6+$0x0], $0xffff;
	[tilespmem:s22+$0x40F0] =	vst v8  }
0x2e5: {  	v48 =	vld.idx.msk [tilespmem:v6+s11+$0x0], $0xffff;
	[tilespmem:s22+$0x4090] =	vst v49  }
0x2e6: {  	v8 =	vld.idx.msk [tilespmem:v7+s10+$0x0], $0xffff;
	[tilespmem:s22+$0x40A0] =	vst v50  }
0x2e7: {  	v53 =	vld.idx.msk [tilespmem:v5+s10+$0x0], $0xffff;
	[tilespmem:s22+$0x4040] =	vst v9  }
0x2e8: {  	v9 =	vld.idx.msk [tilespmem:v3+s11+$0x0], $0xffff;
	[tilespmem:s22+$0x4050] =	vst v10  }
0x2e9: {  	v10 =	vld.idx.msk [tilespmem:v2+s11+$0x0], $0xffff;
	[tilespmem:s22+$0x4060] =	vst v11  }
0x2ea: {  	v11 =	vld.idx.msk [tilespmem:v1+s11+$0x0], $0xffff;
	[tilespmem:s22+$0x4080] =	vst v48  }
0x2eb: {  	v51 =	vld.idx.msk [tilespmem:v0+s11+$0x0], $0xffff;
	[tilespmem:s22+$0x4170] =	vst v8  }
0x2ec: {  	v52 =	vld.idx.msk [tilespmem:v6+s10+$0x0], $0xffff;
	[tilespmem:s22+$0x4110] =	vst v53  }
0x2ed: {  	v8 =	vld.idx.msk [tilespmem:v7+s12+$0x0], $0xffff;
	[tilespmem:s22+$0x40B0] =	vst v9  }
0x2ee: {  	v9 =	vld.idx.msk [tilespmem:v4+s10+$0x0], $0xffff;
	[tilespmem:s22+$0x40C0] =	vst v10  }
0x2ef: {  	v10 =	vld.idx.msk [tilespmem:v3+s10+$0x0], $0xffff;
	[tilespmem:s22+$0x40D0] =	vst v11  }
0x2f0: {  	v11 =	vld.idx.msk [tilespmem:v2+s10+$0x0], $0xffff;
	[tilespmem:s22+$0x40E0] =	vst v51  }
0x2f1: {  	v54 =	vld.idx.msk [tilespmem:v1+s10+$0x0], $0xffff;
	[tilespmem:s22+$0x4100] =	vst v52  }
0x2f2: {  	v55 =	vld.idx.msk [tilespmem:v0+s10+$0x0], $0xffff;
	[tilespmem:s22+$0x41F0] =	vst v8  }
0x2f3: {  	v56 =	vld.idx.msk [tilespmem:v6+s12+$0x0], $0xffff;
	[tilespmem:s22+$0x4120] =	vst v9  }
0x2f4: {  	v8 =	vld.idx.msk [tilespmem:v7+s13+$0x0], $0xffff;
	[tilespmem:s22+$0x4130] =	vst v10  }
0x2f5: {  	v9 =	vld.idx.msk [tilespmem:v5+s12+$0x0], $0xffff;
	[tilespmem:s22+$0x4140] =	vst v11  }
0x2f6: {  	v10 =	vld.idx.msk [tilespmem:v4+s12+$0x0], $0xffff;
	[tilespmem:s22+$0x4150] =	vst v54  }
0x2f7: {  	v11 =	vld.idx.msk [tilespmem:v3+s12+$0x0], $0xffff;
	[tilespmem:s22+$0x4160] =	vst v55  }
0x2f8: {  	v57 =	vld.idx.msk [tilespmem:v2+s12+$0x0], $0xffff;
	[tilespmem:s22+$0x4180] =	vst v56  }
0x2f9: {  	v58 =	vld.idx.msk [tilespmem:v1+s12+$0x0], $0xffff;
	[tilespmem:s22+$0x4270] =	vst v8  }
0x2fa: {  	[tilespmem:s22+$0x4190] =	vst v9;
	v8 =	vld.idx.msk [tilespmem:v7+s7+$0x0], $0xffff  }
0x2fb: {  	v59 =	vld.idx.msk [tilespmem:v0+s12+$0x0], $0xffff;
	[tilespmem:s22+$0x41A0] =	vst v10  }
0x2fc: {  	v9 =	vld.idx.msk [tilespmem:v6+s13+$0x0], $0xffff;
	[tilespmem:s22+$0x41B0] =	vst v11  }
0x2fd: {  	v10 =	vld.idx.msk [tilespmem:v5+s13+$0x0], $0xffff;
	[tilespmem:s22+$0x41C0] =	vst v57  }
0x2fe: {  	v11 =	vld.idx.msk [tilespmem:v4+s13+$0x0], $0xffff;
	[tilespmem:s22+$0x41D0] =	vst v58  }
0x2ff: {  	v60 =	vld.idx.msk [tilespmem:v3+s13+$0x0], $0xffff;
	[tilespmem:s22+$0x42F0] =	vst v8  }
0x300: {  	[tilespmem:s22+$0x41E0] =	vst v59;
	v8 =	vld.idx.msk [tilespmem:v7+s21+$0x0], $0xffff  }
0x301: {  	v61 =	vld.idx.msk [tilespmem:v2+s13+$0x0], $0xffff;
	[tilespmem:s22+$0x4200] =	vst v9  }
0x302: {  	v62 =	vld.idx.msk [tilespmem:v1+s13+$0x0], $0xffff;
	[tilespmem:s22+$0x4210] =	vst v10  }
0x303: {  	v9 =	vld.idx.msk [tilespmem:v6+s7+$0x0], $0xffff;
	[tilespmem:s22+$0x4220] =	vst v11  }
0x304: {  	v10 =	vld.idx.msk [tilespmem:v5+s7+$0x0], $0xffff;
	[tilespmem:s22+$0x4230] =	vst v60  }
0x305: {  	[tilespmem:s22+$0x4370] =	vst v8;
	v8 =	vld.idx.msk [tilespmem:v0+s13+$0x0], $0xffff  }
0x306: {  	[tilespmem:s22+$0x4240] =	vst v61;
	v7 =	vld.idx.msk [tilespmem:v7+s4+$0x0], $0xffff  }
0x307: {  	v11 =	vld.idx.msk [tilespmem:v4+s7+$0x0], $0xffff;
	[tilespmem:s22+$0x4250] =	vst v62  }
0x308: {  	v12 =	vld.idx.msk [tilespmem:v3+s7+$0x0], $0xffff;
	[tilespmem:s22+$0x4280] =	vst v9  }
0x309: {  	v13 =	vld.idx.msk [tilespmem:v2+s7+$0x0], $0xffff;
	[tilespmem:s22+$0x4290] =	vst v10  }
0x30a: {  	v9 =	vld.idx.msk [tilespmem:v6+s21+$0x0], $0xffff;
	[tilespmem:s22+$0x4260] =	vst v8  }
0x30b: {  	[tilespmem:s22+$0x43F0] =	vst v7;
	v7 =	vld.idx.msk [tilespmem:v1+s7+$0x0], $0xffff  }
0x30c: {  	[tilespmem:s22+$0x42A0] =	vst v11;
	v8 =	vld.idx.msk [tilespmem:v0+s7+$0x0], $0xffff  }
0x30d: {  	v10 =	vld.idx.msk [tilespmem:v5+s21+$0x0], $0xffff;
	[tilespmem:s22+$0x42B0] =	vst v12  }
0x30e: {  	v11 =	vld.idx.msk [tilespmem:v4+s21+$0x0], $0xffff;
	[tilespmem:s22+$0x42C0] =	vst v13  }
0x30f: {  	v12 =	vld.idx.msk [tilespmem:v3+s21+$0x0], $0xffff;
	[tilespmem:s22+$0x4300] =	vst v9  }
0x310: {  	v13 =	vld.idx.msk [tilespmem:v2+s21+$0x0], $0xffff;
	[tilespmem:s22+$0x42D0] =	vst v7  }
0x311: {  	[tilespmem:s22+$0x42E0] =	vst v8;
	v7 =	vld.idx.msk [tilespmem:v1+s21+$0x0], $0xffff  }
0x312: {  	[tilespmem:s22+$0x4310] =	vst v10;
	v9 =	vld.idx.msk [tilespmem:v0+s21+$0x0], $0xffff  }
0x313: {  	v63 =	vld.idx.msk [tilespmem:v6+s4+$0x0], $0xffff;
	[tilespmem:s22+$0x4320] =	vst v11  }
0x314: {  	v6 =	vld.idx.msk [tilespmem:v4+s4+$0x0], $0xffff;
	[tilespmem:s22+$0x4330] =	vst v12  }
0x315: {  	[tilespmem:s22+$0x4340] =	vst v13;
	v8 =	vld.idx.msk [tilespmem:v5+s4+$0x0], $0xffff  }
0x316: {  	v3 =	vld.idx.msk [tilespmem:v3+s4+$0x0], $0xffff;
	[tilespmem:s22+$0x4350] =	vst v7  }
0x317: {  	v4 =	vld.idx.msk [tilespmem:v2+s4+$0x0], $0xffff;
	[tilespmem:s22+$0x4360] =	vst v9  }
0x318: {  	v5 =	vld.idx.msk [tilespmem:v1+s4+$0x0], $0xffff;
	s31 =	rddreg [dreg:$0x3]  }
0x319: {  	s23 =	simm.s32 $0x0;
	s24 =	simm.s32 $0x8DC0;
	[tilespmem:s22+$0x4380] =	vst v63;
	v1 =	vld.idx.msk [tilespmem:v0+s4+$0x0], $0xffff;
	s8 =	sor.u32 s26, s31  }
.LBB2_7:
0x31a: {  	v7 =	vld [tilespmem:s24+$0x30];
	s23 =	sadd.s32 $0x8, s23;
	[tilespmem:s22+$0x4390] =	vst v8  }
0x31b: {  	v0 =	vld [tilespmem:s24+$0xFFFFFFD0];
	p1 =	slt.u32 s23, $0x78;
	[tilespmem:s22+$0x43A0] =	vst v6  }
0x31c: {  	v2 =	vld [tilespmem:s24+$0xFFFFFFE0];
	[tilespmem:s22+$0x43B0] =	vst v3  }
0x31d: {  	v3 =	vld [tilespmem:s24+$0xFFFFFFF0];
	[tilespmem:s22+$0x43C0] =	vst v4  }
0x31e: {  	v4 =	vld [tilespmem:s24+$0x0];
	[tilespmem:s22+$0x43D0] =	vst v5  }
0x31f: {  	v5 =	vld [tilespmem:s24+$0x10];
	[tilespmem:s22+$0x43E0] =	vst v1  }
0x320: {  	v1 =	vld [tilespmem:s24+$0x20]  }
0x321: {  	v6 =	vld [tilespmem:s24+$0xFFFFFFC0]  }
0x322: {  	v8 =	vld.idx.msk [tilespmem:v7+s0+$0x0], $0xffff  }
0x323: {  	v9 =	vld.idx.msk [tilespmem:v0+s0+$0x0], $0xffff  }
0x324: {  	v10 =	vld.idx.msk [tilespmem:v2+s0+$0x0], $0xffff  }
0x325: {  	v11 =	vld.idx.msk [tilespmem:v3+s0+$0x0], $0xffff  }
0x326: {  	v12 =	vld.idx.msk [tilespmem:v4+s0+$0x0], $0xffff  }
0x327: {  	s22 =	sadd.s32 $0x400, s22;
	v13 =	vld.idx.msk [tilespmem:v5+s0+$0x0], $0xffff  }
0x328: {  	v14 =	vld.idx.msk [tilespmem:v1+s0+$0x0], $0xffff;
	[tilespmem:s22+$0x70] =	vst v8  }
0x329: {  	[tilespmem:s22+$0x10] =	vst v9;
	v8 =	vld.idx.msk [tilespmem:v7+s14+$0x0], $0xffff  }
0x32a: {  	v9 =	vld.idx.msk [tilespmem:v6+s0+$0x0], $0xffff;
	[tilespmem:s22+$0x20] =	vst v10  }
0x32b: {  	v10 =	vld.idx.msk [tilespmem:v0+s14+$0x0], $0xffff;
	[tilespmem:s22+$0x30] =	vst v11  }
0x32c: {  	v11 =	vld.idx.msk [tilespmem:v2+s14+$0x0], $0xffff;
	[tilespmem:s22+$0x40] =	vst v12  }
0x32d: {  	v12 =	vld.idx.msk [tilespmem:v3+s14+$0x0], $0xffff;
	[tilespmem:s22+$0x50] =	vst v13  }
0x32e: {  	v13 =	vld.idx.msk [tilespmem:v4+s14+$0x0], $0xffff;
	[tilespmem:s22+$0x60] =	vst v14  }
0x32f: {  	v14 =	vld.idx.msk [tilespmem:v5+s14+$0x0], $0xffff;
	[tilespmem:s22+$0xF0] =	vst v8  }
0x330: {  	[tilespmem:s22+$0x0] =	vst v9;
	v8 =	vld.idx.msk [tilespmem:v7+s16+$0x0], $0xffff  }
0x331: {  	v9 =	vld.idx.msk [tilespmem:v6+s14+$0x0], $0xffff;
	[tilespmem:s22+$0x90] =	vst v10  }
0x332: {  	[tilespmem:s22+$0xA0] =	vst v11;
	v10 =	vld.idx.msk [tilespmem:v1+s14+$0x0], $0xffff  }
0x333: {  	v11 =	vld.idx.msk [tilespmem:v0+s16+$0x0], $0xffff;
	[tilespmem:s22+$0xB0] =	vst v12  }
0x334: {  	v12 =	vld.idx.msk [tilespmem:v2+s16+$0x0], $0xffff;
	[tilespmem:s22+$0xC0] =	vst v13  }
0x335: {  	v13 =	vld.idx.msk [tilespmem:v3+s16+$0x0], $0xffff;
	[tilespmem:s22+$0xD0] =	vst v14  }
0x336: {  	v14 =	vld.idx.msk [tilespmem:v4+s16+$0x0], $0xffff;
	[tilespmem:s22+$0x170] =	vst v8  }
0x337: {  	[tilespmem:s22+$0x80] =	vst v9;
	v8 =	vld.idx.msk [tilespmem:v7+s17+$0x0], $0xffff  }
0x338: {  	v9 =	vld.idx.msk [tilespmem:v6+s16+$0x0], $0xffff;
	[tilespmem:s22+$0xE0] =	vst v10  }
0x339: {  	[tilespmem:s22+$0x110] =	vst v11;
	v10 =	vld.idx.msk [tilespmem:v5+s16+$0x0], $0xffff  }
0x33a: {  	[tilespmem:s22+$0x120] =	vst v12;
	v11 =	vld.idx.msk [tilespmem:v1+s16+$0x0], $0xffff  }
0x33b: {  	v12 =	vld.idx.msk [tilespmem:v0+s17+$0x0], $0xffff;
	[tilespmem:s22+$0x130] =	vst v13  }
0x33c: {  	v13 =	vld.idx.msk [tilespmem:v2+s17+$0x0], $0xffff;
	[tilespmem:s22+$0x140] =	vst v14  }
0x33d: {  	v14 =	vld.idx.msk [tilespmem:v3+s17+$0x0], $0xffff;
	[tilespmem:s22+$0x1F0] =	vst v8  }
0x33e: {  	[tilespmem:s22+$0x100] =	vst v9;
	v8 =	vld.idx.msk [tilespmem:v7+s18+$0x0], $0xffff  }
0x33f: {  	v9 =	vld.idx.msk [tilespmem:v6+s17+$0x0], $0xffff;
	[tilespmem:s22+$0x150] =	vst v10  }
0x340: {  	v10 =	vld.idx.msk [tilespmem:v4+s17+$0x0], $0xffff;
	[tilespmem:s22+$0x160] =	vst v11  }
0x341: {  	[tilespmem:s22+$0x190] =	vst v12;
	v11 =	vld.idx.msk [tilespmem:v5+s17+$0x0], $0xffff  }
0x342: {  	[tilespmem:s22+$0x1A0] =	vst v13;
	v12 =	vld.idx.msk [tilespmem:v1+s17+$0x0], $0xffff  }
0x343: {  	v13 =	vld.idx.msk [tilespmem:v0+s18+$0x0], $0xffff;
	[tilespmem:s22+$0x1B0] =	vst v14  }
0x344: {  	v14 =	vld.idx.msk [tilespmem:v2+s18+$0x0], $0xffff;
	[tilespmem:s22+$0x270] =	vst v8  }
0x345: {  	[tilespmem:s22+$0x180] =	vst v9;
	v8 =	vld.idx.msk [tilespmem:v7+s2+$0x0], $0xffff  }
0x346: {  	v9 =	vld.idx.msk [tilespmem:v6+s18+$0x0], $0xffff;
	[tilespmem:s22+$0x1C0] =	vst v10  }
0x347: {  	v10 =	vld.idx.msk [tilespmem:v3+s18+$0x0], $0xffff;
	[tilespmem:s22+$0x1D0] =	vst v11  }
0x348: {  	v11 =	vld.idx.msk [tilespmem:v4+s18+$0x0], $0xffff;
	[tilespmem:s22+$0x1E0] =	vst v12  }
0x349: {  	[tilespmem:s22+$0x210] =	vst v13;
	v12 =	vld.idx.msk [tilespmem:v5+s18+$0x0], $0xffff  }
0x34a: {  	[tilespmem:s22+$0x220] =	vst v14;
	v13 =	vld.idx.msk [tilespmem:v1+s18+$0x0], $0xffff  }
0x34b: {  	v14 =	vld.idx.msk [tilespmem:v0+s2+$0x0], $0xffff;
	[tilespmem:s22+$0x2F0] =	vst v8  }
0x34c: {  	[tilespmem:s22+$0x200] =	vst v9;
	v8 =	vld.idx.msk [tilespmem:v7+s15+$0x0], $0xffff  }
0x34d: {  	v9 =	vld.idx.msk [tilespmem:v6+s2+$0x0], $0xffff;
	[tilespmem:s22+$0x230] =	vst v10  }
0x34e: {  	v10 =	vld.idx.msk [tilespmem:v2+s2+$0x0], $0xffff;
	[tilespmem:s22+$0x240] =	vst v11  }
0x34f: {  	v11 =	vld.idx.msk [tilespmem:v3+s2+$0x0], $0xffff;
	[tilespmem:s22+$0x250] =	vst v12  }
0x350: {  	v12 =	vld.idx.msk [tilespmem:v4+s2+$0x0], $0xffff;
	[tilespmem:s22+$0x260] =	vst v13  }
0x351: {  	[tilespmem:s22+$0x290] =	vst v14;
	v13 =	vld.idx.msk [tilespmem:v5+s2+$0x0], $0xffff  }
0x352: {  	v14 =	vld.idx.msk [tilespmem:v1+s2+$0x0], $0xffff;
	[tilespmem:s22+$0x370] =	vst v8  }
0x353: {  	[tilespmem:s22+$0x280] =	vst v9;
	v8 =	vld.idx.msk [tilespmem:v7+s5+$0x0], $0xffff  }
0x354: {  	v9 =	vld.idx.msk [tilespmem:v6+s15+$0x0], $0xffff;
	[tilespmem:s22+$0x2A0] =	vst v10  }
0x355: {  	v10 =	vld.idx.msk [tilespmem:v0+s15+$0x0], $0xffff;
	[tilespmem:s22+$0x2B0] =	vst v11  }
0x356: {  	v11 =	vld.idx.msk [tilespmem:v2+s15+$0x0], $0xffff;
	[tilespmem:s22+$0x2C0] =	vst v12  }
0x357: {  	v12 =	vld.idx.msk [tilespmem:v3+s15+$0x0], $0xffff;
	[tilespmem:s22+$0x2D0] =	vst v13  }
0x358: {  	v13 =	vld.idx.msk [tilespmem:v4+s15+$0x0], $0xffff;
	[tilespmem:s22+$0x2E0] =	vst v14  }
0x359: {  	v14 =	vld.idx.msk [tilespmem:v5+s15+$0x0], $0xffff;
	[tilespmem:s22+$0x3F0] =	vst v8  }
0x35a: {  	[tilespmem:s22+$0x300] =	vst v9;
	v8 =	vld.idx.msk [tilespmem:v7+s6+$0x0], $0xffff  }
0x35b: {  	[tilespmem:s22+$0x310] =	vst v10;
	v9 =	vld.idx.msk [tilespmem:v1+s15+$0x0], $0xffff  }
0x35c: {  	v10 =	vld.idx.msk [tilespmem:v6+s5+$0x0], $0xffff;
	[tilespmem:s22+$0x320] =	vst v11  }
0x35d: {  	v11 =	vld.idx.msk [tilespmem:v0+s5+$0x0], $0xffff;
	[tilespmem:s22+$0x330] =	vst v12  }
0x35e: {  	v12 =	vld.idx.msk [tilespmem:v2+s5+$0x0], $0xffff;
	[tilespmem:s22+$0x340] =	vst v13  }
0x35f: {  	v13 =	vld.idx.msk [tilespmem:v3+s5+$0x0], $0xffff;
	[tilespmem:s22+$0x350] =	vst v14  }
0x360: {  	v14 =	vld.idx.msk [tilespmem:v4+s5+$0x0], $0xffff;
	[tilespmem:s22+$0x4070] =	vst v8  }
0x361: {  	[tilespmem:s22+$0x360] =	vst v9;
	v8 =	vld.idx.msk [tilespmem:v7+s11+$0x0], $0xffff  }
0x362: {  	[tilespmem:s22+$0x380] =	vst v10;
	v9 =	vld.idx.msk [tilespmem:v5+s5+$0x0], $0xffff  }
0x363: {  	[tilespmem:s22+$0x390] =	vst v11;
	v10 =	vld.idx.msk [tilespmem:v1+s5+$0x0], $0xffff  }
0x364: {  	v11 =	vld.idx.msk [tilespmem:v6+s6+$0x0], $0xffff;
	[tilespmem:s22+$0x3A0] =	vst v12  }
0x365: {  	v12 =	vld.idx.msk [tilespmem:v0+s6+$0x0], $0xffff;
	[tilespmem:s22+$0x3B0] =	vst v13  }
0x366: {  	v13 =	vld.idx.msk [tilespmem:v2+s6+$0x0], $0xffff;
	[tilespmem:s22+$0x3C0] =	vst v14  }
0x367: {  	v14 =	vld.idx.msk [tilespmem:v3+s6+$0x0], $0xffff;
	[tilespmem:s22+$0x40F0] =	vst v8  }
0x368: {  	[tilespmem:s22+$0x3D0] =	vst v9;
	v8 =	vld.idx.msk [tilespmem:v7+s10+$0x0], $0xffff  }
0x369: {  	v9 =	vld.idx.msk [tilespmem:v4+s6+$0x0], $0xffff;
	[tilespmem:s22+$0x3E0] =	vst v10  }
0x36a: {  	[tilespmem:s22+$0x4000] =	vst v11;
	v10 =	vld.idx.msk [tilespmem:v5+s6+$0x0], $0xffff  }
0x36b: {  	[tilespmem:s22+$0x4010] =	vst v12;
	v11 =	vld.idx.msk [tilespmem:v1+s6+$0x0], $0xffff  }
0x36c: {  	v12 =	vld.idx.msk [tilespmem:v6+s11+$0x0], $0xffff;
	[tilespmem:s22+$0x4020] =	vst v13  }
0x36d: {  	v13 =	vld.idx.msk [tilespmem:v0+s11+$0x0], $0xffff;
	[tilespmem:s22+$0x4030] =	vst v14  }
0x36e: {  	v14 =	vld.idx.msk [tilespmem:v2+s11+$0x0], $0xffff;
	[tilespmem:s22+$0x4170] =	vst v8  }
0x36f: {  	[tilespmem:s22+$0x4040] =	vst v9;
	v8 =	vld.idx.msk [tilespmem:v7+s12+$0x0], $0xffff  }
0x370: {  	v9 =	vld.idx.msk [tilespmem:v3+s11+$0x0], $0xffff;
	[tilespmem:s22+$0x4050] =	vst v10  }
0x371: {  	v10 =	vld.idx.msk [tilespmem:v4+s11+$0x0], $0xffff;
	[tilespmem:s22+$0x4060] =	vst v11  }
0x372: {  	[tilespmem:s22+$0x4080] =	vst v12;
	v11 =	vld.idx.msk [tilespmem:v5+s11+$0x0], $0xffff  }
0x373: {  	[tilespmem:s22+$0x4090] =	vst v13;
	v12 =	vld.idx.msk [tilespmem:v1+s11+$0x0], $0xffff  }
0x374: {  	v13 =	vld.idx.msk [tilespmem:v6+s10+$0x0], $0xffff;
	[tilespmem:s22+$0x40A0] =	vst v14  }
0x375: {  	v14 =	vld.idx.msk [tilespmem:v0+s10+$0x0], $0xffff;
	[tilespmem:s22+$0x41F0] =	vst v8  }
0x376: {  	[tilespmem:s22+$0x40B0] =	vst v9;
	v8 =	vld.idx.msk [tilespmem:v7+s13+$0x0], $0xffff  }
0x377: {  	v9 =	vld.idx.msk [tilespmem:v2+s10+$0x0], $0xffff;
	[tilespmem:s22+$0x40C0] =	vst v10  }
0x378: {  	v10 =	vld.idx.msk [tilespmem:v3+s10+$0x0], $0xffff;
	[tilespmem:s22+$0x40D0] =	vst v11  }
0x379: {  	v11 =	vld.idx.msk [tilespmem:v4+s10+$0x0], $0xffff;
	[tilespmem:s22+$0x40E0] =	vst v12  }
0x37a: {  	[tilespmem:s22+$0x4100] =	vst v13;
	v12 =	vld.idx.msk [tilespmem:v5+s10+$0x0], $0xffff  }
0x37b: {  	[tilespmem:s22+$0x4110] =	vst v14;
	v13 =	vld.idx.msk [tilespmem:v1+s10+$0x0], $0xffff  }
0x37c: {  	v14 =	vld.idx.msk [tilespmem:v6+s12+$0x0], $0xffff;
	[tilespmem:s22+$0x4270] =	vst v8  }
0x37d: {  	[tilespmem:s22+$0x4120] =	vst v9;
	v8 =	vld.idx.msk [tilespmem:v7+s7+$0x0], $0xffff  }
0x37e: {  	v9 =	vld.idx.msk [tilespmem:v0+s12+$0x0], $0xffff;
	[tilespmem:s22+$0x4130] =	vst v10  }
0x37f: {  	v10 =	vld.idx.msk [tilespmem:v2+s12+$0x0], $0xffff;
	[tilespmem:s22+$0x4140] =	vst v11  }
0x380: {  	v11 =	vld.idx.msk [tilespmem:v3+s12+$0x0], $0xffff;
	[tilespmem:s22+$0x4150] =	vst v12  }
0x381: {  	v12 =	vld.idx.msk [tilespmem:v4+s12+$0x0], $0xffff;
	[tilespmem:s22+$0x4160] =	vst v13  }
0x382: {  	[tilespmem:s22+$0x4180] =	vst v14;
	v13 =	vld.idx.msk [tilespmem:v5+s12+$0x0], $0xffff  }
0x383: {  	v14 =	vld.idx.msk [tilespmem:v1+s12+$0x0], $0xffff;
	[tilespmem:s22+$0x42F0] =	vst v8  }
0x384: {  	[tilespmem:s22+$0x4190] =	vst v9;
	v8 =	vld.idx.msk [tilespmem:v7+s21+$0x0], $0xffff  }
0x385: {  	v9 =	vld.idx.msk [tilespmem:v6+s13+$0x0], $0xffff;
	[tilespmem:s22+$0x41A0] =	vst v10  }
0x386: {  	v10 =	vld.idx.msk [tilespmem:v0+s13+$0x0], $0xffff;
	[tilespmem:s22+$0x41B0] =	vst v11  }
0x387: {  	v11 =	vld.idx.msk [tilespmem:v2+s13+$0x0], $0xffff;
	[tilespmem:s22+$0x41C0] =	vst v12  }
0x388: {  	v12 =	vld.idx.msk [tilespmem:v3+s13+$0x0], $0xffff;
	[tilespmem:s22+$0x41D0] =	vst v13  }
0x389: {  	v13 =	vld.idx.msk [tilespmem:v4+s13+$0x0], $0xffff;
	[tilespmem:s22+$0x41E0] =	vst v14  }
0x38a: {  	v14 =	vld.idx.msk [tilespmem:v5+s13+$0x0], $0xffff;
	[tilespmem:s22+$0x4370] =	vst v8  }
0x38b: {  	[tilespmem:s22+$0x4200] =	vst v9;
	v7 =	vld.idx.msk [tilespmem:v7+s4+$0x0], $0xffff  }
0x38c: {  	[tilespmem:s22+$0x4210] =	vst v10;
	v8 =	vld.idx.msk [tilespmem:v1+s13+$0x0], $0xffff  }
0x38d: {  	v9 =	vld.idx.msk [tilespmem:v6+s7+$0x0], $0xffff;
	[tilespmem:s22+$0x4220] =	vst v11  }
0x38e: {  	v10 =	vld.idx.msk [tilespmem:v0+s7+$0x0], $0xffff;
	[tilespmem:s22+$0x4230] =	vst v12  }
0x38f: {  	v11 =	vld.idx.msk [tilespmem:v2+s7+$0x0], $0xffff;
	[tilespmem:s22+$0x4240] =	vst v13  }
0x390: {  	v12 =	vld.idx.msk [tilespmem:v3+s7+$0x0], $0xffff;
	[tilespmem:s22+$0x4250] =	vst v14  }
0x391: {  	v13 =	vld.idx.msk [tilespmem:v4+s7+$0x0], $0xffff;
	[tilespmem:s22+$0x43F0] =	vst v7  }
0x392: {  	v7 =	vld.idx.msk [tilespmem:v5+s7+$0x0], $0xffff;
	[tilespmem:s22+$0x4260] =	vst v8  }
0x393: {  	[tilespmem:s22+$0x4280] =	vst v9;
	v8 =	vld.idx.msk [tilespmem:v1+s7+$0x0], $0xffff  }
0x394: {  	v9 =	vld.idx.msk [tilespmem:v6+s21+$0x0], $0xffff;
	[tilespmem:s22+$0x4290] =	vst v10  }
0x395: {  	v10 =	vld.idx.msk [tilespmem:v0+s21+$0x0], $0xffff;
	[tilespmem:s22+$0x42A0] =	vst v11  }
0x396: {  	v11 =	vld.idx.msk [tilespmem:v2+s21+$0x0], $0xffff;
	[tilespmem:s22+$0x42B0] =	vst v12  }
0x397: {  	v12 =	vld.idx.msk [tilespmem:v3+s21+$0x0], $0xffff;
	[tilespmem:s22+$0x42C0] =	vst v13  }
0x398: {  	v13 =	vld.idx.msk [tilespmem:v4+s21+$0x0], $0xffff;
	[tilespmem:s22+$0x42D0] =	vst v7  }
0x399: {  	v7 =	vld.idx.msk [tilespmem:v5+s21+$0x0], $0xffff;
	[tilespmem:s22+$0x42E0] =	vst v8  }
0x39a: {  	[tilespmem:s22+$0x4300] =	vst v9;
	v9 =	vld.idx.msk [tilespmem:v1+s21+$0x0], $0xffff  }
0x39b: {  	v14 =	vld.idx.msk [tilespmem:v6+s4+$0x0], $0xffff;
	[tilespmem:s22+$0x4310] =	vst v10  }
0x39c: {  	v8 =	vld.idx.msk [tilespmem:v0+s4+$0x0], $0xffff;
	[tilespmem:s22+$0x4320] =	vst v11  }
.Ltmp6:
0x39d: {  	v6 =	vld.idx.msk [tilespmem:v2+s4+$0x0], $0xffff;
	[tilespmem:s22+$0x4330] =	vst v12;
	(pc) =	sbr.rel @p1 .LBB2_7-.Ltmp6, $4  }
0x39e: {  	v3 =	vld.idx.msk [tilespmem:v3+s4+$0x0], $0xffff;
	[tilespmem:s22+$0x4340] =	vst v13  }
0x39f: {  	v4 =	vld.idx.msk [tilespmem:v4+s4+$0x0], $0xffff;
	[tilespmem:s22+$0x4350] =	vst v7  }
0x3a0: {  	v5 =	vld.idx.msk [tilespmem:v5+s4+$0x0], $0xffff;
	[tilespmem:s22+$0x4360] =	vst v9  }
0x3a1: {  	s24 =	sadd.s32 $0x80, s24;
	[tilespmem:s22+$0x4380] =	vst v14;
	v1 =	vld.idx.msk [tilespmem:v1+s4+$0x0], $0xffff  }
0x3a2: {  	s8 =	sor.u32 $0x20, s8  }
0x3a3: {  	s24 =	sand.u32 $0xFFFF, s8  }
0x3a4: {  	s24 =	smul.u32 $0x47AF, s24;
	_ =	sdelay $0x1  }
0x3a5: {  	s24 =	sshrl.u32 s24, $0x10  }
0x3a6: {  	s23 =	ssub.s32 s8, s24  }
0x3a7: {  	s23 =	sand.u32 $0xFFFE, s23  }
0x3a8: {  	[tilespmem:s22+$0x4390] =	vst v8;
	s23 =	sshrl.u32 s23, $0x1  }
0x3a9: {  	[tilespmem:s22+$0x43A0] =	vst v6;
	s23 =	sadd.s32 s24, s23  }
0x3aa: {  	[tilespmem:s22+$0x43B0] =	vst v3;
	s23 =	sshrl.u32 s23, $0x4  }
0x3ab: {  	[tilespmem:s22+$0x43C0] =	vst v4;
	s30 =	smul.u32 $0x19, s23  }
0x3ac: {  	[tilespmem:s22+$0x43D0] =	vst v5  }
0x3ad: {  	[tilespmem:s22+$0x43E0] =	vst v1;
	s24 =	ssub.s32 s8, s30;
	s8 =	simm.s32 $0x1  }
0x3ae: {  	s23 =	smul.u32 $0x190000, s23;
	_ =	swait.ge [sflag:s8], $0x8000  }
0x3af: {  	s31 =	sshll.u32 s24, $0x10;
	[sflag:s8] =	ssyncset.done $0x0  }
0x3b0: {  	s22 =	sadd.s32 s31, s23;
	[sflag:s8] =	ssyncadd.s32 $0xFFFF8000  }
0x3b1: {  	s28 =	sshrl.u32 s22, $0x3;
	s29 =	rddreg [dreg:$0x1]  }
0x3b2: {  	s30 =	simm.s32 $0x9D00;
	s31 =	simm.s32 $0x9570;
	s22 =	sadd.s32 s29, s28  }
0x3b3: {  	[hbm4b:s22+s1] =	stream.strided.scatter [tilespmem:s30], [sflag:$0x1], $0x8000, s3, s1, $0x38;
	[tilespmem:$0x19D00] =	vst v63  }
0x3b4: {  	v7 =	vld [tilespmem:s31+$0x0]  }
0x3b5: {  	v5 =	vld [tilespmem:s31+$0xFFFFFFA0]  }
0x3b6: {  	v4 =	vld [tilespmem:s31+$0xFFFFFFB0]  }
0x3b7: {  	v3 =	vld [tilespmem:s31+$0xFFFFFFC0]  }
0x3b8: {  	v2 =	vld [tilespmem:s31+$0xFFFFFFD0]  }
0x3b9: {  	v1 =	vld [tilespmem:s31+$0xFFFFFFE0]  }
0x3ba: {  	v0 =	vld [tilespmem:s31+$0xFFFFFFF0]  }
0x3bb: {  	v6 =	vld [tilespmem:s31+$0xFFFFFF90]  }
0x3bc: {  	v8 =	vld.idx.msk [tilespmem:v7+s0+$0x0], $0xffff  }
0x3bd: {  	v9 =	vld.idx.msk [tilespmem:v5+s0+$0x0], $0xffff  }
0x3be: {  	v10 =	vld.idx.msk [tilespmem:v4+s0+$0x0], $0xffff  }
0x3bf: {  	v11 =	vld.idx.msk [tilespmem:v3+s0+$0x0], $0xffff  }
0x3c0: {  	v12 =	vld.idx.msk [tilespmem:v2+s0+$0x0], $0xffff  }
0x3c1: {  	s22 =	simm.s32 $0x11D00;
	v13 =	vld.idx.msk [tilespmem:v1+s0+$0x0], $0xffff  }
0x3c2: {  	v14 =	vld.idx.msk [tilespmem:v0+s0+$0x0], $0xffff;
	[tilespmem:s22+$0x70] =	vst v8  }
0x3c3: {  	[tilespmem:s22+$0x10] =	vst v9;
	v9 =	vld.idx.msk [tilespmem:v6+s0+$0x0], $0xffff  }
0x3c4: {  	[tilespmem:s22+$0x20] =	vst v10;
	v8 =	vld.idx.msk [tilespmem:v7+s14+$0x0], $0xffff  }
0x3c5: {  	[tilespmem:s22+$0x30] =	vst v11;
	v10 =	vld.idx.msk [tilespmem:v5+s14+$0x0], $0xffff  }
0x3c6: {  	[tilespmem:s22+$0x40] =	vst v12;
	v11 =	vld.idx.msk [tilespmem:v4+s14+$0x0], $0xffff  }
0x3c7: {  	[tilespmem:s22+$0x50] =	vst v13;
	v21 =	vld.idx.msk [tilespmem:v3+s14+$0x0], $0xffff  }
0x3c8: {  	[tilespmem:s22+$0x60] =	vst v14;
	v22 =	vld.idx.msk [tilespmem:v2+s14+$0x0], $0xffff  }
0x3c9: {  	v23 =	vld.idx.msk [tilespmem:v1+s14+$0x0], $0xffff;
	[tilespmem:s22+$0x0] =	vst v9  }
0x3ca: {  	[tilespmem:s22+$0xF0] =	vst v8;
	v9 =	vld.idx.msk [tilespmem:v6+s14+$0x0], $0xffff  }
0x3cb: {  	[tilespmem:s22+$0x90] =	vst v10;
	v10 =	vld.idx.msk [tilespmem:v0+s14+$0x0], $0xffff  }
0x3cc: {  	[tilespmem:s22+$0xA0] =	vst v11;
	v8 =	vld.idx.msk [tilespmem:v7+s16+$0x0], $0xffff  }
0x3cd: {  	[tilespmem:s22+$0xB0] =	vst v21;
	v11 =	vld.idx.msk [tilespmem:v5+s16+$0x0], $0xffff  }
0x3ce: {  	[tilespmem:s22+$0xC0] =	vst v22;
	v24 =	vld.idx.msk [tilespmem:v4+s16+$0x0], $0xffff  }
0x3cf: {  	[tilespmem:s22+$0xD0] =	vst v23;
	v25 =	vld.idx.msk [tilespmem:v3+s16+$0x0], $0xffff  }
0x3d0: {  	v26 =	vld.idx.msk [tilespmem:v2+s16+$0x0], $0xffff;
	[tilespmem:s22+$0x80] =	vst v9  }
0x3d1: {  	[tilespmem:s22+$0xE0] =	vst v10;
	v10 =	vld.idx.msk [tilespmem:v1+s16+$0x0], $0xffff  }
0x3d2: {  	[tilespmem:s22+$0x170] =	vst v8;
	v9 =	vld.idx.msk [tilespmem:v6+s16+$0x0], $0xffff  }
0x3d3: {  	[tilespmem:s22+$0x110] =	vst v11;
	v11 =	vld.idx.msk [tilespmem:v0+s16+$0x0], $0xffff  }
0x3d4: {  	[tilespmem:s22+$0x120] =	vst v24;
	v8 =	vld.idx.msk [tilespmem:v7+s17+$0x0], $0xffff  }
0x3d5: {  	[tilespmem:s22+$0x130] =	vst v25;
	v27 =	vld.idx.msk [tilespmem:v5+s17+$0x0], $0xffff  }
0x3d6: {  	[tilespmem:s22+$0x140] =	vst v26;
	v28 =	vld.idx.msk [tilespmem:v4+s17+$0x0], $0xffff  }
0x3d7: {  	v29 =	vld.idx.msk [tilespmem:v3+s17+$0x0], $0xffff;
	[tilespmem:s22+$0x150] =	vst v10  }
0x3d8: {  	v10 =	vld.idx.msk [tilespmem:v2+s17+$0x0], $0xffff;
	[tilespmem:s22+$0x100] =	vst v9  }
0x3d9: {  	[tilespmem:s22+$0x160] =	vst v11;
	v11 =	vld.idx.msk [tilespmem:v1+s17+$0x0], $0xffff  }
0x3da: {  	[tilespmem:s22+$0x1F0] =	vst v8;
	v9 =	vld.idx.msk [tilespmem:v6+s17+$0x0], $0xffff  }
0x3db: {  	[tilespmem:s22+$0x190] =	vst v27;
	v30 =	vld.idx.msk [tilespmem:v0+s17+$0x0], $0xffff  }
0x3dc: {  	[tilespmem:s22+$0x1A0] =	vst v28;
	v8 =	vld.idx.msk [tilespmem:v7+s18+$0x0], $0xffff  }
0x3dd: {  	[tilespmem:s22+$0x1B0] =	vst v29;
	v31 =	vld.idx.msk [tilespmem:v5+s18+$0x0], $0xffff  }
0x3de: {  	v32 =	vld.idx.msk [tilespmem:v4+s18+$0x0], $0xffff;
	[tilespmem:s22+$0x1C0] =	vst v10  }
0x3df: {  	v10 =	vld.idx.msk [tilespmem:v3+s18+$0x0], $0xffff;
	[tilespmem:s22+$0x1D0] =	vst v11  }
0x3e0: {  	v11 =	vld.idx.msk [tilespmem:v2+s18+$0x0], $0xffff;
	[tilespmem:s22+$0x180] =	vst v9  }
0x3e1: {  	[tilespmem:s22+$0x1E0] =	vst v30;
	v33 =	vld.idx.msk [tilespmem:v1+s18+$0x0], $0xffff  }
0x3e2: {  	[tilespmem:s22+$0x270] =	vst v8;
	v9 =	vld.idx.msk [tilespmem:v6+s18+$0x0], $0xffff  }
0x3e3: {  	[tilespmem:s22+$0x210] =	vst v31;
	v34 =	vld.idx.msk [tilespmem:v0+s18+$0x0], $0xffff  }
0x3e4: {  	[tilespmem:s22+$0x220] =	vst v32;
	v8 =	vld.idx.msk [tilespmem:v7+s2+$0x0], $0xffff  }
0x3e5: {  	v35 =	vld.idx.msk [tilespmem:v5+s2+$0x0], $0xffff;
	[tilespmem:s22+$0x230] =	vst v10  }
0x3e6: {  	v10 =	vld.idx.msk [tilespmem:v4+s2+$0x0], $0xffff;
	[tilespmem:s22+$0x240] =	vst v11  }
0x3e7: {  	v11 =	vld.idx.msk [tilespmem:v3+s2+$0x0], $0xffff;
	[tilespmem:s22+$0x250] =	vst v33  }
0x3e8: {  	v36 =	vld.idx.msk [tilespmem:v2+s2+$0x0], $0xffff;
	[tilespmem:s22+$0x200] =	vst v9  }
0x3e9: {  	[tilespmem:s22+$0x260] =	vst v34;
	v37 =	vld.idx.msk [tilespmem:v1+s2+$0x0], $0xffff  }
0x3ea: {  	[tilespmem:s22+$0x2F0] =	vst v8;
	v9 =	vld.idx.msk [tilespmem:v6+s2+$0x0], $0xffff  }
0x3eb: {  	[tilespmem:s22+$0x290] =	vst v35;
	v38 =	vld.idx.msk [tilespmem:v0+s2+$0x0], $0xffff  }
0x3ec: {  	v8 =	vld.idx.msk [tilespmem:v7+s15+$0x0], $0xffff;
	[tilespmem:s22+$0x2A0] =	vst v10  }
0x3ed: {  	v10 =	vld.idx.msk [tilespmem:v5+s15+$0x0], $0xffff;
	[tilespmem:s22+$0x2B0] =	vst v11  }
0x3ee: {  	v11 =	vld.idx.msk [tilespmem:v4+s15+$0x0], $0xffff;
	[tilespmem:s22+$0x2C0] =	vst v36  }
0x3ef: {  	v39 =	vld.idx.msk [tilespmem:v3+s15+$0x0], $0xffff;
	[tilespmem:s22+$0x2D0] =	vst v37  }
0x3f0: {  	v40 =	vld.idx.msk [tilespmem:v2+s15+$0x0], $0xffff;
	[tilespmem:s22+$0x280] =	vst v9  }
0x3f1: {  	[tilespmem:s22+$0x2E0] =	vst v38;
	v41 =	vld.idx.msk [tilespmem:v1+s15+$0x0], $0xffff  }
0x3f2: {  	[tilespmem:s22+$0x370] =	vst v8;
	v9 =	vld.idx.msk [tilespmem:v6+s15+$0x0], $0xffff  }
0x3f3: {  	[tilespmem:s22+$0x310] =	vst v10;
	v8 =	vld.idx.msk [tilespmem:v7+s5+$0x0], $0xffff  }
0x3f4: {  	[tilespmem:s22+$0x320] =	vst v11;
	v11 =	vld.idx.msk [tilespmem:v5+s5+$0x0], $0xffff  }
0x3f5: {  	[tilespmem:s22+$0x330] =	vst v39;
	v42 =	vld.idx.msk [tilespmem:v4+s5+$0x0], $0xffff  }
0x3f6: {  	[tilespmem:s22+$0x340] =	vst v40;
	v43 =	vld.idx.msk [tilespmem:v3+s5+$0x0], $0xffff  }
0x3f7: {  	[tilespmem:s22+$0x350] =	vst v41;
	v44 =	vld.idx.msk [tilespmem:v2+s5+$0x0], $0xffff  }
0x3f8: {  	[tilespmem:s22+$0x300] =	vst v9;
	v9 =	vld.idx.msk [tilespmem:v0+s15+$0x0], $0xffff  }
0x3f9: {  	[tilespmem:s22+$0x3F0] =	vst v8;
	v10 =	vld.idx.msk [tilespmem:v6+s5+$0x0], $0xffff  }
0x3fa: {  	[tilespmem:s22+$0x390] =	vst v11;
	v8 =	vld.idx.msk [tilespmem:v7+s6+$0x0], $0xffff  }
0x3fb: {  	[tilespmem:s22+$0x3A0] =	vst v42;
	v45 =	vld.idx.msk [tilespmem:v5+s6+$0x0], $0xffff  }
0x3fc: {  	[tilespmem:s22+$0x3B0] =	vst v43;
	v46 =	vld.idx.msk [tilespmem:v4+s6+$0x0], $0xffff  }
0x3fd: {  	[tilespmem:s22+$0x3C0] =	vst v44;
	v47 =	vld.idx.msk [tilespmem:v3+s6+$0x0], $0xffff  }
0x3fe: {  	[tilespmem:s22+$0x360] =	vst v9;
	v9 =	vld.idx.msk [tilespmem:v1+s5+$0x0], $0xffff  }
0x3ff: {  	[tilespmem:s22+$0x380] =	vst v10;
	v10 =	vld.idx.msk [tilespmem:v0+s5+$0x0], $0xffff  }
0x400: {  	[tilespmem:s22+$0x4070] =	vst v8;
	v11 =	vld.idx.msk [tilespmem:v6+s6+$0x0], $0xffff  }
0x401: {  	[tilespmem:s22+$0x4010] =	vst v45;
	v8 =	vld.idx.msk [tilespmem:v7+s11+$0x0], $0xffff  }
0x402: {  	[tilespmem:s22+$0x4020] =	vst v46;
	v49 =	vld.idx.msk [tilespmem:v5+s11+$0x0], $0xffff  }
0x403: {  	[tilespmem:s22+$0x4030] =	vst v47;
	v50 =	vld.idx.msk [tilespmem:v4+s11+$0x0], $0xffff  }
0x404: {  	[tilespmem:s22+$0x3D0] =	vst v9;
	v9 =	vld.idx.msk [tilespmem:v2+s6+$0x0], $0xffff  }
0x405: {  	[tilespmem:s22+$0x3E0] =	vst v10;
	v10 =	vld.idx.msk [tilespmem:v1+s6+$0x0], $0xffff  }
0x406: {  	[tilespmem:s22+$0x4000] =	vst v11;
	v11 =	vld.idx.msk [tilespmem:v0+s6+$0x0], $0xffff  }
0x407: {  	[tilespmem:s22+$0x40F0] =	vst v8;
	v48 =	vld.idx.msk [tilespmem:v6+s11+$0x0], $0xffff  }
0x408: {  	[tilespmem:s22+$0x4090] =	vst v49;
	v8 =	vld.idx.msk [tilespmem:v7+s10+$0x0], $0xffff  }
0x409: {  	[tilespmem:s22+$0x40A0] =	vst v50;
	v53 =	vld.idx.msk [tilespmem:v5+s10+$0x0], $0xffff  }
0x40a: {  	[tilespmem:s22+$0x4040] =	vst v9;
	v9 =	vld.idx.msk [tilespmem:v3+s11+$0x0], $0xffff  }
0x40b: {  	[tilespmem:s22+$0x4050] =	vst v10;
	v10 =	vld.idx.msk [tilespmem:v2+s11+$0x0], $0xffff  }
0x40c: {  	[tilespmem:s22+$0x4060] =	vst v11;
	v11 =	vld.idx.msk [tilespmem:v1+s11+$0x0], $0xffff  }
0x40d: {  	[tilespmem:s22+$0x4080] =	vst v48;
	v51 =	vld.idx.msk [tilespmem:v0+s11+$0x0], $0xffff  }
0x40e: {  	[tilespmem:s22+$0x4170] =	vst v8;
	v52 =	vld.idx.msk [tilespmem:v6+s10+$0x0], $0xffff  }
0x40f: {  	[tilespmem:s22+$0x4110] =	vst v53;
	v8 =	vld.idx.msk [tilespmem:v7+s12+$0x0], $0xffff  }
0x410: {  	[tilespmem:s22+$0x40B0] =	vst v9;
	v9 =	vld.idx.msk [tilespmem:v4+s10+$0x0], $0xffff  }
0x411: {  	[tilespmem:s22+$0x40C0] =	vst v10;
	v10 =	vld.idx.msk [tilespmem:v3+s10+$0x0], $0xffff  }
0x412: {  	[tilespmem:s22+$0x40D0] =	vst v11;
	v11 =	vld.idx.msk [tilespmem:v2+s10+$0x0], $0xffff  }
0x413: {  	[tilespmem:s22+$0x40E0] =	vst v51;
	v54 =	vld.idx.msk [tilespmem:v1+s10+$0x0], $0xffff  }
0x414: {  	[tilespmem:s22+$0x4100] =	vst v52;
	v55 =	vld.idx.msk [tilespmem:v0+s10+$0x0], $0xffff  }
0x415: {  	[tilespmem:s22+$0x41F0] =	vst v8;
	v56 =	vld.idx.msk [tilespmem:v6+s12+$0x0], $0xffff  }
0x416: {  	[tilespmem:s22+$0x4120] =	vst v9;
	v9 =	vld.idx.msk [tilespmem:v5+s12+$0x0], $0xffff  }
0x417: {  	v8 =	vld.idx.msk [tilespmem:v7+s13+$0x0], $0xffff;
	[tilespmem:s22+$0x4130] =	vst v10  }
0x418: {  	v10 =	vld.idx.msk [tilespmem:v4+s12+$0x0], $0xffff;
	[tilespmem:s22+$0x4140] =	vst v11  }
0x419: {  	v11 =	vld.idx.msk [tilespmem:v3+s12+$0x0], $0xffff;
	[tilespmem:s22+$0x4150] =	vst v54  }
0x41a: {  	v57 =	vld.idx.msk [tilespmem:v2+s12+$0x0], $0xffff;
	[tilespmem:s22+$0x4160] =	vst v55  }
0x41b: {  	v58 =	vld.idx.msk [tilespmem:v1+s12+$0x0], $0xffff;
	[tilespmem:s22+$0x4180] =	vst v56  }
0x41c: {  	v59 =	vld.idx.msk [tilespmem:v0+s12+$0x0], $0xffff;
	[tilespmem:s22+$0x4270] =	vst v8  }
0x41d: {  	[tilespmem:s22+$0x4190] =	vst v9;
	v8 =	vld.idx.msk [tilespmem:v7+s7+$0x0], $0xffff  }
0x41e: {  	v9 =	vld.idx.msk [tilespmem:v6+s13+$0x0], $0xffff;
	[tilespmem:s22+$0x41A0] =	vst v10  }
0x41f: {  	v10 =	vld.idx.msk [tilespmem:v5+s13+$0x0], $0xffff;
	[tilespmem:s22+$0x41B0] =	vst v11  }
0x420: {  	v11 =	vld.idx.msk [tilespmem:v4+s13+$0x0], $0xffff;
	[tilespmem:s22+$0x41C0] =	vst v57  }
0x421: {  	v60 =	vld.idx.msk [tilespmem:v3+s13+$0x0], $0xffff;
	[tilespmem:s22+$0x41D0] =	vst v58  }
0x422: {  	v61 =	vld.idx.msk [tilespmem:v2+s13+$0x0], $0xffff;
	[tilespmem:s22+$0x42F0] =	vst v8  }
0x423: {  	[tilespmem:s22+$0x41E0] =	vst v59;
	v8 =	vld.idx.msk [tilespmem:v7+s21+$0x0], $0xffff  }
0x424: {  	v62 =	vld.idx.msk [tilespmem:v1+s13+$0x0], $0xffff;
	[tilespmem:s22+$0x4200] =	vst v9  }
0x425: {  	[tilespmem:s22+$0x4210] =	vst v10;
	v9 =	vld.idx.msk [tilespmem:v6+s7+$0x0], $0xffff  }
0x426: {  	[tilespmem:s22+$0x4220] =	vst v11;
	v10 =	vld.idx.msk [tilespmem:v5+s7+$0x0], $0xffff  }
0x427: {  	[tilespmem:s22+$0x4230] =	vst v60;
	v11 =	vld.idx.msk [tilespmem:v4+s7+$0x0], $0xffff  }
0x428: {  	[tilespmem:s22+$0x4370] =	vst v8;
	v8 =	vld.idx.msk [tilespmem:v0+s13+$0x0], $0xffff  }
0x429: {  	[tilespmem:s22+$0x4240] =	vst v61;
	v7 =	vld.idx.msk [tilespmem:v7+s4+$0x0], $0xffff  }
0x42a: {  	v12 =	vld.idx.msk [tilespmem:v3+s7+$0x0], $0xffff;
	[tilespmem:s22+$0x4250] =	vst v62  }
0x42b: {  	v13 =	vld.idx.msk [tilespmem:v2+s7+$0x0], $0xffff;
	[tilespmem:s22+$0x4280] =	vst v9  }
0x42c: {  	[tilespmem:s22+$0x4290] =	vst v10;
	v9 =	vld.idx.msk [tilespmem:v6+s21+$0x0], $0xffff  }
0x42d: {  	v10 =	vld.idx.msk [tilespmem:v5+s21+$0x0], $0xffff;
	[tilespmem:s22+$0x4260] =	vst v8  }
0x42e: {  	[tilespmem:s22+$0x43F0] =	vst v7;
	v7 =	vld.idx.msk [tilespmem:v1+s7+$0x0], $0xffff  }
0x42f: {  	[tilespmem:s22+$0x42A0] =	vst v11;
	v8 =	vld.idx.msk [tilespmem:v0+s7+$0x0], $0xffff  }
0x430: {  	v11 =	vld.idx.msk [tilespmem:v4+s21+$0x0], $0xffff;
	[tilespmem:s22+$0x42B0] =	vst v12  }
0x431: {  	v12 =	vld.idx.msk [tilespmem:v3+s21+$0x0], $0xffff;
	[tilespmem:s22+$0x42C0] =	vst v13  }
0x432: {  	v13 =	vld.idx.msk [tilespmem:v2+s21+$0x0], $0xffff;
	[tilespmem:s22+$0x4300] =	vst v9  }
0x433: {  	v63 =	vld.idx.msk [tilespmem:v6+s4+$0x0], $0xffff;
	[tilespmem:s22+$0x42D0] =	vst v7  }
0x434: {  	[tilespmem:s22+$0x42E0] =	vst v8;
	v7 =	vld.idx.msk [tilespmem:v1+s21+$0x0], $0xffff  }
0x435: {  	[tilespmem:s22+$0x4310] =	vst v10;
	v9 =	vld.idx.msk [tilespmem:v0+s21+$0x0], $0xffff  }
0x436: {  	v6 =	vld.idx.msk [tilespmem:v5+s4+$0x0], $0xffff;
	[tilespmem:s22+$0x4330] =	vst v12  }
0x437: {  	[tilespmem:s22+$0x4320] =	vst v11;
	v3 =	vld.idx.msk [tilespmem:v3+s4+$0x0], $0xffff  }
0x438: {  	[tilespmem:s22+$0x4340] =	vst v13;
	v8 =	vld.idx.msk [tilespmem:v4+s4+$0x0], $0xffff  }
0x439: {  	v4 =	vld.idx.msk [tilespmem:v2+s4+$0x0], $0xffff;
	[tilespmem:s22+$0x4350] =	vst v7  }
0x43a: {  	[tilespmem:s22+$0x4360] =	vst v9;
	v5 =	vld.idx.msk [tilespmem:v1+s4+$0x0], $0xffff  }
0x43b: {  	s24 =	simm.s32 $0x95F0;
	s23 =	simm.s32 $0x0;
	[tilespmem:s22+$0x4380] =	vst v63;
	v1 =	vld.idx.msk [tilespmem:v0+s4+$0x0], $0xffff  }
.LBB2_9:
0x43c: {  	v7 =	vld [tilespmem:s24+$0x0];
	s23 =	sadd.s32 $0x8, s23;
	[tilespmem:s22+$0x4390] =	vst v6  }
0x43d: {  	v0 =	vld [tilespmem:s24+$0xFFFFFFA0];
	p1 =	slt.u32 s23, $0x78;
	[tilespmem:s22+$0x43A0] =	vst v8  }
0x43e: {  	v2 =	vld [tilespmem:s24+$0xFFFFFFB0];
	[tilespmem:s22+$0x43B0] =	vst v3  }
0x43f: {  	v3 =	vld [tilespmem:s24+$0xFFFFFFC0];
	[tilespmem:s22+$0x43C0] =	vst v4  }
0x440: {  	v4 =	vld [tilespmem:s24+$0xFFFFFFD0];
	[tilespmem:s22+$0x43D0] =	vst v5  }
0x441: {  	v5 =	vld [tilespmem:s24+$0xFFFFFFE0];
	[tilespmem:s22+$0x43E0] =	vst v1  }
0x442: {  	v1 =	vld [tilespmem:s24+$0xFFFFFFF0]  }
0x443: {  	v6 =	vld [tilespmem:s24+$0xFFFFFF90]  }
0x444: {  	v8 =	vld.idx.msk [tilespmem:v7+s0+$0x0], $0xffff  }
0x445: {  	v9 =	vld.idx.msk [tilespmem:v0+s0+$0x0], $0xffff  }
0x446: {  	v10 =	vld.idx.msk [tilespmem:v2+s0+$0x0], $0xffff  }
0x447: {  	v11 =	vld.idx.msk [tilespmem:v3+s0+$0x0], $0xffff  }
0x448: {  	v12 =	vld.idx.msk [tilespmem:v4+s0+$0x0], $0xffff  }
0x449: {  	s22 =	sadd.s32 $0x400, s22;
	v13 =	vld.idx.msk [tilespmem:v5+s0+$0x0], $0xffff  }
0x44a: {  	v14 =	vld.idx.msk [tilespmem:v1+s0+$0x0], $0xffff;
	[tilespmem:s22+$0x70] =	vst v8  }
0x44b: {  	[tilespmem:s22+$0x10] =	vst v9;
	v8 =	vld.idx.msk [tilespmem:v7+s14+$0x0], $0xffff  }
0x44c: {  	v9 =	vld.idx.msk [tilespmem:v6+s0+$0x0], $0xffff;
	[tilespmem:s22+$0x20] =	vst v10  }
0x44d: {  	v10 =	vld.idx.msk [tilespmem:v0+s14+$0x0], $0xffff;
	[tilespmem:s22+$0x30] =	vst v11  }
0x44e: {  	v11 =	vld.idx.msk [tilespmem:v2+s14+$0x0], $0xffff;
	[tilespmem:s22+$0x40] =	vst v12  }
0x44f: {  	v12 =	vld.idx.msk [tilespmem:v3+s14+$0x0], $0xffff;
	[tilespmem:s22+$0x50] =	vst v13  }
0x450: {  	v13 =	vld.idx.msk [tilespmem:v4+s14+$0x0], $0xffff;
	[tilespmem:s22+$0x60] =	vst v14  }
0x451: {  	v14 =	vld.idx.msk [tilespmem:v5+s14+$0x0], $0xffff;
	[tilespmem:s22+$0xF0] =	vst v8  }
0x452: {  	[tilespmem:s22+$0x0] =	vst v9;
	v8 =	vld.idx.msk [tilespmem:v7+s16+$0x0], $0xffff  }
0x453: {  	v9 =	vld.idx.msk [tilespmem:v6+s14+$0x0], $0xffff;
	[tilespmem:s22+$0x90] =	vst v10  }
0x454: {  	[tilespmem:s22+$0xA0] =	vst v11;
	v10 =	vld.idx.msk [tilespmem:v1+s14+$0x0], $0xffff  }
0x455: {  	v11 =	vld.idx.msk [tilespmem:v0+s16+$0x0], $0xffff;
	[tilespmem:s22+$0xB0] =	vst v12  }
0x456: {  	v12 =	vld.idx.msk [tilespmem:v2+s16+$0x0], $0xffff;
	[tilespmem:s22+$0xC0] =	vst v13  }
0x457: {  	v13 =	vld.idx.msk [tilespmem:v3+s16+$0x0], $0xffff;
	[tilespmem:s22+$0xD0] =	vst v14  }
0x458: {  	v14 =	vld.idx.msk [tilespmem:v4+s16+$0x0], $0xffff;
	[tilespmem:s22+$0x170] =	vst v8  }
0x459: {  	[tilespmem:s22+$0x80] =	vst v9;
	v8 =	vld.idx.msk [tilespmem:v7+s17+$0x0], $0xffff  }
0x45a: {  	v9 =	vld.idx.msk [tilespmem:v6+s16+$0x0], $0xffff;
	[tilespmem:s22+$0xE0] =	vst v10  }
0x45b: {  	[tilespmem:s22+$0x110] =	vst v11;
	v10 =	vld.idx.msk [tilespmem:v5+s16+$0x0], $0xffff  }
0x45c: {  	[tilespmem:s22+$0x120] =	vst v12;
	v11 =	vld.idx.msk [tilespmem:v1+s16+$0x0], $0xffff  }
0x45d: {  	v12 =	vld.idx.msk [tilespmem:v0+s17+$0x0], $0xffff;
	[tilespmem:s22+$0x130] =	vst v13  }
0x45e: {  	v13 =	vld.idx.msk [tilespmem:v2+s17+$0x0], $0xffff;
	[tilespmem:s22+$0x140] =	vst v14  }
0x45f: {  	v14 =	vld.idx.msk [tilespmem:v3+s17+$0x0], $0xffff;
	[tilespmem:s22+$0x1F0] =	vst v8  }
0x460: {  	[tilespmem:s22+$0x100] =	vst v9;
	v8 =	vld.idx.msk [tilespmem:v7+s18+$0x0], $0xffff  }
0x461: {  	v9 =	vld.idx.msk [tilespmem:v6+s17+$0x0], $0xffff;
	[tilespmem:s22+$0x150] =	vst v10  }
0x462: {  	v10 =	vld.idx.msk [tilespmem:v4+s17+$0x0], $0xffff;
	[tilespmem:s22+$0x160] =	vst v11  }
0x463: {  	[tilespmem:s22+$0x190] =	vst v12;
	v11 =	vld.idx.msk [tilespmem:v5+s17+$0x0], $0xffff  }
0x464: {  	[tilespmem:s22+$0x1A0] =	vst v13;
	v12 =	vld.idx.msk [tilespmem:v1+s17+$0x0], $0xffff  }
0x465: {  	v13 =	vld.idx.msk [tilespmem:v0+s18+$0x0], $0xffff;
	[tilespmem:s22+$0x1B0] =	vst v14  }
0x466: {  	v14 =	vld.idx.msk [tilespmem:v2+s18+$0x0], $0xffff;
	[tilespmem:s22+$0x270] =	vst v8  }
0x467: {  	[tilespmem:s22+$0x180] =	vst v9;
	v8 =	vld.idx.msk [tilespmem:v7+s2+$0x0], $0xffff  }
0x468: {  	v9 =	vld.idx.msk [tilespmem:v6+s18+$0x0], $0xffff;
	[tilespmem:s22+$0x1C0] =	vst v10  }
0x469: {  	v10 =	vld.idx.msk [tilespmem:v3+s18+$0x0], $0xffff;
	[tilespmem:s22+$0x1D0] =	vst v11  }
0x46a: {  	v11 =	vld.idx.msk [tilespmem:v4+s18+$0x0], $0xffff;
	[tilespmem:s22+$0x1E0] =	vst v12  }
0x46b: {  	[tilespmem:s22+$0x210] =	vst v13;
	v12 =	vld.idx.msk [tilespmem:v5+s18+$0x0], $0xffff  }
0x46c: {  	[tilespmem:s22+$0x220] =	vst v14;
	v13 =	vld.idx.msk [tilespmem:v1+s18+$0x0], $0xffff  }
0x46d: {  	v14 =	vld.idx.msk [tilespmem:v0+s2+$0x0], $0xffff;
	[tilespmem:s22+$0x2F0] =	vst v8  }
0x46e: {  	[tilespmem:s22+$0x200] =	vst v9;
	v8 =	vld.idx.msk [tilespmem:v7+s15+$0x0], $0xffff  }
0x46f: {  	v9 =	vld.idx.msk [tilespmem:v6+s2+$0x0], $0xffff;
	[tilespmem:s22+$0x230] =	vst v10  }
0x470: {  	v10 =	vld.idx.msk [tilespmem:v2+s2+$0x0], $0xffff;
	[tilespmem:s22+$0x240] =	vst v11  }
0x471: {  	v11 =	vld.idx.msk [tilespmem:v3+s2+$0x0], $0xffff;
	[tilespmem:s22+$0x250] =	vst v12  }
0x472: {  	v12 =	vld.idx.msk [tilespmem:v4+s2+$0x0], $0xffff;
	[tilespmem:s22+$0x260] =	vst v13  }
0x473: {  	[tilespmem:s22+$0x290] =	vst v14;
	v13 =	vld.idx.msk [tilespmem:v5+s2+$0x0], $0xffff  }
0x474: {  	v14 =	vld.idx.msk [tilespmem:v1+s2+$0x0], $0xffff;
	[tilespmem:s22+$0x370] =	vst v8  }
0x475: {  	[tilespmem:s22+$0x280] =	vst v9;
	v8 =	vld.idx.msk [tilespmem:v7+s5+$0x0], $0xffff  }
0x476: {  	v9 =	vld.idx.msk [tilespmem:v6+s15+$0x0], $0xffff;
	[tilespmem:s22+$0x2A0] =	vst v10  }
0x477: {  	v10 =	vld.idx.msk [tilespmem:v0+s15+$0x0], $0xffff;
	[tilespmem:s22+$0x2B0] =	vst v11  }
0x478: {  	v11 =	vld.idx.msk [tilespmem:v2+s15+$0x0], $0xffff;
	[tilespmem:s22+$0x2C0] =	vst v12  }
0x479: {  	v12 =	vld.idx.msk [tilespmem:v3+s15+$0x0], $0xffff;
	[tilespmem:s22+$0x2D0] =	vst v13  }
0x47a: {  	v13 =	vld.idx.msk [tilespmem:v4+s15+$0x0], $0xffff;
	[tilespmem:s22+$0x2E0] =	vst v14  }
0x47b: {  	v14 =	vld.idx.msk [tilespmem:v5+s15+$0x0], $0xffff;
	[tilespmem:s22+$0x3F0] =	vst v8  }
0x47c: {  	[tilespmem:s22+$0x300] =	vst v9;
	v8 =	vld.idx.msk [tilespmem:v7+s6+$0x0], $0xffff  }
0x47d: {  	[tilespmem:s22+$0x310] =	vst v10;
	v9 =	vld.idx.msk [tilespmem:v1+s15+$0x0], $0xffff  }
0x47e: {  	v10 =	vld.idx.msk [tilespmem:v6+s5+$0x0], $0xffff;
	[tilespmem:s22+$0x320] =	vst v11  }
0x47f: {  	v11 =	vld.idx.msk [tilespmem:v0+s5+$0x0], $0xffff;
	[tilespmem:s22+$0x330] =	vst v12  }
0x480: {  	v12 =	vld.idx.msk [tilespmem:v2+s5+$0x0], $0xffff;
	[tilespmem:s22+$0x340] =	vst v13  }
0x481: {  	v13 =	vld.idx.msk [tilespmem:v3+s5+$0x0], $0xffff;
	[tilespmem:s22+$0x350] =	vst v14  }
0x482: {  	v14 =	vld.idx.msk [tilespmem:v4+s5+$0x0], $0xffff;
	[tilespmem:s22+$0x4070] =	vst v8  }
0x483: {  	[tilespmem:s22+$0x360] =	vst v9;
	v8 =	vld.idx.msk [tilespmem:v7+s11+$0x0], $0xffff  }
0x484: {  	[tilespmem:s22+$0x380] =	vst v10;
	v9 =	vld.idx.msk [tilespmem:v5+s5+$0x0], $0xffff  }
0x485: {  	[tilespmem:s22+$0x390] =	vst v11;
	v10 =	vld.idx.msk [tilespmem:v1+s5+$0x0], $0xffff  }
0x486: {  	v11 =	vld.idx.msk [tilespmem:v6+s6+$0x0], $0xffff;
	[tilespmem:s22+$0x3A0] =	vst v12  }
0x487: {  	v12 =	vld.idx.msk [tilespmem:v0+s6+$0x0], $0xffff;
	[tilespmem:s22+$0x3B0] =	vst v13  }
0x488: {  	v13 =	vld.idx.msk [tilespmem:v2+s6+$0x0], $0xffff;
	[tilespmem:s22+$0x3C0] =	vst v14  }
0x489: {  	v14 =	vld.idx.msk [tilespmem:v3+s6+$0x0], $0xffff;
	[tilespmem:s22+$0x40F0] =	vst v8  }
0x48a: {  	[tilespmem:s22+$0x3D0] =	vst v9;
	v8 =	vld.idx.msk [tilespmem:v7+s10+$0x0], $0xffff  }
0x48b: {  	v9 =	vld.idx.msk [tilespmem:v4+s6+$0x0], $0xffff;
	[tilespmem:s22+$0x3E0] =	vst v10  }
0x48c: {  	[tilespmem:s22+$0x4000] =	vst v11;
	v10 =	vld.idx.msk [tilespmem:v5+s6+$0x0], $0xffff  }
0x48d: {  	[tilespmem:s22+$0x4010] =	vst v12;
	v11 =	vld.idx.msk [tilespmem:v1+s6+$0x0], $0xffff  }
0x48e: {  	v12 =	vld.idx.msk [tilespmem:v6+s11+$0x0], $0xffff;
	[tilespmem:s22+$0x4020] =	vst v13  }
0x48f: {  	v13 =	vld.idx.msk [tilespmem:v0+s11+$0x0], $0xffff;
	[tilespmem:s22+$0x4030] =	vst v14  }
0x490: {  	v14 =	vld.idx.msk [tilespmem:v2+s11+$0x0], $0xffff;
	[tilespmem:s22+$0x4170] =	vst v8  }
0x491: {  	[tilespmem:s22+$0x4040] =	vst v9;
	v8 =	vld.idx.msk [tilespmem:v7+s12+$0x0], $0xffff  }
0x492: {  	v9 =	vld.idx.msk [tilespmem:v3+s11+$0x0], $0xffff;
	[tilespmem:s22+$0x4050] =	vst v10  }
0x493: {  	v10 =	vld.idx.msk [tilespmem:v4+s11+$0x0], $0xffff;
	[tilespmem:s22+$0x4060] =	vst v11  }
0x494: {  	[tilespmem:s22+$0x4080] =	vst v12;
	v11 =	vld.idx.msk [tilespmem:v5+s11+$0x0], $0xffff  }
0x495: {  	[tilespmem:s22+$0x4090] =	vst v13;
	v12 =	vld.idx.msk [tilespmem:v1+s11+$0x0], $0xffff  }
0x496: {  	v13 =	vld.idx.msk [tilespmem:v6+s10+$0x0], $0xffff;
	[tilespmem:s22+$0x40A0] =	vst v14  }
0x497: {  	v14 =	vld.idx.msk [tilespmem:v0+s10+$0x0], $0xffff;
	[tilespmem:s22+$0x41F0] =	vst v8  }
0x498: {  	[tilespmem:s22+$0x40B0] =	vst v9;
	v8 =	vld.idx.msk [tilespmem:v7+s13+$0x0], $0xffff  }
0x499: {  	v9 =	vld.idx.msk [tilespmem:v2+s10+$0x0], $0xffff;
	[tilespmem:s22+$0x40C0] =	vst v10  }
0x49a: {  	v10 =	vld.idx.msk [tilespmem:v3+s10+$0x0], $0xffff;
	[tilespmem:s22+$0x40D0] =	vst v11  }
0x49b: {  	v11 =	vld.idx.msk [tilespmem:v4+s10+$0x0], $0xffff;
	[tilespmem:s22+$0x40E0] =	vst v12  }
0x49c: {  	[tilespmem:s22+$0x4100] =	vst v13;
	v12 =	vld.idx.msk [tilespmem:v5+s10+$0x0], $0xffff  }
0x49d: {  	[tilespmem:s22+$0x4110] =	vst v14;
	v13 =	vld.idx.msk [tilespmem:v1+s10+$0x0], $0xffff  }
0x49e: {  	v14 =	vld.idx.msk [tilespmem:v6+s12+$0x0], $0xffff;
	[tilespmem:s22+$0x4270] =	vst v8  }
0x49f: {  	[tilespmem:s22+$0x4120] =	vst v9;
	v8 =	vld.idx.msk [tilespmem:v7+s7+$0x0], $0xffff  }
0x4a0: {  	v9 =	vld.idx.msk [tilespmem:v0+s12+$0x0], $0xffff;
	[tilespmem:s22+$0x4130] =	vst v10  }
0x4a1: {  	v10 =	vld.idx.msk [tilespmem:v2+s12+$0x0], $0xffff;
	[tilespmem:s22+$0x4140] =	vst v11  }
0x4a2: {  	v11 =	vld.idx.msk [tilespmem:v3+s12+$0x0], $0xffff;
	[tilespmem:s22+$0x4150] =	vst v12  }
0x4a3: {  	v12 =	vld.idx.msk [tilespmem:v4+s12+$0x0], $0xffff;
	[tilespmem:s22+$0x4160] =	vst v13  }
0x4a4: {  	[tilespmem:s22+$0x4180] =	vst v14;
	v13 =	vld.idx.msk [tilespmem:v5+s12+$0x0], $0xffff  }
0x4a5: {  	v14 =	vld.idx.msk [tilespmem:v1+s12+$0x0], $0xffff;
	[tilespmem:s22+$0x42F0] =	vst v8  }
0x4a6: {  	[tilespmem:s22+$0x4190] =	vst v9;
	v8 =	vld.idx.msk [tilespmem:v7+s21+$0x0], $0xffff  }
0x4a7: {  	v9 =	vld.idx.msk [tilespmem:v6+s13+$0x0], $0xffff;
	[tilespmem:s22+$0x41A0] =	vst v10  }
0x4a8: {  	v10 =	vld.idx.msk [tilespmem:v0+s13+$0x0], $0xffff;
	[tilespmem:s22+$0x41B0] =	vst v11  }
0x4a9: {  	v11 =	vld.idx.msk [tilespmem:v2+s13+$0x0], $0xffff;
	[tilespmem:s22+$0x41C0] =	vst v12  }
0x4aa: {  	v12 =	vld.idx.msk [tilespmem:v3+s13+$0x0], $0xffff;
	[tilespmem:s22+$0x41D0] =	vst v13  }
0x4ab: {  	v13 =	vld.idx.msk [tilespmem:v4+s13+$0x0], $0xffff;
	[tilespmem:s22+$0x41E0] =	vst v14  }
0x4ac: {  	v14 =	vld.idx.msk [tilespmem:v5+s13+$0x0], $0xffff;
	[tilespmem:s22+$0x4370] =	vst v8  }
0x4ad: {  	[tilespmem:s22+$0x4200] =	vst v9;
	v7 =	vld.idx.msk [tilespmem:v7+s4+$0x0], $0xffff  }
0x4ae: {  	[tilespmem:s22+$0x4210] =	vst v10;
	v8 =	vld.idx.msk [tilespmem:v1+s13+$0x0], $0xffff  }
0x4af: {  	v9 =	vld.idx.msk [tilespmem:v6+s7+$0x0], $0xffff;
	[tilespmem:s22+$0x4220] =	vst v11  }
0x4b0: {  	v10 =	vld.idx.msk [tilespmem:v0+s7+$0x0], $0xffff;
	[tilespmem:s22+$0x4230] =	vst v12  }
0x4b1: {  	v11 =	vld.idx.msk [tilespmem:v2+s7+$0x0], $0xffff;
	[tilespmem:s22+$0x4240] =	vst v13  }
0x4b2: {  	v12 =	vld.idx.msk [tilespmem:v3+s7+$0x0], $0xffff;
	[tilespmem:s22+$0x4250] =	vst v14  }
0x4b3: {  	v13 =	vld.idx.msk [tilespmem:v4+s7+$0x0], $0xffff;
	[tilespmem:s22+$0x43F0] =	vst v7  }
0x4b4: {  	v7 =	vld.idx.msk [tilespmem:v5+s7+$0x0], $0xffff;
	[tilespmem:s22+$0x4260] =	vst v8  }
0x4b5: {  	[tilespmem:s22+$0x4280] =	vst v9;
	v8 =	vld.idx.msk [tilespmem:v1+s7+$0x0], $0xffff  }
0x4b6: {  	v9 =	vld.idx.msk [tilespmem:v6+s21+$0x0], $0xffff;
	[tilespmem:s22+$0x4290] =	vst v10  }
0x4b7: {  	v10 =	vld.idx.msk [tilespmem:v0+s21+$0x0], $0xffff;
	[tilespmem:s22+$0x42A0] =	vst v11  }
0x4b8: {  	v11 =	vld.idx.msk [tilespmem:v2+s21+$0x0], $0xffff;
	[tilespmem:s22+$0x42B0] =	vst v12  }
0x4b9: {  	v12 =	vld.idx.msk [tilespmem:v3+s21+$0x0], $0xffff;
	[tilespmem:s22+$0x42C0] =	vst v13  }
0x4ba: {  	v13 =	vld.idx.msk [tilespmem:v4+s21+$0x0], $0xffff;
	[tilespmem:s22+$0x42D0] =	vst v7  }
0x4bb: {  	v7 =	vld.idx.msk [tilespmem:v5+s21+$0x0], $0xffff;
	[tilespmem:s22+$0x42E0] =	vst v8  }
0x4bc: {  	[tilespmem:s22+$0x4300] =	vst v9;
	v9 =	vld.idx.msk [tilespmem:v1+s21+$0x0], $0xffff  }
0x4bd: {  	v14 =	vld.idx.msk [tilespmem:v6+s4+$0x0], $0xffff;
	[tilespmem:s22+$0x4310] =	vst v10  }
0x4be: {  	v6 =	vld.idx.msk [tilespmem:v0+s4+$0x0], $0xffff;
	[tilespmem:s22+$0x4320] =	vst v11  }
.Ltmp7:
0x4bf: {  	v8 =	vld.idx.msk [tilespmem:v2+s4+$0x0], $0xffff;
	[tilespmem:s22+$0x4330] =	vst v12;
	(pc) =	sbr.rel @p1 .LBB2_9-.Ltmp7, $4  }
0x4c0: {  	v3 =	vld.idx.msk [tilespmem:v3+s4+$0x0], $0xffff;
	[tilespmem:s22+$0x4340] =	vst v13  }
0x4c1: {  	v4 =	vld.idx.msk [tilespmem:v4+s4+$0x0], $0xffff;
	[tilespmem:s22+$0x4350] =	vst v7  }
0x4c2: {  	v5 =	vld.idx.msk [tilespmem:v5+s4+$0x0], $0xffff;
	[tilespmem:s22+$0x4360] =	vst v9  }
0x4c3: {  	s24 =	sadd.s32 $0x80, s24;
	[tilespmem:s22+$0x4380] =	vst v14;
	v1 =	vld.idx.msk [tilespmem:v1+s4+$0x0], $0xffff  }
0x4c4: {  	[tilespmem:s22+$0x4390] =	vst v6  }
0x4c5: {  	[tilespmem:s22+$0x43A0] =	vst v8  }
0x4c6: {  	[tilespmem:s22+$0x43B0] =	vst v3  }
0x4c7: {  	[tilespmem:s22+$0x43C0] =	vst v4  }
.Ltmp8:
0x4c8: {  	[tilespmem:s22+$0x43D0] =	vst v5;
	(pc) =	sbr.rel @p0 .LBB2_16-.Ltmp8, $4  }
0x4c9: {  	[tilespmem:s22+$0x43E0] =	vst v1  }
0x4ca: {  	s22 =	rddreg [dreg:$0x9]  }
0x4cb: {  	s22 =	sadd.s32 s28, s22  }
0x4cc: {  	[hbm4b:s22+s1] =	stream.strided.scatter [tilespmem:s9], [sflag:$0x1], $0x8000, s3, s1, $0x38;
	[tilespmem:$0x19D00] =	vst v63  }
0x4cd: {  	s22 =	rddreg [dreg:$0xe]  }
0x4ce: {  	s22 =	sadd.s32 s22, s26  }
0x4cf: {  	p0 =	sgt.u32 s22, $0x289  }
0x4d0: {  	s23 =	smul.u32 @!p0 $0x47AF, s22;
	_ =	sdelay $0x1  }
0x4d1: {  	s23 =	sshrl.u32 @!p0 s23, $0x10  }
0x4d2: {  	s24 =	ssub.s32 @!p0 s22, s23  }
0x4d3: {  	s24 =	sand.u32 @!p0 $0xFFFE, s24  }
0x4d4: {  	s24 =	sshrl.u32 @!p0 s24, $0x1  }
0x4d5: {  	s23 =	sadd.s32 @!p0 s23, s24  }
0x4d6: {  	s23 =	sand.u32 @!p0 $0xFFF0, s23  }
0x4d7: {  	s23 =	sshrl.u32 @!p0 s23, $0x4  }
0x4d8: {  	s24 =	smul.u32 @!p0 $0x19, s23;
	_ =	sdelay $0x1  }
0x4d9: {  	s22 =	ssub.s32 @!p0 s22, s24  }
0x4da: {  	s22 =	sand.u32 @!p0 $0xFFFF, s22  }
0x4db: {  	p1 =	sge.u32 @!p0 s22, s23  }
0x4dc: {  	s24 =	simm.s32 @!p0 $0x1;
	p1 =	por !p1, p0  }
0x4dd: {  	s24 =	simm.s32 @p1 $0x0  }
0x4de: {  	s0 =	smul.u32 @!p0 $0x65900, s23;
	s22 =	sadd.s32 @!p0 s22, s24  }
0x4df: {  	s22 =	smul.u32 @!p0 $0x3E80, s22;
	_ =	sdelay $0x1  }
0x4e0: {  	s22 =	sadd.s32 @!p0 s0, s22  }
0x4e1: {  	s24 =	rddreg [dreg:$0x5];
	s22 =	sshrl.u32 @!p0 s22, $0x3  }
0x4e2: {  	s0 =	simm.s32 @!p0 $0x0;
	s22 =	sadd.s32 @!p0 s24, s22;
	s24 =	simm.s32 @!p0 $0x3E80  }
0x4e3: {  	[tilespmem:s24], [sflag:$0x2] =	stream.linear.gather @!p0 [hbm4b:s22+s0], $0x3E80, $0x38;
	[tilespmem:$0x19D00] =	vst v63  }
0x4e4: {  	[dreg:$0x11] =	wrdreg s20;
	s22 =	sshll.u32 @!p0 s23, $0x9  }
0x4e5: {  	s23 =	simm.s32 @!p0 $0x8D00;
	s24 =	simm.s32 $0x2;
	s22 =	sadd.s32 @!p0 s19, s22  }
0x4e6: {  	[tilespmem:s23], [sflag:$0x2] =	stream.linear.gather @!p0 [hbm4b:s22+s0], $0x1000, $0x38;
	[tilespmem:$0x19D00] =	vst v63  }
0x4e7: {  	_ =	swait.ge [sflag:s24], $0x3E80  }
0x4e8: {  	[sflag:s24] =	ssyncset.done $0x0  }
0x4e9: {  	[sflag:s24] =	ssyncadd.s32 $0xFFFFC180  }
0x4ea: {  	_ =	swait.ge [sflag:s24], $0x1000  }
0x4eb: {  	[sflag:s24] =	ssyncset.done $0x0  }
0x4ec: {  	s14 =	smov.u32 s25;
	s25 =	simm.s32 $0x1;
	[sflag:s24] =	ssyncadd.s32 $0xFFFFF000  }
0x4ed: {  	_ =	swait.ge [sflag:s25], $0x8000  }
0x4ee: {  	[sflag:s25] =	ssyncset.done $0x0  }
0x4ef: {  	s26 =	simm.s32 $0x7D40;
	[sflag:s25] =	ssyncadd.s32 $0xFFFF8000  }
0x4f0: {  	v7 =	vld [tilespmem:s26+$0x30]  }
0x4f1: {  	v5 =	vld [tilespmem:s26+$0xFFFFFFD0]  }
0x4f2: {  	v4 =	vld [tilespmem:s26+$0xFFFFFFE0]  }
0x4f3: {  	v3 =	vld [tilespmem:s26+$0xFFFFFFF0]  }
0x4f4: {  	v2 =	vld [tilespmem:s26+$0x0]  }
0x4f5: {  	v1 =	vld [tilespmem:s26+$0x10]  }
0x4f6: {  	v0 =	vld [tilespmem:s26+$0x20]  }
0x4f7: {  	s25 =	simm.s32 $0x0;
	v6 =	vld [tilespmem:s26+$0xFFFFFFC0]  }
0x4f8: {  	v8 =	vld.idx.msk [tilespmem:v7+s25+$0x0], $0xffff  }
0x4f9: {  	v9 =	vld.idx.msk [tilespmem:v5+s25+$0x0], $0xffff  }
0x4fa: {  	v10 =	vld.idx.msk [tilespmem:v4+s25+$0x0], $0xffff  }
0x4fb: {  	v11 =	vld.idx.msk [tilespmem:v3+s25+$0x0], $0xffff  }
0x4fc: {  	v12 =	vld.idx.msk [tilespmem:v2+s25+$0x0], $0xffff  }
0x4fd: {  	s22 =	simm.s32 $0x9D00;
	v13 =	vld.idx.msk [tilespmem:v1+s25+$0x0], $0xffff  }
0x4fe: {  	v14 =	vld.idx.msk [tilespmem:v0+s25+$0x0], $0xffff;
	[tilespmem:s22+$0x70] =	vst v8  }
0x4ff: {  	s26 =	simm.s32 $0x3E8;
	[tilespmem:s22+$0x10] =	vst v9;
	v9 =	vld.idx.msk [tilespmem:v6+s25+$0x0], $0xffff  }
0x500: {  	[tilespmem:s22+$0x20] =	vst v10;
	v8 =	vld.idx.msk [tilespmem:v7+s26+$0x0], $0xffff  }
0x501: {  	[tilespmem:s22+$0x30] =	vst v11;
	v10 =	vld.idx.msk [tilespmem:v5+s26+$0x0], $0xffff  }
0x502: {  	[tilespmem:s22+$0x40] =	vst v12;
	v11 =	vld.idx.msk [tilespmem:v4+s26+$0x0], $0xffff  }
0x503: {  	[tilespmem:s22+$0x50] =	vst v13;
	v21 =	vld.idx.msk [tilespmem:v3+s26+$0x0], $0xffff  }
0x504: {  	[tilespmem:s22+$0x60] =	vst v14;
	v22 =	vld.idx.msk [tilespmem:v2+s26+$0x0], $0xffff  }
0x505: {  	v23 =	vld.idx.msk [tilespmem:v1+s26+$0x0], $0xffff;
	[tilespmem:s22+$0x0] =	vst v9  }
0x506: {  	[tilespmem:s22+$0xF0] =	vst v8;
	v9 =	vld.idx.msk [tilespmem:v6+s26+$0x0], $0xffff  }
0x507: {  	s28 =	simm.s32 $0x7D0;
	[tilespmem:s22+$0x90] =	vst v10;
	v10 =	vld.idx.msk [tilespmem:v0+s26+$0x0], $0xffff  }
0x508: {  	[tilespmem:s22+$0xA0] =	vst v11;
	v8 =	vld.idx.msk [tilespmem:v7+s28+$0x0], $0xffff  }
0x509: {  	[tilespmem:s22+$0xB0] =	vst v21;
	v11 =	vld.idx.msk [tilespmem:v5+s28+$0x0], $0xffff  }
0x50a: {  	[tilespmem:s22+$0xC0] =	vst v22;
	v24 =	vld.idx.msk [tilespmem:v4+s28+$0x0], $0xffff  }
0x50b: {  	[tilespmem:s22+$0xD0] =	vst v23;
	v25 =	vld.idx.msk [tilespmem:v3+s28+$0x0], $0xffff  }
0x50c: {  	v26 =	vld.idx.msk [tilespmem:v2+s28+$0x0], $0xffff;
	[tilespmem:s22+$0x80] =	vst v9  }
0x50d: {  	[tilespmem:s22+$0xE0] =	vst v10;
	v10 =	vld.idx.msk [tilespmem:v1+s28+$0x0], $0xffff  }
0x50e: {  	[tilespmem:s22+$0x170] =	vst v8;
	v9 =	vld.idx.msk [tilespmem:v6+s28+$0x0], $0xffff  }
0x50f: {  	s29 =	simm.s32 $0xBB8;
	[tilespmem:s22+$0x110] =	vst v11;
	v11 =	vld.idx.msk [tilespmem:v0+s28+$0x0], $0xffff  }
0x510: {  	[tilespmem:s22+$0x120] =	vst v24;
	v8 =	vld.idx.msk [tilespmem:v7+s29+$0x0], $0xffff  }
0x511: {  	[tilespmem:s22+$0x130] =	vst v25;
	v27 =	vld.idx.msk [tilespmem:v5+s29+$0x0], $0xffff  }
0x512: {  	[tilespmem:s22+$0x140] =	vst v26;
	v28 =	vld.idx.msk [tilespmem:v4+s29+$0x0], $0xffff  }
0x513: {  	v29 =	vld.idx.msk [tilespmem:v3+s29+$0x0], $0xffff;
	[tilespmem:s22+$0x150] =	vst v10  }
0x514: {  	v10 =	vld.idx.msk [tilespmem:v2+s29+$0x0], $0xffff;
	[tilespmem:s22+$0x100] =	vst v9  }
0x515: {  	[tilespmem:s22+$0x160] =	vst v11;
	v11 =	vld.idx.msk [tilespmem:v1+s29+$0x0], $0xffff  }
0x516: {  	[tilespmem:s22+$0x1F0] =	vst v8;
	v9 =	vld.idx.msk [tilespmem:v6+s29+$0x0], $0xffff  }
0x517: {  	s30 =	simm.s32 $0xFA0;
	[tilespmem:s22+$0x190] =	vst v27;
	v30 =	vld.idx.msk [tilespmem:v0+s29+$0x0], $0xffff  }
0x518: {  	[tilespmem:s22+$0x1A0] =	vst v28;
	v8 =	vld.idx.msk [tilespmem:v7+s30+$0x0], $0xffff  }
0x519: {  	[tilespmem:s22+$0x1B0] =	vst v29;
	v31 =	vld.idx.msk [tilespmem:v5+s30+$0x0], $0xffff  }
0x51a: {  	v32 =	vld.idx.msk [tilespmem:v4+s30+$0x0], $0xffff;
	[tilespmem:s22+$0x1C0] =	vst v10  }
0x51b: {  	v10 =	vld.idx.msk [tilespmem:v3+s30+$0x0], $0xffff;
	[tilespmem:s22+$0x1D0] =	vst v11  }
0x51c: {  	v11 =	vld.idx.msk [tilespmem:v2+s30+$0x0], $0xffff;
	[tilespmem:s22+$0x180] =	vst v9  }
0x51d: {  	[tilespmem:s22+$0x1E0] =	vst v30;
	v33 =	vld.idx.msk [tilespmem:v1+s30+$0x0], $0xffff  }
0x51e: {  	[tilespmem:s22+$0x270] =	vst v8;
	v9 =	vld.idx.msk [tilespmem:v6+s30+$0x0], $0xffff  }
0x51f: {  	s31 =	simm.s32 $0x1388;
	[tilespmem:s22+$0x210] =	vst v31;
	v34 =	vld.idx.msk [tilespmem:v0+s30+$0x0], $0xffff  }
0x520: {  	[tilespmem:s22+$0x220] =	vst v32;
	v8 =	vld.idx.msk [tilespmem:v7+s31+$0x0], $0xffff  }
0x521: {  	v35 =	vld.idx.msk [tilespmem:v5+s31+$0x0], $0xffff;
	[tilespmem:s22+$0x230] =	vst v10  }
0x522: {  	v10 =	vld.idx.msk [tilespmem:v4+s31+$0x0], $0xffff;
	[tilespmem:s22+$0x240] =	vst v11  }
0x523: {  	v11 =	vld.idx.msk [tilespmem:v3+s31+$0x0], $0xffff;
	[tilespmem:s22+$0x250] =	vst v33  }
0x524: {  	v36 =	vld.idx.msk [tilespmem:v2+s31+$0x0], $0xffff;
	[tilespmem:s22+$0x200] =	vst v9  }
0x525: {  	[tilespmem:s22+$0x260] =	vst v34;
	v37 =	vld.idx.msk [tilespmem:v1+s31+$0x0], $0xffff  }
0x526: {  	[tilespmem:s22+$0x2F0] =	vst v8;
	v9 =	vld.idx.msk [tilespmem:v6+s31+$0x0], $0xffff  }
0x527: {  	s1 =	simm.s32 $0x1770;
	[tilespmem:s22+$0x290] =	vst v35;
	v38 =	vld.idx.msk [tilespmem:v0+s31+$0x0], $0xffff  }
0x528: {  	v8 =	vld.idx.msk [tilespmem:v7+s1+$0x0], $0xffff;
	[tilespmem:s22+$0x2A0] =	vst v10  }
0x529: {  	v10 =	vld.idx.msk [tilespmem:v5+s1+$0x0], $0xffff;
	[tilespmem:s22+$0x2B0] =	vst v11  }
0x52a: {  	v11 =	vld.idx.msk [tilespmem:v4+s1+$0x0], $0xffff;
	[tilespmem:s22+$0x2C0] =	vst v36  }
0x52b: {  	v39 =	vld.idx.msk [tilespmem:v3+s1+$0x0], $0xffff;
	[tilespmem:s22+$0x2D0] =	vst v37  }
0x52c: {  	v40 =	vld.idx.msk [tilespmem:v2+s1+$0x0], $0xffff;
	[tilespmem:s22+$0x280] =	vst v9  }
0x52d: {  	[tilespmem:s22+$0x2E0] =	vst v38;
	v41 =	vld.idx.msk [tilespmem:v1+s1+$0x0], $0xffff  }
0x52e: {  	s0 =	simm.s32 $0x1B58;
	[tilespmem:s22+$0x370] =	vst v8;
	v9 =	vld.idx.msk [tilespmem:v6+s1+$0x0], $0xffff  }
0x52f: {  	[tilespmem:s22+$0x310] =	vst v10;
	v8 =	vld.idx.msk [tilespmem:v7+s0+$0x0], $0xffff  }
0x530: {  	[tilespmem:s22+$0x320] =	vst v11;
	v11 =	vld.idx.msk [tilespmem:v5+s0+$0x0], $0xffff  }
0x531: {  	[tilespmem:s22+$0x330] =	vst v39;
	v42 =	vld.idx.msk [tilespmem:v4+s0+$0x0], $0xffff  }
0x532: {  	[tilespmem:s22+$0x340] =	vst v40;
	v43 =	vld.idx.msk [tilespmem:v3+s0+$0x0], $0xffff  }
0x533: {  	[tilespmem:s22+$0x350] =	vst v41;
	v44 =	vld.idx.msk [tilespmem:v2+s0+$0x0], $0xffff  }
0x534: {  	[tilespmem:s22+$0x300] =	vst v9;
	v9 =	vld.idx.msk [tilespmem:v0+s1+$0x0], $0xffff  }
0x535: {  	s18 =	simm.s32 $0x1F40;
	[tilespmem:s22+$0x3F0] =	vst v8;
	v10 =	vld.idx.msk [tilespmem:v6+s0+$0x0], $0xffff  }
0x536: {  	[tilespmem:s22+$0x390] =	vst v11;
	v8 =	vld.idx.msk [tilespmem:v7+s18+$0x0], $0xffff  }
0x537: {  	[tilespmem:s22+$0x3A0] =	vst v42;
	v45 =	vld.idx.msk [tilespmem:v5+s18+$0x0], $0xffff  }
0x538: {  	[tilespmem:s22+$0x3B0] =	vst v43;
	v46 =	vld.idx.msk [tilespmem:v4+s18+$0x0], $0xffff  }
0x539: {  	[tilespmem:s22+$0x3C0] =	vst v44;
	v47 =	vld.idx.msk [tilespmem:v3+s18+$0x0], $0xffff  }
0x53a: {  	[tilespmem:s22+$0x360] =	vst v9;
	v9 =	vld.idx.msk [tilespmem:v1+s0+$0x0], $0xffff  }
0x53b: {  	[tilespmem:s22+$0x380] =	vst v10;
	v10 =	vld.idx.msk [tilespmem:v0+s0+$0x0], $0xffff  }
0x53c: {  	s20 =	simm.s32 $0x2328;
	[tilespmem:s22+$0x4070] =	vst v8;
	v11 =	vld.idx.msk [tilespmem:v6+s18+$0x0], $0xffff  }
0x53d: {  	[tilespmem:s22+$0x4010] =	vst v45;
	v8 =	vld.idx.msk [tilespmem:v7+s20+$0x0], $0xffff  }
0x53e: {  	[tilespmem:s22+$0x4020] =	vst v46;
	v49 =	vld.idx.msk [tilespmem:v5+s20+$0x0], $0xffff  }
0x53f: {  	[tilespmem:s22+$0x4030] =	vst v47;
	v50 =	vld.idx.msk [tilespmem:v4+s20+$0x0], $0xffff  }
0x540: {  	[tilespmem:s22+$0x3D0] =	vst v9;
	v9 =	vld.idx.msk [tilespmem:v2+s18+$0x0], $0xffff  }
0x541: {  	[tilespmem:s22+$0x3E0] =	vst v10;
	v10 =	vld.idx.msk [tilespmem:v1+s18+$0x0], $0xffff  }
0x542: {  	[tilespmem:s22+$0x4000] =	vst v11;
	v11 =	vld.idx.msk [tilespmem:v0+s18+$0x0], $0xffff  }
0x543: {  	s8 =	simm.s32 $0x2710;
	[tilespmem:s22+$0x40F0] =	vst v8;
	v48 =	vld.idx.msk [tilespmem:v6+s20+$0x0], $0xffff  }
0x544: {  	[tilespmem:s22+$0x4090] =	vst v49;
	v8 =	vld.idx.msk [tilespmem:v7+s8+$0x0], $0xffff  }
0x545: {  	[tilespmem:s22+$0x40A0] =	vst v50;
	v53 =	vld.idx.msk [tilespmem:v5+s8+$0x0], $0xffff  }
0x546: {  	[tilespmem:s22+$0x4040] =	vst v9;
	v9 =	vld.idx.msk [tilespmem:v3+s20+$0x0], $0xffff  }
0x547: {  	[tilespmem:s22+$0x4050] =	vst v10;
	v10 =	vld.idx.msk [tilespmem:v2+s20+$0x0], $0xffff  }
0x548: {  	[tilespmem:s22+$0x4060] =	vst v11;
	v11 =	vld.idx.msk [tilespmem:v1+s20+$0x0], $0xffff  }
0x549: {  	[tilespmem:s22+$0x4080] =	vst v48;
	v51 =	vld.idx.msk [tilespmem:v0+s20+$0x0], $0xffff  }
0x54a: {  	s9 =	simm.s32 $0x2AF8;
	[tilespmem:s22+$0x4170] =	vst v8;
	v52 =	vld.idx.msk [tilespmem:v6+s8+$0x0], $0xffff  }
0x54b: {  	[tilespmem:s22+$0x4110] =	vst v53;
	v8 =	vld.idx.msk [tilespmem:v7+s9+$0x0], $0xffff  }
0x54c: {  	[tilespmem:s22+$0x40B0] =	vst v9;
	v9 =	vld.idx.msk [tilespmem:v4+s8+$0x0], $0xffff  }
0x54d: {  	[tilespmem:s22+$0x40C0] =	vst v10;
	v10 =	vld.idx.msk [tilespmem:v3+s8+$0x0], $0xffff  }
0x54e: {  	[tilespmem:s22+$0x40D0] =	vst v11;
	v11 =	vld.idx.msk [tilespmem:v2+s8+$0x0], $0xffff  }
0x54f: {  	[tilespmem:s22+$0x40E0] =	vst v51;
	v54 =	vld.idx.msk [tilespmem:v1+s8+$0x0], $0xffff  }
0x550: {  	[tilespmem:s22+$0x4100] =	vst v52;
	v55 =	vld.idx.msk [tilespmem:v0+s8+$0x0], $0xffff  }
0x551: {  	[tilespmem:s22+$0x41F0] =	vst v8;
	v56 =	vld.idx.msk [tilespmem:v6+s9+$0x0], $0xffff  }
0x552: {  	s19 =	simm.s32 $0x2EE0;
	[tilespmem:s22+$0x4120] =	vst v9;
	v9 =	vld.idx.msk [tilespmem:v5+s9+$0x0], $0xffff  }
0x553: {  	v8 =	vld.idx.msk [tilespmem:v7+s19+$0x0], $0xffff;
	[tilespmem:s22+$0x4130] =	vst v10  }
0x554: {  	v10 =	vld.idx.msk [tilespmem:v4+s9+$0x0], $0xffff;
	[tilespmem:s22+$0x4140] =	vst v11  }
0x555: {  	v11 =	vld.idx.msk [tilespmem:v3+s9+$0x0], $0xffff;
	[tilespmem:s22+$0x4150] =	vst v54  }
0x556: {  	v57 =	vld.idx.msk [tilespmem:v2+s9+$0x0], $0xffff;
	[tilespmem:s22+$0x4160] =	vst v55  }
0x557: {  	v58 =	vld.idx.msk [tilespmem:v1+s9+$0x0], $0xffff;
	[tilespmem:s22+$0x4180] =	vst v56  }
0x558: {  	s17 =	simm.s32 $0x32C8;
	v59 =	vld.idx.msk [tilespmem:v0+s9+$0x0], $0xffff;
	[tilespmem:s22+$0x4270] =	vst v8  }
0x559: {  	[tilespmem:s22+$0x4190] =	vst v9;
	v8 =	vld.idx.msk [tilespmem:v7+s17+$0x0], $0xffff  }
0x55a: {  	v9 =	vld.idx.msk [tilespmem:v6+s19+$0x0], $0xffff;
	[tilespmem:s22+$0x41A0] =	vst v10  }
0x55b: {  	v10 =	vld.idx.msk [tilespmem:v5+s19+$0x0], $0xffff;
	[tilespmem:s22+$0x41B0] =	vst v11  }
0x55c: {  	v11 =	vld.idx.msk [tilespmem:v4+s19+$0x0], $0xffff;
	[tilespmem:s22+$0x41C0] =	vst v57  }
0x55d: {  	v60 =	vld.idx.msk [tilespmem:v3+s19+$0x0], $0xffff;
	[tilespmem:s22+$0x41D0] =	vst v58  }
0x55e: {  	s16 =	simm.s32 $0x36B0;
	v61 =	vld.idx.msk [tilespmem:v2+s19+$0x0], $0xffff;
	[tilespmem:s22+$0x42F0] =	vst v8  }
0x55f: {  	[tilespmem:s22+$0x41E0] =	vst v59;
	v8 =	vld.idx.msk [tilespmem:v7+s16+$0x0], $0xffff  }
0x560: {  	v62 =	vld.idx.msk [tilespmem:v1+s19+$0x0], $0xffff;
	[tilespmem:s22+$0x4200] =	vst v9  }
0x561: {  	[tilespmem:s22+$0x4210] =	vst v10;
	v9 =	vld.idx.msk [tilespmem:v6+s17+$0x0], $0xffff  }
0x562: {  	[tilespmem:s22+$0x4220] =	vst v11;
	v10 =	vld.idx.msk [tilespmem:v5+s17+$0x0], $0xffff  }
0x563: {  	[tilespmem:s22+$0x4230] =	vst v60;
	v11 =	vld.idx.msk [tilespmem:v4+s17+$0x0], $0xffff  }
0x564: {  	s3 =	simm.s32 $0x3A98;
	[tilespmem:s22+$0x4370] =	vst v8;
	v8 =	vld.idx.msk [tilespmem:v0+s19+$0x0], $0xffff  }
0x565: {  	[tilespmem:s22+$0x4240] =	vst v61;
	v7 =	vld.idx.msk [tilespmem:v7+s3+$0x0], $0xffff  }
0x566: {  	v12 =	vld.idx.msk [tilespmem:v3+s17+$0x0], $0xffff;
	[tilespmem:s22+$0x4250] =	vst v62  }
0x567: {  	v13 =	vld.idx.msk [tilespmem:v2+s17+$0x0], $0xffff;
	[tilespmem:s22+$0x4280] =	vst v9  }
0x568: {  	[tilespmem:s22+$0x4290] =	vst v10;
	v9 =	vld.idx.msk [tilespmem:v6+s16+$0x0], $0xffff  }
0x569: {  	v10 =	vld.idx.msk [tilespmem:v5+s16+$0x0], $0xffff;
	[tilespmem:s22+$0x4260] =	vst v8  }
0x56a: {  	[tilespmem:s22+$0x43F0] =	vst v7;
	v7 =	vld.idx.msk [tilespmem:v1+s17+$0x0], $0xffff  }
0x56b: {  	[tilespmem:s22+$0x42A0] =	vst v11;
	v8 =	vld.idx.msk [tilespmem:v0+s17+$0x0], $0xffff  }
0x56c: {  	v11 =	vld.idx.msk [tilespmem:v4+s16+$0x0], $0xffff;
	[tilespmem:s22+$0x42B0] =	vst v12  }
0x56d: {  	v12 =	vld.idx.msk [tilespmem:v3+s16+$0x0], $0xffff;
	[tilespmem:s22+$0x42C0] =	vst v13  }
0x56e: {  	v13 =	vld.idx.msk [tilespmem:v2+s16+$0x0], $0xffff;
	[tilespmem:s22+$0x4300] =	vst v9  }
0x56f: {  	v63 =	vld.idx.msk [tilespmem:v6+s3+$0x0], $0xffff;
	[tilespmem:s22+$0x42D0] =	vst v7  }
0x570: {  	[tilespmem:s22+$0x42E0] =	vst v8;
	v7 =	vld.idx.msk [tilespmem:v1+s16+$0x0], $0xffff  }
0x571: {  	[tilespmem:s22+$0x4320] =	vst v11;
	v9 =	vld.idx.msk [tilespmem:v0+s16+$0x0], $0xffff  }
0x572: {  	[tilespmem:s22+$0x4310] =	vst v10;
	v6 =	vld.idx.msk [tilespmem:v4+s3+$0x0], $0xffff  }
0x573: {  	[tilespmem:s22+$0x4330] =	vst v12;
	v8 =	vld.idx.msk [tilespmem:v5+s3+$0x0], $0xffff  }
0x574: {  	v3 =	vld.idx.msk [tilespmem:v3+s3+$0x0], $0xffff;
	[tilespmem:s22+$0x4340] =	vst v13  }
0x575: {  	v4 =	vld.idx.msk [tilespmem:v2+s3+$0x0], $0xffff;
	[tilespmem:s22+$0x4350] =	vst v7  }
0x576: {  	[tilespmem:s22+$0x4360] =	vst v9;
	v5 =	vld.idx.msk [tilespmem:v1+s3+$0x0], $0xffff  }
0x577: {  	s23 =	simm.s32 $0x0;
	s24 =	simm.s32 $0x7DC0;
	[tilespmem:s22+$0x4380] =	vst v63;
	v1 =	vld.idx.msk [tilespmem:v0+s3+$0x0], $0xffff  }
.LBB2_12:
0x578: {  	v7 =	vld [tilespmem:s24+$0x30];
	s23 =	sadd.s32 $0x8, s23;
	[tilespmem:s22+$0x4390] =	vst v8  }
0x579: {  	v0 =	vld [tilespmem:s24+$0xFFFFFFD0];
	p0 =	slt.u32 s23, $0x78;
	[tilespmem:s22+$0x43A0] =	vst v6  }
0x57a: {  	v2 =	vld [tilespmem:s24+$0xFFFFFFE0];
	[tilespmem:s22+$0x43B0] =	vst v3  }
0x57b: {  	v3 =	vld [tilespmem:s24+$0xFFFFFFF0];
	[tilespmem:s22+$0x43C0] =	vst v4  }
0x57c: {  	v4 =	vld [tilespmem:s24+$0x0];
	[tilespmem:s22+$0x43D0] =	vst v5  }
0x57d: {  	v5 =	vld [tilespmem:s24+$0x10];
	[tilespmem:s22+$0x43E0] =	vst v1  }
0x57e: {  	v1 =	vld [tilespmem:s24+$0x20]  }
0x57f: {  	v6 =	vld [tilespmem:s24+$0xFFFFFFC0]  }
0x580: {  	v8 =	vld.idx.msk [tilespmem:v7+s25+$0x0], $0xffff  }
0x581: {  	v9 =	vld.idx.msk [tilespmem:v0+s25+$0x0], $0xffff  }
0x582: {  	v10 =	vld.idx.msk [tilespmem:v2+s25+$0x0], $0xffff  }
0x583: {  	v11 =	vld.idx.msk [tilespmem:v3+s25+$0x0], $0xffff  }
0x584: {  	v12 =	vld.idx.msk [tilespmem:v4+s25+$0x0], $0xffff  }
0x585: {  	s22 =	sadd.s32 $0x400, s22;
	v13 =	vld.idx.msk [tilespmem:v5+s25+$0x0], $0xffff  }
0x586: {  	v14 =	vld.idx.msk [tilespmem:v1+s25+$0x0], $0xffff;
	[tilespmem:s22+$0x70] =	vst v8  }
0x587: {  	[tilespmem:s22+$0x10] =	vst v9;
	v8 =	vld.idx.msk [tilespmem:v7+s26+$0x0], $0xffff  }
0x588: {  	v9 =	vld.idx.msk [tilespmem:v6+s25+$0x0], $0xffff;
	[tilespmem:s22+$0x20] =	vst v10  }
0x589: {  	v10 =	vld.idx.msk [tilespmem:v0+s26+$0x0], $0xffff;
	[tilespmem:s22+$0x30] =	vst v11  }
0x58a: {  	v11 =	vld.idx.msk [tilespmem:v2+s26+$0x0], $0xffff;
	[tilespmem:s22+$0x40] =	vst v12  }
0x58b: {  	v12 =	vld.idx.msk [tilespmem:v3+s26+$0x0], $0xffff;
	[tilespmem:s22+$0x50] =	vst v13  }
0x58c: {  	v13 =	vld.idx.msk [tilespmem:v4+s26+$0x0], $0xffff;
	[tilespmem:s22+$0x60] =	vst v14  }
0x58d: {  	v14 =	vld.idx.msk [tilespmem:v5+s26+$0x0], $0xffff;
	[tilespmem:s22+$0xF0] =	vst v8  }
0x58e: {  	[tilespmem:s22+$0x0] =	vst v9;
	v8 =	vld.idx.msk [tilespmem:v7+s28+$0x0], $0xffff  }
0x58f: {  	v9 =	vld.idx.msk [tilespmem:v6+s26+$0x0], $0xffff;
	[tilespmem:s22+$0x90] =	vst v10  }
0x590: {  	[tilespmem:s22+$0xA0] =	vst v11;
	v10 =	vld.idx.msk [tilespmem:v1+s26+$0x0], $0xffff  }
0x591: {  	v11 =	vld.idx.msk [tilespmem:v0+s28+$0x0], $0xffff;
	[tilespmem:s22+$0xB0] =	vst v12  }
0x592: {  	v12 =	vld.idx.msk [tilespmem:v2+s28+$0x0], $0xffff;
	[tilespmem:s22+$0xC0] =	vst v13  }
0x593: {  	v13 =	vld.idx.msk [tilespmem:v3+s28+$0x0], $0xffff;
	[tilespmem:s22+$0xD0] =	vst v14  }
0x594: {  	v14 =	vld.idx.msk [tilespmem:v4+s28+$0x0], $0xffff;
	[tilespmem:s22+$0x170] =	vst v8  }
0x595: {  	[tilespmem:s22+$0x80] =	vst v9;
	v8 =	vld.idx.msk [tilespmem:v7+s29+$0x0], $0xffff  }
0x596: {  	v9 =	vld.idx.msk [tilespmem:v6+s28+$0x0], $0xffff;
	[tilespmem:s22+$0xE0] =	vst v10  }
0x597: {  	[tilespmem:s22+$0x110] =	vst v11;
	v10 =	vld.idx.msk [tilespmem:v5+s28+$0x0], $0xffff  }
0x598: {  	[tilespmem:s22+$0x120] =	vst v12;
	v11 =	vld.idx.msk [tilespmem:v1+s28+$0x0], $0xffff  }
0x599: {  	v12 =	vld.idx.msk [tilespmem:v0+s29+$0x0], $0xffff;
	[tilespmem:s22+$0x130] =	vst v13  }
0x59a: {  	v13 =	vld.idx.msk [tilespmem:v2+s29+$0x0], $0xffff;
	[tilespmem:s22+$0x140] =	vst v14  }
0x59b: {  	v14 =	vld.idx.msk [tilespmem:v3+s29+$0x0], $0xffff;
	[tilespmem:s22+$0x1F0] =	vst v8  }
0x59c: {  	[tilespmem:s22+$0x100] =	vst v9;
	v8 =	vld.idx.msk [tilespmem:v7+s30+$0x0], $0xffff  }
0x59d: {  	v9 =	vld.idx.msk [tilespmem:v6+s29+$0x0], $0xffff;
	[tilespmem:s22+$0x150] =	vst v10  }
0x59e: {  	v10 =	vld.idx.msk [tilespmem:v4+s29+$0x0], $0xffff;
	[tilespmem:s22+$0x160] =	vst v11  }
0x59f: {  	[tilespmem:s22+$0x190] =	vst v12;
	v11 =	vld.idx.msk [tilespmem:v5+s29+$0x0], $0xffff  }
0x5a0: {  	[tilespmem:s22+$0x1A0] =	vst v13;
	v12 =	vld.idx.msk [tilespmem:v1+s29+$0x0], $0xffff  }
0x5a1: {  	v13 =	vld.idx.msk [tilespmem:v0+s30+$0x0], $0xffff;
	[tilespmem:s22+$0x1B0] =	vst v14  }
0x5a2: {  	v14 =	vld.idx.msk [tilespmem:v2+s30+$0x0], $0xffff;
	[tilespmem:s22+$0x270] =	vst v8  }
0x5a3: {  	[tilespmem:s22+$0x180] =	vst v9;
	v8 =	vld.idx.msk [tilespmem:v7+s31+$0x0], $0xffff  }
0x5a4: {  	v9 =	vld.idx.msk [tilespmem:v6+s30+$0x0], $0xffff;
	[tilespmem:s22+$0x1C0] =	vst v10  }
0x5a5: {  	v10 =	vld.idx.msk [tilespmem:v3+s30+$0x0], $0xffff;
	[tilespmem:s22+$0x1D0] =	vst v11  }
0x5a6: {  	v11 =	vld.idx.msk [tilespmem:v4+s30+$0x0], $0xffff;
	[tilespmem:s22+$0x1E0] =	vst v12  }
0x5a7: {  	[tilespmem:s22+$0x210] =	vst v13;
	v12 =	vld.idx.msk [tilespmem:v5+s30+$0x0], $0xffff  }
0x5a8: {  	[tilespmem:s22+$0x220] =	vst v14;
	v13 =	vld.idx.msk [tilespmem:v1+s30+$0x0], $0xffff  }
0x5a9: {  	v14 =	vld.idx.msk [tilespmem:v0+s31+$0x0], $0xffff;
	[tilespmem:s22+$0x2F0] =	vst v8  }
0x5aa: {  	[tilespmem:s22+$0x200] =	vst v9;
	v8 =	vld.idx.msk [tilespmem:v7+s1+$0x0], $0xffff  }
0x5ab: {  	v9 =	vld.idx.msk [tilespmem:v6+s31+$0x0], $0xffff;
	[tilespmem:s22+$0x230] =	vst v10  }
0x5ac: {  	v10 =	vld.idx.msk [tilespmem:v2+s31+$0x0], $0xffff;
	[tilespmem:s22+$0x240] =	vst v11  }
0x5ad: {  	v11 =	vld.idx.msk [tilespmem:v3+s31+$0x0], $0xffff;
	[tilespmem:s22+$0x250] =	vst v12  }
0x5ae: {  	v12 =	vld.idx.msk [tilespmem:v4+s31+$0x0], $0xffff;
	[tilespmem:s22+$0x260] =	vst v13  }
0x5af: {  	[tilespmem:s22+$0x290] =	vst v14;
	v13 =	vld.idx.msk [tilespmem:v5+s31+$0x0], $0xffff  }
0x5b0: {  	v14 =	vld.idx.msk [tilespmem:v1+s31+$0x0], $0xffff;
	[tilespmem:s22+$0x370] =	vst v8  }
0x5b1: {  	[tilespmem:s22+$0x280] =	vst v9;
	v8 =	vld.idx.msk [tilespmem:v7+s0+$0x0], $0xffff  }
0x5b2: {  	v9 =	vld.idx.msk [tilespmem:v6+s1+$0x0], $0xffff;
	[tilespmem:s22+$0x2A0] =	vst v10  }
0x5b3: {  	v10 =	vld.idx.msk [tilespmem:v0+s1+$0x0], $0xffff;
	[tilespmem:s22+$0x2B0] =	vst v11  }
0x5b4: {  	v11 =	vld.idx.msk [tilespmem:v2+s1+$0x0], $0xffff;
	[tilespmem:s22+$0x2C0] =	vst v12  }
0x5b5: {  	v12 =	vld.idx.msk [tilespmem:v3+s1+$0x0], $0xffff;
	[tilespmem:s22+$0x2D0] =	vst v13  }
0x5b6: {  	v13 =	vld.idx.msk [tilespmem:v4+s1+$0x0], $0xffff;
	[tilespmem:s22+$0x2E0] =	vst v14  }
0x5b7: {  	v14 =	vld.idx.msk [tilespmem:v5+s1+$0x0], $0xffff;
	[tilespmem:s22+$0x3F0] =	vst v8  }
0x5b8: {  	[tilespmem:s22+$0x300] =	vst v9;
	v8 =	vld.idx.msk [tilespmem:v7+s18+$0x0], $0xffff  }
0x5b9: {  	[tilespmem:s22+$0x310] =	vst v10;
	v9 =	vld.idx.msk [tilespmem:v1+s1+$0x0], $0xffff  }
0x5ba: {  	v10 =	vld.idx.msk [tilespmem:v6+s0+$0x0], $0xffff;
	[tilespmem:s22+$0x320] =	vst v11  }
0x5bb: {  	v11 =	vld.idx.msk [tilespmem:v0+s0+$0x0], $0xffff;
	[tilespmem:s22+$0x330] =	vst v12  }
0x5bc: {  	v12 =	vld.idx.msk [tilespmem:v2+s0+$0x0], $0xffff;
	[tilespmem:s22+$0x340] =	vst v13  }
0x5bd: {  	v13 =	vld.idx.msk [tilespmem:v3+s0+$0x0], $0xffff;
	[tilespmem:s22+$0x350] =	vst v14  }
0x5be: {  	v14 =	vld.idx.msk [tilespmem:v4+s0+$0x0], $0xffff;
	[tilespmem:s22+$0x4070] =	vst v8  }
0x5bf: {  	[tilespmem:s22+$0x360] =	vst v9;
	v8 =	vld.idx.msk [tilespmem:v7+s20+$0x0], $0xffff  }
0x5c0: {  	[tilespmem:s22+$0x380] =	vst v10;
	v9 =	vld.idx.msk [tilespmem:v5+s0+$0x0], $0xffff  }
0x5c1: {  	[tilespmem:s22+$0x390] =	vst v11;
	v10 =	vld.idx.msk [tilespmem:v1+s0+$0x0], $0xffff  }
0x5c2: {  	v11 =	vld.idx.msk [tilespmem:v6+s18+$0x0], $0xffff;
	[tilespmem:s22+$0x3A0] =	vst v12  }
0x5c3: {  	v12 =	vld.idx.msk [tilespmem:v0+s18+$0x0], $0xffff;
	[tilespmem:s22+$0x3B0] =	vst v13  }
0x5c4: {  	v13 =	vld.idx.msk [tilespmem:v2+s18+$0x0], $0xffff;
	[tilespmem:s22+$0x3C0] =	vst v14  }
0x5c5: {  	v14 =	vld.idx.msk [tilespmem:v3+s18+$0x0], $0xffff;
	[tilespmem:s22+$0x40F0] =	vst v8  }
0x5c6: {  	[tilespmem:s22+$0x3D0] =	vst v9;
	v8 =	vld.idx.msk [tilespmem:v7+s8+$0x0], $0xffff  }
0x5c7: {  	v9 =	vld.idx.msk [tilespmem:v4+s18+$0x0], $0xffff;
	[tilespmem:s22+$0x3E0] =	vst v10  }
0x5c8: {  	[tilespmem:s22+$0x4000] =	vst v11;
	v10 =	vld.idx.msk [tilespmem:v5+s18+$0x0], $0xffff  }
0x5c9: {  	[tilespmem:s22+$0x4010] =	vst v12;
	v11 =	vld.idx.msk [tilespmem:v1+s18+$0x0], $0xffff  }
0x5ca: {  	v12 =	vld.idx.msk [tilespmem:v6+s20+$0x0], $0xffff;
	[tilespmem:s22+$0x4020] =	vst v13  }
0x5cb: {  	v13 =	vld.idx.msk [tilespmem:v0+s20+$0x0], $0xffff;
	[tilespmem:s22+$0x4030] =	vst v14  }
0x5cc: {  	v14 =	vld.idx.msk [tilespmem:v2+s20+$0x0], $0xffff;
	[tilespmem:s22+$0x4170] =	vst v8  }
0x5cd: {  	[tilespmem:s22+$0x4040] =	vst v9;
	v8 =	vld.idx.msk [tilespmem:v7+s9+$0x0], $0xffff  }
0x5ce: {  	v9 =	vld.idx.msk [tilespmem:v3+s20+$0x0], $0xffff;
	[tilespmem:s22+$0x4050] =	vst v10  }
0x5cf: {  	v10 =	vld.idx.msk [tilespmem:v4+s20+$0x0], $0xffff;
	[tilespmem:s22+$0x4060] =	vst v11  }
0x5d0: {  	[tilespmem:s22+$0x4080] =	vst v12;
	v11 =	vld.idx.msk [tilespmem:v5+s20+$0x0], $0xffff  }
0x5d1: {  	[tilespmem:s22+$0x4090] =	vst v13;
	v12 =	vld.idx.msk [tilespmem:v1+s20+$0x0], $0xffff  }
0x5d2: {  	v13 =	vld.idx.msk [tilespmem:v6+s8+$0x0], $0xffff;
	[tilespmem:s22+$0x40A0] =	vst v14  }
0x5d3: {  	v14 =	vld.idx.msk [tilespmem:v0+s8+$0x0], $0xffff;
	[tilespmem:s22+$0x41F0] =	vst v8  }
0x5d4: {  	[tilespmem:s22+$0x40B0] =	vst v9;
	v8 =	vld.idx.msk [tilespmem:v7+s19+$0x0], $0xffff  }
0x5d5: {  	v9 =	vld.idx.msk [tilespmem:v2+s8+$0x0], $0xffff;
	[tilespmem:s22+$0x40C0] =	vst v10  }
0x5d6: {  	v10 =	vld.idx.msk [tilespmem:v3+s8+$0x0], $0xffff;
	[tilespmem:s22+$0x40D0] =	vst v11  }
0x5d7: {  	v11 =	vld.idx.msk [tilespmem:v4+s8+$0x0], $0xffff;
	[tilespmem:s22+$0x40E0] =	vst v12  }
0x5d8: {  	[tilespmem:s22+$0x4100] =	vst v13;
	v12 =	vld.idx.msk [tilespmem:v5+s8+$0x0], $0xffff  }
0x5d9: {  	[tilespmem:s22+$0x4110] =	vst v14;
	v13 =	vld.idx.msk [tilespmem:v1+s8+$0x0], $0xffff  }
0x5da: {  	v14 =	vld.idx.msk [tilespmem:v6+s9+$0x0], $0xffff;
	[tilespmem:s22+$0x4270] =	vst v8  }
0x5db: {  	[tilespmem:s22+$0x4120] =	vst v9;
	v8 =	vld.idx.msk [tilespmem:v7+s17+$0x0], $0xffff  }
0x5dc: {  	v9 =	vld.idx.msk [tilespmem:v0+s9+$0x0], $0xffff;
	[tilespmem:s22+$0x4130] =	vst v10  }
0x5dd: {  	v10 =	vld.idx.msk [tilespmem:v2+s9+$0x0], $0xffff;
	[tilespmem:s22+$0x4140] =	vst v11  }
0x5de: {  	v11 =	vld.idx.msk [tilespmem:v3+s9+$0x0], $0xffff;
	[tilespmem:s22+$0x4150] =	vst v12  }
0x5df: {  	v12 =	vld.idx.msk [tilespmem:v4+s9+$0x0], $0xffff;
	[tilespmem:s22+$0x4160] =	vst v13  }
0x5e0: {  	[tilespmem:s22+$0x4180] =	vst v14;
	v13 =	vld.idx.msk [tilespmem:v5+s9+$0x0], $0xffff  }
0x5e1: {  	v14 =	vld.idx.msk [tilespmem:v1+s9+$0x0], $0xffff;
	[tilespmem:s22+$0x42F0] =	vst v8  }
0x5e2: {  	[tilespmem:s22+$0x4190] =	vst v9;
	v8 =	vld.idx.msk [tilespmem:v7+s16+$0x0], $0xffff  }
0x5e3: {  	v9 =	vld.idx.msk [tilespmem:v6+s19+$0x0], $0xffff;
	[tilespmem:s22+$0x41A0] =	vst v10  }
0x5e4: {  	v10 =	vld.idx.msk [tilespmem:v0+s19+$0x0], $0xffff;
	[tilespmem:s22+$0x41B0] =	vst v11  }
0x5e5: {  	v11 =	vld.idx.msk [tilespmem:v2+s19+$0x0], $0xffff;
	[tilespmem:s22+$0x41C0] =	vst v12  }
0x5e6: {  	v12 =	vld.idx.msk [tilespmem:v3+s19+$0x0], $0xffff;
	[tilespmem:s22+$0x41D0] =	vst v13  }
0x5e7: {  	v13 =	vld.idx.msk [tilespmem:v4+s19+$0x0], $0xffff;
	[tilespmem:s22+$0x41E0] =	vst v14  }
0x5e8: {  	v14 =	vld.idx.msk [tilespmem:v5+s19+$0x0], $0xffff;
	[tilespmem:s22+$0x4370] =	vst v8  }
0x5e9: {  	[tilespmem:s22+$0x4200] =	vst v9;
	v7 =	vld.idx.msk [tilespmem:v7+s3+$0x0], $0xffff  }
0x5ea: {  	[tilespmem:s22+$0x4210] =	vst v10;
	v8 =	vld.idx.msk [tilespmem:v1+s19+$0x0], $0xffff  }
0x5eb: {  	v9 =	vld.idx.msk [tilespmem:v6+s17+$0x0], $0xffff;
	[tilespmem:s22+$0x4220] =	vst v11  }
0x5ec: {  	v10 =	vld.idx.msk [tilespmem:v0+s17+$0x0], $0xffff;
	[tilespmem:s22+$0x4230] =	vst v12  }
0x5ed: {  	v11 =	vld.idx.msk [tilespmem:v2+s17+$0x0], $0xffff;
	[tilespmem:s22+$0x4240] =	vst v13  }
0x5ee: {  	v12 =	vld.idx.msk [tilespmem:v3+s17+$0x0], $0xffff;
	[tilespmem:s22+$0x4250] =	vst v14  }
0x5ef: {  	v13 =	vld.idx.msk [tilespmem:v4+s17+$0x0], $0xffff;
	[tilespmem:s22+$0x43F0] =	vst v7  }
0x5f0: {  	v7 =	vld.idx.msk [tilespmem:v5+s17+$0x0], $0xffff;
	[tilespmem:s22+$0x4260] =	vst v8  }
0x5f1: {  	[tilespmem:s22+$0x4280] =	vst v9;
	v8 =	vld.idx.msk [tilespmem:v1+s17+$0x0], $0xffff  }
0x5f2: {  	v9 =	vld.idx.msk [tilespmem:v6+s16+$0x0], $0xffff;
	[tilespmem:s22+$0x4290] =	vst v10  }
0x5f3: {  	v10 =	vld.idx.msk [tilespmem:v0+s16+$0x0], $0xffff;
	[tilespmem:s22+$0x42A0] =	vst v11  }
0x5f4: {  	v11 =	vld.idx.msk [tilespmem:v2+s16+$0x0], $0xffff;
	[tilespmem:s22+$0x42B0] =	vst v12  }
0x5f5: {  	v12 =	vld.idx.msk [tilespmem:v3+s16+$0x0], $0xffff;
	[tilespmem:s22+$0x42C0] =	vst v13  }
0x5f6: {  	v13 =	vld.idx.msk [tilespmem:v4+s16+$0x0], $0xffff;
	[tilespmem:s22+$0x42D0] =	vst v7  }
0x5f7: {  	v7 =	vld.idx.msk [tilespmem:v5+s16+$0x0], $0xffff;
	[tilespmem:s22+$0x42E0] =	vst v8  }
0x5f8: {  	[tilespmem:s22+$0x4300] =	vst v9;
	v9 =	vld.idx.msk [tilespmem:v1+s16+$0x0], $0xffff  }
0x5f9: {  	v14 =	vld.idx.msk [tilespmem:v6+s3+$0x0], $0xffff;
	[tilespmem:s22+$0x4310] =	vst v10  }
0x5fa: {  	v8 =	vld.idx.msk [tilespmem:v0+s3+$0x0], $0xffff;
	[tilespmem:s22+$0x4320] =	vst v11  }
.Ltmp9:
0x5fb: {  	v6 =	vld.idx.msk [tilespmem:v2+s3+$0x0], $0xffff;
	[tilespmem:s22+$0x4330] =	vst v12;
	(pc) =	sbr.rel @p0 .LBB2_12-.Ltmp9, $4  }
0x5fc: {  	v3 =	vld.idx.msk [tilespmem:v3+s3+$0x0], $0xffff;
	[tilespmem:s22+$0x4340] =	vst v13  }
0x5fd: {  	v4 =	vld.idx.msk [tilespmem:v4+s3+$0x0], $0xffff;
	[tilespmem:s22+$0x4350] =	vst v7  }
0x5fe: {  	v5 =	vld.idx.msk [tilespmem:v5+s3+$0x0], $0xffff;
	[tilespmem:s22+$0x4360] =	vst v9  }
0x5ff: {  	s24 =	sadd.s32 $0x80, s24;
	[tilespmem:s22+$0x4380] =	vst v14;
	v1 =	vld.idx.msk [tilespmem:v1+s3+$0x0], $0xffff  }
0x600: {  	s23 =	smul.u32 $0x47AF, s14;
	_ =	sdelay $0x1  }
0x601: {  	s23 =	sshrl.u32 s23, $0x10  }
0x602: {  	s24 =	ssub.s32 s14, s23  }
0x603: {  	s24 =	sand.u32 $0xFFFE, s24  }
0x604: {  	s24 =	sshrl.u32 s24, $0x1  }
0x605: {  	[tilespmem:s22+$0x4390] =	vst v8;
	s23 =	sadd.s32 s23, s24  }
0x606: {  	[tilespmem:s22+$0x43A0] =	vst v6;
	s23 =	sand.u32 $0xFFF0, s23  }
0x607: {  	[tilespmem:s22+$0x43B0] =	vst v3;
	s23 =	sshrl.u32 s23, $0x4  }
0x608: {  	[tilespmem:s22+$0x43C0] =	vst v4;
	s24 =	smul.u32 $0x19, s23  }
0x609: {  	[tilespmem:s22+$0x43D0] =	vst v5  }
0x60a: {  	[tilespmem:s22+$0x43E0] =	vst v1;
	s24 =	ssub.s32 s14, s24;
	s14 =	simm.s32 $0x1  }
0x60b: {  	s23 =	smul.u32 $0x190000, s23;
	_ =	swait.ge [sflag:s14], $0x8000  }
0x60c: {  	s24 =	sshll.u32 s24, $0x10;
	[sflag:s14] =	ssyncset.done $0x0  }
0x60d: {  	s22 =	sadd.s32 s24, s23;
	s24 =	simm.s32 $0x8000;
	[sflag:s14] =	ssyncadd.s32 $0xFFFF8000  }
0x60e: {  	s22 =	sshrl.u32 s22, $0x3;
	s14 =	simm.s32 $0x9D00;
	s23 =	rddreg [dreg:$0x1]  }
0x60f: {  	[dreg:$0x12] =	wrdreg s22;
	s22 =	sadd.s32 s23, s22;
	s23 =	simm.s32 $0x4000  }
0x610: {  	[hbm4b:s22+s23] =	stream.strided.scatter [tilespmem:s14], [sflag:$0x1], $0x8000, s24, s23, $0x38;
	[tilespmem:$0x19D00] =	vst v63  }
0x611: {  	s24 =	simm.s32 $0x8570  }
0x612: {  	v7 =	vld [tilespmem:s24+$0x0]  }
0x613: {  	v5 =	vld [tilespmem:s24+$0xFFFFFFA0]  }
0x614: {  	v4 =	vld [tilespmem:s24+$0xFFFFFFB0]  }
0x615: {  	v3 =	vld [tilespmem:s24+$0xFFFFFFC0]  }
0x616: {  	v2 =	vld [tilespmem:s24+$0xFFFFFFD0]  }
0x617: {  	v1 =	vld [tilespmem:s24+$0xFFFFFFE0]  }
0x618: {  	v0 =	vld [tilespmem:s24+$0xFFFFFFF0]  }
0x619: {  	v6 =	vld [tilespmem:s24+$0xFFFFFF90]  }
0x61a: {  	v8 =	vld.idx.msk [tilespmem:v7+s25+$0x0], $0xffff  }
0x61b: {  	v9 =	vld.idx.msk [tilespmem:v5+s25+$0x0], $0xffff  }
0x61c: {  	v10 =	vld.idx.msk [tilespmem:v4+s25+$0x0], $0xffff  }
0x61d: {  	v11 =	vld.idx.msk [tilespmem:v3+s25+$0x0], $0xffff  }
0x61e: {  	v12 =	vld.idx.msk [tilespmem:v2+s25+$0x0], $0xffff  }
0x61f: {  	s22 =	simm.s32 $0x11D00;
	v13 =	vld.idx.msk [tilespmem:v1+s25+$0x0], $0xffff  }
0x620: {  	v14 =	vld.idx.msk [tilespmem:v0+s25+$0x0], $0xffff;
	[tilespmem:s22+$0x70] =	vst v8  }
0x621: {  	[tilespmem:s22+$0x10] =	vst v9;
	v9 =	vld.idx.msk [tilespmem:v6+s25+$0x0], $0xffff  }
0x622: {  	[tilespmem:s22+$0x20] =	vst v10;
	v8 =	vld.idx.msk [tilespmem:v7+s26+$0x0], $0xffff  }
0x623: {  	[tilespmem:s22+$0x30] =	vst v11;
	v10 =	vld.idx.msk [tilespmem:v5+s26+$0x0], $0xffff  }
0x624: {  	[tilespmem:s22+$0x40] =	vst v12;
	v11 =	vld.idx.msk [tilespmem:v4+s26+$0x0], $0xffff  }
0x625: {  	[tilespmem:s22+$0x50] =	vst v13;
	v21 =	vld.idx.msk [tilespmem:v3+s26+$0x0], $0xffff  }
0x626: {  	[tilespmem:s22+$0x60] =	vst v14;
	v22 =	vld.idx.msk [tilespmem:v2+s26+$0x0], $0xffff  }
0x627: {  	v23 =	vld.idx.msk [tilespmem:v1+s26+$0x0], $0xffff;
	[tilespmem:s22+$0x0] =	vst v9  }
0x628: {  	[tilespmem:s22+$0xF0] =	vst v8;
	v9 =	vld.idx.msk [tilespmem:v6+s26+$0x0], $0xffff  }
0x629: {  	[tilespmem:s22+$0x90] =	vst v10;
	v10 =	vld.idx.msk [tilespmem:v0+s26+$0x0], $0xffff  }
0x62a: {  	[tilespmem:s22+$0xA0] =	vst v11;
	v8 =	vld.idx.msk [tilespmem:v7+s28+$0x0], $0xffff  }
0x62b: {  	[tilespmem:s22+$0xB0] =	vst v21;
	v11 =	vld.idx.msk [tilespmem:v5+s28+$0x0], $0xffff  }
0x62c: {  	[tilespmem:s22+$0xC0] =	vst v22;
	v24 =	vld.idx.msk [tilespmem:v4+s28+$0x0], $0xffff  }
0x62d: {  	[tilespmem:s22+$0xD0] =	vst v23;
	v25 =	vld.idx.msk [tilespmem:v3+s28+$0x0], $0xffff  }
0x62e: {  	v26 =	vld.idx.msk [tilespmem:v2+s28+$0x0], $0xffff;
	[tilespmem:s22+$0x80] =	vst v9  }
0x62f: {  	[tilespmem:s22+$0xE0] =	vst v10;
	v10 =	vld.idx.msk [tilespmem:v1+s28+$0x0], $0xffff  }
0x630: {  	[tilespmem:s22+$0x170] =	vst v8;
	v9 =	vld.idx.msk [tilespmem:v6+s28+$0x0], $0xffff  }
0x631: {  	[tilespmem:s22+$0x110] =	vst v11;
	v11 =	vld.idx.msk [tilespmem:v0+s28+$0x0], $0xffff  }
0x632: {  	[tilespmem:s22+$0x120] =	vst v24;
	v8 =	vld.idx.msk [tilespmem:v7+s29+$0x0], $0xffff  }
0x633: {  	[tilespmem:s22+$0x130] =	vst v25;
	v27 =	vld.idx.msk [tilespmem:v5+s29+$0x0], $0xffff  }
0x634: {  	[tilespmem:s22+$0x140] =	vst v26;
	v28 =	vld.idx.msk [tilespmem:v4+s29+$0x0], $0xffff  }
0x635: {  	v29 =	vld.idx.msk [tilespmem:v3+s29+$0x0], $0xffff;
	[tilespmem:s22+$0x150] =	vst v10  }
0x636: {  	v10 =	vld.idx.msk [tilespmem:v2+s29+$0x0], $0xffff;
	[tilespmem:s22+$0x100] =	vst v9  }
0x637: {  	[tilespmem:s22+$0x160] =	vst v11;
	v11 =	vld.idx.msk [tilespmem:v1+s29+$0x0], $0xffff  }
0x638: {  	[tilespmem:s22+$0x1F0] =	vst v8;
	v9 =	vld.idx.msk [tilespmem:v6+s29+$0x0], $0xffff  }
0x639: {  	[tilespmem:s22+$0x190] =	vst v27;
	v30 =	vld.idx.msk [tilespmem:v0+s29+$0x0], $0xffff  }
0x63a: {  	[tilespmem:s22+$0x1A0] =	vst v28;
	v8 =	vld.idx.msk [tilespmem:v7+s30+$0x0], $0xffff  }
0x63b: {  	[tilespmem:s22+$0x1B0] =	vst v29;
	v31 =	vld.idx.msk [tilespmem:v5+s30+$0x0], $0xffff  }
0x63c: {  	v32 =	vld.idx.msk [tilespmem:v4+s30+$0x0], $0xffff;
	[tilespmem:s22+$0x1C0] =	vst v10  }
0x63d: {  	v10 =	vld.idx.msk [tilespmem:v3+s30+$0x0], $0xffff;
	[tilespmem:s22+$0x1D0] =	vst v11  }
0x63e: {  	v11 =	vld.idx.msk [tilespmem:v2+s30+$0x0], $0xffff;
	[tilespmem:s22+$0x180] =	vst v9  }
0x63f: {  	[tilespmem:s22+$0x1E0] =	vst v30;
	v33 =	vld.idx.msk [tilespmem:v1+s30+$0x0], $0xffff  }
0x640: {  	[tilespmem:s22+$0x270] =	vst v8;
	v9 =	vld.idx.msk [tilespmem:v6+s30+$0x0], $0xffff  }
0x641: {  	[tilespmem:s22+$0x210] =	vst v31;
	v34 =	vld.idx.msk [tilespmem:v0+s30+$0x0], $0xffff  }
0x642: {  	[tilespmem:s22+$0x220] =	vst v32;
	v8 =	vld.idx.msk [tilespmem:v7+s31+$0x0], $0xffff  }
0x643: {  	v35 =	vld.idx.msk [tilespmem:v5+s31+$0x0], $0xffff;
	[tilespmem:s22+$0x230] =	vst v10  }
0x644: {  	v10 =	vld.idx.msk [tilespmem:v4+s31+$0x0], $0xffff;
	[tilespmem:s22+$0x240] =	vst v11  }
0x645: {  	v11 =	vld.idx.msk [tilespmem:v3+s31+$0x0], $0xffff;
	[tilespmem:s22+$0x250] =	vst v33  }
0x646: {  	v36 =	vld.idx.msk [tilespmem:v2+s31+$0x0], $0xffff;
	[tilespmem:s22+$0x200] =	vst v9  }
0x647: {  	[tilespmem:s22+$0x260] =	vst v34;
	v37 =	vld.idx.msk [tilespmem:v1+s31+$0x0], $0xffff  }
0x648: {  	[tilespmem:s22+$0x2F0] =	vst v8;
	v9 =	vld.idx.msk [tilespmem:v6+s31+$0x0], $0xffff  }
0x649: {  	[tilespmem:s22+$0x290] =	vst v35;
	v38 =	vld.idx.msk [tilespmem:v0+s31+$0x0], $0xffff  }
0x64a: {  	v8 =	vld.idx.msk [tilespmem:v7+s1+$0x0], $0xffff;
	[tilespmem:s22+$0x2A0] =	vst v10  }
0x64b: {  	v10 =	vld.idx.msk [tilespmem:v5+s1+$0x0], $0xffff;
	[tilespmem:s22+$0x2B0] =	vst v11  }
0x64c: {  	v11 =	vld.idx.msk [tilespmem:v4+s1+$0x0], $0xffff;
	[tilespmem:s22+$0x2C0] =	vst v36  }
0x64d: {  	v39 =	vld.idx.msk [tilespmem:v3+s1+$0x0], $0xffff;
	[tilespmem:s22+$0x2D0] =	vst v37  }
0x64e: {  	v40 =	vld.idx.msk [tilespmem:v2+s1+$0x0], $0xffff;
	[tilespmem:s22+$0x280] =	vst v9  }
0x64f: {  	[tilespmem:s22+$0x2E0] =	vst v38;
	v41 =	vld.idx.msk [tilespmem:v1+s1+$0x0], $0xffff  }
0x650: {  	[tilespmem:s22+$0x370] =	vst v8;
	v9 =	vld.idx.msk [tilespmem:v6+s1+$0x0], $0xffff  }
0x651: {  	[tilespmem:s22+$0x310] =	vst v10;
	v8 =	vld.idx.msk [tilespmem:v7+s0+$0x0], $0xffff  }
0x652: {  	[tilespmem:s22+$0x320] =	vst v11;
	v11 =	vld.idx.msk [tilespmem:v5+s0+$0x0], $0xffff  }
0x653: {  	[tilespmem:s22+$0x330] =	vst v39;
	v42 =	vld.idx.msk [tilespmem:v4+s0+$0x0], $0xffff  }
0x654: {  	[tilespmem:s22+$0x340] =	vst v40;
	v43 =	vld.idx.msk [tilespmem:v3+s0+$0x0], $0xffff  }
0x655: {  	[tilespmem:s22+$0x350] =	vst v41;
	v44 =	vld.idx.msk [tilespmem:v2+s0+$0x0], $0xffff  }
0x656: {  	[tilespmem:s22+$0x300] =	vst v9;
	v9 =	vld.idx.msk [tilespmem:v0+s1+$0x0], $0xffff  }
0x657: {  	[tilespmem:s22+$0x3F0] =	vst v8;
	v10 =	vld.idx.msk [tilespmem:v6+s0+$0x0], $0xffff  }
0x658: {  	[tilespmem:s22+$0x390] =	vst v11;
	v8 =	vld.idx.msk [tilespmem:v7+s18+$0x0], $0xffff  }
0x659: {  	[tilespmem:s22+$0x3A0] =	vst v42;
	v45 =	vld.idx.msk [tilespmem:v5+s18+$0x0], $0xffff  }
0x65a: {  	[tilespmem:s22+$0x3B0] =	vst v43;
	v46 =	vld.idx.msk [tilespmem:v4+s18+$0x0], $0xffff  }
0x65b: {  	[tilespmem:s22+$0x3C0] =	vst v44;
	v47 =	vld.idx.msk [tilespmem:v3+s18+$0x0], $0xffff  }
0x65c: {  	[tilespmem:s22+$0x360] =	vst v9;
	v9 =	vld.idx.msk [tilespmem:v1+s0+$0x0], $0xffff  }
0x65d: {  	[tilespmem:s22+$0x380] =	vst v10;
	v10 =	vld.idx.msk [tilespmem:v0+s0+$0x0], $0xffff  }
0x65e: {  	[tilespmem:s22+$0x4070] =	vst v8;
	v11 =	vld.idx.msk [tilespmem:v6+s18+$0x0], $0xffff  }
0x65f: {  	[tilespmem:s22+$0x4010] =	vst v45;
	v8 =	vld.idx.msk [tilespmem:v7+s20+$0x0], $0xffff  }
0x660: {  	[tilespmem:s22+$0x4020] =	vst v46;
	v49 =	vld.idx.msk [tilespmem:v5+s20+$0x0], $0xffff  }
0x661: {  	[tilespmem:s22+$0x4030] =	vst v47;
	v50 =	vld.idx.msk [tilespmem:v4+s20+$0x0], $0xffff  }
0x662: {  	[tilespmem:s22+$0x3D0] =	vst v9;
	v9 =	vld.idx.msk [tilespmem:v2+s18+$0x0], $0xffff  }
0x663: {  	[tilespmem:s22+$0x3E0] =	vst v10;
	v10 =	vld.idx.msk [tilespmem:v1+s18+$0x0], $0xffff  }
0x664: {  	[tilespmem:s22+$0x4000] =	vst v11;
	v11 =	vld.idx.msk [tilespmem:v0+s18+$0x0], $0xffff  }
0x665: {  	[tilespmem:s22+$0x40F0] =	vst v8;
	v48 =	vld.idx.msk [tilespmem:v6+s20+$0x0], $0xffff  }
0x666: {  	[tilespmem:s22+$0x4090] =	vst v49;
	v8 =	vld.idx.msk [tilespmem:v7+s8+$0x0], $0xffff  }
0x667: {  	[tilespmem:s22+$0x40A0] =	vst v50;
	v53 =	vld.idx.msk [tilespmem:v5+s8+$0x0], $0xffff  }
0x668: {  	[tilespmem:s22+$0x4040] =	vst v9;
	v9 =	vld.idx.msk [tilespmem:v3+s20+$0x0], $0xffff  }
0x669: {  	[tilespmem:s22+$0x4050] =	vst v10;
	v10 =	vld.idx.msk [tilespmem:v2+s20+$0x0], $0xffff  }
0x66a: {  	[tilespmem:s22+$0x4060] =	vst v11;
	v11 =	vld.idx.msk [tilespmem:v1+s20+$0x0], $0xffff  }
0x66b: {  	[tilespmem:s22+$0x4080] =	vst v48;
	v51 =	vld.idx.msk [tilespmem:v0+s20+$0x0], $0xffff  }
0x66c: {  	[tilespmem:s22+$0x4170] =	vst v8;
	v52 =	vld.idx.msk [tilespmem:v6+s8+$0x0], $0xffff  }
0x66d: {  	[tilespmem:s22+$0x4110] =	vst v53;
	v8 =	vld.idx.msk [tilespmem:v7+s9+$0x0], $0xffff  }
0x66e: {  	[tilespmem:s22+$0x40B0] =	vst v9;
	v9 =	vld.idx.msk [tilespmem:v4+s8+$0x0], $0xffff  }
0x66f: {  	[tilespmem:s22+$0x40C0] =	vst v10;
	v10 =	vld.idx.msk [tilespmem:v3+s8+$0x0], $0xffff  }
0x670: {  	[tilespmem:s22+$0x40D0] =	vst v11;
	v11 =	vld.idx.msk [tilespmem:v2+s8+$0x0], $0xffff  }
0x671: {  	[tilespmem:s22+$0x40E0] =	vst v51;
	v54 =	vld.idx.msk [tilespmem:v1+s8+$0x0], $0xffff  }
0x672: {  	[tilespmem:s22+$0x4100] =	vst v52;
	v55 =	vld.idx.msk [tilespmem:v0+s8+$0x0], $0xffff  }
0x673: {  	[tilespmem:s22+$0x41F0] =	vst v8;
	v56 =	vld.idx.msk [tilespmem:v6+s9+$0x0], $0xffff  }
0x674: {  	[tilespmem:s22+$0x4120] =	vst v9;
	v9 =	vld.idx.msk [tilespmem:v5+s9+$0x0], $0xffff  }
0x675: {  	v8 =	vld.idx.msk [tilespmem:v7+s19+$0x0], $0xffff;
	[tilespmem:s22+$0x4130] =	vst v10  }
0x676: {  	v10 =	vld.idx.msk [tilespmem:v4+s9+$0x0], $0xffff;
	[tilespmem:s22+$0x4140] =	vst v11  }
0x677: {  	v11 =	vld.idx.msk [tilespmem:v3+s9+$0x0], $0xffff;
	[tilespmem:s22+$0x4150] =	vst v54  }
0x678: {  	v57 =	vld.idx.msk [tilespmem:v2+s9+$0x0], $0xffff;
	[tilespmem:s22+$0x4160] =	vst v55  }
0x679: {  	v58 =	vld.idx.msk [tilespmem:v1+s9+$0x0], $0xffff;
	[tilespmem:s22+$0x4180] =	vst v56  }
0x67a: {  	v59 =	vld.idx.msk [tilespmem:v0+s9+$0x0], $0xffff;
	[tilespmem:s22+$0x4270] =	vst v8  }
0x67b: {  	[tilespmem:s22+$0x4190] =	vst v9;
	v8 =	vld.idx.msk [tilespmem:v7+s17+$0x0], $0xffff  }
0x67c: {  	v9 =	vld.idx.msk [tilespmem:v6+s19+$0x0], $0xffff;
	[tilespmem:s22+$0x41A0] =	vst v10  }
0x67d: {  	v10 =	vld.idx.msk [tilespmem:v5+s19+$0x0], $0xffff;
	[tilespmem:s22+$0x41B0] =	vst v11  }
0x67e: {  	v11 =	vld.idx.msk [tilespmem:v4+s19+$0x0], $0xffff;
	[tilespmem:s22+$0x41C0] =	vst v57  }
0x67f: {  	v60 =	vld.idx.msk [tilespmem:v3+s19+$0x0], $0xffff;
	[tilespmem:s22+$0x41D0] =	vst v58  }
0x680: {  	v61 =	vld.idx.msk [tilespmem:v2+s19+$0x0], $0xffff;
	[tilespmem:s22+$0x42F0] =	vst v8  }
0x681: {  	[tilespmem:s22+$0x41E0] =	vst v59;
	v8 =	vld.idx.msk [tilespmem:v7+s16+$0x0], $0xffff  }
0x682: {  	v62 =	vld.idx.msk [tilespmem:v1+s19+$0x0], $0xffff;
	[tilespmem:s22+$0x4200] =	vst v9  }
0x683: {  	[tilespmem:s22+$0x4210] =	vst v10;
	v9 =	vld.idx.msk [tilespmem:v6+s17+$0x0], $0xffff  }
0x684: {  	[tilespmem:s22+$0x4220] =	vst v11;
	v10 =	vld.idx.msk [tilespmem:v5+s17+$0x0], $0xffff  }
0x685: {  	[tilespmem:s22+$0x4230] =	vst v60;
	v11 =	vld.idx.msk [tilespmem:v4+s17+$0x0], $0xffff  }
0x686: {  	[tilespmem:s22+$0x4370] =	vst v8;
	v8 =	vld.idx.msk [tilespmem:v0+s19+$0x0], $0xffff  }
0x687: {  	[tilespmem:s22+$0x4240] =	vst v61;
	v7 =	vld.idx.msk [tilespmem:v7+s3+$0x0], $0xffff  }
0x688: {  	v12 =	vld.idx.msk [tilespmem:v3+s17+$0x0], $0xffff;
	[tilespmem:s22+$0x4250] =	vst v62  }
0x689: {  	v13 =	vld.idx.msk [tilespmem:v2+s17+$0x0], $0xffff;
	[tilespmem:s22+$0x4280] =	vst v9  }
0x68a: {  	[tilespmem:s22+$0x4290] =	vst v10;
	v9 =	vld.idx.msk [tilespmem:v6+s16+$0x0], $0xffff  }
0x68b: {  	v10 =	vld.idx.msk [tilespmem:v5+s16+$0x0], $0xffff;
	[tilespmem:s22+$0x4260] =	vst v8  }
0x68c: {  	[tilespmem:s22+$0x43F0] =	vst v7;
	v7 =	vld.idx.msk [tilespmem:v1+s17+$0x0], $0xffff  }
0x68d: {  	[tilespmem:s22+$0x42A0] =	vst v11;
	v8 =	vld.idx.msk [tilespmem:v0+s17+$0x0], $0xffff  }
0x68e: {  	v11 =	vld.idx.msk [tilespmem:v4+s16+$0x0], $0xffff;
	[tilespmem:s22+$0x42B0] =	vst v12  }
0x68f: {  	v12 =	vld.idx.msk [tilespmem:v3+s16+$0x0], $0xffff;
	[tilespmem:s22+$0x42C0] =	vst v13  }
0x690: {  	v13 =	vld.idx.msk [tilespmem:v2+s16+$0x0], $0xffff;
	[tilespmem:s22+$0x4300] =	vst v9  }
0x691: {  	v63 =	vld.idx.msk [tilespmem:v6+s3+$0x0], $0xffff;
	[tilespmem:s22+$0x42D0] =	vst v7  }
0x692: {  	[tilespmem:s22+$0x42E0] =	vst v8;
	v7 =	vld.idx.msk [tilespmem:v1+s16+$0x0], $0xffff  }
0x693: {  	[tilespmem:s22+$0x4310] =	vst v10;
	v9 =	vld.idx.msk [tilespmem:v0+s16+$0x0], $0xffff  }
0x694: {  	v6 =	vld.idx.msk [tilespmem:v5+s3+$0x0], $0xffff;
	[tilespmem:s22+$0x4330] =	vst v12  }
0x695: {  	[tilespmem:s22+$0x4320] =	vst v11;
	v3 =	vld.idx.msk [tilespmem:v3+s3+$0x0], $0xffff  }
0x696: {  	[tilespmem:s22+$0x4340] =	vst v13;
	v8 =	vld.idx.msk [tilespmem:v4+s3+$0x0], $0xffff  }
0x697: {  	v4 =	vld.idx.msk [tilespmem:v2+s3+$0x0], $0xffff;
	[tilespmem:s22+$0x4350] =	vst v7  }
0x698: {  	[tilespmem:s22+$0x4360] =	vst v9;
	v5 =	vld.idx.msk [tilespmem:v1+s3+$0x0], $0xffff  }
0x699: {  	s23 =	simm.s32 $0x0;
	s24 =	simm.s32 $0x85F0;
	[tilespmem:s22+$0x4380] =	vst v63;
	v1 =	vld.idx.msk [tilespmem:v0+s3+$0x0], $0xffff  }
.LBB2_14:
0x69a: {  	v7 =	vld [tilespmem:s24+$0x0];
	s23 =	sadd.s32 $0x8, s23;
	[tilespmem:s22+$0x4390] =	vst v6  }
0x69b: {  	v0 =	vld [tilespmem:s24+$0xFFFFFFA0];
	p0 =	slt.u32 s23, $0x78;
	[tilespmem:s22+$0x43A0] =	vst v8  }
0x69c: {  	v2 =	vld [tilespmem:s24+$0xFFFFFFB0];
	[tilespmem:s22+$0x43B0] =	vst v3  }
0x69d: {  	v3 =	vld [tilespmem:s24+$0xFFFFFFC0];
	[tilespmem:s22+$0x43C0] =	vst v4  }
0x69e: {  	v4 =	vld [tilespmem:s24+$0xFFFFFFD0];
	[tilespmem:s22+$0x43D0] =	vst v5  }
0x69f: {  	v5 =	vld [tilespmem:s24+$0xFFFFFFE0];
	[tilespmem:s22+$0x43E0] =	vst v1  }
0x6a0: {  	v1 =	vld [tilespmem:s24+$0xFFFFFFF0]  }
0x6a1: {  	v6 =	vld [tilespmem:s24+$0xFFFFFF90]  }
0x6a2: {  	v8 =	vld.idx.msk [tilespmem:v7+s25+$0x0], $0xffff  }
0x6a3: {  	v9 =	vld.idx.msk [tilespmem:v0+s25+$0x0], $0xffff  }
0x6a4: {  	v10 =	vld.idx.msk [tilespmem:v2+s25+$0x0], $0xffff  }
0x6a5: {  	v11 =	vld.idx.msk [tilespmem:v3+s25+$0x0], $0xffff  }
0x6a6: {  	v12 =	vld.idx.msk [tilespmem:v4+s25+$0x0], $0xffff  }
0x6a7: {  	s22 =	sadd.s32 $0x400, s22;
	v13 =	vld.idx.msk [tilespmem:v5+s25+$0x0], $0xffff  }
0x6a8: {  	v14 =	vld.idx.msk [tilespmem:v1+s25+$0x0], $0xffff;
	[tilespmem:s22+$0x70] =	vst v8  }
0x6a9: {  	[tilespmem:s22+$0x10] =	vst v9;
	v8 =	vld.idx.msk [tilespmem:v7+s26+$0x0], $0xffff  }
0x6aa: {  	v9 =	vld.idx.msk [tilespmem:v6+s25+$0x0], $0xffff;
	[tilespmem:s22+$0x20] =	vst v10  }
0x6ab: {  	v10 =	vld.idx.msk [tilespmem:v0+s26+$0x0], $0xffff;
	[tilespmem:s22+$0x30] =	vst v11  }
0x6ac: {  	v11 =	vld.idx.msk [tilespmem:v2+s26+$0x0], $0xffff;
	[tilespmem:s22+$0x40] =	vst v12  }
0x6ad: {  	v12 =	vld.idx.msk [tilespmem:v3+s26+$0x0], $0xffff;
	[tilespmem:s22+$0x50] =	vst v13  }
0x6ae: {  	v13 =	vld.idx.msk [tilespmem:v4+s26+$0x0], $0xffff;
	[tilespmem:s22+$0x60] =	vst v14  }
0x6af: {  	v14 =	vld.idx.msk [tilespmem:v5+s26+$0x0], $0xffff;
	[tilespmem:s22+$0xF0] =	vst v8  }
0x6b0: {  	[tilespmem:s22+$0x0] =	vst v9;
	v8 =	vld.idx.msk [tilespmem:v7+s28+$0x0], $0xffff  }
0x6b1: {  	v9 =	vld.idx.msk [tilespmem:v6+s26+$0x0], $0xffff;
	[tilespmem:s22+$0x90] =	vst v10  }
0x6b2: {  	[tilespmem:s22+$0xA0] =	vst v11;
	v10 =	vld.idx.msk [tilespmem:v1+s26+$0x0], $0xffff  }
0x6b3: {  	v11 =	vld.idx.msk [tilespmem:v0+s28+$0x0], $0xffff;
	[tilespmem:s22+$0xB0] =	vst v12  }
0x6b4: {  	v12 =	vld.idx.msk [tilespmem:v2+s28+$0x0], $0xffff;
	[tilespmem:s22+$0xC0] =	vst v13  }
0x6b5: {  	v13 =	vld.idx.msk [tilespmem:v3+s28+$0x0], $0xffff;
	[tilespmem:s22+$0xD0] =	vst v14  }
0x6b6: {  	v14 =	vld.idx.msk [tilespmem:v4+s28+$0x0], $0xffff;
	[tilespmem:s22+$0x170] =	vst v8  }
0x6b7: {  	[tilespmem:s22+$0x80] =	vst v9;
	v8 =	vld.idx.msk [tilespmem:v7+s29+$0x0], $0xffff  }
0x6b8: {  	v9 =	vld.idx.msk [tilespmem:v6+s28+$0x0], $0xffff;
	[tilespmem:s22+$0xE0] =	vst v10  }
0x6b9: {  	[tilespmem:s22+$0x110] =	vst v11;
	v10 =	vld.idx.msk [tilespmem:v5+s28+$0x0], $0xffff  }
0x6ba: {  	[tilespmem:s22+$0x120] =	vst v12;
	v11 =	vld.idx.msk [tilespmem:v1+s28+$0x0], $0xffff  }
0x6bb: {  	v12 =	vld.idx.msk [tilespmem:v0+s29+$0x0], $0xffff;
	[tilespmem:s22+$0x130] =	vst v13  }
0x6bc: {  	v13 =	vld.idx.msk [tilespmem:v2+s29+$0x0], $0xffff;
	[tilespmem:s22+$0x140] =	vst v14  }
0x6bd: {  	v14 =	vld.idx.msk [tilespmem:v3+s29+$0x0], $0xffff;
	[tilespmem:s22+$0x1F0] =	vst v8  }
0x6be: {  	[tilespmem:s22+$0x100] =	vst v9;
	v8 =	vld.idx.msk [tilespmem:v7+s30+$0x0], $0xffff  }
0x6bf: {  	v9 =	vld.idx.msk [tilespmem:v6+s29+$0x0], $0xffff;
	[tilespmem:s22+$0x150] =	vst v10  }
0x6c0: {  	v10 =	vld.idx.msk [tilespmem:v4+s29+$0x0], $0xffff;
	[tilespmem:s22+$0x160] =	vst v11  }
0x6c1: {  	[tilespmem:s22+$0x190] =	vst v12;
	v11 =	vld.idx.msk [tilespmem:v5+s29+$0x0], $0xffff  }
0x6c2: {  	[tilespmem:s22+$0x1A0] =	vst v13;
	v12 =	vld.idx.msk [tilespmem:v1+s29+$0x0], $0xffff  }
0x6c3: {  	v13 =	vld.idx.msk [tilespmem:v0+s30+$0x0], $0xffff;
	[tilespmem:s22+$0x1B0] =	vst v14  }
0x6c4: {  	v14 =	vld.idx.msk [tilespmem:v2+s30+$0x0], $0xffff;
	[tilespmem:s22+$0x270] =	vst v8  }
0x6c5: {  	[tilespmem:s22+$0x180] =	vst v9;
	v8 =	vld.idx.msk [tilespmem:v7+s31+$0x0], $0xffff  }
0x6c6: {  	v9 =	vld.idx.msk [tilespmem:v6+s30+$0x0], $0xffff;
	[tilespmem:s22+$0x1C0] =	vst v10  }
0x6c7: {  	v10 =	vld.idx.msk [tilespmem:v3+s30+$0x0], $0xffff;
	[tilespmem:s22+$0x1D0] =	vst v11  }
0x6c8: {  	v11 =	vld.idx.msk [tilespmem:v4+s30+$0x0], $0xffff;
	[tilespmem:s22+$0x1E0] =	vst v12  }
0x6c9: {  	[tilespmem:s22+$0x210] =	vst v13;
	v12 =	vld.idx.msk [tilespmem:v5+s30+$0x0], $0xffff  }
0x6ca: {  	[tilespmem:s22+$0x220] =	vst v14;
	v13 =	vld.idx.msk [tilespmem:v1+s30+$0x0], $0xffff  }
0x6cb: {  	v14 =	vld.idx.msk [tilespmem:v0+s31+$0x0], $0xffff;
	[tilespmem:s22+$0x2F0] =	vst v8  }
0x6cc: {  	[tilespmem:s22+$0x200] =	vst v9;
	v8 =	vld.idx.msk [tilespmem:v7+s1+$0x0], $0xffff  }
0x6cd: {  	v9 =	vld.idx.msk [tilespmem:v6+s31+$0x0], $0xffff;
	[tilespmem:s22+$0x230] =	vst v10  }
0x6ce: {  	v10 =	vld.idx.msk [tilespmem:v2+s31+$0x0], $0xffff;
	[tilespmem:s22+$0x240] =	vst v11  }
0x6cf: {  	v11 =	vld.idx.msk [tilespmem:v3+s31+$0x0], $0xffff;
	[tilespmem:s22+$0x250] =	vst v12  }
0x6d0: {  	v12 =	vld.idx.msk [tilespmem:v4+s31+$0x0], $0xffff;
	[tilespmem:s22+$0x260] =	vst v13  }
0x6d1: {  	[tilespmem:s22+$0x290] =	vst v14;
	v13 =	vld.idx.msk [tilespmem:v5+s31+$0x0], $0xffff  }
0x6d2: {  	v14 =	vld.idx.msk [tilespmem:v1+s31+$0x0], $0xffff;
	[tilespmem:s22+$0x370] =	vst v8  }
0x6d3: {  	[tilespmem:s22+$0x280] =	vst v9;
	v8 =	vld.idx.msk [tilespmem:v7+s0+$0x0], $0xffff  }
0x6d4: {  	v9 =	vld.idx.msk [tilespmem:v6+s1+$0x0], $0xffff;
	[tilespmem:s22+$0x2A0] =	vst v10  }
0x6d5: {  	v10 =	vld.idx.msk [tilespmem:v0+s1+$0x0], $0xffff;
	[tilespmem:s22+$0x2B0] =	vst v11  }
0x6d6: {  	v11 =	vld.idx.msk [tilespmem:v2+s1+$0x0], $0xffff;
	[tilespmem:s22+$0x2C0] =	vst v12  }
0x6d7: {  	v12 =	vld.idx.msk [tilespmem:v3+s1+$0x0], $0xffff;
	[tilespmem:s22+$0x2D0] =	vst v13  }
0x6d8: {  	v13 =	vld.idx.msk [tilespmem:v4+s1+$0x0], $0xffff;
	[tilespmem:s22+$0x2E0] =	vst v14  }
0x6d9: {  	v14 =	vld.idx.msk [tilespmem:v5+s1+$0x0], $0xffff;
	[tilespmem:s22+$0x3F0] =	vst v8  }
0x6da: {  	[tilespmem:s22+$0x300] =	vst v9;
	v8 =	vld.idx.msk [tilespmem:v7+s18+$0x0], $0xffff  }
0x6db: {  	[tilespmem:s22+$0x310] =	vst v10;
	v9 =	vld.idx.msk [tilespmem:v1+s1+$0x0], $0xffff  }
0x6dc: {  	v10 =	vld.idx.msk [tilespmem:v6+s0+$0x0], $0xffff;
	[tilespmem:s22+$0x320] =	vst v11  }
0x6dd: {  	v11 =	vld.idx.msk [tilespmem:v0+s0+$0x0], $0xffff;
	[tilespmem:s22+$0x330] =	vst v12  }
0x6de: {  	v12 =	vld.idx.msk [tilespmem:v2+s0+$0x0], $0xffff;
	[tilespmem:s22+$0x340] =	vst v13  }
0x6df: {  	v13 =	vld.idx.msk [tilespmem:v3+s0+$0x0], $0xffff;
	[tilespmem:s22+$0x350] =	vst v14  }
0x6e0: {  	v14 =	vld.idx.msk [tilespmem:v4+s0+$0x0], $0xffff;
	[tilespmem:s22+$0x4070] =	vst v8  }
0x6e1: {  	[tilespmem:s22+$0x360] =	vst v9;
	v8 =	vld.idx.msk [tilespmem:v7+s20+$0x0], $0xffff  }
0x6e2: {  	[tilespmem:s22+$0x380] =	vst v10;
	v9 =	vld.idx.msk [tilespmem:v5+s0+$0x0], $0xffff  }
0x6e3: {  	[tilespmem:s22+$0x390] =	vst v11;
	v10 =	vld.idx.msk [tilespmem:v1+s0+$0x0], $0xffff  }
0x6e4: {  	v11 =	vld.idx.msk [tilespmem:v6+s18+$0x0], $0xffff;
	[tilespmem:s22+$0x3A0] =	vst v12  }
0x6e5: {  	v12 =	vld.idx.msk [tilespmem:v0+s18+$0x0], $0xffff;
	[tilespmem:s22+$0x3B0] =	vst v13  }
0x6e6: {  	v13 =	vld.idx.msk [tilespmem:v2+s18+$0x0], $0xffff;
	[tilespmem:s22+$0x3C0] =	vst v14  }
0x6e7: {  	v14 =	vld.idx.msk [tilespmem:v3+s18+$0x0], $0xffff;
	[tilespmem:s22+$0x40F0] =	vst v8  }
0x6e8: {  	[tilespmem:s22+$0x3D0] =	vst v9;
	v8 =	vld.idx.msk [tilespmem:v7+s8+$0x0], $0xffff  }
0x6e9: {  	v9 =	vld.idx.msk [tilespmem:v4+s18+$0x0], $0xffff;
	[tilespmem:s22+$0x3E0] =	vst v10  }
0x6ea: {  	[tilespmem:s22+$0x4000] =	vst v11;
	v10 =	vld.idx.msk [tilespmem:v5+s18+$0x0], $0xffff  }
0x6eb: {  	[tilespmem:s22+$0x4010] =	vst v12;
	v11 =	vld.idx.msk [tilespmem:v1+s18+$0x0], $0xffff  }
0x6ec: {  	v12 =	vld.idx.msk [tilespmem:v6+s20+$0x0], $0xffff;
	[tilespmem:s22+$0x4020] =	vst v13  }
0x6ed: {  	v13 =	vld.idx.msk [tilespmem:v0+s20+$0x0], $0xffff;
	[tilespmem:s22+$0x4030] =	vst v14  }
0x6ee: {  	v14 =	vld.idx.msk [tilespmem:v2+s20+$0x0], $0xffff;
	[tilespmem:s22+$0x4170] =	vst v8  }
0x6ef: {  	[tilespmem:s22+$0x4040] =	vst v9;
	v8 =	vld.idx.msk [tilespmem:v7+s9+$0x0], $0xffff  }
0x6f0: {  	v9 =	vld.idx.msk [tilespmem:v3+s20+$0x0], $0xffff;
	[tilespmem:s22+$0x4050] =	vst v10  }
0x6f1: {  	v10 =	vld.idx.msk [tilespmem:v4+s20+$0x0], $0xffff;
	[tilespmem:s22+$0x4060] =	vst v11  }
0x6f2: {  	[tilespmem:s22+$0x4080] =	vst v12;
	v11 =	vld.idx.msk [tilespmem:v5+s20+$0x0], $0xffff  }
0x6f3: {  	[tilespmem:s22+$0x4090] =	vst v13;
	v12 =	vld.idx.msk [tilespmem:v1+s20+$0x0], $0xffff  }
0x6f4: {  	v13 =	vld.idx.msk [tilespmem:v6+s8+$0x0], $0xffff;
	[tilespmem:s22+$0x40A0] =	vst v14  }
0x6f5: {  	v14 =	vld.idx.msk [tilespmem:v0+s8+$0x0], $0xffff;
	[tilespmem:s22+$0x41F0] =	vst v8  }
0x6f6: {  	[tilespmem:s22+$0x40B0] =	vst v9;
	v8 =	vld.idx.msk [tilespmem:v7+s19+$0x0], $0xffff  }
0x6f7: {  	v9 =	vld.idx.msk [tilespmem:v2+s8+$0x0], $0xffff;
	[tilespmem:s22+$0x40C0] =	vst v10  }
0x6f8: {  	v10 =	vld.idx.msk [tilespmem:v3+s8+$0x0], $0xffff;
	[tilespmem:s22+$0x40D0] =	vst v11  }
0x6f9: {  	v11 =	vld.idx.msk [tilespmem:v4+s8+$0x0], $0xffff;
	[tilespmem:s22+$0x40E0] =	vst v12  }
0x6fa: {  	[tilespmem:s22+$0x4100] =	vst v13;
	v12 =	vld.idx.msk [tilespmem:v5+s8+$0x0], $0xffff  }
0x6fb: {  	[tilespmem:s22+$0x4110] =	vst v14;
	v13 =	vld.idx.msk [tilespmem:v1+s8+$0x0], $0xffff  }
0x6fc: {  	v14 =	vld.idx.msk [tilespmem:v6+s9+$0x0], $0xffff;
	[tilespmem:s22+$0x4270] =	vst v8  }
0x6fd: {  	[tilespmem:s22+$0x4120] =	vst v9;
	v8 =	vld.idx.msk [tilespmem:v7+s17+$0x0], $0xffff  }
0x6fe: {  	v9 =	vld.idx.msk [tilespmem:v0+s9+$0x0], $0xffff;
	[tilespmem:s22+$0x4130] =	vst v10  }
0x6ff: {  	v10 =	vld.idx.msk [tilespmem:v2+s9+$0x0], $0xffff;
	[tilespmem:s22+$0x4140] =	vst v11  }
0x700: {  	v11 =	vld.idx.msk [tilespmem:v3+s9+$0x0], $0xffff;
	[tilespmem:s22+$0x4150] =	vst v12  }
0x701: {  	v12 =	vld.idx.msk [tilespmem:v4+s9+$0x0], $0xffff;
	[tilespmem:s22+$0x4160] =	vst v13  }
0x702: {  	[tilespmem:s22+$0x4180] =	vst v14;
	v13 =	vld.idx.msk [tilespmem:v5+s9+$0x0], $0xffff  }
0x703: {  	v14 =	vld.idx.msk [tilespmem:v1+s9+$0x0], $0xffff;
	[tilespmem:s22+$0x42F0] =	vst v8  }
0x704: {  	[tilespmem:s22+$0x4190] =	vst v9;
	v8 =	vld.idx.msk [tilespmem:v7+s16+$0x0], $0xffff  }
0x705: {  	v9 =	vld.idx.msk [tilespmem:v6+s19+$0x0], $0xffff;
	[tilespmem:s22+$0x41A0] =	vst v10  }
0x706: {  	v10 =	vld.idx.msk [tilespmem:v0+s19+$0x0], $0xffff;
	[tilespmem:s22+$0x41B0] =	vst v11  }
0x707: {  	v11 =	vld.idx.msk [tilespmem:v2+s19+$0x0], $0xffff;
	[tilespmem:s22+$0x41C0] =	vst v12  }
0x708: {  	v12 =	vld.idx.msk [tilespmem:v3+s19+$0x0], $0xffff;
	[tilespmem:s22+$0x41D0] =	vst v13  }
0x709: {  	v13 =	vld.idx.msk [tilespmem:v4+s19+$0x0], $0xffff;
	[tilespmem:s22+$0x41E0] =	vst v14  }
0x70a: {  	v14 =	vld.idx.msk [tilespmem:v5+s19+$0x0], $0xffff;
	[tilespmem:s22+$0x4370] =	vst v8  }
0x70b: {  	[tilespmem:s22+$0x4200] =	vst v9;
	v7 =	vld.idx.msk [tilespmem:v7+s3+$0x0], $0xffff  }
0x70c: {  	[tilespmem:s22+$0x4210] =	vst v10;
	v8 =	vld.idx.msk [tilespmem:v1+s19+$0x0], $0xffff  }
0x70d: {  	v9 =	vld.idx.msk [tilespmem:v6+s17+$0x0], $0xffff;
	[tilespmem:s22+$0x4220] =	vst v11  }
0x70e: {  	v10 =	vld.idx.msk [tilespmem:v0+s17+$0x0], $0xffff;
	[tilespmem:s22+$0x4230] =	vst v12  }
0x70f: {  	v11 =	vld.idx.msk [tilespmem:v2+s17+$0x0], $0xffff;
	[tilespmem:s22+$0x4240] =	vst v13  }
0x710: {  	v12 =	vld.idx.msk [tilespmem:v3+s17+$0x0], $0xffff;
	[tilespmem:s22+$0x4250] =	vst v14  }
0x711: {  	v13 =	vld.idx.msk [tilespmem:v4+s17+$0x0], $0xffff;
	[tilespmem:s22+$0x43F0] =	vst v7  }
0x712: {  	v7 =	vld.idx.msk [tilespmem:v5+s17+$0x0], $0xffff;
	[tilespmem:s22+$0x4260] =	vst v8  }
0x713: {  	[tilespmem:s22+$0x4280] =	vst v9;
	v8 =	vld.idx.msk [tilespmem:v1+s17+$0x0], $0xffff  }
0x714: {  	v9 =	vld.idx.msk [tilespmem:v6+s16+$0x0], $0xffff;
	[tilespmem:s22+$0x4290] =	vst v10  }
0x715: {  	v10 =	vld.idx.msk [tilespmem:v0+s16+$0x0], $0xffff;
	[tilespmem:s22+$0x42A0] =	vst v11  }
0x716: {  	v11 =	vld.idx.msk [tilespmem:v2+s16+$0x0], $0xffff;
	[tilespmem:s22+$0x42B0] =	vst v12  }
0x717: {  	v12 =	vld.idx.msk [tilespmem:v3+s16+$0x0], $0xffff;
	[tilespmem:s22+$0x42C0] =	vst v13  }
0x718: {  	v13 =	vld.idx.msk [tilespmem:v4+s16+$0x0], $0xffff;
	[tilespmem:s22+$0x42D0] =	vst v7  }
0x719: {  	v7 =	vld.idx.msk [tilespmem:v5+s16+$0x0], $0xffff;
	[tilespmem:s22+$0x42E0] =	vst v8  }
0x71a: {  	[tilespmem:s22+$0x4300] =	vst v9;
	v9 =	vld.idx.msk [tilespmem:v1+s16+$0x0], $0xffff  }
0x71b: {  	v14 =	vld.idx.msk [tilespmem:v6+s3+$0x0], $0xffff;
	[tilespmem:s22+$0x4310] =	vst v10  }
0x71c: {  	v6 =	vld.idx.msk [tilespmem:v0+s3+$0x0], $0xffff;
	[tilespmem:s22+$0x4320] =	vst v11  }
.Ltmp10:
0x71d: {  	v8 =	vld.idx.msk [tilespmem:v2+s3+$0x0], $0xffff;
	[tilespmem:s22+$0x4330] =	vst v12;
	(pc) =	sbr.rel @p0 .LBB2_14-.Ltmp10, $4  }
0x71e: {  	v3 =	vld.idx.msk [tilespmem:v3+s3+$0x0], $0xffff;
	[tilespmem:s22+$0x4340] =	vst v13  }
0x71f: {  	v4 =	vld.idx.msk [tilespmem:v4+s3+$0x0], $0xffff;
	[tilespmem:s22+$0x4350] =	vst v7  }
0x720: {  	v5 =	vld.idx.msk [tilespmem:v5+s3+$0x0], $0xffff;
	[tilespmem:s22+$0x4360] =	vst v9  }
0x721: {  	s24 =	sadd.s32 $0x80, s24;
	[tilespmem:s22+$0x4380] =	vst v14;
	v1 =	vld.idx.msk [tilespmem:v1+s3+$0x0], $0xffff  }
0x722: {  	[tilespmem:s22+$0x4390] =	vst v6  }
0x723: {  	[tilespmem:s22+$0x43A0] =	vst v8  }
0x724: {  	[tilespmem:s22+$0x43B0] =	vst v3  }
0x725: {  	[tilespmem:s22+$0x43C0] =	vst v4  }
0x726: {  	[tilespmem:s22+$0x43D0] =	vst v5  }
0x727: {  	s1 =	simm.s32 $0x4000;
	s3 =	simm.s32 $0x8000;
	[tilespmem:s22+$0x43E0] =	vst v1  }
.Ltmp11:
0x728: {  	s9 =	simm.s32 $0x11D00;
	s22 =	rddreg [dreg:$0x9];
	(pc) =	sbr.rel .LBB2_16-.Ltmp11, $4  }
0x729: {  	s14 =	simm.s32 $0x4268;
	s16 =	simm.s32 $0x4650;
	s0 =	rddreg [dreg:$0x12]  }
0x72a: {  	s17 =	simm.s32 $0x4A38;
	s18 =	simm.s32 $0x4E20;
	s19 =	rddreg [dreg:$0x4]  }
0x72b: {  	s20 =	rddreg [dreg:$0x11];
	s22 =	sadd.s32 s0, s22;
	s0 =	simm.s32 $0x3E80  }
0x72c: {  	[hbm4b:s22+s1] =	stream.strided.scatter [tilespmem:s9], [sflag:$0x1], $0x8000, s3, s1, $0x38;
	[tilespmem:$0x19D00] =	vst v63  }
.LBB2_18:
0x72d: {  	_ =	sfence.sel $0x180000  }
0x72e: {  	[bflag:$0x0] =	sbarrier.arrive $0xFFFF  }
0x72f: {  	_ =	strace $0x90000047  }
0x730: {  	s0 =	stileid.u32;
	[bflag:$0x2] =	sbarrier.arrive $0xFFFF  }
0x731: {  	p0 =	sne.s32 s0, $0x0;
	s0 =	rddreg [dreg:$0x2]  }
0x732: {  	s0 =	sadd.s32 @!p0 $0x100000, s0  }
0x733: {  	[sflag:s0] =	ssyncadd.tile.s32 @!p0 $0x1;
	_ =	shalt  }
.Lfunc_end2:
_tile_overlayer_lowered:
.L_overlay_start_2:
0x734: {  	(tag) =	ssettag $0x2  }
0x735: {  	s0 =	rddreg [dreg:$0x0];
	s2 =	stileid.u32  }
0x736: {  	s1 =	rddreg [dreg:$0x1];
	p0 =	sne.s32 s2, $0x0  }
0x737: {  	s3 =	rddreg [dreg:$0x2];
	[bflag:$0x3] =	sbarrier.arrive $0xFFFF;
	s2 =	simm.s32 @!p0 $0x1C03  }
0x738: {  	[timem:s3], [sflag:s2] =	dma.local @!p0 [hbm:s0], s1  }
0x739: {  	s0 =	simm.s32 @!p0 $0x3  }
0x73a: {  	_ =	swait.ge @!p0 [sflag:s0], s1  }
0x73b: {  	s1 =	ssub.s32 @!p0 $0x0, s1;
	[sflag:s0] =	ssyncset.done @!p0 $0x0  }
0x73c: {  	[sflag:s0] =	ssyncadd.s32 @!p0 s1  }
0x73d: {  	[bflag:$0x3] =	sbarrier.arrive $0xFFFF  }
0x73e: {  	_ =	shalt  }

</sc_bundles>
